<compile_context>
chip_gen: v7x
topology: tpu7x:2x2x1
jax: 0.10.2.dev20260603
libtpu: 0.0.44.dev20260713+nightly
codegen_flags: <defaults>
</compile_context>

<pallas_src>
import functools

import numpy as np
import jax
import jax.numpy as jnp
from jax import lax
from jax.experimental import pallas as pl
from jax.experimental.pallas import tpu as pltpu
from jax.experimental.pallas import tpu_sc as plsc

N = 10000
E = 320000
C = 128

N_PAD = 10240
NW = 32
EPW = 10240
KC = 80
E_PAD = NW * EPW
ROWS_PER_TILE = N_PAD // 16
BN = 2048
GRID_N = N_PAD // BN

_mesh = plsc.VectorSubcoreMesh(core_axis_name="c", subcore_axis_name="s")


@functools.partial(
    pl.kernel,
    out_type=jax.ShapeDtypeStruct((2, N_PAD), jnp.float32),
    mesh=_mesh,
    scratch_types=[
        pltpu.VMEM_SHARED((N_PAD,), jnp.float32),
        pltpu.VMEM((KC, 128), jnp.int32),
        pltpu.VMEM((128,), jnp.float32),
        pltpu.VMEM((ROWS_PER_TILE,), jnp.float32),
        pltpu.SemaphoreType.DMA,
    ],
)
def _deg_kernel(ei_hbm, out_hbm, acc, col_v, ones_v, buf_v, sem):
    col_hbm = ei_hbm.at[1]
    cid = lax.axis_index("c")
    sid = lax.axis_index("s")
    wid = cid * 16 + sid

    z16 = jnp.zeros((16,), jnp.float32)
    for i in range(ROWS_PER_TILE // 16):
        buf_v[pl.ds(i * 16, 16)] = z16
    o16 = jnp.ones((16,), jnp.float32)
    for i in range(8):
        ones_v[pl.ds(i * 16, 16)] = o16
    pltpu.sync_copy(buf_v, acc.at[pl.ds(sid * ROWS_PER_TILE, ROWS_PER_TILE)])
    plsc.subcore_barrier()

    pltpu.sync_copy(col_hbm.at[pl.ds(wid * KC, KC)], col_v)

    def body(j, carry):
        pltpu.async_copy(ones_v, acc.at[col_v.at[j]], sem, add=True)
        return carry

    lax.fori_loop(0, KC, body, 0)

    def drain(j, carry):
        pltpu.make_async_copy(ones_v, acc.at[col_v.at[0]], sem).wait()
        return carry

    lax.fori_loop(0, KC, drain, 0)
    plsc.subcore_barrier()

    pltpu.sync_copy(acc.at[pl.ds(sid * ROWS_PER_TILE, ROWS_PER_TILE)], buf_v)
    pltpu.sync_copy(buf_v, out_hbm.at[cid, pl.ds(sid * ROWS_PER_TILE, ROWS_PER_TILE)])


NBUF = 2
QKC = KC // 5
NGRP = 5


@functools.partial(
    pl.kernel,
    out_type=jax.ShapeDtypeStruct((2, N_PAD, C), jnp.float32),
    mesh=_mesh,
    scratch_types=[
        pltpu.VMEM_SHARED((N_PAD, C), jnp.float32),
        pltpu.VMEM((2, QKC, 128), jnp.int32),
        pltpu.VMEM((2, QKC, 128), jnp.int32),
        pltpu.VMEM((NBUF, 128, C), jnp.float32),
        pltpu.SemaphoreType.DMA,
        pltpu.SemaphoreType.DMA,
        pltpu.SemaphoreType.DMA,
        pltpu.SemaphoreType.DMA,
        pltpu.SemaphoreType.DMA,
        pltpu.SemaphoreType.DMA,
    ],
)
def _scatter_kernel(y_hbm, ei_hbm, out_hbm, acc, row_v, col_v, gbuf,
                    sg0, sg1, ss0, ss1, si0, si1):
    row_hbm = ei_hbm.at[0]
    col_hbm = ei_hbm.at[1]
    sem_g = [sg0, sg1]
    sem_s = [ss0, ss1]
    sem_i = [si0, si1]
    cid = lax.axis_index("c")
    sid = lax.axis_index("s")
    wid = cid * 16 + sid

    z16 = jnp.zeros((16,), jnp.float32)

    def zrow(i, carry):
        for cc in range(8):
            gbuf[0, i, pl.ds(cc * 16, 16)] = z16
        return carry

    lax.fori_loop(0, 128, zrow, 0)
    for k in range(ROWS_PER_TILE // 128):
        pltpu.sync_copy(gbuf.at[0], acc.at[pl.ds(sid * ROWS_PER_TILE + k * 128, 128)])
    plsc.subcore_barrier()

    pltpu.async_copy(row_hbm.at[pl.ds(wid * KC, QKC)], row_v.at[0], sem_i[0])
    pltpu.async_copy(col_hbm.at[pl.ds(wid * KC, QKC)], col_v.at[0], sem_i[1])
    for h in range(NGRP):
        hb = h % 2
        rv = row_v.at[hb]
        cv = col_v.at[hb]
        if h == 0:
            pltpu.make_async_copy(row_hbm.at[pl.ds(wid * KC, QKC)], rv, sem_i[0]).wait()
            pltpu.make_async_copy(col_hbm.at[pl.ds(wid * KC, QKC)], cv, sem_i[1]).wait()
        if h + 1 < NGRP:
            nxt = pl.ds(wid * KC + (h + 1) * QKC, QKC)
            pltpu.async_copy(row_hbm.at[nxt], row_v.at[1 - hb], sem_i[0])
            pltpu.async_copy(col_hbm.at[nxt], col_v.at[1 - hb], sem_i[1])

        for b in range(NBUF):
            pltpu.async_copy(y_hbm.at[rv.at[b]], gbuf.at[b], sem_g[b])

        @pl.loop(0, QKC, step=NBUF)
        def _ring(jj):
            for b in range(NBUF):
                j = jj + b
                pltpu.make_async_copy(y_hbm.at[rv.at[j]], gbuf.at[b], sem_g[b]).wait()
                pltpu.async_copy(gbuf.at[b], acc.at[cv.at[j]], sem_s[b], add=True)
                pb = (b - 1) % NBUF
                jn = j + NBUF - 1

                @pl.when(jnp.logical_and(j >= 1, jn < QKC))
                def _refill():
                    pltpu.make_async_copy(gbuf.at[pb], acc.at[cv.at[j]], sem_s[pb]).wait()
                    pltpu.async_copy(y_hbm.at[rv.at[jn]], gbuf.at[pb], sem_g[pb])

        for b in range(NBUF):
            pltpu.make_async_copy(gbuf.at[b], acc.at[cv.at[0]], sem_s[b]).wait()
        if h + 1 < NGRP:
            nb = 1 - hb
            nxt = pl.ds(wid * KC + (h + 1) * QKC, QKC)
            pltpu.make_async_copy(row_hbm.at[nxt], row_v.at[nb], sem_i[0]).wait()
            pltpu.make_async_copy(col_hbm.at[nxt], col_v.at[nb], sem_i[1]).wait()
    plsc.subcore_barrier()

    for k in range(ROWS_PER_TILE // 128):
        base = sid * ROWS_PER_TILE + k * 128
        pltpu.sync_copy(acc.at[pl.ds(base, 128)], gbuf.at[0])
        pltpu.sync_copy(gbuf.at[0], out_hbm.at[cid, pl.ds(base, 128)])


def _lin_body(x_ref, w_ref, degp_ref, y_ref):
    deg = degp_ref[0:1, :] + degp_ref[1:2, :] + 1.0
    dis = lax.rsqrt(deg)
    xs = x_ref[...] * dis
    y_ref[...] = lax.dot_general(xs, w_ref[...], (((0,), (1,)), ((), ())),
                                 preferred_element_type=jnp.float32)


_lin_call = pl.pallas_call(
    _lin_body,
    grid=(GRID_N,),
    in_specs=[
        pl.BlockSpec((C, BN), lambda i: (0, i)),
        pl.BlockSpec((C, C), lambda i: (0, 0)),
        pl.BlockSpec((2, BN), lambda i: (0, i)),
    ],
    out_specs=pl.BlockSpec((BN, C), lambda i: (i, 0)),
    out_shape=jax.ShapeDtypeStruct((N_PAD, C), jnp.float32),
)


def _final_body(s_ref, y_ref, degp_ref, x_ref, o_ref):
    deg = degp_ref[0:1, :] + degp_ref[1:2, :] + 1.0
    dis = lax.rsqrt(deg)
    s = s_ref[0] + s_ref[1] + y_ref[...]
    o_ref[...] = jnp.tanh(s.T * dis) + x_ref[...]


_final_call = pl.pallas_call(
    _final_body,
    grid=(GRID_N,),
    in_specs=[
        pl.BlockSpec((2, BN, C), lambda i: (0, i, 0)),
        pl.BlockSpec((BN, C), lambda i: (i, 0)),
        pl.BlockSpec((2, BN), lambda i: (0, i)),
        pl.BlockSpec((C, BN), lambda i: (0, i)),
    ],
    out_specs=pl.BlockSpec((C, BN), lambda i: (0, i)),
    out_shape=jax.ShapeDtypeStruct((C, N_PAD), jnp.float32),
)


_PAD_IDX = np.broadcast_to(
    (N + np.arange(E_PAD - E, dtype=np.int32) % (N_PAD - N))[None, :], (2, E_PAD - E))


def kernel(x, edge_index, W):
    ei_p = jnp.concatenate(
        [edge_index, jnp.asarray(_PAD_IDX)], axis=1).reshape(2, NW * KC, 128)

    degp = _deg_kernel(ei_p)

    xp = jnp.pad(x, ((0, 0), (0, N_PAD - N)))
    y = _lin_call(xp, W, degp)

    sp = _scatter_kernel(y, ei_p)

    out = _final_call(sp, y, degp, xp)
    return out[:, :N]

# --- scband reference (transcript-rebuilt; emitter-appended) ---
"""Pipeline reference for scband-graph-res-net-block-43396349559144 (READ-ONLY COPY).

The authoritative reference and input builder live on the scoring server;
editing this copy changes nothing except your own understanding.
"""

import jax, jax.numpy as jnp
import numpy as np

N = 10000
E = 320000
C = 128

def setup_inputs(seed: int = 0):
    key = jax.random.key(seed)
    k1, k2, k3 = jax.random.split(key, 3)
    # NOTE: this module uses channels-first node features: x.size(1) == num_nodes,
    # so x has shape [in_features, N].
    x = jax.random.normal(k1, (C, N), dtype=jnp.float32)
    edge_index = jax.random.randint(k2, (2, E), 0, N, dtype=jnp.int32)
    # GCNConv.lin: Linear(in_features, out_features, bias=False) -> weight [out, in]
    W = (jax.random.normal(k3, (C, C), dtype=jnp.float32) / np.sqrt(C)).astype(jnp.float32)
    return {"x": x, "edge_index": edge_index, "W": W}

def _gcn_resnet_block(x, edge_index, W):
    Cdim, Nn = x.shape
    # add_self_loops(edge_index, num_nodes=N)
    loops = jnp.arange(Nn, dtype=edge_index.dtype)
    ei = jnp.concatenate([edge_index, jnp.stack([loops, loops], axis=0)], axis=1)
    # x = lin(x.T).T  ==  W @ x  -> [out_features, N]
    x_lin = W @ x
    row, col = ei[0], ei[1]
    # deg = degree(col, N)
    deg = jnp.zeros((Nn,), dtype=x.dtype).at[col].add(1.0)
    deg_inv_sqrt = deg ** (-0.5)
    deg_inv_sqrt = jnp.where(jnp.isinf(deg_inv_sqrt), 0.0, deg_inv_sqrt)
    norm = deg_inv_sqrt[row] * deg_inv_sqrt[col]
    # message: norm * x_j (gather sources), aggregate 'add' at dst
    msgs = norm[None, :] * x_lin[:, row]
    out = jnp.zeros_like(x_lin).at[:, col].add(msgs)
    # GraphResNetBlock: tanh then residual add
    return jnp.tanh(out) + x

def reference(x, edge_index, W):
    return _gcn_resnet_block(x, edge_index, W)

if __name__ == "__main__":
    import jax
    _d = setup_inputs()
    print(jax.jit(kernel)(*tuple(_d.values())))

</pallas_src>

<mosaic_0001>
#map = affine_map<(d0, d1) -> (0, 0, 0)>
#map1 = affine_map<(d0, d1) -> (0, 0)>
module attributes {stable_mosaic.version = 14 : i64} {
  func.func @_deg_kernel(%arg0: i32, %arg1: i32, %arg2: memref<2x2560x128xi32, #tpu.memory_space<hbm>>, %arg3: memref<2x10240xf32, #tpu.memory_space<hbm>>, %arg4: memref<10240xf32, #tpu.memory_space<vmem_shared>>, %arg5: memref<80x128xi32, #tpu.memory_space<vmem>>, %arg6: memref<128xf32, #tpu.memory_space<vmem>>, %arg7: memref<640xf32, #tpu.memory_space<vmem>>, %arg8: memref<!tpu.dma_semaphore, #tpu.memory_space<semaphore_mem>>) attributes {dimension_semantics = [#tpu.dimension_semantics<core_parallel>, #tpu.dimension_semantics<subcore_parallel>], iteration_bounds = array<i64: 2, 16>, scalar_prefetch = 0 : i64, scratch_operands = 5 : i64, tpu.core_type = #tpu.core_type<sc_vector_subcore>, window_params = [{transform_indices = #map}, {transform_indices = #map1}]} {
    %mul3A = arith.constant 16 : i32
    %mul3A_0 = arith.muli %arg0, %mul3A : i32
    %add3A = arith.addi %mul3A_0, %arg1 : i32
    %broadcast_in_dim3A = arith.constant 0.000000e+00 : f32
    %broadcast_in_dim3A_1 = vector.broadcast %broadcast_in_dim3A : f32 to vector<16xf32>
    %swap3A = arith.constant 0 : index
    %swap3A_2 = tpu.vector_load %arg7[%swap3A] {strides = array<i32>} : memref<640xf32, #tpu.memory_space<vmem>>, vector<16xf32>,
    %swap3A_3 = vector.shape_cast %swap3A_2 : vector<16xf32> to vector<16xf32>
    %swap3A_4 = vector.shape_cast %broadcast_in_dim3A_1 : vector<16xf32> to vector<16xf32>
    tpu.vector_store %arg7[%swap3A], %swap3A_4 {strides = array<i32>} : memref<640xf32, #tpu.memory_space<vmem>>, vector<16xf32>,
    %swap3A_5 = arith.constant 16 : index
    %swap3A_6 = tpu.vector_load %arg7[%swap3A_5] {strides = array<i32>} : memref<640xf32, #tpu.memory_space<vmem>>, vector<16xf32>,
    %swap3A_7 = vector.shape_cast %swap3A_6 : vector<16xf32> to vector<16xf32>
    %swap3A_8 = vector.shape_cast %broadcast_in_dim3A_1 : vector<16xf32> to vector<16xf32>
    tpu.vector_store %arg7[%swap3A_5], %swap3A_8 {strides = array<i32>} : memref<640xf32, #tpu.memory_space<vmem>>, vector<16xf32>,
    %swap3A_9 = arith.constant 32 : index
    %swap3A_10 = tpu.vector_load %arg7[%swap3A_9] {strides = array<i32>} : memref<640xf32, #tpu.memory_space<vmem>>, vector<16xf32>,
    %swap3A_11 = vector.shape_cast %swap3A_10 : vector<16xf32> to vector<16xf32>
    %swap3A_12 = vector.shape_cast %broadcast_in_dim3A_1 : vector<16xf32> to vector<16xf32>
    tpu.vector_store %arg7[%swap3A_9], %swap3A_12 {strides = array<i32>} : memref<640xf32, #tpu.memory_space<vmem>>, vector<16xf32>,
    %swap3A_13 = arith.constant 48 : index
    %swap3A_14 = tpu.vector_load %arg7[%swap3A_13] {strides = array<i32>} : memref<640xf32, #tpu.memory_space<vmem>>, vector<16xf32>,
    %swap3A_15 = vector.shape_cast %swap3A_14 : vector<16xf32> to vector<16xf32>
    %swap3A_16 = vector.shape_cast %broadcast_in_dim3A_1 : vector<16xf32> to vector<16xf32>
    tpu.vector_store %arg7[%swap3A_13], %swap3A_16 {strides = array<i32>} : memref<640xf32, #tpu.memory_space<vmem>>, vector<16xf32>,
    %swap3A_17 = arith.constant 64 : index
    %swap3A_18 = tpu.vector_load %arg7[%swap3A_17] {strides = array<i32>} : memref<640xf32, #tpu.memory_space<vmem>>, vector<16xf32>,
    %swap3A_19 = vector.shape_cast %swap3A_18 : vector<16xf32> to vector<16xf32>
    %swap3A_20 = vector.shape_cast %broadcast_in_dim3A_1 : vector<16xf32> to vector<16xf32>
    tpu.vector_store %arg7[%swap3A_17], %swap3A_20 {strides = array<i32>} : memref<640xf32, #tpu.memory_space<vmem>>, vector<16xf32>,
    %swap3A_21 = arith.constant 80 : index
    %swap3A_22 = tpu.vector_load %arg7[%swap3A_21] {strides = array<i32>} : memref<640xf32, #tpu.memory_space<vmem>>, vector<16xf32>,
    %swap3A_23 = vector.shape_cast %swap3A_22 : vector<16xf32> to vector<16xf32>
    %swap3A_24 = vector.shape_cast %broadcast_in_dim3A_1 : vector<16xf32> to vector<16xf32>
    tpu.vector_store %arg7[%swap3A_21], %swap3A_24 {strides = array<i32>} : memref<640xf32, #tpu.memory_space<vmem>>, vector<16xf32>,
    %swap3A_25 = arith.constant 96 : index
    %swap3A_26 = tpu.vector_load %arg7[%swap3A_25] {strides = array<i32>} : memref<640xf32, #tpu.memory_space<vmem>>, vector<16xf32>,
    %swap3A_27 = vector.shape_cast %swap3A_26 : vector<16xf32> to vector<16xf32>
    %swap3A_28 = vector.shape_cast %broadcast_in_dim3A_1 : vector<16xf32> to vector<16xf32>
    tpu.vector_store %arg7[%swap3A_25], %swap3A_28 {strides = array<i32>} : memref<640xf32, #tpu.memory_space<vmem>>, vector<16xf32>,
    %swap3A_29 = arith.constant 112 : index
    %swap3A_30 = tpu.vector_load %arg7[%swap3A_29] {strides = array<i32>} : memref<640xf32, #tpu.memory_space<vmem>>, vector<16xf32>,
    %swap3A_31 = vector.shape_cast %swap3A_30 : vector<16xf32> to vector<16xf32>
    %swap3A_32 = vector.shape_cast %broadcast_in_dim3A_1 : vector<16xf32> to vector<16xf32>
    tpu.vector_store %arg7[%swap3A_29], %swap3A_32 {strides = array<i32>} : memref<640xf32, #tpu.memory_space<vmem>>, vector<16xf32>,
    %swap3A_33 = arith.constant 128 : index
    %swap3A_34 = tpu.vector_load %arg7[%swap3A_33] {strides = array<i32>} : memref<640xf32, #tpu.memory_space<vmem>>, vector<16xf32>,
    %swap3A_35 = vector.shape_cast %swap3A_34 : vector<16xf32> to vector<16xf32>
    %swap3A_36 = vector.shape_cast %broadcast_in_dim3A_1 : vector<16xf32> to vector<16xf32>
    tpu.vector_store %arg7[%swap3A_33], %swap3A_36 {strides = array<i32>} : memref<640xf32, #tpu.memory_space<vmem>>, vector<16xf32>,
    %swap3A_37 = arith.constant 144 : index
    %swap3A_38 = tpu.vector_load %arg7[%swap3A_37] {strides = array<i32>} : memref<640xf32, #tpu.memory_space<vmem>>, vector<16xf32>,
    %swap3A_39 = vector.shape_cast %swap3A_38 : vector<16xf32> to vector<16xf32>
    %swap3A_40 = vector.shape_cast %broadcast_in_dim3A_1 : vector<16xf32> to vector<16xf32>
    tpu.vector_store %arg7[%swap3A_37], %swap3A_40 {strides = array<i32>} : memref<640xf32, #tpu.memory_space<vmem>>, vector<16xf32>,
    %swap3A_41 = arith.constant 160 : index
    %swap3A_42 = tpu.vector_load %arg7[%swap3A_41] {strides = array<i32>} : memref<640xf32, #tpu.memory_space<vmem>>, vector<16xf32>,
    %swap3A_43 = vector.shape_cast %swap3A_42 : vector<16xf32> to vector<16xf32>
    %swap3A_44 = vector.shape_cast %broadcast_in_dim3A_1 : vector<16xf32> to vector<16xf32>
    tpu.vector_store %arg7[%swap3A_41], %swap3A_44 {strides = array<i32>} : memref<640xf32, #tpu.memory_space<vmem>>, vector<16xf32>,
    %swap3A_45 = arith.constant 176 : index
    %swap3A_46 = tpu.vector_load %arg7[%swap3A_45] {strides = array<i32>} : memref<640xf32, #tpu.memory_space<vmem>>, vector<16xf32>,
    %swap3A_47 = vector.shape_cast %swap3A_46 : vector<16xf32> to vector<16xf32>
    %swap3A_48 = vector.shape_cast %broadcast_in_dim3A_1 : vector<16xf32> to vector<16xf32>
    tpu.vector_store %arg7[%swap3A_45], %swap3A_48 {strides = array<i32>} : memref<640xf32, #tpu.memory_space<vmem>>, vector<16xf32>,
    %swap3A_49 = arith.constant 192 : index
    %swap3A_50 = tpu.vector_load %arg7[%swap3A_49] {strides = array<i32>} : memref<640xf32, #tpu.memory_space<vmem>>, vector<16xf32>,
    %swap3A_51 = vector.shape_cast %swap3A_50 : vector<16xf32> to vector<16xf32>
    %swap3A_52 = vector.shape_cast %broadcast_in_dim3A_1 : vector<16xf32> to vector<16xf32>
    tpu.vector_store %arg7[%swap3A_49], %swap3A_52 {strides = array<i32>} : memref<640xf32, #tpu.memory_space<vmem>>, vector<16xf32>,
    %swap3A_53 = arith.constant 208 : index
    %swap3A_54 = tpu.vector_load %arg7[%swap3A_53] {strides = array<i32>} : memref<640xf32, #tpu.memory_space<vmem>>, vector<16xf32>,
    %swap3A_55 = vector.shape_cast %swap3A_54 : vector<16xf32> to vector<16xf32>
    %swap3A_56 = vector.shape_cast %broadcast_in_dim3A_1 : vector<16xf32> to vector<16xf32>
    tpu.vector_store %arg7[%swap3A_53], %swap3A_56 {strides = array<i32>} : memref<640xf32, #tpu.memory_space<vmem>>, vector<16xf32>,
    %swap3A_57 = arith.constant 224 : index
    %swap3A_58 = tpu.vector_load %arg7[%swap3A_57] {strides = array<i32>} : memref<640xf32, #tpu.memory_space<vmem>>, vector<16xf32>,
    %swap3A_59 = vector.shape_cast %swap3A_58 : vector<16xf32> to vector<16xf32>
    %swap3A_60 = vector.shape_cast %broadcast_in_dim3A_1 : vector<16xf32> to vector<16xf32>
    tpu.vector_store %arg7[%swap3A_57], %swap3A_60 {strides = array<i32>} : memref<640xf32, #tpu.memory_space<vmem>>, vector<16xf32>,
    %swap3A_61 = arith.constant 240 : index
    %swap3A_62 = tpu.vector_load %arg7[%swap3A_61] {strides = array<i32>} : memref<640xf32, #tpu.memory_space<vmem>>, vector<16xf32>,
    %swap3A_63 = vector.shape_cast %swap3A_62 : vector<16xf32> to vector<16xf32>
    %swap3A_64 = vector.shape_cast %broadcast_in_dim3A_1 : vector<16xf32> to vector<16xf32>
    tpu.vector_store %arg7[%swap3A_61], %swap3A_64 {strides = array<i32>} : memref<640xf32, #tpu.memory_space<vmem>>, vector<16xf32>,
    %swap3A_65 = arith.constant 256 : index
    %swap3A_66 = tpu.vector_load %arg7[%swap3A_65] {strides = array<i32>} : memref<640xf32, #tpu.memory_space<vmem>>, vector<16xf32>,
    %swap3A_67 = vector.shape_cast %swap3A_66 : vector<16xf32> to vector<16xf32>
    %swap3A_68 = vector.shape_cast %broadcast_in_dim3A_1 : vector<16xf32> to vector<16xf32>
    tpu.vector_store %arg7[%swap3A_65], %swap3A_68 {strides = array<i32>} : memref<640xf32, #tpu.memory_space<vmem>>, vector<16xf32>,
    %swap3A_69 = arith.constant 272 : index
    %swap3A_70 = tpu.vector_load %arg7[%swap3A_69] {strides = array<i32>} : memref<640xf32, #tpu.memory_space<vmem>>, vector<16xf32>,
    %swap3A_71 = vector.shape_cast %swap3A_70 : vector<16xf32> to vector<16xf32>
    %swap3A_72 = vector.shape_cast %broadcast_in_dim3A_1 : vector<16xf32> to vector<16xf32>
    tpu.vector_store %arg7[%swap3A_69], %swap3A_72 {strides = array<i32>} : memref<640xf32, #tpu.memory_space<vmem>>, vector<16xf32>,
    %swap3A_73 = arith.constant 288 : index
    %swap3A_74 = tpu.vector_load %arg7[%swap3A_73] {strides = array<i32>} : memref<640xf32, #tpu.memory_space<vmem>>, vector<16xf32>,
    %swap3A_75 = vector.shape_cast %swap3A_74 : vector<16xf32> to vector<16xf32>
    %swap3A_76 = vector.shape_cast %broadcast_in_dim3A_1 : vector<16xf32> to vector<16xf32>
    tpu.vector_store %arg7[%swap3A_73], %swap3A_76 {strides = array<i32>} : memref<640xf32, #tpu.memory_space<vmem>>, vector<16xf32>,
    %swap3A_77 = arith.constant 304 : index
    %swap3A_78 = tpu.vector_load %arg7[%swap3A_77] {strides = array<i32>} : memref<640xf32, #tpu.memory_space<vmem>>, vector<16xf32>,
    %swap3A_79 = vector.shape_cast %swap3A_78 : vector<16xf32> to vector<16xf32>
    %swap3A_80 = vector.shape_cast %broadcast_in_dim3A_1 : vector<16xf32> to vector<16xf32>
    tpu.vector_store %arg7[%swap3A_77], %swap3A_80 {strides = array<i32>} : memref<640xf32, #tpu.memory_space<vmem>>, vector<16xf32>,
    %swap3A_81 = arith.constant 320 : index
    %swap3A_82 = tpu.vector_load %arg7[%swap3A_81] {strides = array<i32>} : memref<640xf32, #tpu.memory_space<vmem>>, vector<16xf32>,
    %swap3A_83 = vector.shape_cast %swap3A_82 : vector<16xf32> to vector<16xf32>
    %swap3A_84 = vector.shape_cast %broadcast_in_dim3A_1 : vector<16xf32> to vector<16xf32>
    tpu.vector_store %arg7[%swap3A_81], %swap3A_84 {strides = array<i32>} : memref<640xf32, #tpu.memory_space<vmem>>, vector<16xf32>,
    %swap3A_85 = arith.constant 336 : index
    %swap3A_86 = tpu.vector_load %arg7[%swap3A_85] {strides = array<i32>} : memref<640xf32, #tpu.memory_space<vmem>>, vector<16xf32>,
    %swap3A_87 = vector.shape_cast %swap3A_86 : vector<16xf32> to vector<16xf32>
    %swap3A_88 = vector.shape_cast %broadcast_in_dim3A_1 : vector<16xf32> to vector<16xf32>
    tpu.vector_store %arg7[%swap3A_85], %swap3A_88 {strides = array<i32>} : memref<640xf32, #tpu.memory_space<vmem>>, vector<16xf32>,
    %swap3A_89 = arith.constant 352 : index
    %swap3A_90 = tpu.vector_load %arg7[%swap3A_89] {strides = array<i32>} : memref<640xf32, #tpu.memory_space<vmem>>, vector<16xf32>,
    %swap3A_91 = vector.shape_cast %swap3A_90 : vector<16xf32> to vector<16xf32>
    %swap3A_92 = vector.shape_cast %broadcast_in_dim3A_1 : vector<16xf32> to vector<16xf32>
    tpu.vector_store %arg7[%swap3A_89], %swap3A_92 {strides = array<i32>} : memref<640xf32, #tpu.memory_space<vmem>>, vector<16xf32>,
    %swap3A_93 = arith.constant 368 : index
    %swap3A_94 = tpu.vector_load %arg7[%swap3A_93] {strides = array<i32>} : memref<640xf32, #tpu.memory_space<vmem>>, vector<16xf32>,
    %swap3A_95 = vector.shape_cast %swap3A_94 : vector<16xf32> to vector<16xf32>
    %swap3A_96 = vector.shape_cast %broadcast_in_dim3A_1 : vector<16xf32> to vector<16xf32>
    tpu.vector_store %arg7[%swap3A_93], %swap3A_96 {strides = array<i32>} : memref<640xf32, #tpu.memory_space<vmem>>, vector<16xf32>,
    %swap3A_97 = arith.constant 384 : index
    %swap3A_98 = tpu.vector_load %arg7[%swap3A_97] {strides = array<i32>} : memref<640xf32, #tpu.memory_space<vmem>>, vector<16xf32>,
    %swap3A_99 = vector.shape_cast %swap3A_98 : vector<16xf32> to vector<16xf32>
    %swap3A_100 = vector.shape_cast %broadcast_in_dim3A_1 : vector<16xf32> to vector<16xf32>
    tpu.vector_store %arg7[%swap3A_97], %swap3A_100 {strides = array<i32>} : memref<640xf32, #tpu.memory_space<vmem>>, vector<16xf32>,
    %swap3A_101 = arith.constant 400 : index
    %swap3A_102 = tpu.vector_load %arg7[%swap3A_101] {strides = array<i32>} : memref<640xf32, #tpu.memory_space<vmem>>, vector<16xf32>,
    %swap3A_103 = vector.shape_cast %swap3A_102 : vector<16xf32> to vector<16xf32>
    %swap3A_104 = vector.shape_cast %broadcast_in_dim3A_1 : vector<16xf32> to vector<16xf32>
    tpu.vector_store %arg7[%swap3A_101], %swap3A_104 {strides = array<i32>} : memref<640xf32, #tpu.memory_space<vmem>>, vector<16xf32>,
    %swap3A_105 = arith.constant 416 : index
    %swap3A_106 = tpu.vector_load %arg7[%swap3A_105] {strides = array<i32>} : memref<640xf32, #tpu.memory_space<vmem>>, vector<16xf32>,
    %swap3A_107 = vector.shape_cast %swap3A_106 : vector<16xf32> to vector<16xf32>
    %swap3A_108 = vector.shape_cast %broadcast_in_dim3A_1 : vector<16xf32> to vector<16xf32>
    tpu.vector_store %arg7[%swap3A_105], %swap3A_108 {strides = array<i32>} : memref<640xf32, #tpu.memory_space<vmem>>, vector<16xf32>,
    %swap3A_109 = arith.constant 432 : index
    %swap3A_110 = tpu.vector_load %arg7[%swap3A_109] {strides = array<i32>} : memref<640xf32, #tpu.memory_space<vmem>>, vector<16xf32>,
    %swap3A_111 = vector.shape_cast %swap3A_110 : vector<16xf32> to vector<16xf32>
    %swap3A_112 = vector.shape_cast %broadcast_in_dim3A_1 : vector<16xf32> to vector<16xf32>
    tpu.vector_store %arg7[%swap3A_109], %swap3A_112 {strides = array<i32>} : memref<640xf32, #tpu.memory_space<vmem>>, vector<16xf32>,
    %swap3A_113 = arith.constant 448 : index
    %swap3A_114 = tpu.vector_load %arg7[%swap3A_113] {strides = array<i32>} : memref<640xf32, #tpu.memory_space<vmem>>, vector<16xf32>,
    %swap3A_115 = vector.shape_cast %swap3A_114 : vector<16xf32> to vector<16xf32>
    %swap3A_116 = vector.shape_cast %broadcast_in_dim3A_1 : vector<16xf32> to vector<16xf32>
    tpu.vector_store %arg7[%swap3A_113], %swap3A_116 {strides = array<i32>} : memref<640xf32, #tpu.memory_space<vmem>>, vector<16xf32>,
    %swap3A_117 = arith.constant 464 : index
    %swap3A_118 = tpu.vector_load %arg7[%swap3A_117] {strides = array<i32>} : memref<640xf32, #tpu.memory_space<vmem>>, vector<16xf32>,
    %swap3A_119 = vector.shape_cast %swap3A_118 : vector<16xf32> to vector<16xf32>
    %swap3A_120 = vector.shape_cast %broadcast_in_dim3A_1 : vector<16xf32> to vector<16xf32>
    tpu.vector_store %arg7[%swap3A_117], %swap3A_120 {strides = array<i32>} : memref<640xf32, #tpu.memory_space<vmem>>, vector<16xf32>,
    %swap3A_121 = arith.constant 480 : index
    %swap3A_122 = tpu.vector_load %arg7[%swap3A_121] {strides = array<i32>} : memref<640xf32, #tpu.memory_space<vmem>>, vector<16xf32>,
    %swap3A_123 = vector.shape_cast %swap3A_122 : vector<16xf32> to vector<16xf32>
    %swap3A_124 = vector.shape_cast %broadcast_in_dim3A_1 : vector<16xf32> to vector<16xf32>
    tpu.vector_store %arg7[%swap3A_121], %swap3A_124 {strides = array<i32>} : memref<640xf32, #tpu.memory_space<vmem>>, vector<16xf32>,
    %swap3A_125 = arith.constant 496 : index
    %swap3A_126 = tpu.vector_load %arg7[%swap3A_125] {strides = array<i32>} : memref<640xf32, #tpu.memory_space<vmem>>, vector<16xf32>,
    %swap3A_127 = vector.shape_cast %swap3A_126 : vector<16xf32> to vector<16xf32>
    %swap3A_128 = vector.shape_cast %broadcast_in_dim3A_1 : vector<16xf32> to vector<16xf32>
    tpu.vector_store %arg7[%swap3A_125], %swap3A_128 {strides = array<i32>} : memref<640xf32, #tpu.memory_space<vmem>>, vector<16xf32>,
    %swap3A_129 = arith.constant 512 : index
    %swap3A_130 = tpu.vector_load %arg7[%swap3A_129] {strides = array<i32>} : memref<640xf32, #tpu.memory_space<vmem>>, vector<16xf32>,
    %swap3A_131 = vector.shape_cast %swap3A_130 : vector<16xf32> to vector<16xf32>
    %swap3A_132 = vector.shape_cast %broadcast_in_dim3A_1 : vector<16xf32> to vector<16xf32>
    tpu.vector_store %arg7[%swap3A_129], %swap3A_132 {strides = array<i32>} : memref<640xf32, #tpu.memory_space<vmem>>, vector<16xf32>,
    %swap3A_133 = arith.constant 528 : index
    %swap3A_134 = tpu.vector_load %arg7[%swap3A_133] {strides = array<i32>} : memref<640xf32, #tpu.memory_space<vmem>>, vector<16xf32>,
    %swap3A_135 = vector.shape_cast %swap3A_134 : vector<16xf32> to vector<16xf32>
    %swap3A_136 = vector.shape_cast %broadcast_in_dim3A_1 : vector<16xf32> to vector<16xf32>
    tpu.vector_store %arg7[%swap3A_133], %swap3A_136 {strides = array<i32>} : memref<640xf32, #tpu.memory_space<vmem>>, vector<16xf32>,
    %swap3A_137 = arith.constant 544 : index
    %swap3A_138 = tpu.vector_load %arg7[%swap3A_137] {strides = array<i32>} : memref<640xf32, #tpu.memory_space<vmem>>, vector<16xf32>,
    %swap3A_139 = vector.shape_cast %swap3A_138 : vector<16xf32> to vector<16xf32>
    %swap3A_140 = vector.shape_cast %broadcast_in_dim3A_1 : vector<16xf32> to vector<16xf32>
    tpu.vector_store %arg7[%swap3A_137], %swap3A_140 {strides = array<i32>} : memref<640xf32, #tpu.memory_space<vmem>>, vector<16xf32>,
    %swap3A_141 = arith.constant 560 : index
    %swap3A_142 = tpu.vector_load %arg7[%swap3A_141] {strides = array<i32>} : memref<640xf32, #tpu.memory_space<vmem>>, vector<16xf32>,
    %swap3A_143 = vector.shape_cast %swap3A_142 : vector<16xf32> to vector<16xf32>
    %swap3A_144 = vector.shape_cast %broadcast_in_dim3A_1 : vector<16xf32> to vector<16xf32>
    tpu.vector_store %arg7[%swap3A_141], %swap3A_144 {strides = array<i32>} : memref<640xf32, #tpu.memory_space<vmem>>, vector<16xf32>,
    %swap3A_145 = arith.constant 576 : index
    %swap3A_146 = tpu.vector_load %arg7[%swap3A_145] {strides = array<i32>} : memref<640xf32, #tpu.memory_space<vmem>>, vector<16xf32>,
    %swap3A_147 = vector.shape_cast %swap3A_146 : vector<16xf32> to vector<16xf32>
    %swap3A_148 = vector.shape_cast %broadcast_in_dim3A_1 : vector<16xf32> to vector<16xf32>
    tpu.vector_store %arg7[%swap3A_145], %swap3A_148 {strides = array<i32>} : memref<640xf32, #tpu.memory_space<vmem>>, vector<16xf32>,
    %swap3A_149 = arith.constant 592 : index
    %swap3A_150 = tpu.vector_load %arg7[%swap3A_149] {strides = array<i32>} : memref<640xf32, #tpu.memory_space<vmem>>, vector<16xf32>,
    %swap3A_151 = vector.shape_cast %swap3A_150 : vector<16xf32> to vector<16xf32>
    %swap3A_152 = vector.shape_cast %broadcast_in_dim3A_1 : vector<16xf32> to vector<16xf32>
    tpu.vector_store %arg7[%swap3A_149], %swap3A_152 {strides = array<i32>} : memref<640xf32, #tpu.memory_space<vmem>>, vector<16xf32>,
    %swap3A_153 = arith.constant 608 : index
    %swap3A_154 = tpu.vector_load %arg7[%swap3A_153] {strides = array<i32>} : memref<640xf32, #tpu.memory_space<vmem>>, vector<16xf32>,
    %swap3A_155 = vector.shape_cast %swap3A_154 : vector<16xf32> to vector<16xf32>
    %swap3A_156 = vector.shape_cast %broadcast_in_dim3A_1 : vector<16xf32> to vector<16xf32>
    tpu.vector_store %arg7[%swap3A_153], %swap3A_156 {strides = array<i32>} : memref<640xf32, #tpu.memory_space<vmem>>, vector<16xf32>,
    %swap3A_157 = arith.constant 624 : index
    %swap3A_158 = tpu.vector_load %arg7[%swap3A_157] {strides = array<i32>} : memref<640xf32, #tpu.memory_space<vmem>>, vector<16xf32>,
    %swap3A_159 = vector.shape_cast %swap3A_158 : vector<16xf32> to vector<16xf32>
    %swap3A_160 = vector.shape_cast %broadcast_in_dim3A_1 : vector<16xf32> to vector<16xf32>
    tpu.vector_store %arg7[%swap3A_157], %swap3A_160 {strides = array<i32>} : memref<640xf32, #tpu.memory_space<vmem>>, vector<16xf32>,
    %broadcast_in_dim3A_161 = arith.constant 1.000000e+00 : f32
    %broadcast_in_dim3A_162 = vector.broadcast %broadcast_in_dim3A_161 : f32 to vector<16xf32>
    %swap3A_163 = arith.constant 0 : index
    %swap3A_164 = tpu.vector_load %arg6[%swap3A_163] {strides = array<i32>} : memref<128xf32, #tpu.memory_space<vmem>>, vector<16xf32>,
    %swap3A_165 = vector.shape_cast %swap3A_164 : vector<16xf32> to vector<16xf32>
    %swap3A_166 = vector.shape_cast %broadcast_in_dim3A_162 : vector<16xf32> to vector<16xf32>
    tpu.vector_store %arg6[%swap3A_163], %swap3A_166 {strides = array<i32>} : memref<128xf32, #tpu.memory_space<vmem>>, vector<16xf32>,
    %swap3A_167 = arith.constant 16 : index
    %swap3A_168 = tpu.vector_load %arg6[%swap3A_167] {strides = array<i32>} : memref<128xf32, #tpu.memory_space<vmem>>, vector<16xf32>,
    %swap3A_169 = vector.shape_cast %swap3A_168 : vector<16xf32> to vector<16xf32>
    %swap3A_170 = vector.shape_cast %broadcast_in_dim3A_162 : vector<16xf32> to vector<16xf32>
    tpu.vector_store %arg6[%swap3A_167], %swap3A_170 {strides = array<i32>} : memref<128xf32, #tpu.memory_space<vmem>>, vector<16xf32>,
    %swap3A_171 = arith.constant 32 : index
    %swap3A_172 = tpu.vector_load %arg6[%swap3A_171] {strides = array<i32>} : memref<128xf32, #tpu.memory_space<vmem>>, vector<16xf32>,
    %swap3A_173 = vector.shape_cast %swap3A_172 : vector<16xf32> to vector<16xf32>
    %swap3A_174 = vector.shape_cast %broadcast_in_dim3A_162 : vector<16xf32> to vector<16xf32>
    tpu.vector_store %arg6[%swap3A_171], %swap3A_174 {strides = array<i32>} : memref<128xf32, #tpu.memory_space<vmem>>, vector<16xf32>,
    %swap3A_175 = arith.constant 48 : index
    %swap3A_176 = tpu.vector_load %arg6[%swap3A_175] {strides = array<i32>} : memref<128xf32, #tpu.memory_space<vmem>>, vector<16xf32>,
    %swap3A_177 = vector.shape_cast %swap3A_176 : vector<16xf32> to vector<16xf32>
    %swap3A_178 = vector.shape_cast %broadcast_in_dim3A_162 : vector<16xf32> to vector<16xf32>
    tpu.vector_store %arg6[%swap3A_175], %swap3A_178 {strides = array<i32>} : memref<128xf32, #tpu.memory_space<vmem>>, vector<16xf32>,
    %swap3A_179 = arith.constant 64 : index
    %swap3A_180 = tpu.vector_load %arg6[%swap3A_179] {strides = array<i32>} : memref<128xf32, #tpu.memory_space<vmem>>, vector<16xf32>,
    %swap3A_181 = vector.shape_cast %swap3A_180 : vector<16xf32> to vector<16xf32>
    %swap3A_182 = vector.shape_cast %broadcast_in_dim3A_162 : vector<16xf32> to vector<16xf32>
    tpu.vector_store %arg6[%swap3A_179], %swap3A_182 {strides = array<i32>} : memref<128xf32, #tpu.memory_space<vmem>>, vector<16xf32>,
    %swap3A_183 = arith.constant 80 : index
    %swap3A_184 = tpu.vector_load %arg6[%swap3A_183] {strides = array<i32>} : memref<128xf32, #tpu.memory_space<vmem>>, vector<16xf32>,
    %swap3A_185 = vector.shape_cast %swap3A_184 : vector<16xf32> to vector<16xf32>
    %swap3A_186 = vector.shape_cast %broadcast_in_dim3A_162 : vector<16xf32> to vector<16xf32>
    tpu.vector_store %arg6[%swap3A_183], %swap3A_186 {strides = array<i32>} : memref<128xf32, #tpu.memory_space<vmem>>, vector<16xf32>,
    %swap3A_187 = arith.constant 96 : index
    %swap3A_188 = tpu.vector_load %arg6[%swap3A_187] {strides = array<i32>} : memref<128xf32, #tpu.memory_space<vmem>>, vector<16xf32>,
    %swap3A_189 = vector.shape_cast %swap3A_188 : vector<16xf32> to vector<16xf32>
    %swap3A_190 = vector.shape_cast %broadcast_in_dim3A_162 : vector<16xf32> to vector<16xf32>
    tpu.vector_store %arg6[%swap3A_187], %swap3A_190 {strides = array<i32>} : memref<128xf32, #tpu.memory_space<vmem>>, vector<16xf32>,
    %swap3A_191 = arith.constant 112 : index
    %swap3A_192 = tpu.vector_load %arg6[%swap3A_191] {strides = array<i32>} : memref<128xf32, #tpu.memory_space<vmem>>, vector<16xf32>,
    %swap3A_193 = vector.shape_cast %swap3A_192 : vector<16xf32> to vector<16xf32>
    %swap3A_194 = vector.shape_cast %broadcast_in_dim3A_162 : vector<16xf32> to vector<16xf32>
    tpu.vector_store %arg6[%swap3A_191], %swap3A_194 {strides = array<i32>} : memref<128xf32, #tpu.memory_space<vmem>>, vector<16xf32>,
    %mul3A_195 = arith.constant 640 : i32
    %mul3A_196 = arith.muli %arg1, %mul3A_195 : i32
    "tpu.region"() ({
      %run_scoped3A_215 = tpu.sem_alloc : memref<!tpu.dma_semaphore, #tpu.memory_space<semaphore_mem>>
      %dma_start3A = tpu.memref_slice %arg4[%mul3A_196] : memref<10240xf32, #tpu.memory_space<vmem_shared>> -> memref<640xf32, #tpu.memory_space<vmem_shared>>
      %dma_start3A_216 = tpu.memref_slice %arg4[%mul3A_196] : memref<10240xf32, #tpu.memory_space<vmem_shared>> -> memref<640xf32, #tpu.memory_space<vmem_shared>>
      tpu.enqueue_dma source(%arg7 : memref<640xf32, #tpu.memory_space<vmem>>) target(%dma_start3A_216 : memref<640xf32, #tpu.memory_space<vmem_shared>>) target_semaphore(%run_scoped3A_215 : memref<!tpu.dma_semaphore, #tpu.memory_space<semaphore_mem>>)
      %dma_wait3A = tpu.memref_slice %arg4[%mul3A_196] : memref<10240xf32, #tpu.memory_space<vmem_shared>> -> memref<640xf32, #tpu.memory_space<vmem_shared>>
      %dma_wait3A_217 = tpu.memref_slice %arg4[%mul3A_196] : memref<10240xf32, #tpu.memory_space<vmem_shared>> -> memref<640xf32, #tpu.memory_space<vmem_shared>>
      tpu.wait_dma2 semaphore(%run_scoped3A_215 : memref<!tpu.dma_semaphore, #tpu.memory_space<semaphore_mem>>) src(%arg7 : memref<640xf32, #tpu.memory_space<vmem>>) dst(%dma_wait3A_217 : memref<640xf32, #tpu.memory_space<vmem_shared>>)
      tpu.yield
    }) : () -> ()
    %barrier3A = arith.constant 0 : index
    tpu.barrier barrier_id(%barrier3A)
    %mul3A_197 = arith.constant 80 : i32
    %mul3A_198 = arith.muli %add3A, %mul3A_197 : i32
    %run_scoped3A = arith.constant 1 : i32
    "tpu.region"() ({
      %run_scoped3A_215 = tpu.sem_alloc : memref<!tpu.dma_semaphore, #tpu.memory_space<semaphore_mem>>
      %dma_start3A = arith.constant 0 : i32
      %dma_start3A_216 = arith.constant 0 : i32
      %dma_start3A_217 = tpu.memref_slice %arg2[%run_scoped3A, %dma_start3A, %dma_start3A_216] : memref<2x2560x128xi32, #tpu.memory_space<hbm>> -> memref<1x2560x128xi32, #tpu.memory_space<hbm>>
      %dma_start3A_218 = tpu.memref_squeeze %dma_start3A_217 : memref<1x2560x128xi32, #tpu.memory_space<hbm>> -> memref<2560x128xi32, #tpu.memory_space<hbm>>
      %dma_start3A_219 = arith.constant 0 : i32
      %dma_start3A_220 = tpu.memref_slice %dma_start3A_218[%mul3A_198, %dma_start3A_219] : memref<2560x128xi32, #tpu.memory_space<hbm>> -> memref<80x128xi32, #tpu.memory_space<hbm>>
      %dma_start3A_221 = arith.constant 0 : i32
      %dma_start3A_222 = arith.constant 0 : i32
      %dma_start3A_223 = tpu.memref_slice %arg2[%run_scoped3A, %dma_start3A_221, %dma_start3A_222] : memref<2x2560x128xi32, #tpu.memory_space<hbm>> -> memref<1x2560x128xi32, #tpu.memory_space<hbm>>
      %dma_start3A_224 = tpu.memref_squeeze %dma_start3A_223 : memref<1x2560x128xi32, #tpu.memory_space<hbm>> -> memref<2560x128xi32, #tpu.memory_space<hbm>>
      %dma_start3A_225 = arith.constant 0 : i32
      %dma_start3A_226 = tpu.memref_slice %dma_start3A_224[%mul3A_198, %dma_start3A_225] : memref<2560x128xi32, #tpu.memory_space<hbm>> -> memref<80x128xi32, #tpu.memory_space<hbm>>
      tpu.enqueue_dma source(%dma_start3A_226 : memref<80x128xi32, #tpu.memory_space<hbm>>) target(%arg5 : memref<80x128xi32, #tpu.memory_space<vmem>>) target_semaphore(%run_scoped3A_215 : memref<!tpu.dma_semaphore, #tpu.memory_space<semaphore_mem>>)
      %dma_wait3A = arith.constant 0 : i32
      %dma_wait3A_227 = arith.constant 0 : i32
      %dma_wait3A_228 = tpu.memref_slice %arg2[%run_scoped3A, %dma_wait3A, %dma_wait3A_227] : memref<2x2560x128xi32, #tpu.memory_space<hbm>> -> memref<1x2560x128xi32, #tpu.memory_space<hbm>>
      %dma_wait3A_229 = tpu.memref_squeeze %dma_wait3A_228 : memref<1x2560x128xi32, #tpu.memory_space<hbm>> -> memref<2560x128xi32, #tpu.memory_space<hbm>>
      %dma_wait3A_230 = arith.constant 0 : i32
      %dma_wait3A_231 = tpu.memref_slice %dma_wait3A_229[%mul3A_198, %dma_wait3A_230] : memref<2560x128xi32, #tpu.memory_space<hbm>> -> memref<80x128xi32, #tpu.memory_space<hbm>>
      %dma_wait3A_232 = arith.constant 0 : i32
      %dma_wait3A_233 = arith.constant 0 : i32
      %dma_wait3A_234 = tpu.memref_slice %arg2[%run_scoped3A, %dma_wait3A_232, %dma_wait3A_233] : memref<2x2560x128xi32, #tpu.memory_space<hbm>> -> memref<1x2560x128xi32, #tpu.memory_space<hbm>>
      %dma_wait3A_235 = tpu.memref_squeeze %dma_wait3A_234 : memref<1x2560x128xi32, #tpu.memory_space<hbm>> -> memref<2560x128xi32, #tpu.memory_space<hbm>>
      %dma_wait3A_236 = arith.constant 0 : i32
      %dma_wait3A_237 = tpu.memref_slice %dma_wait3A_235[%mul3A_198, %dma_wait3A_236] : memref<2560x128xi32, #tpu.memory_space<hbm>> -> memref<80x128xi32, #tpu.memory_space<hbm>>
      tpu.wait_dma2 semaphore(%run_scoped3A_215 : memref<!tpu.dma_semaphore, #tpu.memory_space<semaphore_mem>>) src(%dma_wait3A_237 : memref<80x128xi32, #tpu.memory_space<hbm>>) dst(%arg5 : memref<80x128xi32, #tpu.memory_space<vmem>>)
      tpu.yield
    }) : () -> ()
    %scan3A = arith.constant 0 : i32
    %scan3A_199 = arith.constant 0 : i32
    %scan3A_200 = arith.constant 80 : i32
    %scan3A_201 = arith.addi %scan3A_199, %scan3A_200 : i32
    %scan3A_202 = arith.constant 1 : i32
    scf.for %scan3A_215 = %scan3A_199 to %scan3A_201 step %scan3A_202  : i32 {
      %dma_start3A = arith.constant 0 : i32
      %dma_start3A_216 = tpu.memref_slice %arg5[%scan3A_215, %dma_start3A] : memref<80x128xi32, #tpu.memory_space<vmem>> -> memref<1x128xi32, #tpu.memory_space<vmem>>
      %dma_start3A_217 = tpu.memref_squeeze %dma_start3A_216 : memref<1x128xi32, #tpu.memory_space<vmem>> -> memref<128xi32, #tpu.memory_space<vmem>>
      %dma_start3A_218 = arith.constant 0 : i32
      %dma_start3A_219 = tpu.memref_slice %arg4[%dma_start3A_218] : memref<10240xf32, #tpu.memory_space<vmem_shared>> -> memref<10240xf32, #tpu.memory_space<vmem_shared>>
      tpu.enqueue_indirect_dma source(%arg6 : memref<128xf32, #tpu.memory_space<vmem>>) target(%dma_start3A_219 : memref<10240xf32, #tpu.memory_space<vmem_shared>>) offsets(%dma_start3A_217 : memref<128xi32, #tpu.memory_space<vmem>>) semaphore(%arg8 : memref<!tpu.dma_semaphore, #tpu.memory_space<semaphore_mem>>) {add = true}
    }
    %scan3A_203 = arith.constant 80 : i32
    %scan3A_204 = arith.constant 0 : i32
    %scan3A_205 = arith.constant 0 : i32
    %scan3A_206 = arith.constant 80 : i32
    %scan3A_207 = arith.addi %scan3A_205, %scan3A_206 : i32
    %scan3A_208 = arith.constant 1 : i32
    scf.for %scan3A_215 = %scan3A_205 to %scan3A_207 step %scan3A_208  : i32 {
      %dma_wait3A = arith.constant 0 : i32
      %dma_wait3A_216 = arith.constant 0 : i32
      %dma_wait3A_217 = tpu.memref_slice %arg5[%dma_wait3A, %dma_wait3A_216] : memref<80x128xi32, #tpu.memory_space<vmem>> -> memref<1x128xi32, #tpu.memory_space<vmem>>
      %dma_wait3A_218 = tpu.memref_squeeze %dma_wait3A_217 : memref<1x128xi32, #tpu.memory_space<vmem>> -> memref<128xi32, #tpu.memory_space<vmem>>
      %dma_wait3A_219 = arith.constant 0 : i32
      %dma_wait3A_220 = tpu.memref_slice %arg4[%dma_wait3A_219] : memref<10240xf32, #tpu.memory_space<vmem_shared>> -> memref<10240xf32, #tpu.memory_space<vmem_shared>>
      tpu.wait_indirect_dma semaphore(%arg8 : memref<!tpu.dma_semaphore, #tpu.memory_space<semaphore_mem>>) src(%arg6 : memref<128xf32, #tpu.memory_space<vmem>>) dst(%dma_wait3A_220 : memref<10240xf32, #tpu.memory_space<vmem_shared>>)
    }
    %scan3A_209 = arith.constant 80 : i32
    %barrier3A_210 = arith.constant 0 : index
    tpu.barrier barrier_id(%barrier3A_210)
    %mul3A_211 = arith.constant 640 : i32
    %mul3A_212 = arith.muli %arg1, %mul3A_211 : i32
    "tpu.region"() ({
      %run_scoped3A_215 = tpu.sem_alloc : memref<!tpu.dma_semaphore, #tpu.memory_space<semaphore_mem>>
      %dma_start3A = tpu.memref_slice %arg4[%mul3A_212] : memref<10240xf32, #tpu.memory_space<vmem_shared>> -> memref<640xf32, #tpu.memory_space<vmem_shared>>
      %dma_start3A_216 = tpu.memref_slice %arg4[%mul3A_212] : memref<10240xf32, #tpu.memory_space<vmem_shared>> -> memref<640xf32, #tpu.memory_space<vmem_shared>>
      tpu.enqueue_dma source(%dma_start3A_216 : memref<640xf32, #tpu.memory_space<vmem_shared>>) target(%arg7 : memref<640xf32, #tpu.memory_space<vmem>>) target_semaphore(%run_scoped3A_215 : memref<!tpu.dma_semaphore, #tpu.memory_space<semaphore_mem>>)
      %dma_wait3A = tpu.memref_slice %arg4[%mul3A_212] : memref<10240xf32, #tpu.memory_space<vmem_shared>> -> memref<640xf32, #tpu.memory_space<vmem_shared>>
      %dma_wait3A_217 = tpu.memref_slice %arg4[%mul3A_212] : memref<10240xf32, #tpu.memory_space<vmem_shared>> -> memref<640xf32, #tpu.memory_space<vmem_shared>>
      tpu.wait_dma2 semaphore(%run_scoped3A_215 : memref<!tpu.dma_semaphore, #tpu.memory_space<semaphore_mem>>) src(%dma_wait3A_217 : memref<640xf32, #tpu.memory_space<vmem_shared>>) dst(%arg7 : memref<640xf32, #tpu.memory_space<vmem>>)
      tpu.yield
    }) : () -> ()
    %mul3A_213 = arith.constant 640 : i32
    %mul3A_214 = arith.muli %arg1, %mul3A_213 : i32
    "tpu.region"() ({
      %run_scoped3A_215 = tpu.sem_alloc : memref<!tpu.dma_semaphore, #tpu.memory_space<semaphore_mem>>
      %dma_start3A = tpu.memref_slice %arg3[%arg0, %mul3A_214] : memref<2x10240xf32, #tpu.memory_space<hbm>> -> memref<1x640xf32, #tpu.memory_space<hbm>>
      %dma_start3A_216 = tpu.memref_squeeze %dma_start3A : memref<1x640xf32, #tpu.memory_space<hbm>> -> memref<640xf32, #tpu.memory_space<hbm>>
      %dma_start3A_217 = tpu.memref_slice %arg3[%arg0, %mul3A_214] : memref<2x10240xf32, #tpu.memory_space<hbm>> -> memref<1x640xf32, #tpu.memory_space<hbm>>
      %dma_start3A_218 = tpu.memref_squeeze %dma_start3A_217 : memref<1x640xf32, #tpu.memory_space<hbm>> -> memref<640xf32, #tpu.memory_space<hbm>>
      tpu.enqueue_dma source(%arg7 : memref<640xf32, #tpu.memory_space<vmem>>) target(%dma_start3A_218 : memref<640xf32, #tpu.memory_space<hbm>>) target_semaphore(%run_scoped3A_215 : memref<!tpu.dma_semaphore, #tpu.memory_space<semaphore_mem>>)
      %dma_wait3A = tpu.memref_slice %arg3[%arg0, %mul3A_214] : memref<2x10240xf32, #tpu.memory_space<hbm>> -> memref<1x640xf32, #tpu.memory_space<hbm>>
      %dma_wait3A_219 = tpu.memref_squeeze %dma_wait3A : memref<1x640xf32, #tpu.memory_space<hbm>> -> memref<640xf32, #tpu.memory_space<hbm>>
      %dma_wait3A_220 = tpu.memref_slice %arg3[%arg0, %mul3A_214] : memref<2x10240xf32, #tpu.memory_space<hbm>> -> memref<1x640xf32, #tpu.memory_space<hbm>>
      %dma_wait3A_221 = tpu.memref_squeeze %dma_wait3A_220 : memref<1x640xf32, #tpu.memory_space<hbm>> -> memref<640xf32, #tpu.memory_space<hbm>>
      tpu.wait_dma2 semaphore(%run_scoped3A_215 : memref<!tpu.dma_semaphore, #tpu.memory_space<semaphore_mem>>) src(%arg7 : memref<640xf32, #tpu.memory_space<vmem>>) dst(%dma_wait3A_221 : memref<640xf32, #tpu.memory_space<hbm>>)
      tpu.yield
    }) : () -> ()
    return
  }
}

#map = affine_map<(d0, d1) -> (0, 0)>
#map1 = affine_map<(d0, d1) -> (0, 0, 0)>
module attributes {stable_mosaic.version = 14 : i64} {
  func.func @_scatter_kernel(%arg0: i32, %arg1: i32, %arg2: memref<10240x128xf32, #tpu.memory_space<hbm>>, %arg3: memref<2x2560x128xi32, #tpu.memory_space<hbm>>, %arg4: memref<2x10240x128xf32, #tpu.memory_space<hbm>>, %arg5: memref<10240x128xf32, #tpu.memory_space<vmem_shared>>, %arg6: memref<2x16x128xi32, #tpu.memory_space<vmem>>, %arg7: memref<2x16x128xi32, #tpu.memory_space<vmem>>, %arg8: memref<2x128x128xf32, #tpu.memory_space<vmem>>, %arg9: memref<!tpu.dma_semaphore, #tpu.memory_space<semaphore_mem>>, %arg10: memref<!tpu.dma_semaphore, #tpu.memory_space<semaphore_mem>>, %arg11: memref<!tpu.dma_semaphore, #tpu.memory_space<semaphore_mem>>, %arg12: memref<!tpu.dma_semaphore, #tpu.memory_space<semaphore_mem>>, %arg13: memref<!tpu.dma_semaphore, #tpu.memory_space<semaphore_mem>>, %arg14: memref<!tpu.dma_semaphore, #tpu.memory_space<semaphore_mem>>) attributes {dimension_semantics = [#tpu.dimension_semantics<core_parallel>, #tpu.dimension_semantics<subcore_parallel>], iteration_bounds = array<i64: 2, 16>, scalar_prefetch = 0 : i64, scratch_operands = 10 : i64, tpu.core_type = #tpu.core_type<sc_vector_subcore>, window_params = [{transform_indices = #map}, {transform_indices = #map1}, {transform_indices = #map1}]} {
    %mul3A = arith.constant 16 : i32
    %mul3A_0 = arith.muli %arg0, %mul3A : i32
    %add3A = arith.addi %mul3A_0, %arg1 : i32
    %broadcast_in_dim3A = arith.constant 0.000000e+00 : f32
    %broadcast_in_dim3A_1 = vector.broadcast %broadcast_in_dim3A : f32 to vector<16xf32>
    %scan3A = arith.constant 0 : i32
    %scan3A_2 = arith.constant 0 : i32
    %scan3A_3 = arith.constant 128 : i32
    %scan3A_4 = arith.addi %scan3A_2, %scan3A_3 : i32
    %scan3A_5 = arith.constant 1 : i32
    scf.for %scan3A_915 = %scan3A_2 to %scan3A_4 step %scan3A_5  : i32 {
      %swap3A = arith.constant 0 : i32
      %swap3A_916 = arith.index_cast %swap3A : i32 to index
      %swap3A_917 = arith.index_cast %scan3A_915 : i32 to index
      %swap3A_918 = arith.constant 0 : index
      %swap3A_919 = tpu.vector_load %arg8[%swap3A_916, %swap3A_917, %swap3A_918] {strides = array<i32>} : memref<2x128x128xf32, #tpu.memory_space<vmem>>, vector<1x1x16xf32>,
      %swap3A_920 = vector.shape_cast %swap3A_919 : vector<1x1x16xf32> to vector<16xf32>
      %swap3A_921 = vector.shape_cast %broadcast_in_dim3A_1 : vector<16xf32> to vector<1x1x16xf32>
      tpu.vector_store %arg8[%swap3A_916, %swap3A_917, %swap3A_918], %swap3A_921 {strides = array<i32>} : memref<2x128x128xf32, #tpu.memory_space<vmem>>, vector<1x1x16xf32>,
      %swap3A_922 = arith.constant 0 : i32
      %swap3A_923 = arith.index_cast %swap3A_922 : i32 to index
      %swap3A_924 = arith.index_cast %scan3A_915 : i32 to index
      %swap3A_925 = arith.constant 16 : index
      %swap3A_926 = tpu.vector_load %arg8[%swap3A_923, %swap3A_924, %swap3A_925] {strides = array<i32>} : memref<2x128x128xf32, #tpu.memory_space<vmem>>, vector<1x1x16xf32>,
      %swap3A_927 = vector.shape_cast %swap3A_926 : vector<1x1x16xf32> to vector<16xf32>
      %swap3A_928 = vector.shape_cast %broadcast_in_dim3A_1 : vector<16xf32> to vector<1x1x16xf32>
      tpu.vector_store %arg8[%swap3A_923, %swap3A_924, %swap3A_925], %swap3A_928 {strides = array<i32>} : memref<2x128x128xf32, #tpu.memory_space<vmem>>, vector<1x1x16xf32>,
      %swap3A_929 = arith.constant 0 : i32
      %swap3A_930 = arith.index_cast %swap3A_929 : i32 to index
      %swap3A_931 = arith.index_cast %scan3A_915 : i32 to index
      %swap3A_932 = arith.constant 32 : index
      %swap3A_933 = tpu.vector_load %arg8[%swap3A_930, %swap3A_931, %swap3A_932] {strides = array<i32>} : memref<2x128x128xf32, #tpu.memory_space<vmem>>, vector<1x1x16xf32>,
      %swap3A_934 = vector.shape_cast %swap3A_933 : vector<1x1x16xf32> to vector<16xf32>
      %swap3A_935 = vector.shape_cast %broadcast_in_dim3A_1 : vector<16xf32> to vector<1x1x16xf32>
      tpu.vector_store %arg8[%swap3A_930, %swap3A_931, %swap3A_932], %swap3A_935 {strides = array<i32>} : memref<2x128x128xf32, #tpu.memory_space<vmem>>, vector<1x1x16xf32>,
      %swap3A_936 = arith.constant 0 : i32
      %swap3A_937 = arith.index_cast %swap3A_936 : i32 to index
      %swap3A_938 = arith.index_cast %scan3A_915 : i32 to index
      %swap3A_939 = arith.constant 48 : index
      %swap3A_940 = tpu.vector_load %arg8[%swap3A_937, %swap3A_938, %swap3A_939] {strides = array<i32>} : memref<2x128x128xf32, #tpu.memory_space<vmem>>, vector<1x1x16xf32>,
      %swap3A_941 = vector.shape_cast %swap3A_940 : vector<1x1x16xf32> to vector<16xf32>
      %swap3A_942 = vector.shape_cast %broadcast_in_dim3A_1 : vector<16xf32> to vector<1x1x16xf32>
      tpu.vector_store %arg8[%swap3A_937, %swap3A_938, %swap3A_939], %swap3A_942 {strides = array<i32>} : memref<2x128x128xf32, #tpu.memory_space<vmem>>, vector<1x1x16xf32>,
      %swap3A_943 = arith.constant 0 : i32
      %swap3A_944 = arith.index_cast %swap3A_943 : i32 to index
      %swap3A_945 = arith.index_cast %scan3A_915 : i32 to index
      %swap3A_946 = arith.constant 64 : index
      %swap3A_947 = tpu.vector_load %arg8[%swap3A_944, %swap3A_945, %swap3A_946] {strides = array<i32>} : memref<2x128x128xf32, #tpu.memory_space<vmem>>, vector<1x1x16xf32>,
      %swap3A_948 = vector.shape_cast %swap3A_947 : vector<1x1x16xf32> to vector<16xf32>
      %swap3A_949 = vector.shape_cast %broadcast_in_dim3A_1 : vector<16xf32> to vector<1x1x16xf32>
      tpu.vector_store %arg8[%swap3A_944, %swap3A_945, %swap3A_946], %swap3A_949 {strides = array<i32>} : memref<2x128x128xf32, #tpu.memory_space<vmem>>, vector<1x1x16xf32>,
      %swap3A_950 = arith.constant 0 : i32
      %swap3A_951 = arith.index_cast %swap3A_950 : i32 to index
      %swap3A_952 = arith.index_cast %scan3A_915 : i32 to index
      %swap3A_953 = arith.constant 80 : index
      %swap3A_954 = tpu.vector_load %arg8[%swap3A_951, %swap3A_952, %swap3A_953] {strides = array<i32>} : memref<2x128x128xf32, #tpu.memory_space<vmem>>, vector<1x1x16xf32>,
      %swap3A_955 = vector.shape_cast %swap3A_954 : vector<1x1x16xf32> to vector<16xf32>
      %swap3A_956 = vector.shape_cast %broadcast_in_dim3A_1 : vector<16xf32> to vector<1x1x16xf32>
      tpu.vector_store %arg8[%swap3A_951, %swap3A_952, %swap3A_953], %swap3A_956 {strides = array<i32>} : memref<2x128x128xf32, #tpu.memory_space<vmem>>, vector<1x1x16xf32>,
      %swap3A_957 = arith.constant 0 : i32
      %swap3A_958 = arith.index_cast %swap3A_957 : i32 to index
      %swap3A_959 = arith.index_cast %scan3A_915 : i32 to index
      %swap3A_960 = arith.constant 96 : index
      %swap3A_961 = tpu.vector_load %arg8[%swap3A_958, %swap3A_959, %swap3A_960] {strides = array<i32>} : memref<2x128x128xf32, #tpu.memory_space<vmem>>, vector<1x1x16xf32>,
      %swap3A_962 = vector.shape_cast %swap3A_961 : vector<1x1x16xf32> to vector<16xf32>
      %swap3A_963 = vector.shape_cast %broadcast_in_dim3A_1 : vector<16xf32> to vector<1x1x16xf32>
      tpu.vector_store %arg8[%swap3A_958, %swap3A_959, %swap3A_960], %swap3A_963 {strides = array<i32>} : memref<2x128x128xf32, #tpu.memory_space<vmem>>, vector<1x1x16xf32>,
      %swap3A_964 = arith.constant 0 : i32
      %swap3A_965 = arith.index_cast %swap3A_964 : i32 to index
      %swap3A_966 = arith.index_cast %scan3A_915 : i32 to index
      %swap3A_967 = arith.constant 112 : index
      %swap3A_968 = tpu.vector_load %arg8[%swap3A_965, %swap3A_966, %swap3A_967] {strides = array<i32>} : memref<2x128x128xf32, #tpu.memory_space<vmem>>, vector<1x1x16xf32>,
      %swap3A_969 = vector.shape_cast %swap3A_968 : vector<1x1x16xf32> to vector<16xf32>
      %swap3A_970 = vector.shape_cast %broadcast_in_dim3A_1 : vector<16xf32> to vector<1x1x16xf32>
      tpu.vector_store %arg8[%swap3A_965, %swap3A_966, %swap3A_967], %swap3A_970 {strides = array<i32>} : memref<2x128x128xf32, #tpu.memory_space<vmem>>, vector<1x1x16xf32>,
    }
    %scan3A_6 = arith.constant 128 : i32
    %mul3A_7 = arith.constant 640 : i32
    %mul3A_8 = arith.muli %arg1, %mul3A_7 : i32
    %add3A_9 = arith.constant 0 : i32
    %add3A_10 = arith.addi %mul3A_8, %add3A_9 : i32
    %run_scoped3A = arith.constant 0 : i32
    "tpu.region"() ({
      %run_scoped3A_915 = tpu.sem_alloc : memref<!tpu.dma_semaphore, #tpu.memory_space<semaphore_mem>>
      %dma_start3A_916 = arith.constant 0 : i32
      %dma_start3A_917 = arith.constant 0 : i32
      %dma_start3A_918 = tpu.memref_slice %arg8[%run_scoped3A, %dma_start3A_916, %dma_start3A_917] : memref<2x128x128xf32, #tpu.memory_space<vmem>> -> memref<1x128x128xf32, #tpu.memory_space<vmem>>
      %dma_start3A_919 = tpu.memref_squeeze %dma_start3A_918 : memref<1x128x128xf32, #tpu.memory_space<vmem>> -> memref<128x128xf32, #tpu.memory_space<vmem>>
      %dma_start3A_920 = arith.constant 0 : i32
      %dma_start3A_921 = tpu.memref_slice %arg5[%add3A_10, %dma_start3A_920] : memref<10240x128xf32, #tpu.memory_space<vmem_shared>> -> memref<128x128xf32, #tpu.memory_space<vmem_shared>>
      %dma_start3A_922 = arith.constant 0 : i32
      %dma_start3A_923 = tpu.memref_slice %arg5[%add3A_10, %dma_start3A_922] : memref<10240x128xf32, #tpu.memory_space<vmem_shared>> -> memref<128x128xf32, #tpu.memory_space<vmem_shared>>
      %dma_start3A_924 = arith.constant 0 : i32
      %dma_start3A_925 = arith.constant 0 : i32
      %dma_start3A_926 = tpu.memref_slice %arg8[%run_scoped3A, %dma_start3A_924, %dma_start3A_925] : memref<2x128x128xf32, #tpu.memory_space<vmem>> -> memref<1x128x128xf32, #tpu.memory_space<vmem>>
      %dma_start3A_927 = tpu.memref_squeeze %dma_start3A_926 : memref<1x128x128xf32, #tpu.memory_space<vmem>> -> memref<128x128xf32, #tpu.memory_space<vmem>>
      tpu.enqueue_dma source(%dma_start3A_927 : memref<128x128xf32, #tpu.memory_space<vmem>>) target(%dma_start3A_923 : memref<128x128xf32, #tpu.memory_space<vmem_shared>>) target_semaphore(%run_scoped3A_915 : memref<!tpu.dma_semaphore, #tpu.memory_space<semaphore_mem>>)
      %dma_wait3A_928 = arith.constant 0 : i32
      %dma_wait3A_929 = arith.constant 0 : i32
      %dma_wait3A_930 = tpu.memref_slice %arg8[%run_scoped3A, %dma_wait3A_928, %dma_wait3A_929] : memref<2x128x128xf32, #tpu.memory_space<vmem>> -> memref<1x128x128xf32, #tpu.memory_space<vmem>>
      %dma_wait3A_931 = tpu.memref_squeeze %dma_wait3A_930 : memref<1x128x128xf32, #tpu.memory_space<vmem>> -> memref<128x128xf32, #tpu.memory_space<vmem>>
      %dma_wait3A_932 = arith.constant 0 : i32
      %dma_wait3A_933 = tpu.memref_slice %arg5[%add3A_10, %dma_wait3A_932] : memref<10240x128xf32, #tpu.memory_space<vmem_shared>> -> memref<128x128xf32, #tpu.memory_space<vmem_shared>>
      %dma_wait3A_934 = arith.constant 0 : i32
      %dma_wait3A_935 = tpu.memref_slice %arg5[%add3A_10, %dma_wait3A_934] : memref<10240x128xf32, #tpu.memory_space<vmem_shared>> -> memref<128x128xf32, #tpu.memory_space<vmem_shared>>
      %dma_wait3A_936 = arith.constant 0 : i32
      %dma_wait3A_937 = arith.constant 0 : i32
      %dma_wait3A_938 = tpu.memref_slice %arg8[%run_scoped3A, %dma_wait3A_936, %dma_wait3A_937] : memref<2x128x128xf32, #tpu.memory_space<vmem>> -> memref<1x128x128xf32, #tpu.memory_space<vmem>>
      %dma_wait3A_939 = tpu.memref_squeeze %dma_wait3A_938 : memref<1x128x128xf32, #tpu.memory_space<vmem>> -> memref<128x128xf32, #tpu.memory_space<vmem>>
      tpu.wait_dma2 semaphore(%run_scoped3A_915 : memref<!tpu.dma_semaphore, #tpu.memory_space<semaphore_mem>>) src(%dma_wait3A_939 : memref<128x128xf32, #tpu.memory_space<vmem>>) dst(%dma_wait3A_935 : memref<128x128xf32, #tpu.memory_space<vmem_shared>>)
      tpu.yield
    }) : () -> ()
    %mul3A_11 = arith.constant 640 : i32
    %mul3A_12 = arith.muli %arg1, %mul3A_11 : i32
    %add3A_13 = arith.constant 128 : i32
    %add3A_14 = arith.addi %mul3A_12, %add3A_13 : i32
    %run_scoped3A_15 = arith.constant 0 : i32
    "tpu.region"() ({
      %run_scoped3A_915 = tpu.sem_alloc : memref<!tpu.dma_semaphore, #tpu.memory_space<semaphore_mem>>
      %dma_start3A_916 = arith.constant 0 : i32
      %dma_start3A_917 = arith.constant 0 : i32
      %dma_start3A_918 = tpu.memref_slice %arg8[%run_scoped3A_15, %dma_start3A_916, %dma_start3A_917] : memref<2x128x128xf32, #tpu.memory_space<vmem>> -> memref<1x128x128xf32, #tpu.memory_space<vmem>>
      %dma_start3A_919 = tpu.memref_squeeze %dma_start3A_918 : memref<1x128x128xf32, #tpu.memory_space<vmem>> -> memref<128x128xf32, #tpu.memory_space<vmem>>
      %dma_start3A_920 = arith.constant 0 : i32
      %dma_start3A_921 = tpu.memref_slice %arg5[%add3A_14, %dma_start3A_920] : memref<10240x128xf32, #tpu.memory_space<vmem_shared>> -> memref<128x128xf32, #tpu.memory_space<vmem_shared>>
      %dma_start3A_922 = arith.constant 0 : i32
      %dma_start3A_923 = tpu.memref_slice %arg5[%add3A_14, %dma_start3A_922] : memref<10240x128xf32, #tpu.memory_space<vmem_shared>> -> memref<128x128xf32, #tpu.memory_space<vmem_shared>>
      %dma_start3A_924 = arith.constant 0 : i32
      %dma_start3A_925 = arith.constant 0 : i32
      %dma_start3A_926 = tpu.memref_slice %arg8[%run_scoped3A_15, %dma_start3A_924, %dma_start3A_925] : memref<2x128x128xf32, #tpu.memory_space<vmem>> -> memref<1x128x128xf32, #tpu.memory_space<vmem>>
      %dma_start3A_927 = tpu.memref_squeeze %dma_start3A_926 : memref<1x128x128xf32, #tpu.memory_space<vmem>> -> memref<128x128xf32, #tpu.memory_space<vmem>>
      tpu.enqueue_dma source(%dma_start3A_927 : memref<128x128xf32, #tpu.memory_space<vmem>>) target(%dma_start3A_923 : memref<128x128xf32, #tpu.memory_space<vmem_shared>>) target_semaphore(%run_scoped3A_915 : memref<!tpu.dma_semaphore, #tpu.memory_space<semaphore_mem>>)
      %dma_wait3A_928 = arith.constant 0 : i32
      %dma_wait3A_929 = arith.constant 0 : i32
      %dma_wait3A_930 = tpu.memref_slice %arg8[%run_scoped3A_15, %dma_wait3A_928, %dma_wait3A_929] : memref<2x128x128xf32, #tpu.memory_space<vmem>> -> memref<1x128x128xf32, #tpu.memory_space<vmem>>
      %dma_wait3A_931 = tpu.memref_squeeze %dma_wait3A_930 : memref<1x128x128xf32, #tpu.memory_space<vmem>> -> memref<128x128xf32, #tpu.memory_space<vmem>>
      %dma_wait3A_932 = arith.constant 0 : i32
      %dma_wait3A_933 = tpu.memref_slice %arg5[%add3A_14, %dma_wait3A_932] : memref<10240x128xf32, #tpu.memory_space<vmem_shared>> -> memref<128x128xf32, #tpu.memory_space<vmem_shared>>
      %dma_wait3A_934 = arith.constant 0 : i32
      %dma_wait3A_935 = tpu.memref_slice %arg5[%add3A_14, %dma_wait3A_934] : memref<10240x128xf32, #tpu.memory_space<vmem_shared>> -> memref<128x128xf32, #tpu.memory_space<vmem_shared>>
      %dma_wait3A_936 = arith.constant 0 : i32
      %dma_wait3A_937 = arith.constant 0 : i32
      %dma_wait3A_938 = tpu.memref_slice %arg8[%run_scoped3A_15, %dma_wait3A_936, %dma_wait3A_937] : memref<2x128x128xf32, #tpu.memory_space<vmem>> -> memref<1x128x128xf32, #tpu.memory_space<vmem>>
      %dma_wait3A_939 = tpu.memref_squeeze %dma_wait3A_938 : memref<1x128x128xf32, #tpu.memory_space<vmem>> -> memref<128x128xf32, #tpu.memory_space<vmem>>
      tpu.wait_dma2 semaphore(%run_scoped3A_915 : memref<!tpu.dma_semaphore, #tpu.memory_space<semaphore_mem>>) src(%dma_wait3A_939 : memref<128x128xf32, #tpu.memory_space<vmem>>) dst(%dma_wait3A_935 : memref<128x128xf32, #tpu.memory_space<vmem_shared>>)
      tpu.yield
    }) : () -> ()
    %mul3A_16 = arith.constant 640 : i32
    %mul3A_17 = arith.muli %arg1, %mul3A_16 : i32
    %add3A_18 = arith.constant 256 : i32
    %add3A_19 = arith.addi %mul3A_17, %add3A_18 : i32
    %run_scoped3A_20 = arith.constant 0 : i32
    "tpu.region"() ({
      %run_scoped3A_915 = tpu.sem_alloc : memref<!tpu.dma_semaphore, #tpu.memory_space<semaphore_mem>>
      %dma_start3A_916 = arith.constant 0 : i32
      %dma_start3A_917 = arith.constant 0 : i32
      %dma_start3A_918 = tpu.memref_slice %arg8[%run_scoped3A_20, %dma_start3A_916, %dma_start3A_917] : memref<2x128x128xf32, #tpu.memory_space<vmem>> -> memref<1x128x128xf32, #tpu.memory_space<vmem>>
      %dma_start3A_919 = tpu.memref_squeeze %dma_start3A_918 : memref<1x128x128xf32, #tpu.memory_space<vmem>> -> memref<128x128xf32, #tpu.memory_space<vmem>>
      %dma_start3A_920 = arith.constant 0 : i32
      %dma_start3A_921 = tpu.memref_slice %arg5[%add3A_19, %dma_start3A_920] : memref<10240x128xf32, #tpu.memory_space<vmem_shared>> -> memref<128x128xf32, #tpu.memory_space<vmem_shared>>
      %dma_start3A_922 = arith.constant 0 : i32
      %dma_start3A_923 = tpu.memref_slice %arg5[%add3A_19, %dma_start3A_922] : memref<10240x128xf32, #tpu.memory_space<vmem_shared>> -> memref<128x128xf32, #tpu.memory_space<vmem_shared>>
      %dma_start3A_924 = arith.constant 0 : i32
      %dma_start3A_925 = arith.constant 0 : i32
      %dma_start3A_926 = tpu.memref_slice %arg8[%run_scoped3A_20, %dma_start3A_924, %dma_start3A_925] : memref<2x128x128xf32, #tpu.memory_space<vmem>> -> memref<1x128x128xf32, #tpu.memory_space<vmem>>
      %dma_start3A_927 = tpu.memref_squeeze %dma_start3A_926 : memref<1x128x128xf32, #tpu.memory_space<vmem>> -> memref<128x128xf32, #tpu.memory_space<vmem>>
      tpu.enqueue_dma source(%dma_start3A_927 : memref<128x128xf32, #tpu.memory_space<vmem>>) target(%dma_start3A_923 : memref<128x128xf32, #tpu.memory_space<vmem_shared>>) target_semaphore(%run_scoped3A_915 : memref<!tpu.dma_semaphore, #tpu.memory_space<semaphore_mem>>)
      %dma_wait3A_928 = arith.constant 0 : i32
      %dma_wait3A_929 = arith.constant 0 : i32
      %dma_wait3A_930 = tpu.memref_slice %arg8[%run_scoped3A_20, %dma_wait3A_928, %dma_wait3A_929] : memref<2x128x128xf32, #tpu.memory_space<vmem>> -> memref<1x128x128xf32, #tpu.memory_space<vmem>>
      %dma_wait3A_931 = tpu.memref_squeeze %dma_wait3A_930 : memref<1x128x128xf32, #tpu.memory_space<vmem>> -> memref<128x128xf32, #tpu.memory_space<vmem>>
      %dma_wait3A_932 = arith.constant 0 : i32
      %dma_wait3A_933 = tpu.memref_slice %arg5[%add3A_19, %dma_wait3A_932] : memref<10240x128xf32, #tpu.memory_space<vmem_shared>> -> memref<128x128xf32, #tpu.memory_space<vmem_shared>>
      %dma_wait3A_934 = arith.constant 0 : i32
      %dma_wait3A_935 = tpu.memref_slice %arg5[%add3A_19, %dma_wait3A_934] : memref<10240x128xf32, #tpu.memory_space<vmem_shared>> -> memref<128x128xf32, #tpu.memory_space<vmem_shared>>
      %dma_wait3A_936 = arith.constant 0 : i32
      %dma_wait3A_937 = arith.constant 0 : i32
      %dma_wait3A_938 = tpu.memref_slice %arg8[%run_scoped3A_20, %dma_wait3A_936, %dma_wait3A_937] : memref<2x128x128xf32, #tpu.memory_space<vmem>> -> memref<1x128x128xf32, #tpu.memory_space<vmem>>
      %dma_wait3A_939 = tpu.memref_squeeze %dma_wait3A_938 : memref<1x128x128xf32, #tpu.memory_space<vmem>> -> memref<128x128xf32, #tpu.memory_space<vmem>>
      tpu.wait_dma2 semaphore(%run_scoped3A_915 : memref<!tpu.dma_semaphore, #tpu.memory_space<semaphore_mem>>) src(%dma_wait3A_939 : memref<128x128xf32, #tpu.memory_space<vmem>>) dst(%dma_wait3A_935 : memref<128x128xf32, #tpu.memory_space<vmem_shared>>)
      tpu.yield
    }) : () -> ()
    %mul3A_21 = arith.constant 640 : i32
    %mul3A_22 = arith.muli %arg1, %mul3A_21 : i32
    %add3A_23 = arith.constant 384 : i32
    %add3A_24 = arith.addi %mul3A_22, %add3A_23 : i32
    %run_scoped3A_25 = arith.constant 0 : i32
    "tpu.region"() ({
      %run_scoped3A_915 = tpu.sem_alloc : memref<!tpu.dma_semaphore, #tpu.memory_space<semaphore_mem>>
      %dma_start3A_916 = arith.constant 0 : i32
      %dma_start3A_917 = arith.constant 0 : i32
      %dma_start3A_918 = tpu.memref_slice %arg8[%run_scoped3A_25, %dma_start3A_916, %dma_start3A_917] : memref<2x128x128xf32, #tpu.memory_space<vmem>> -> memref<1x128x128xf32, #tpu.memory_space<vmem>>
      %dma_start3A_919 = tpu.memref_squeeze %dma_start3A_918 : memref<1x128x128xf32, #tpu.memory_space<vmem>> -> memref<128x128xf32, #tpu.memory_space<vmem>>
      %dma_start3A_920 = arith.constant 0 : i32
      %dma_start3A_921 = tpu.memref_slice %arg5[%add3A_24, %dma_start3A_920] : memref<10240x128xf32, #tpu.memory_space<vmem_shared>> -> memref<128x128xf32, #tpu.memory_space<vmem_shared>>
      %dma_start3A_922 = arith.constant 0 : i32
      %dma_start3A_923 = tpu.memref_slice %arg5[%add3A_24, %dma_start3A_922] : memref<10240x128xf32, #tpu.memory_space<vmem_shared>> -> memref<128x128xf32, #tpu.memory_space<vmem_shared>>
      %dma_start3A_924 = arith.constant 0 : i32
      %dma_start3A_925 = arith.constant 0 : i32
      %dma_start3A_926 = tpu.memref_slice %arg8[%run_scoped3A_25, %dma_start3A_924, %dma_start3A_925] : memref<2x128x128xf32, #tpu.memory_space<vmem>> -> memref<1x128x128xf32, #tpu.memory_space<vmem>>
      %dma_start3A_927 = tpu.memref_squeeze %dma_start3A_926 : memref<1x128x128xf32, #tpu.memory_space<vmem>> -> memref<128x128xf32, #tpu.memory_space<vmem>>
      tpu.enqueue_dma source(%dma_start3A_927 : memref<128x128xf32, #tpu.memory_space<vmem>>) target(%dma_start3A_923 : memref<128x128xf32, #tpu.memory_space<vmem_shared>>) target_semaphore(%run_scoped3A_915 : memref<!tpu.dma_semaphore, #tpu.memory_space<semaphore_mem>>)
      %dma_wait3A_928 = arith.constant 0 : i32
      %dma_wait3A_929 = arith.constant 0 : i32
      %dma_wait3A_930 = tpu.memref_slice %arg8[%run_scoped3A_25, %dma_wait3A_928, %dma_wait3A_929] : memref<2x128x128xf32, #tpu.memory_space<vmem>> -> memref<1x128x128xf32, #tpu.memory_space<vmem>>
      %dma_wait3A_931 = tpu.memref_squeeze %dma_wait3A_930 : memref<1x128x128xf32, #tpu.memory_space<vmem>> -> memref<128x128xf32, #tpu.memory_space<vmem>>
      %dma_wait3A_932 = arith.constant 0 : i32
      %dma_wait3A_933 = tpu.memref_slice %arg5[%add3A_24, %dma_wait3A_932] : memref<10240x128xf32, #tpu.memory_space<vmem_shared>> -> memref<128x128xf32, #tpu.memory_space<vmem_shared>>
      %dma_wait3A_934 = arith.constant 0 : i32
      %dma_wait3A_935 = tpu.memref_slice %arg5[%add3A_24, %dma_wait3A_934] : memref<10240x128xf32, #tpu.memory_space<vmem_shared>> -> memref<128x128xf32, #tpu.memory_space<vmem_shared>>
      %dma_wait3A_936 = arith.constant 0 : i32
      %dma_wait3A_937 = arith.constant 0 : i32
      %dma_wait3A_938 = tpu.memref_slice %arg8[%run_scoped3A_25, %dma_wait3A_936, %dma_wait3A_937] : memref<2x128x128xf32, #tpu.memory_space<vmem>> -> memref<1x128x128xf32, #tpu.memory_space<vmem>>
      %dma_wait3A_939 = tpu.memref_squeeze %dma_wait3A_938 : memref<1x128x128xf32, #tpu.memory_space<vmem>> -> memref<128x128xf32, #tpu.memory_space<vmem>>
      tpu.wait_dma2 semaphore(%run_scoped3A_915 : memref<!tpu.dma_semaphore, #tpu.memory_space<semaphore_mem>>) src(%dma_wait3A_939 : memref<128x128xf32, #tpu.memory_space<vmem>>) dst(%dma_wait3A_935 : memref<128x128xf32, #tpu.memory_space<vmem_shared>>)
      tpu.yield
    }) : () -> ()
    %mul3A_26 = arith.constant 640 : i32
    %mul3A_27 = arith.muli %arg1, %mul3A_26 : i32
    %add3A_28 = arith.constant 512 : i32
    %add3A_29 = arith.addi %mul3A_27, %add3A_28 : i32
    %run_scoped3A_30 = arith.constant 0 : i32
    "tpu.region"() ({
      %run_scoped3A_915 = tpu.sem_alloc : memref<!tpu.dma_semaphore, #tpu.memory_space<semaphore_mem>>
      %dma_start3A_916 = arith.constant 0 : i32
      %dma_start3A_917 = arith.constant 0 : i32
      %dma_start3A_918 = tpu.memref_slice %arg8[%run_scoped3A_30, %dma_start3A_916, %dma_start3A_917] : memref<2x128x128xf32, #tpu.memory_space<vmem>> -> memref<1x128x128xf32, #tpu.memory_space<vmem>>
      %dma_start3A_919 = tpu.memref_squeeze %dma_start3A_918 : memref<1x128x128xf32, #tpu.memory_space<vmem>> -> memref<128x128xf32, #tpu.memory_space<vmem>>
      %dma_start3A_920 = arith.constant 0 : i32
      %dma_start3A_921 = tpu.memref_slice %arg5[%add3A_29, %dma_start3A_920] : memref<10240x128xf32, #tpu.memory_space<vmem_shared>> -> memref<128x128xf32, #tpu.memory_space<vmem_shared>>
      %dma_start3A_922 = arith.constant 0 : i32
      %dma_start3A_923 = tpu.memref_slice %arg5[%add3A_29, %dma_start3A_922] : memref<10240x128xf32, #tpu.memory_space<vmem_shared>> -> memref<128x128xf32, #tpu.memory_space<vmem_shared>>
      %dma_start3A_924 = arith.constant 0 : i32
      %dma_start3A_925 = arith.constant 0 : i32
      %dma_start3A_926 = tpu.memref_slice %arg8[%run_scoped3A_30, %dma_start3A_924, %dma_start3A_925] : memref<2x128x128xf32, #tpu.memory_space<vmem>> -> memref<1x128x128xf32, #tpu.memory_space<vmem>>
      %dma_start3A_927 = tpu.memref_squeeze %dma_start3A_926 : memref<1x128x128xf32, #tpu.memory_space<vmem>> -> memref<128x128xf32, #tpu.memory_space<vmem>>
      tpu.enqueue_dma source(%dma_start3A_927 : memref<128x128xf32, #tpu.memory_space<vmem>>) target(%dma_start3A_923 : memref<128x128xf32, #tpu.memory_space<vmem_shared>>) target_semaphore(%run_scoped3A_915 : memref<!tpu.dma_semaphore, #tpu.memory_space<semaphore_mem>>)
      %dma_wait3A_928 = arith.constant 0 : i32
      %dma_wait3A_929 = arith.constant 0 : i32
      %dma_wait3A_930 = tpu.memref_slice %arg8[%run_scoped3A_30, %dma_wait3A_928, %dma_wait3A_929] : memref<2x128x128xf32, #tpu.memory_space<vmem>> -> memref<1x128x128xf32, #tpu.memory_space<vmem>>
      %dma_wait3A_931 = tpu.memref_squeeze %dma_wait3A_930 : memref<1x128x128xf32, #tpu.memory_space<vmem>> -> memref<128x128xf32, #tpu.memory_space<vmem>>
      %dma_wait3A_932 = arith.constant 0 : i32
      %dma_wait3A_933 = tpu.memref_slice %arg5[%add3A_29, %dma_wait3A_932] : memref<10240x128xf32, #tpu.memory_space<vmem_shared>> -> memref<128x128xf32, #tpu.memory_space<vmem_shared>>
      %dma_wait3A_934 = arith.constant 0 : i32
      %dma_wait3A_935 = tpu.memref_slice %arg5[%add3A_29, %dma_wait3A_934] : memref<10240x128xf32, #tpu.memory_space<vmem_shared>> -> memref<128x128xf32, #tpu.memory_space<vmem_shared>>
      %dma_wait3A_936 = arith.constant 0 : i32
      %dma_wait3A_937 = arith.constant 0 : i32
      %dma_wait3A_938 = tpu.memref_slice %arg8[%run_scoped3A_30, %dma_wait3A_936, %dma_wait3A_937] : memref<2x128x128xf32, #tpu.memory_space<vmem>> -> memref<1x128x128xf32, #tpu.memory_space<vmem>>
      %dma_wait3A_939 = tpu.memref_squeeze %dma_wait3A_938 : memref<1x128x128xf32, #tpu.memory_space<vmem>> -> memref<128x128xf32, #tpu.memory_space<vmem>>
      tpu.wait_dma2 semaphore(%run_scoped3A_915 : memref<!tpu.dma_semaphore, #tpu.memory_space<semaphore_mem>>) src(%dma_wait3A_939 : memref<128x128xf32, #tpu.memory_space<vmem>>) dst(%dma_wait3A_935 : memref<128x128xf32, #tpu.memory_space<vmem_shared>>)
      tpu.yield
    }) : () -> ()
    %barrier3A = arith.constant 0 : index
    tpu.barrier barrier_id(%barrier3A)
    %mul3A_31 = arith.constant 80 : i32
    %mul3A_32 = arith.muli %add3A, %mul3A_31 : i32
    %dma_start3A = arith.constant 0 : i32
    %dma_start3A_33 = arith.constant 0 : i32
    %dma_start3A_34 = arith.constant 0 : i32
    %dma_start3A_35 = arith.constant 0 : i32
    %dma_start3A_36 = tpu.memref_slice %arg6[%dma_start3A_33, %dma_start3A_34, %dma_start3A_35] : memref<2x16x128xi32, #tpu.memory_space<vmem>> -> memref<1x16x128xi32, #tpu.memory_space<vmem>>
    %dma_start3A_37 = tpu.memref_squeeze %dma_start3A_36 : memref<1x16x128xi32, #tpu.memory_space<vmem>> -> memref<16x128xi32, #tpu.memory_space<vmem>>
    %dma_start3A_38 = arith.constant 0 : i32
    %dma_start3A_39 = arith.constant 0 : i32
    %dma_start3A_40 = tpu.memref_slice %arg3[%dma_start3A, %dma_start3A_38, %dma_start3A_39] : memref<2x2560x128xi32, #tpu.memory_space<hbm>> -> memref<1x2560x128xi32, #tpu.memory_space<hbm>>
    %dma_start3A_41 = tpu.memref_squeeze %dma_start3A_40 : memref<1x2560x128xi32, #tpu.memory_space<hbm>> -> memref<2560x128xi32, #tpu.memory_space<hbm>>
    %dma_start3A_42 = arith.constant 0 : i32
    %dma_start3A_43 = tpu.memref_slice %dma_start3A_41[%mul3A_32, %dma_start3A_42] : memref<2560x128xi32, #tpu.memory_space<hbm>> -> memref<16x128xi32, #tpu.memory_space<hbm>>
    %dma_start3A_44 = arith.constant 0 : i32
    %dma_start3A_45 = arith.constant 0 : i32
    %dma_start3A_46 = tpu.memref_slice %arg6[%dma_start3A_33, %dma_start3A_44, %dma_start3A_45] : memref<2x16x128xi32, #tpu.memory_space<vmem>> -> memref<1x16x128xi32, #tpu.memory_space<vmem>>
    %dma_start3A_47 = tpu.memref_squeeze %dma_start3A_46 : memref<1x16x128xi32, #tpu.memory_space<vmem>> -> memref<16x128xi32, #tpu.memory_space<vmem>>
    %dma_start3A_48 = arith.constant 0 : i32
    %dma_start3A_49 = arith.constant 0 : i32
    %dma_start3A_50 = tpu.memref_slice %arg3[%dma_start3A, %dma_start3A_48, %dma_start3A_49] : memref<2x2560x128xi32, #tpu.memory_space<hbm>> -> memref<1x2560x128xi32, #tpu.memory_space<hbm>>
    %dma_start3A_51 = tpu.memref_squeeze %dma_start3A_50 : memref<1x2560x128xi32, #tpu.memory_space<hbm>> -> memref<2560x128xi32, #tpu.memory_space<hbm>>
    %dma_start3A_52 = arith.constant 0 : i32
    %dma_start3A_53 = tpu.memref_slice %dma_start3A_51[%mul3A_32, %dma_start3A_52] : memref<2560x128xi32, #tpu.memory_space<hbm>> -> memref<16x128xi32, #tpu.memory_space<hbm>>
    tpu.enqueue_dma source(%dma_start3A_53 : memref<16x128xi32, #tpu.memory_space<hbm>>) target(%dma_start3A_47 : memref<16x128xi32, #tpu.memory_space<vmem>>) target_semaphore(%arg13 : memref<!tpu.dma_semaphore, #tpu.memory_space<semaphore_mem>>)
    %mul3A_54 = arith.constant 80 : i32
    %mul3A_55 = arith.muli %add3A, %mul3A_54 : i32
    %dma_start3A_56 = arith.constant 1 : i32
    %dma_start3A_57 = arith.constant 0 : i32
    %dma_start3A_58 = arith.constant 0 : i32
    %dma_start3A_59 = arith.constant 0 : i32
    %dma_start3A_60 = tpu.memref_slice %arg7[%dma_start3A_57, %dma_start3A_58, %dma_start3A_59] : memref<2x16x128xi32, #tpu.memory_space<vmem>> -> memref<1x16x128xi32, #tpu.memory_space<vmem>>
    %dma_start3A_61 = tpu.memref_squeeze %dma_start3A_60 : memref<1x16x128xi32, #tpu.memory_space<vmem>> -> memref<16x128xi32, #tpu.memory_space<vmem>>
    %dma_start3A_62 = arith.constant 0 : i32
    %dma_start3A_63 = arith.constant 0 : i32
    %dma_start3A_64 = tpu.memref_slice %arg3[%dma_start3A_56, %dma_start3A_62, %dma_start3A_63] : memref<2x2560x128xi32, #tpu.memory_space<hbm>> -> memref<1x2560x128xi32, #tpu.memory_space<hbm>>
    %dma_start3A_65 = tpu.memref_squeeze %dma_start3A_64 : memref<1x2560x128xi32, #tpu.memory_space<hbm>> -> memref<2560x128xi32, #tpu.memory_space<hbm>>
    %dma_start3A_66 = arith.constant 0 : i32
    %dma_start3A_67 = tpu.memref_slice %dma_start3A_65[%mul3A_55, %dma_start3A_66] : memref<2560x128xi32, #tpu.memory_space<hbm>> -> memref<16x128xi32, #tpu.memory_space<hbm>>
    %dma_start3A_68 = arith.constant 0 : i32
    %dma_start3A_69 = arith.constant 0 : i32
    %dma_start3A_70 = tpu.memref_slice %arg7[%dma_start3A_57, %dma_start3A_68, %dma_start3A_69] : memref<2x16x128xi32, #tpu.memory_space<vmem>> -> memref<1x16x128xi32, #tpu.memory_space<vmem>>
    %dma_start3A_71 = tpu.memref_squeeze %dma_start3A_70 : memref<1x16x128xi32, #tpu.memory_space<vmem>> -> memref<16x128xi32, #tpu.memory_space<vmem>>
    %dma_start3A_72 = arith.constant 0 : i32
    %dma_start3A_73 = arith.constant 0 : i32
    %dma_start3A_74 = tpu.memref_slice %arg3[%dma_start3A_56, %dma_start3A_72, %dma_start3A_73] : memref<2x2560x128xi32, #tpu.memory_space<hbm>> -> memref<1x2560x128xi32, #tpu.memory_space<hbm>>
    %dma_start3A_75 = tpu.memref_squeeze %dma_start3A_74 : memref<1x2560x128xi32, #tpu.memory_space<hbm>> -> memref<2560x128xi32, #tpu.memory_space<hbm>>
    %dma_start3A_76 = arith.constant 0 : i32
    %dma_start3A_77 = tpu.memref_slice %dma_start3A_75[%mul3A_55, %dma_start3A_76] : memref<2560x128xi32, #tpu.memory_space<hbm>> -> memref<16x128xi32, #tpu.memory_space<hbm>>
    tpu.enqueue_dma source(%dma_start3A_77 : memref<16x128xi32, #tpu.memory_space<hbm>>) target(%dma_start3A_71 : memref<16x128xi32, #tpu.memory_space<vmem>>) target_semaphore(%arg14 : memref<!tpu.dma_semaphore, #tpu.memory_space<semaphore_mem>>)
    %mul3A_78 = arith.constant 80 : i32
    %mul3A_79 = arith.muli %add3A, %mul3A_78 : i32
    %dma_wait3A = arith.constant 0 : i32
    %dma_wait3A_80 = arith.constant 0 : i32
    %dma_wait3A_81 = arith.constant 0 : i32
    %dma_wait3A_82 = arith.constant 0 : i32
    %dma_wait3A_83 = tpu.memref_slice %arg6[%dma_wait3A_80, %dma_wait3A_81, %dma_wait3A_82] : memref<2x16x128xi32, #tpu.memory_space<vmem>> -> memref<1x16x128xi32, #tpu.memory_space<vmem>>
    %dma_wait3A_84 = tpu.memref_squeeze %dma_wait3A_83 : memref<1x16x128xi32, #tpu.memory_space<vmem>> -> memref<16x128xi32, #tpu.memory_space<vmem>>
    %dma_wait3A_85 = arith.constant 0 : i32
    %dma_wait3A_86 = arith.constant 0 : i32
    %dma_wait3A_87 = tpu.memref_slice %arg3[%dma_wait3A, %dma_wait3A_85, %dma_wait3A_86] : memref<2x2560x128xi32, #tpu.memory_space<hbm>> -> memref<1x2560x128xi32, #tpu.memory_space<hbm>>
    %dma_wait3A_88 = tpu.memref_squeeze %dma_wait3A_87 : memref<1x2560x128xi32, #tpu.memory_space<hbm>> -> memref<2560x128xi32, #tpu.memory_space<hbm>>
    %dma_wait3A_89 = arith.constant 0 : i32
    %dma_wait3A_90 = tpu.memref_slice %dma_wait3A_88[%mul3A_79, %dma_wait3A_89] : memref<2560x128xi32, #tpu.memory_space<hbm>> -> memref<16x128xi32, #tpu.memory_space<hbm>>
    %dma_wait3A_91 = arith.constant 0 : i32
    %dma_wait3A_92 = arith.constant 0 : i32
    %dma_wait3A_93 = tpu.memref_slice %arg6[%dma_wait3A_80, %dma_wait3A_91, %dma_wait3A_92] : memref<2x16x128xi32, #tpu.memory_space<vmem>> -> memref<1x16x128xi32, #tpu.memory_space<vmem>>
    %dma_wait3A_94 = tpu.memref_squeeze %dma_wait3A_93 : memref<1x16x128xi32, #tpu.memory_space<vmem>> -> memref<16x128xi32, #tpu.memory_space<vmem>>
    %dma_wait3A_95 = arith.constant 0 : i32
    %dma_wait3A_96 = arith.constant 0 : i32
    %dma_wait3A_97 = tpu.memref_slice %arg3[%dma_wait3A, %dma_wait3A_95, %dma_wait3A_96] : memref<2x2560x128xi32, #tpu.memory_space<hbm>> -> memref<1x2560x128xi32, #tpu.memory_space<hbm>>
    %dma_wait3A_98 = tpu.memref_squeeze %dma_wait3A_97 : memref<1x2560x128xi32, #tpu.memory_space<hbm>> -> memref<2560x128xi32, #tpu.memory_space<hbm>>
    %dma_wait3A_99 = arith.constant 0 : i32
    %dma_wait3A_100 = tpu.memref_slice %dma_wait3A_98[%mul3A_79, %dma_wait3A_99] : memref<2560x128xi32, #tpu.memory_space<hbm>> -> memref<16x128xi32, #tpu.memory_space<hbm>>
    tpu.wait_dma2 semaphore(%arg13 : memref<!tpu.dma_semaphore, #tpu.memory_space<semaphore_mem>>) src(%dma_wait3A_100 : memref<16x128xi32, #tpu.memory_space<hbm>>) dst(%dma_wait3A_94 : memref<16x128xi32, #tpu.memory_space<vmem>>)
    %mul3A_101 = arith.constant 80 : i32
    %mul3A_102 = arith.muli %add3A, %mul3A_101 : i32
    %dma_wait3A_103 = arith.constant 1 : i32
    %dma_wait3A_104 = arith.constant 0 : i32
    %dma_wait3A_105 = arith.constant 0 : i32
    %dma_wait3A_106 = arith.constant 0 : i32
    %dma_wait3A_107 = tpu.memref_slice %arg7[%dma_wait3A_104, %dma_wait3A_105, %dma_wait3A_106] : memref<2x16x128xi32, #tpu.memory_space<vmem>> -> memref<1x16x128xi32, #tpu.memory_space<vmem>>
    %dma_wait3A_108 = tpu.memref_squeeze %dma_wait3A_107 : memref<1x16x128xi32, #tpu.memory_space<vmem>> -> memref<16x128xi32, #tpu.memory_space<vmem>>
    %dma_wait3A_109 = arith.constant 0 : i32
    %dma_wait3A_110 = arith.constant 0 : i32
    %dma_wait3A_111 = tpu.memref_slice %arg3[%dma_wait3A_103, %dma_wait3A_109, %dma_wait3A_110] : memref<2x2560x128xi32, #tpu.memory_space<hbm>> -> memref<1x2560x128xi32, #tpu.memory_space<hbm>>
    %dma_wait3A_112 = tpu.memref_squeeze %dma_wait3A_111 : memref<1x2560x128xi32, #tpu.memory_space<hbm>> -> memref<2560x128xi32, #tpu.memory_space<hbm>>
    %dma_wait3A_113 = arith.constant 0 : i32
    %dma_wait3A_114 = tpu.memref_slice %dma_wait3A_112[%mul3A_102, %dma_wait3A_113] : memref<2560x128xi32, #tpu.memory_space<hbm>> -> memref<16x128xi32, #tpu.memory_space<hbm>>
    %dma_wait3A_115 = arith.constant 0 : i32
    %dma_wait3A_116 = arith.constant 0 : i32
    %dma_wait3A_117 = tpu.memref_slice %arg7[%dma_wait3A_104, %dma_wait3A_115, %dma_wait3A_116] : memref<2x16x128xi32, #tpu.memory_space<vmem>> -> memref<1x16x128xi32, #tpu.memory_space<vmem>>
    %dma_wait3A_118 = tpu.memref_squeeze %dma_wait3A_117 : memref<1x16x128xi32, #tpu.memory_space<vmem>> -> memref<16x128xi32, #tpu.memory_space<vmem>>
    %dma_wait3A_119 = arith.constant 0 : i32
    %dma_wait3A_120 = arith.constant 0 : i32
    %dma_wait3A_121 = tpu.memref_slice %arg3[%dma_wait3A_103, %dma_wait3A_119, %dma_wait3A_120] : memref<2x2560x128xi32, #tpu.memory_space<hbm>> -> memref<1x2560x128xi32, #tpu.memory_space<hbm>>
    %dma_wait3A_122 = tpu.memref_squeeze %dma_wait3A_121 : memref<1x2560x128xi32, #tpu.memory_space<hbm>> -> memref<2560x128xi32, #tpu.memory_space<hbm>>
    %dma_wait3A_123 = arith.constant 0 : i32
    %dma_wait3A_124 = tpu.memref_slice %dma_wait3A_122[%mul3A_102, %dma_wait3A_123] : memref<2560x128xi32, #tpu.memory_space<hbm>> -> memref<16x128xi32, #tpu.memory_space<hbm>>
    tpu.wait_dma2 semaphore(%arg14 : memref<!tpu.dma_semaphore, #tpu.memory_space<semaphore_mem>>) src(%dma_wait3A_124 : memref<16x128xi32, #tpu.memory_space<hbm>>) dst(%dma_wait3A_118 : memref<16x128xi32, #tpu.memory_space<vmem>>)
    %mul3A_125 = arith.constant 80 : i32
    %mul3A_126 = arith.muli %add3A, %mul3A_125 : i32
    %add3A_127 = arith.constant 16 : i32
    %add3A_128 = arith.addi %mul3A_126, %add3A_127 : i32
    %dma_start3A_129 = arith.constant 0 : i32
    %dma_start3A_130 = arith.constant 1 : i32
    %dma_start3A_131 = arith.constant 0 : i32
    %dma_start3A_132 = arith.constant 0 : i32
    %dma_start3A_133 = tpu.memref_slice %arg6[%dma_start3A_130, %dma_start3A_131, %dma_start3A_132] : memref<2x16x128xi32, #tpu.memory_space<vmem>> -> memref<1x16x128xi32, #tpu.memory_space<vmem>>
    %dma_start3A_134 = tpu.memref_squeeze %dma_start3A_133 : memref<1x16x128xi32, #tpu.memory_space<vmem>> -> memref<16x128xi32, #tpu.memory_space<vmem>>
    %dma_start3A_135 = arith.constant 0 : i32
    %dma_start3A_136 = arith.constant 0 : i32
    %dma_start3A_137 = tpu.memref_slice %arg3[%dma_start3A_129, %dma_start3A_135, %dma_start3A_136] : memref<2x2560x128xi32, #tpu.memory_space<hbm>> -> memref<1x2560x128xi32, #tpu.memory_space<hbm>>
    %dma_start3A_138 = tpu.memref_squeeze %dma_start3A_137 : memref<1x2560x128xi32, #tpu.memory_space<hbm>> -> memref<2560x128xi32, #tpu.memory_space<hbm>>
    %dma_start3A_139 = arith.constant 0 : i32
    %dma_start3A_140 = tpu.memref_slice %dma_start3A_138[%add3A_128, %dma_start3A_139] : memref<2560x128xi32, #tpu.memory_space<hbm>> -> memref<16x128xi32, #tpu.memory_space<hbm>>
    %dma_start3A_141 = arith.constant 0 : i32
    %dma_start3A_142 = arith.constant 0 : i32
    %dma_start3A_143 = tpu.memref_slice %arg6[%dma_start3A_130, %dma_start3A_141, %dma_start3A_142] : memref<2x16x128xi32, #tpu.memory_space<vmem>> -> memref<1x16x128xi32, #tpu.memory_space<vmem>>
    %dma_start3A_144 = tpu.memref_squeeze %dma_start3A_143 : memref<1x16x128xi32, #tpu.memory_space<vmem>> -> memref<16x128xi32, #tpu.memory_space<vmem>>
    %dma_start3A_145 = arith.constant 0 : i32
    %dma_start3A_146 = arith.constant 0 : i32
    %dma_start3A_147 = tpu.memref_slice %arg3[%dma_start3A_129, %dma_start3A_145, %dma_start3A_146] : memref<2x2560x128xi32, #tpu.memory_space<hbm>> -> memref<1x2560x128xi32, #tpu.memory_space<hbm>>
    %dma_start3A_148 = tpu.memref_squeeze %dma_start3A_147 : memref<1x2560x128xi32, #tpu.memory_space<hbm>> -> memref<2560x128xi32, #tpu.memory_space<hbm>>
    %dma_start3A_149 = arith.constant 0 : i32
    %dma_start3A_150 = tpu.memref_slice %dma_start3A_148[%add3A_128, %dma_start3A_149] : memref<2560x128xi32, #tpu.memory_space<hbm>> -> memref<16x128xi32, #tpu.memory_space<hbm>>
    tpu.enqueue_dma source(%dma_start3A_150 : memref<16x128xi32, #tpu.memory_space<hbm>>) target(%dma_start3A_144 : memref<16x128xi32, #tpu.memory_space<vmem>>) target_semaphore(%arg13 : memref<!tpu.dma_semaphore, #tpu.memory_space<semaphore_mem>>)
    %dma_start3A_151 = arith.constant 1 : i32
    %dma_start3A_152 = arith.constant 1 : i32
    %dma_start3A_153 = arith.constant 0 : i32
    %dma_start3A_154 = arith.constant 0 : i32
    %dma_start3A_155 = tpu.memref_slice %arg7[%dma_start3A_152, %dma_start3A_153, %dma_start3A_154] : memref<2x16x128xi32, #tpu.memory_space<vmem>> -> memref<1x16x128xi32, #tpu.memory_space<vmem>>
    %dma_start3A_156 = tpu.memref_squeeze %dma_start3A_155 : memref<1x16x128xi32, #tpu.memory_space<vmem>> -> memref<16x128xi32, #tpu.memory_space<vmem>>
    %dma_start3A_157 = arith.constant 0 : i32
    %dma_start3A_158 = arith.constant 0 : i32
    %dma_start3A_159 = tpu.memref_slice %arg3[%dma_start3A_151, %dma_start3A_157, %dma_start3A_158] : memref<2x2560x128xi32, #tpu.memory_space<hbm>> -> memref<1x2560x128xi32, #tpu.memory_space<hbm>>
    %dma_start3A_160 = tpu.memref_squeeze %dma_start3A_159 : memref<1x2560x128xi32, #tpu.memory_space<hbm>> -> memref<2560x128xi32, #tpu.memory_space<hbm>>
    %dma_start3A_161 = arith.constant 0 : i32
    %dma_start3A_162 = tpu.memref_slice %dma_start3A_160[%add3A_128, %dma_start3A_161] : memref<2560x128xi32, #tpu.memory_space<hbm>> -> memref<16x128xi32, #tpu.memory_space<hbm>>
    %dma_start3A_163 = arith.constant 0 : i32
    %dma_start3A_164 = arith.constant 0 : i32
    %dma_start3A_165 = tpu.memref_slice %arg7[%dma_start3A_152, %dma_start3A_163, %dma_start3A_164] : memref<2x16x128xi32, #tpu.memory_space<vmem>> -> memref<1x16x128xi32, #tpu.memory_space<vmem>>
    %dma_start3A_166 = tpu.memref_squeeze %dma_start3A_165 : memref<1x16x128xi32, #tpu.memory_space<vmem>> -> memref<16x128xi32, #tpu.memory_space<vmem>>
    %dma_start3A_167 = arith.constant 0 : i32
    %dma_start3A_168 = arith.constant 0 : i32
    %dma_start3A_169 = tpu.memref_slice %arg3[%dma_start3A_151, %dma_start3A_167, %dma_start3A_168] : memref<2x2560x128xi32, #tpu.memory_space<hbm>> -> memref<1x2560x128xi32, #tpu.memory_space<hbm>>
    %dma_start3A_170 = tpu.memref_squeeze %dma_start3A_169 : memref<1x2560x128xi32, #tpu.memory_space<hbm>> -> memref<2560x128xi32, #tpu.memory_space<hbm>>
    %dma_start3A_171 = arith.constant 0 : i32
    %dma_start3A_172 = tpu.memref_slice %dma_start3A_170[%add3A_128, %dma_start3A_171] : memref<2560x128xi32, #tpu.memory_space<hbm>> -> memref<16x128xi32, #tpu.memory_space<hbm>>
    tpu.enqueue_dma source(%dma_start3A_172 : memref<16x128xi32, #tpu.memory_space<hbm>>) target(%dma_start3A_166 : memref<16x128xi32, #tpu.memory_space<vmem>>) target_semaphore(%arg14 : memref<!tpu.dma_semaphore, #tpu.memory_space<semaphore_mem>>)
    %dma_start3A_173 = arith.constant 0 : i32
    %dma_start3A_174 = arith.constant 0 : i32
    %dma_start3A_175 = arith.constant 0 : i32
    %dma_start3A_176 = arith.constant 0 : i32
    %dma_start3A_177 = arith.constant 0 : i32
    %dma_start3A_178 = tpu.memref_slice %arg8[%dma_start3A_175, %dma_start3A_176, %dma_start3A_177] : memref<2x128x128xf32, #tpu.memory_space<vmem>> -> memref<1x128x128xf32, #tpu.memory_space<vmem>>
    %dma_start3A_179 = tpu.memref_squeeze %dma_start3A_178 : memref<1x128x128xf32, #tpu.memory_space<vmem>> -> memref<128x128xf32, #tpu.memory_space<vmem>>
    %dma_start3A_180 = arith.constant 0 : i32
    %dma_start3A_181 = arith.constant 0 : i32
    %dma_start3A_182 = tpu.memref_slice %arg6[%dma_start3A_173, %dma_start3A_180, %dma_start3A_181] : memref<2x16x128xi32, #tpu.memory_space<vmem>> -> memref<1x16x128xi32, #tpu.memory_space<vmem>>
    %dma_start3A_183 = tpu.memref_squeeze %dma_start3A_182 : memref<1x16x128xi32, #tpu.memory_space<vmem>> -> memref<16x128xi32, #tpu.memory_space<vmem>>
    %dma_start3A_184 = arith.constant 0 : i32
    %dma_start3A_185 = tpu.memref_slice %dma_start3A_183[%dma_start3A_174, %dma_start3A_184] : memref<16x128xi32, #tpu.memory_space<vmem>> -> memref<1x128xi32, #tpu.memory_space<vmem>>
    %dma_start3A_186 = tpu.memref_squeeze %dma_start3A_185 : memref<1x128xi32, #tpu.memory_space<vmem>> -> memref<128xi32, #tpu.memory_space<vmem>>
    %dma_start3A_187 = arith.constant 0 : i32
    %dma_start3A_188 = arith.constant 0 : i32
    %dma_start3A_189 = tpu.memref_slice %arg2[%dma_start3A_187, %dma_start3A_188] : memref<10240x128xf32, #tpu.memory_space<hbm>> -> memref<10240x128xf32, #tpu.memory_space<hbm>>
    tpu.enqueue_indirect_dma source(%dma_start3A_189 : memref<10240x128xf32, #tpu.memory_space<hbm>>) target(%dma_start3A_179 : memref<128x128xf32, #tpu.memory_space<vmem>>) offsets(%dma_start3A_186 : memref<128xi32, #tpu.memory_space<vmem>>) semaphore(%arg9 : memref<!tpu.dma_semaphore, #tpu.memory_space<semaphore_mem>>)
    %dma_start3A_190 = arith.constant 0 : i32
    %dma_start3A_191 = arith.constant 1 : i32
    %dma_start3A_192 = arith.constant 1 : i32
    %dma_start3A_193 = arith.constant 0 : i32
    %dma_start3A_194 = arith.constant 0 : i32
    %dma_start3A_195 = tpu.memref_slice %arg8[%dma_start3A_192, %dma_start3A_193, %dma_start3A_194] : memref<2x128x128xf32, #tpu.memory_space<vmem>> -> memref<1x128x128xf32, #tpu.memory_space<vmem>>
    %dma_start3A_196 = tpu.memref_squeeze %dma_start3A_195 : memref<1x128x128xf32, #tpu.memory_space<vmem>> -> memref<128x128xf32, #tpu.memory_space<vmem>>
    %dma_start3A_197 = arith.constant 0 : i32
    %dma_start3A_198 = arith.constant 0 : i32
    %dma_start3A_199 = tpu.memref_slice %arg6[%dma_start3A_190, %dma_start3A_197, %dma_start3A_198] : memref<2x16x128xi32, #tpu.memory_space<vmem>> -> memref<1x16x128xi32, #tpu.memory_space<vmem>>
    %dma_start3A_200 = tpu.memref_squeeze %dma_start3A_199 : memref<1x16x128xi32, #tpu.memory_space<vmem>> -> memref<16x128xi32, #tpu.memory_space<vmem>>
    %dma_start3A_201 = arith.constant 0 : i32
    %dma_start3A_202 = tpu.memref_slice %dma_start3A_200[%dma_start3A_191, %dma_start3A_201] : memref<16x128xi32, #tpu.memory_space<vmem>> -> memref<1x128xi32, #tpu.memory_space<vmem>>
    %dma_start3A_203 = tpu.memref_squeeze %dma_start3A_202 : memref<1x128xi32, #tpu.memory_space<vmem>> -> memref<128xi32, #tpu.memory_space<vmem>>
    %dma_start3A_204 = arith.constant 0 : i32
    %dma_start3A_205 = arith.constant 0 : i32
    %dma_start3A_206 = tpu.memref_slice %arg2[%dma_start3A_204, %dma_start3A_205] : memref<10240x128xf32, #tpu.memory_space<hbm>> -> memref<10240x128xf32, #tpu.memory_space<hbm>>
    tpu.enqueue_indirect_dma source(%dma_start3A_206 : memref<10240x128xf32, #tpu.memory_space<hbm>>) target(%dma_start3A_196 : memref<128x128xf32, #tpu.memory_space<vmem>>) offsets(%dma_start3A_203 : memref<128xi32, #tpu.memory_space<vmem>>) semaphore(%arg10 : memref<!tpu.dma_semaphore, #tpu.memory_space<semaphore_mem>>)
    %scan3A_207 = arith.constant 0 : i32
    %scan3A_208 = arith.constant 0 : i32
    %scan3A_209 = arith.constant 0 : i32
    %scan3A_210 = arith.constant 8 : i32
    %scan3A_211 = arith.addi %scan3A_209, %scan3A_210 : i32
    %scan3A_212 = arith.constant 1 : i32
    scf.for %scan3A_915 = %scan3A_209 to %scan3A_211 step %scan3A_212  : i32 {
      %mul3A_916 = arith.constant 2 : i32
      %mul3A_917 = arith.muli %scan3A_915, %mul3A_916 : i32
      %add3A_918 = arith.constant 0 : i32
      %add3A_919 = arith.addi %add3A_918, %mul3A_917 : i32
      %add3A_920 = arith.constant 0 : i32
      %add3A_921 = arith.addi %add3A_919, %add3A_920 : i32
      %dma_wait3A_922 = arith.constant 0 : i32
      %dma_wait3A_923 = arith.constant 0 : i32
      %dma_wait3A_924 = arith.constant 0 : i32
      %dma_wait3A_925 = tpu.memref_slice %arg8[%dma_wait3A_922, %dma_wait3A_923, %dma_wait3A_924] : memref<2x128x128xf32, #tpu.memory_space<vmem>> -> memref<1x128x128xf32, #tpu.memory_space<vmem>>
      %dma_wait3A_926 = tpu.memref_squeeze %dma_wait3A_925 : memref<1x128x128xf32, #tpu.memory_space<vmem>> -> memref<128x128xf32, #tpu.memory_space<vmem>>
      %dma_wait3A_927 = arith.constant 0 : i32
      %dma_wait3A_928 = arith.constant 0 : i32
      %dma_wait3A_929 = tpu.memref_slice %arg6[%scan3A_207, %dma_wait3A_927, %dma_wait3A_928] : memref<2x16x128xi32, #tpu.memory_space<vmem>> -> memref<1x16x128xi32, #tpu.memory_space<vmem>>
      %dma_wait3A_930 = tpu.memref_squeeze %dma_wait3A_929 : memref<1x16x128xi32, #tpu.memory_space<vmem>> -> memref<16x128xi32, #tpu.memory_space<vmem>>
      %dma_wait3A_931 = arith.constant 0 : i32
      %dma_wait3A_932 = tpu.memref_slice %dma_wait3A_930[%add3A_921, %dma_wait3A_931] : memref<16x128xi32, #tpu.memory_space<vmem>> -> memref<1x128xi32, #tpu.memory_space<vmem>>
      %dma_wait3A_933 = tpu.memref_squeeze %dma_wait3A_932 : memref<1x128xi32, #tpu.memory_space<vmem>> -> memref<128xi32, #tpu.memory_space<vmem>>
      %dma_wait3A_934 = arith.constant 0 : i32
      %dma_wait3A_935 = arith.constant 0 : i32
      %dma_wait3A_936 = tpu.memref_slice %arg2[%dma_wait3A_934, %dma_wait3A_935] : memref<10240x128xf32, #tpu.memory_space<hbm>> -> memref<10240x128xf32, #tpu.memory_space<hbm>>
      tpu.wait_indirect_dma semaphore(%arg9 : memref<!tpu.dma_semaphore, #tpu.memory_space<semaphore_mem>>) src(%dma_wait3A_936 : memref<10240x128xf32, #tpu.memory_space<hbm>>) dst(%dma_wait3A_926 : memref<128x128xf32, #tpu.memory_space<vmem>>)
      %dma_start3A_937 = arith.constant 0 : i32
      %dma_start3A_938 = arith.constant 0 : i32
      %dma_start3A_939 = arith.constant 0 : i32
      %dma_start3A_940 = tpu.memref_slice %arg8[%dma_start3A_937, %dma_start3A_938, %dma_start3A_939] : memref<2x128x128xf32, #tpu.memory_space<vmem>> -> memref<1x128x128xf32, #tpu.memory_space<vmem>>
      %dma_start3A_941 = tpu.memref_squeeze %dma_start3A_940 : memref<1x128x128xf32, #tpu.memory_space<vmem>> -> memref<128x128xf32, #tpu.memory_space<vmem>>
      %dma_start3A_942 = arith.constant 0 : i32
      %dma_start3A_943 = arith.constant 0 : i32
      %dma_start3A_944 = tpu.memref_slice %arg7[%scan3A_208, %dma_start3A_942, %dma_start3A_943] : memref<2x16x128xi32, #tpu.memory_space<vmem>> -> memref<1x16x128xi32, #tpu.memory_space<vmem>>
      %dma_start3A_945 = tpu.memref_squeeze %dma_start3A_944 : memref<1x16x128xi32, #tpu.memory_space<vmem>> -> memref<16x128xi32, #tpu.memory_space<vmem>>
      %dma_start3A_946 = arith.constant 0 : i32
      %dma_start3A_947 = tpu.memref_slice %dma_start3A_945[%add3A_921, %dma_start3A_946] : memref<16x128xi32, #tpu.memory_space<vmem>> -> memref<1x128xi32, #tpu.memory_space<vmem>>
      %dma_start3A_948 = tpu.memref_squeeze %dma_start3A_947 : memref<1x128xi32, #tpu.memory_space<vmem>> -> memref<128xi32, #tpu.memory_space<vmem>>
      %dma_start3A_949 = arith.constant 0 : i32
      %dma_start3A_950 = arith.constant 0 : i32
      %dma_start3A_951 = tpu.memref_slice %arg5[%dma_start3A_949, %dma_start3A_950] : memref<10240x128xf32, #tpu.memory_space<vmem_shared>> -> memref<10240x128xf32, #tpu.memory_space<vmem_shared>>
      tpu.enqueue_indirect_dma source(%dma_start3A_941 : memref<128x128xf32, #tpu.memory_space<vmem>>) target(%dma_start3A_951 : memref<10240x128xf32, #tpu.memory_space<vmem_shared>>) offsets(%dma_start3A_948 : memref<128xi32, #tpu.memory_space<vmem>>) semaphore(%arg11 : memref<!tpu.dma_semaphore, #tpu.memory_space<semaphore_mem>>) {add = true}
      %add3A_952 = arith.constant 2 : i32
      %add3A_953 = arith.addi %add3A_921, %add3A_952 : i32
      %sub3A = arith.constant 1 : i32
      %sub3A_954 = arith.subi %add3A_953, %sub3A : i32
      %ge3A = arith.constant 1 : i32
      %ge3A_955 = arith.cmpi sge, %add3A_921, %ge3A : i32
      %lt3A = arith.constant 16 : i32
      %lt3A_956 = arith.cmpi slt, %sub3A_954, %lt3A : i32
      %and3A = arith.andi %ge3A_955, %lt3A_956 : i1
      %convert_element_type3A = arith.extui %and3A : i1 to i32
      %cond3A = arith.constant 0 : i32
      %cond3A_957 = arith.cmpi ne, %convert_element_type3A, %cond3A : i32
      scf.if %cond3A_957 {
        %dma_wait3A_1002 = arith.constant 1 : i32
        %dma_wait3A_1003 = arith.constant 0 : i32
        %dma_wait3A_1004 = arith.constant 0 : i32
        %dma_wait3A_1005 = tpu.memref_slice %arg8[%dma_wait3A_1002, %dma_wait3A_1003, %dma_wait3A_1004] : memref<2x128x128xf32, #tpu.memory_space<vmem>> -> memref<1x128x128xf32, #tpu.memory_space<vmem>>
        %dma_wait3A_1006 = tpu.memref_squeeze %dma_wait3A_1005 : memref<1x128x128xf32, #tpu.memory_space<vmem>> -> memref<128x128xf32, #tpu.memory_space<vmem>>
        %dma_wait3A_1007 = arith.constant 0 : i32
        %dma_wait3A_1008 = arith.constant 0 : i32
        %dma_wait3A_1009 = tpu.memref_slice %arg7[%scan3A_208, %dma_wait3A_1007, %dma_wait3A_1008] : memref<2x16x128xi32, #tpu.memory_space<vmem>> -> memref<1x16x128xi32, #tpu.memory_space<vmem>>
        %dma_wait3A_1010 = tpu.memref_squeeze %dma_wait3A_1009 : memref<1x16x128xi32, #tpu.memory_space<vmem>> -> memref<16x128xi32, #tpu.memory_space<vmem>>
        %dma_wait3A_1011 = arith.constant 0 : i32
        %dma_wait3A_1012 = tpu.memref_slice %dma_wait3A_1010[%add3A_921, %dma_wait3A_1011] : memref<16x128xi32, #tpu.memory_space<vmem>> -> memref<1x128xi32, #tpu.memory_space<vmem>>
        %dma_wait3A_1013 = tpu.memref_squeeze %dma_wait3A_1012 : memref<1x128xi32, #tpu.memory_space<vmem>> -> memref<128xi32, #tpu.memory_space<vmem>>
        %dma_wait3A_1014 = arith.constant 0 : i32
        %dma_wait3A_1015 = arith.constant 0 : i32
        %dma_wait3A_1016 = tpu.memref_slice %arg5[%dma_wait3A_1014, %dma_wait3A_1015] : memref<10240x128xf32, #tpu.memory_space<vmem_shared>> -> memref<10240x128xf32, #tpu.memory_space<vmem_shared>>
        tpu.wait_indirect_dma semaphore(%arg12 : memref<!tpu.dma_semaphore, #tpu.memory_space<semaphore_mem>>) src(%dma_wait3A_1006 : memref<128x128xf32, #tpu.memory_space<vmem>>) dst(%dma_wait3A_1016 : memref<10240x128xf32, #tpu.memory_space<vmem_shared>>)
        %dma_start3A_1017 = arith.constant 1 : i32
        %dma_start3A_1018 = arith.constant 0 : i32
        %dma_start3A_1019 = arith.constant 0 : i32
        %dma_start3A_1020 = tpu.memref_slice %arg8[%dma_start3A_1017, %dma_start3A_1018, %dma_start3A_1019] : memref<2x128x128xf32, #tpu.memory_space<vmem>> -> memref<1x128x128xf32, #tpu.memory_space<vmem>>
        %dma_start3A_1021 = tpu.memref_squeeze %dma_start3A_1020 : memref<1x128x128xf32, #tpu.memory_space<vmem>> -> memref<128x128xf32, #tpu.memory_space<vmem>>
        %dma_start3A_1022 = arith.constant 0 : i32
        %dma_start3A_1023 = arith.constant 0 : i32
        %dma_start3A_1024 = tpu.memref_slice %arg6[%scan3A_207, %dma_start3A_1022, %dma_start3A_1023] : memref<2x16x128xi32, #tpu.memory_space<vmem>> -> memref<1x16x128xi32, #tpu.memory_space<vmem>>
        %dma_start3A_1025 = tpu.memref_squeeze %dma_start3A_1024 : memref<1x16x128xi32, #tpu.memory_space<vmem>> -> memref<16x128xi32, #tpu.memory_space<vmem>>
        %dma_start3A_1026 = arith.constant 0 : i32
        %dma_start3A_1027 = tpu.memref_slice %dma_start3A_1025[%sub3A_954, %dma_start3A_1026] : memref<16x128xi32, #tpu.memory_space<vmem>> -> memref<1x128xi32, #tpu.memory_space<vmem>>
        %dma_start3A_1028 = tpu.memref_squeeze %dma_start3A_1027 : memref<1x128xi32, #tpu.memory_space<vmem>> -> memref<128xi32, #tpu.memory_space<vmem>>
        %dma_start3A_1029 = arith.constant 0 : i32
        %dma_start3A_1030 = arith.constant 0 : i32
        %dma_start3A_1031 = tpu.memref_slice %arg2[%dma_start3A_1029, %dma_start3A_1030] : memref<10240x128xf32, #tpu.memory_space<hbm>> -> memref<10240x128xf32, #tpu.memory_space<hbm>>
        tpu.enqueue_indirect_dma source(%dma_start3A_1031 : memref<10240x128xf32, #tpu.memory_space<hbm>>) target(%dma_start3A_1021 : memref<128x128xf32, #tpu.memory_space<vmem>>) offsets(%dma_start3A_1028 : memref<128xi32, #tpu.memory_space<vmem>>) semaphore(%arg10 : memref<!tpu.dma_semaphore, #tpu.memory_space<semaphore_mem>>)
      } else {
      }
      %add3A_958 = arith.constant 1 : i32
      %add3A_959 = arith.addi %add3A_919, %add3A_958 : i32
      %dma_wait3A_960 = arith.constant 1 : i32
      %dma_wait3A_961 = arith.constant 0 : i32
      %dma_wait3A_962 = arith.constant 0 : i32
      %dma_wait3A_963 = tpu.memref_slice %arg8[%dma_wait3A_960, %dma_wait3A_961, %dma_wait3A_962] : memref<2x128x128xf32, #tpu.memory_space<vmem>> -> memref<1x128x128xf32, #tpu.memory_space<vmem>>
      %dma_wait3A_964 = tpu.memref_squeeze %dma_wait3A_963 : memref<1x128x128xf32, #tpu.memory_space<vmem>> -> memref<128x128xf32, #tpu.memory_space<vmem>>
      %dma_wait3A_965 = arith.constant 0 : i32
      %dma_wait3A_966 = arith.constant 0 : i32
      %dma_wait3A_967 = tpu.memref_slice %arg6[%scan3A_207, %dma_wait3A_965, %dma_wait3A_966] : memref<2x16x128xi32, #tpu.memory_space<vmem>> -> memref<1x16x128xi32, #tpu.memory_space<vmem>>
      %dma_wait3A_968 = tpu.memref_squeeze %dma_wait3A_967 : memref<1x16x128xi32, #tpu.memory_space<vmem>> -> memref<16x128xi32, #tpu.memory_space<vmem>>
      %dma_wait3A_969 = arith.constant 0 : i32
      %dma_wait3A_970 = tpu.memref_slice %dma_wait3A_968[%add3A_959, %dma_wait3A_969] : memref<16x128xi32, #tpu.memory_space<vmem>> -> memref<1x128xi32, #tpu.memory_space<vmem>>
      %dma_wait3A_971 = tpu.memref_squeeze %dma_wait3A_970 : memref<1x128xi32, #tpu.memory_space<vmem>> -> memref<128xi32, #tpu.memory_space<vmem>>
      %dma_wait3A_972 = arith.constant 0 : i32
      %dma_wait3A_973 = arith.constant 0 : i32
      %dma_wait3A_974 = tpu.memref_slice %arg2[%dma_wait3A_972, %dma_wait3A_973] : memref<10240x128xf32, #tpu.memory_space<hbm>> -> memref<10240x128xf32, #tpu.memory_space<hbm>>
      tpu.wait_indirect_dma semaphore(%arg10 : memref<!tpu.dma_semaphore, #tpu.memory_space<semaphore_mem>>) src(%dma_wait3A_974 : memref<10240x128xf32, #tpu.memory_space<hbm>>) dst(%dma_wait3A_964 : memref<128x128xf32, #tpu.memory_space<vmem>>)
      %dma_start3A_975 = arith.constant 1 : i32
      %dma_start3A_976 = arith.constant 0 : i32
      %dma_start3A_977 = arith.constant 0 : i32
      %dma_start3A_978 = tpu.memref_slice %arg8[%dma_start3A_975, %dma_start3A_976, %dma_start3A_977] : memref<2x128x128xf32, #tpu.memory_space<vmem>> -> memref<1x128x128xf32, #tpu.memory_space<vmem>>
      %dma_start3A_979 = tpu.memref_squeeze %dma_start3A_978 : memref<1x128x128xf32, #tpu.memory_space<vmem>> -> memref<128x128xf32, #tpu.memory_space<vmem>>
      %dma_start3A_980 = arith.constant 0 : i32
      %dma_start3A_981 = arith.constant 0 : i32
      %dma_start3A_982 = tpu.memref_slice %arg7[%scan3A_208, %dma_start3A_980, %dma_start3A_981] : memref<2x16x128xi32, #tpu.memory_space<vmem>> -> memref<1x16x128xi32, #tpu.memory_space<vmem>>
      %dma_start3A_983 = tpu.memref_squeeze %dma_start3A_982 : memref<1x16x128xi32, #tpu.memory_space<vmem>> -> memref<16x128xi32, #tpu.memory_space<vmem>>
      %dma_start3A_984 = arith.constant 0 : i32
      %dma_start3A_985 = tpu.memref_slice %dma_start3A_983[%add3A_959, %dma_start3A_984] : memref<16x128xi32, #tpu.memory_space<vmem>> -> memref<1x128xi32, #tpu.memory_space<vmem>>
      %dma_start3A_986 = tpu.memref_squeeze %dma_start3A_985 : memref<1x128xi32, #tpu.memory_space<vmem>> -> memref<128xi32, #tpu.memory_space<vmem>>
      %dma_start3A_987 = arith.constant 0 : i32
      %dma_start3A_988 = arith.constant 0 : i32
      %dma_start3A_989 = tpu.memref_slice %arg5[%dma_start3A_987, %dma_start3A_988] : memref<10240x128xf32, #tpu.memory_space<vmem_shared>> -> memref<10240x128xf32, #tpu.memory_space<vmem_shared>>
      tpu.enqueue_indirect_dma source(%dma_start3A_979 : memref<128x128xf32, #tpu.memory_space<vmem>>) target(%dma_start3A_989 : memref<10240x128xf32, #tpu.memory_space<vmem_shared>>) offsets(%dma_start3A_986 : memref<128xi32, #tpu.memory_space<vmem>>) semaphore(%arg12 : memref<!tpu.dma_semaphore, #tpu.memory_space<semaphore_mem>>) {add = true}
      %add3A_990 = arith.constant 2 : i32
      %add3A_991 = arith.addi %add3A_959, %add3A_990 : i32
      %sub3A_992 = arith.constant 1 : i32
      %sub3A_993 = arith.subi %add3A_991, %sub3A_992 : i32
      %ge3A_994 = arith.constant 1 : i32
      %ge3A_995 = arith.cmpi sge, %add3A_959, %ge3A_994 : i32
      %lt3A_996 = arith.constant 16 : i32
      %lt3A_997 = arith.cmpi slt, %sub3A_993, %lt3A_996 : i32
      %and3A_998 = arith.andi %ge3A_995, %lt3A_997 : i1
      %convert_element_type3A_999 = arith.extui %and3A_998 : i1 to i32
      %cond3A_1000 = arith.constant 0 : i32
      %cond3A_1001 = arith.cmpi ne, %convert_element_type3A_999, %cond3A_1000 : i32
      scf.if %cond3A_1001 {
        %dma_wait3A_1002 = arith.constant 0 : i32
        %dma_wait3A_1003 = arith.constant 0 : i32
        %dma_wait3A_1004 = arith.constant 0 : i32
        %dma_wait3A_1005 = tpu.memref_slice %arg8[%dma_wait3A_1002, %dma_wait3A_1003, %dma_wait3A_1004] : memref<2x128x128xf32, #tpu.memory_space<vmem>> -> memref<1x128x128xf32, #tpu.memory_space<vmem>>
        %dma_wait3A_1006 = tpu.memref_squeeze %dma_wait3A_1005 : memref<1x128x128xf32, #tpu.memory_space<vmem>> -> memref<128x128xf32, #tpu.memory_space<vmem>>
        %dma_wait3A_1007 = arith.constant 0 : i32
        %dma_wait3A_1008 = arith.constant 0 : i32
        %dma_wait3A_1009 = tpu.memref_slice %arg7[%scan3A_208, %dma_wait3A_1007, %dma_wait3A_1008] : memref<2x16x128xi32, #tpu.memory_space<vmem>> -> memref<1x16x128xi32, #tpu.memory_space<vmem>>
        %dma_wait3A_1010 = tpu.memref_squeeze %dma_wait3A_1009 : memref<1x16x128xi32, #tpu.memory_space<vmem>> -> memref<16x128xi32, #tpu.memory_space<vmem>>
        %dma_wait3A_1011 = arith.constant 0 : i32
        %dma_wait3A_1012 = tpu.memref_slice %dma_wait3A_1010[%add3A_959, %dma_wait3A_1011] : memref<16x128xi32, #tpu.memory_space<vmem>> -> memref<1x128xi32, #tpu.memory_space<vmem>>
        %dma_wait3A_1013 = tpu.memref_squeeze %dma_wait3A_1012 : memref<1x128xi32, #tpu.memory_space<vmem>> -> memref<128xi32, #tpu.memory_space<vmem>>
        %dma_wait3A_1014 = arith.constant 0 : i32
        %dma_wait3A_1015 = arith.constant 0 : i32
        %dma_wait3A_1016 = tpu.memref_slice %arg5[%dma_wait3A_1014, %dma_wait3A_1015] : memref<10240x128xf32, #tpu.memory_space<vmem_shared>> -> memref<10240x128xf32, #tpu.memory_space<vmem_shared>>
        tpu.wait_indirect_dma semaphore(%arg11 : memref<!tpu.dma_semaphore, #tpu.memory_space<semaphore_mem>>) src(%dma_wait3A_1006 : memref<128x128xf32, #tpu.memory_space<vmem>>) dst(%dma_wait3A_1016 : memref<10240x128xf32, #tpu.memory_space<vmem_shared>>)
        %dma_start3A_1017 = arith.constant 0 : i32
        %dma_start3A_1018 = arith.constant 0 : i32
        %dma_start3A_1019 = arith.constant 0 : i32
        %dma_start3A_1020 = tpu.memref_slice %arg8[%dma_start3A_1017, %dma_start3A_1018, %dma_start3A_1019] : memref<2x128x128xf32, #tpu.memory_space<vmem>> -> memref<1x128x128xf32, #tpu.memory_space<vmem>>
        %dma_start3A_1021 = tpu.memref_squeeze %dma_start3A_1020 : memref<1x128x128xf32, #tpu.memory_space<vmem>> -> memref<128x128xf32, #tpu.memory_space<vmem>>
        %dma_start3A_1022 = arith.constant 0 : i32
        %dma_start3A_1023 = arith.constant 0 : i32
        %dma_start3A_1024 = tpu.memref_slice %arg6[%scan3A_207, %dma_start3A_1022, %dma_start3A_1023] : memref<2x16x128xi32, #tpu.memory_space<vmem>> -> memref<1x16x128xi32, #tpu.memory_space<vmem>>
        %dma_start3A_1025 = tpu.memref_squeeze %dma_start3A_1024 : memref<1x16x128xi32, #tpu.memory_space<vmem>> -> memref<16x128xi32, #tpu.memory_space<vmem>>
        %dma_start3A_1026 = arith.constant 0 : i32
        %dma_start3A_1027 = tpu.memref_slice %dma_start3A_1025[%sub3A_993, %dma_start3A_1026] : memref<16x128xi32, #tpu.memory_space<vmem>> -> memref<1x128xi32, #tpu.memory_space<vmem>>
        %dma_start3A_1028 = tpu.memref_squeeze %dma_start3A_1027 : memref<1x128xi32, #tpu.memory_space<vmem>> -> memref<128xi32, #tpu.memory_space<vmem>>
        %dma_start3A_1029 = arith.constant 0 : i32
        %dma_start3A_1030 = arith.constant 0 : i32
        %dma_start3A_1031 = tpu.memref_slice %arg2[%dma_start3A_1029, %dma_start3A_1030] : memref<10240x128xf32, #tpu.memory_space<hbm>> -> memref<10240x128xf32, #tpu.memory_space<hbm>>
        tpu.enqueue_indirect_dma source(%dma_start3A_1031 : memref<10240x128xf32, #tpu.memory_space<hbm>>) target(%dma_start3A_1021 : memref<128x128xf32, #tpu.memory_space<vmem>>) offsets(%dma_start3A_1028 : memref<128xi32, #tpu.memory_space<vmem>>) semaphore(%arg9 : memref<!tpu.dma_semaphore, #tpu.memory_space<semaphore_mem>>)
      } else {
      }
    }
    %scan3A_213 = arith.constant 8 : i32
    %dma_wait3A_214 = arith.constant 0 : i32
    %dma_wait3A_215 = arith.constant 0 : i32
    %dma_wait3A_216 = arith.constant 0 : i32
    %dma_wait3A_217 = arith.constant 0 : i32
    %dma_wait3A_218 = arith.constant 0 : i32
    %dma_wait3A_219 = tpu.memref_slice %arg8[%dma_wait3A_214, %dma_wait3A_217, %dma_wait3A_218] : memref<2x128x128xf32, #tpu.memory_space<vmem>> -> memref<1x128x128xf32, #tpu.memory_space<vmem>>
    %dma_wait3A_220 = tpu.memref_squeeze %dma_wait3A_219 : memref<1x128x128xf32, #tpu.memory_space<vmem>> -> memref<128x128xf32, #tpu.memory_space<vmem>>
    %dma_wait3A_221 = arith.constant 0 : i32
    %dma_wait3A_222 = arith.constant 0 : i32
    %dma_wait3A_223 = tpu.memref_slice %arg7[%dma_wait3A_215, %dma_wait3A_221, %dma_wait3A_222] : memref<2x16x128xi32, #tpu.memory_space<vmem>> -> memref<1x16x128xi32, #tpu.memory_space<vmem>>
    %dma_wait3A_224 = tpu.memref_squeeze %dma_wait3A_223 : memref<1x16x128xi32, #tpu.memory_space<vmem>> -> memref<16x128xi32, #tpu.memory_space<vmem>>
    %dma_wait3A_225 = arith.constant 0 : i32
    %dma_wait3A_226 = tpu.memref_slice %dma_wait3A_224[%dma_wait3A_216, %dma_wait3A_225] : memref<16x128xi32, #tpu.memory_space<vmem>> -> memref<1x128xi32, #tpu.memory_space<vmem>>
    %dma_wait3A_227 = tpu.memref_squeeze %dma_wait3A_226 : memref<1x128xi32, #tpu.memory_space<vmem>> -> memref<128xi32, #tpu.memory_space<vmem>>
    %dma_wait3A_228 = arith.constant 0 : i32
    %dma_wait3A_229 = arith.constant 0 : i32
    %dma_wait3A_230 = tpu.memref_slice %arg5[%dma_wait3A_228, %dma_wait3A_229] : memref<10240x128xf32, #tpu.memory_space<vmem_shared>> -> memref<10240x128xf32, #tpu.memory_space<vmem_shared>>
    tpu.wait_indirect_dma semaphore(%arg11 : memref<!tpu.dma_semaphore, #tpu.memory_space<semaphore_mem>>) src(%dma_wait3A_220 : memref<128x128xf32, #tpu.memory_space<vmem>>) dst(%dma_wait3A_230 : memref<10240x128xf32, #tpu.memory_space<vmem_shared>>)
    %dma_wait3A_231 = arith.constant 1 : i32
    %dma_wait3A_232 = arith.constant 0 : i32
    %dma_wait3A_233 = arith.constant 0 : i32
    %dma_wait3A_234 = arith.constant 0 : i32
    %dma_wait3A_235 = arith.constant 0 : i32
    %dma_wait3A_236 = tpu.memref_slice %arg8[%dma_wait3A_231, %dma_wait3A_234, %dma_wait3A_235] : memref<2x128x128xf32, #tpu.memory_space<vmem>> -> memref<1x128x128xf32, #tpu.memory_space<vmem>>
    %dma_wait3A_237 = tpu.memref_squeeze %dma_wait3A_236 : memref<1x128x128xf32, #tpu.memory_space<vmem>> -> memref<128x128xf32, #tpu.memory_space<vmem>>
    %dma_wait3A_238 = arith.constant 0 : i32
    %dma_wait3A_239 = arith.constant 0 : i32
    %dma_wait3A_240 = tpu.memref_slice %arg7[%dma_wait3A_232, %dma_wait3A_238, %dma_wait3A_239] : memref<2x16x128xi32, #tpu.memory_space<vmem>> -> memref<1x16x128xi32, #tpu.memory_space<vmem>>
    %dma_wait3A_241 = tpu.memref_squeeze %dma_wait3A_240 : memref<1x16x128xi32, #tpu.memory_space<vmem>> -> memref<16x128xi32, #tpu.memory_space<vmem>>
    %dma_wait3A_242 = arith.constant 0 : i32
    %dma_wait3A_243 = tpu.memref_slice %dma_wait3A_241[%dma_wait3A_233, %dma_wait3A_242] : memref<16x128xi32, #tpu.memory_space<vmem>> -> memref<1x128xi32, #tpu.memory_space<vmem>>
    %dma_wait3A_244 = tpu.memref_squeeze %dma_wait3A_243 : memref<1x128xi32, #tpu.memory_space<vmem>> -> memref<128xi32, #tpu.memory_space<vmem>>
    %dma_wait3A_245 = arith.constant 0 : i32
    %dma_wait3A_246 = arith.constant 0 : i32
    %dma_wait3A_247 = tpu.memref_slice %arg5[%dma_wait3A_245, %dma_wait3A_246] : memref<10240x128xf32, #tpu.memory_space<vmem_shared>> -> memref<10240x128xf32, #tpu.memory_space<vmem_shared>>
    tpu.wait_indirect_dma semaphore(%arg12 : memref<!tpu.dma_semaphore, #tpu.memory_space<semaphore_mem>>) src(%dma_wait3A_237 : memref<128x128xf32, #tpu.memory_space<vmem>>) dst(%dma_wait3A_247 : memref<10240x128xf32, #tpu.memory_space<vmem_shared>>)
    %mul3A_248 = arith.constant 80 : i32
    %mul3A_249 = arith.muli %add3A, %mul3A_248 : i32
    %add3A_250 = arith.constant 16 : i32
    %add3A_251 = arith.addi %mul3A_249, %add3A_250 : i32
    %dma_wait3A_252 = arith.constant 0 : i32
    %dma_wait3A_253 = arith.constant 1 : i32
    %dma_wait3A_254 = arith.constant 0 : i32
    %dma_wait3A_255 = arith.constant 0 : i32
    %dma_wait3A_256 = tpu.memref_slice %arg6[%dma_wait3A_253, %dma_wait3A_254, %dma_wait3A_255] : memref<2x16x128xi32, #tpu.memory_space<vmem>> -> memref<1x16x128xi32, #tpu.memory_space<vmem>>
    %dma_wait3A_257 = tpu.memref_squeeze %dma_wait3A_256 : memref<1x16x128xi32, #tpu.memory_space<vmem>> -> memref<16x128xi32, #tpu.memory_space<vmem>>
    %dma_wait3A_258 = arith.constant 0 : i32
    %dma_wait3A_259 = arith.constant 0 : i32
    %dma_wait3A_260 = tpu.memref_slice %arg3[%dma_wait3A_252, %dma_wait3A_258, %dma_wait3A_259] : memref<2x2560x128xi32, #tpu.memory_space<hbm>> -> memref<1x2560x128xi32, #tpu.memory_space<hbm>>
    %dma_wait3A_261 = tpu.memref_squeeze %dma_wait3A_260 : memref<1x2560x128xi32, #tpu.memory_space<hbm>> -> memref<2560x128xi32, #tpu.memory_space<hbm>>
    %dma_wait3A_262 = arith.constant 0 : i32
    %dma_wait3A_263 = tpu.memref_slice %dma_wait3A_261[%add3A_251, %dma_wait3A_262] : memref<2560x128xi32, #tpu.memory_space<hbm>> -> memref<16x128xi32, #tpu.memory_space<hbm>>
    %dma_wait3A_264 = arith.constant 0 : i32
    %dma_wait3A_265 = arith.constant 0 : i32
    %dma_wait3A_266 = tpu.memref_slice %arg6[%dma_wait3A_253, %dma_wait3A_264, %dma_wait3A_265] : memref<2x16x128xi32, #tpu.memory_space<vmem>> -> memref<1x16x128xi32, #tpu.memory_space<vmem>>
    %dma_wait3A_267 = tpu.memref_squeeze %dma_wait3A_266 : memref<1x16x128xi32, #tpu.memory_space<vmem>> -> memref<16x128xi32, #tpu.memory_space<vmem>>
    %dma_wait3A_268 = arith.constant 0 : i32
    %dma_wait3A_269 = arith.constant 0 : i32
    %dma_wait3A_270 = tpu.memref_slice %arg3[%dma_wait3A_252, %dma_wait3A_268, %dma_wait3A_269] : memref<2x2560x128xi32, #tpu.memory_space<hbm>> -> memref<1x2560x128xi32, #tpu.memory_space<hbm>>
    %dma_wait3A_271 = tpu.memref_squeeze %dma_wait3A_270 : memref<1x2560x128xi32, #tpu.memory_space<hbm>> -> memref<2560x128xi32, #tpu.memory_space<hbm>>
    %dma_wait3A_272 = arith.constant 0 : i32
    %dma_wait3A_273 = tpu.memref_slice %dma_wait3A_271[%add3A_251, %dma_wait3A_272] : memref<2560x128xi32, #tpu.memory_space<hbm>> -> memref<16x128xi32, #tpu.memory_space<hbm>>
    tpu.wait_dma2 semaphore(%arg13 : memref<!tpu.dma_semaphore, #tpu.memory_space<semaphore_mem>>) src(%dma_wait3A_273 : memref<16x128xi32, #tpu.memory_space<hbm>>) dst(%dma_wait3A_267 : memref<16x128xi32, #tpu.memory_space<vmem>>)
    %dma_wait3A_274 = arith.constant 1 : i32
    %dma_wait3A_275 = arith.constant 1 : i32
    %dma_wait3A_276 = arith.constant 0 : i32
    %dma_wait3A_277 = arith.constant 0 : i32
    %dma_wait3A_278 = tpu.memref_slice %arg7[%dma_wait3A_275, %dma_wait3A_276, %dma_wait3A_277] : memref<2x16x128xi32, #tpu.memory_space<vmem>> -> memref<1x16x128xi32, #tpu.memory_space<vmem>>
    %dma_wait3A_279 = tpu.memref_squeeze %dma_wait3A_278 : memref<1x16x128xi32, #tpu.memory_space<vmem>> -> memref<16x128xi32, #tpu.memory_space<vmem>>
    %dma_wait3A_280 = arith.constant 0 : i32
    %dma_wait3A_281 = arith.constant 0 : i32
    %dma_wait3A_282 = tpu.memref_slice %arg3[%dma_wait3A_274, %dma_wait3A_280, %dma_wait3A_281] : memref<2x2560x128xi32, #tpu.memory_space<hbm>> -> memref<1x2560x128xi32, #tpu.memory_space<hbm>>
    %dma_wait3A_283 = tpu.memref_squeeze %dma_wait3A_282 : memref<1x2560x128xi32, #tpu.memory_space<hbm>> -> memref<2560x128xi32, #tpu.memory_space<hbm>>
    %dma_wait3A_284 = arith.constant 0 : i32
    %dma_wait3A_285 = tpu.memref_slice %dma_wait3A_283[%add3A_251, %dma_wait3A_284] : memref<2560x128xi32, #tpu.memory_space<hbm>> -> memref<16x128xi32, #tpu.memory_space<hbm>>
    %dma_wait3A_286 = arith.constant 0 : i32
    %dma_wait3A_287 = arith.constant 0 : i32
    %dma_wait3A_288 = tpu.memref_slice %arg7[%dma_wait3A_275, %dma_wait3A_286, %dma_wait3A_287] : memref<2x16x128xi32, #tpu.memory_space<vmem>> -> memref<1x16x128xi32, #tpu.memory_space<vmem>>
    %dma_wait3A_289 = tpu.memref_squeeze %dma_wait3A_288 : memref<1x16x128xi32, #tpu.memory_space<vmem>> -> memref<16x128xi32, #tpu.memory_space<vmem>>
    %dma_wait3A_290 = arith.constant 0 : i32
    %dma_wait3A_291 = arith.constant 0 : i32
    %dma_wait3A_292 = tpu.memref_slice %arg3[%dma_wait3A_274, %dma_wait3A_290, %dma_wait3A_291] : memref<2x2560x128xi32, #tpu.memory_space<hbm>> -> memref<1x2560x128xi32, #tpu.memory_space<hbm>>
    %dma_wait3A_293 = tpu.memref_squeeze %dma_wait3A_292 : memref<1x2560x128xi32, #tpu.memory_space<hbm>> -> memref<2560x128xi32, #tpu.memory_space<hbm>>
    %dma_wait3A_294 = arith.constant 0 : i32
    %dma_wait3A_295 = tpu.memref_slice %dma_wait3A_293[%add3A_251, %dma_wait3A_294] : memref<2560x128xi32, #tpu.memory_space<hbm>> -> memref<16x128xi32, #tpu.memory_space<hbm>>
    tpu.wait_dma2 semaphore(%arg14 : memref<!tpu.dma_semaphore, #tpu.memory_space<semaphore_mem>>) src(%dma_wait3A_295 : memref<16x128xi32, #tpu.memory_space<hbm>>) dst(%dma_wait3A_289 : memref<16x128xi32, #tpu.memory_space<vmem>>)
    %mul3A_296 = arith.constant 80 : i32
    %mul3A_297 = arith.muli %add3A, %mul3A_296 : i32
    %add3A_298 = arith.constant 32 : i32
    %add3A_299 = arith.addi %mul3A_297, %add3A_298 : i32
    %dma_start3A_300 = arith.constant 0 : i32
    %dma_start3A_301 = arith.constant 0 : i32
    %dma_start3A_302 = arith.constant 0 : i32
    %dma_start3A_303 = arith.constant 0 : i32
    %dma_start3A_304 = tpu.memref_slice %arg6[%dma_start3A_301, %dma_start3A_302, %dma_start3A_303] : memref<2x16x128xi32, #tpu.memory_space<vmem>> -> memref<1x16x128xi32, #tpu.memory_space<vmem>>
    %dma_start3A_305 = tpu.memref_squeeze %dma_start3A_304 : memref<1x16x128xi32, #tpu.memory_space<vmem>> -> memref<16x128xi32, #tpu.memory_space<vmem>>
    %dma_start3A_306 = arith.constant 0 : i32
    %dma_start3A_307 = arith.constant 0 : i32
    %dma_start3A_308 = tpu.memref_slice %arg3[%dma_start3A_300, %dma_start3A_306, %dma_start3A_307] : memref<2x2560x128xi32, #tpu.memory_space<hbm>> -> memref<1x2560x128xi32, #tpu.memory_space<hbm>>
    %dma_start3A_309 = tpu.memref_squeeze %dma_start3A_308 : memref<1x2560x128xi32, #tpu.memory_space<hbm>> -> memref<2560x128xi32, #tpu.memory_space<hbm>>
    %dma_start3A_310 = arith.constant 0 : i32
    %dma_start3A_311 = tpu.memref_slice %dma_start3A_309[%add3A_299, %dma_start3A_310] : memref<2560x128xi32, #tpu.memory_space<hbm>> -> memref<16x128xi32, #tpu.memory_space<hbm>>
    %dma_start3A_312 = arith.constant 0 : i32
    %dma_start3A_313 = arith.constant 0 : i32
    %dma_start3A_314 = tpu.memref_slice %arg6[%dma_start3A_301, %dma_start3A_312, %dma_start3A_313] : memref<2x16x128xi32, #tpu.memory_space<vmem>> -> memref<1x16x128xi32, #tpu.memory_space<vmem>>
    %dma_start3A_315 = tpu.memref_squeeze %dma_start3A_314 : memref<1x16x128xi32, #tpu.memory_space<vmem>> -> memref<16x128xi32, #tpu.memory_space<vmem>>
    %dma_start3A_316 = arith.constant 0 : i32
    %dma_start3A_317 = arith.constant 0 : i32
    %dma_start3A_318 = tpu.memref_slice %arg3[%dma_start3A_300, %dma_start3A_316, %dma_start3A_317] : memref<2x2560x128xi32, #tpu.memory_space<hbm>> -> memref<1x2560x128xi32, #tpu.memory_space<hbm>>
    %dma_start3A_319 = tpu.memref_squeeze %dma_start3A_318 : memref<1x2560x128xi32, #tpu.memory_space<hbm>> -> memref<2560x128xi32, #tpu.memory_space<hbm>>
    %dma_start3A_320 = arith.constant 0 : i32
    %dma_start3A_321 = tpu.memref_slice %dma_start3A_319[%add3A_299, %dma_start3A_320] : memref<2560x128xi32, #tpu.memory_space<hbm>> -> memref<16x128xi32, #tpu.memory_space<hbm>>
    tpu.enqueue_dma source(%dma_start3A_321 : memref<16x128xi32, #tpu.memory_space<hbm>>) target(%dma_start3A_315 : memref<16x128xi32, #tpu.memory_space<vmem>>) target_semaphore(%arg13 : memref<!tpu.dma_semaphore, #tpu.memory_space<semaphore_mem>>)
    %dma_start3A_322 = arith.constant 1 : i32
    %dma_start3A_323 = arith.constant 0 : i32
    %dma_start3A_324 = arith.constant 0 : i32
    %dma_start3A_325 = arith.constant 0 : i32
    %dma_start3A_326 = tpu.memref_slice %arg7[%dma_start3A_323, %dma_start3A_324, %dma_start3A_325] : memref<2x16x128xi32, #tpu.memory_space<vmem>> -> memref<1x16x128xi32, #tpu.memory_space<vmem>>
    %dma_start3A_327 = tpu.memref_squeeze %dma_start3A_326 : memref<1x16x128xi32, #tpu.memory_space<vmem>> -> memref<16x128xi32, #tpu.memory_space<vmem>>
    %dma_start3A_328 = arith.constant 0 : i32
    %dma_start3A_329 = arith.constant 0 : i32
    %dma_start3A_330 = tpu.memref_slice %arg3[%dma_start3A_322, %dma_start3A_328, %dma_start3A_329] : memref<2x2560x128xi32, #tpu.memory_space<hbm>> -> memref<1x2560x128xi32, #tpu.memory_space<hbm>>
    %dma_start3A_331 = tpu.memref_squeeze %dma_start3A_330 : memref<1x2560x128xi32, #tpu.memory_space<hbm>> -> memref<2560x128xi32, #tpu.memory_space<hbm>>
    %dma_start3A_332 = arith.constant 0 : i32
    %dma_start3A_333 = tpu.memref_slice %dma_start3A_331[%add3A_299, %dma_start3A_332] : memref<2560x128xi32, #tpu.memory_space<hbm>> -> memref<16x128xi32, #tpu.memory_space<hbm>>
    %dma_start3A_334 = arith.constant 0 : i32
    %dma_start3A_335 = arith.constant 0 : i32
    %dma_start3A_336 = tpu.memref_slice %arg7[%dma_start3A_323, %dma_start3A_334, %dma_start3A_335] : memref<2x16x128xi32, #tpu.memory_space<vmem>> -> memref<1x16x128xi32, #tpu.memory_space<vmem>>
    %dma_start3A_337 = tpu.memref_squeeze %dma_start3A_336 : memref<1x16x128xi32, #tpu.memory_space<vmem>> -> memref<16x128xi32, #tpu.memory_space<vmem>>
    %dma_start3A_338 = arith.constant 0 : i32
    %dma_start3A_339 = arith.constant 0 : i32
    %dma_start3A_340 = tpu.memref_slice %arg3[%dma_start3A_322, %dma_start3A_338, %dma_start3A_339] : memref<2x2560x128xi32, #tpu.memory_space<hbm>> -> memref<1x2560x128xi32, #tpu.memory_space<hbm>>
    %dma_start3A_341 = tpu.memref_squeeze %dma_start3A_340 : memref<1x2560x128xi32, #tpu.memory_space<hbm>> -> memref<2560x128xi32, #tpu.memory_space<hbm>>
    %dma_start3A_342 = arith.constant 0 : i32
    %dma_start3A_343 = tpu.memref_slice %dma_start3A_341[%add3A_299, %dma_start3A_342] : memref<2560x128xi32, #tpu.memory_space<hbm>> -> memref<16x128xi32, #tpu.memory_space<hbm>>
    tpu.enqueue_dma source(%dma_start3A_343 : memref<16x128xi32, #tpu.memory_space<hbm>>) target(%dma_start3A_337 : memref<16x128xi32, #tpu.memory_space<vmem>>) target_semaphore(%arg14 : memref<!tpu.dma_semaphore, #tpu.memory_space<semaphore_mem>>)
    %dma_start3A_344 = arith.constant 1 : i32
    %dma_start3A_345 = arith.constant 0 : i32
    %dma_start3A_346 = arith.constant 0 : i32
    %dma_start3A_347 = arith.constant 0 : i32
    %dma_start3A_348 = arith.constant 0 : i32
    %dma_start3A_349 = tpu.memref_slice %arg8[%dma_start3A_346, %dma_start3A_347, %dma_start3A_348] : memref<2x128x128xf32, #tpu.memory_space<vmem>> -> memref<1x128x128xf32, #tpu.memory_space<vmem>>
    %dma_start3A_350 = tpu.memref_squeeze %dma_start3A_349 : memref<1x128x128xf32, #tpu.memory_space<vmem>> -> memref<128x128xf32, #tpu.memory_space<vmem>>
    %dma_start3A_351 = arith.constant 0 : i32
    %dma_start3A_352 = arith.constant 0 : i32
    %dma_start3A_353 = tpu.memref_slice %arg6[%dma_start3A_344, %dma_start3A_351, %dma_start3A_352] : memref<2x16x128xi32, #tpu.memory_space<vmem>> -> memref<1x16x128xi32, #tpu.memory_space<vmem>>
    %dma_start3A_354 = tpu.memref_squeeze %dma_start3A_353 : memref<1x16x128xi32, #tpu.memory_space<vmem>> -> memref<16x128xi32, #tpu.memory_space<vmem>>
    %dma_start3A_355 = arith.constant 0 : i32
    %dma_start3A_356 = tpu.memref_slice %dma_start3A_354[%dma_start3A_345, %dma_start3A_355] : memref<16x128xi32, #tpu.memory_space<vmem>> -> memref<1x128xi32, #tpu.memory_space<vmem>>
    %dma_start3A_357 = tpu.memref_squeeze %dma_start3A_356 : memref<1x128xi32, #tpu.memory_space<vmem>> -> memref<128xi32, #tpu.memory_space<vmem>>
    %dma_start3A_358 = arith.constant 0 : i32
    %dma_start3A_359 = arith.constant 0 : i32
    %dma_start3A_360 = tpu.memref_slice %arg2[%dma_start3A_358, %dma_start3A_359] : memref<10240x128xf32, #tpu.memory_space<hbm>> -> memref<10240x128xf32, #tpu.memory_space<hbm>>
    tpu.enqueue_indirect_dma source(%dma_start3A_360 : memref<10240x128xf32, #tpu.memory_space<hbm>>) target(%dma_start3A_350 : memref<128x128xf32, #tpu.memory_space<vmem>>) offsets(%dma_start3A_357 : memref<128xi32, #tpu.memory_space<vmem>>) semaphore(%arg9 : memref<!tpu.dma_semaphore, #tpu.memory_space<semaphore_mem>>)
    %dma_start3A_361 = arith.constant 1 : i32
    %dma_start3A_362 = arith.constant 1 : i32
    %dma_start3A_363 = arith.constant 1 : i32
    %dma_start3A_364 = arith.constant 0 : i32
    %dma_start3A_365 = arith.constant 0 : i32
    %dma_start3A_366 = tpu.memref_slice %arg8[%dma_start3A_363, %dma_start3A_364, %dma_start3A_365] : memref<2x128x128xf32, #tpu.memory_space<vmem>> -> memref<1x128x128xf32, #tpu.memory_space<vmem>>
    %dma_start3A_367 = tpu.memref_squeeze %dma_start3A_366 : memref<1x128x128xf32, #tpu.memory_space<vmem>> -> memref<128x128xf32, #tpu.memory_space<vmem>>
    %dma_start3A_368 = arith.constant 0 : i32
    %dma_start3A_369 = arith.constant 0 : i32
    %dma_start3A_370 = tpu.memref_slice %arg6[%dma_start3A_361, %dma_start3A_368, %dma_start3A_369] : memref<2x16x128xi32, #tpu.memory_space<vmem>> -> memref<1x16x128xi32, #tpu.memory_space<vmem>>
    %dma_start3A_371 = tpu.memref_squeeze %dma_start3A_370 : memref<1x16x128xi32, #tpu.memory_space<vmem>> -> memref<16x128xi32, #tpu.memory_space<vmem>>
    %dma_start3A_372 = arith.constant 0 : i32
    %dma_start3A_373 = tpu.memref_slice %dma_start3A_371[%dma_start3A_362, %dma_start3A_372] : memref<16x128xi32, #tpu.memory_space<vmem>> -> memref<1x128xi32, #tpu.memory_space<vmem>>
    %dma_start3A_374 = tpu.memref_squeeze %dma_start3A_373 : memref<1x128xi32, #tpu.memory_space<vmem>> -> memref<128xi32, #tpu.memory_space<vmem>>
    %dma_start3A_375 = arith.constant 0 : i32
    %dma_start3A_376 = arith.constant 0 : i32
    %dma_start3A_377 = tpu.memref_slice %arg2[%dma_start3A_375, %dma_start3A_376] : memref<10240x128xf32, #tpu.memory_space<hbm>> -> memref<10240x128xf32, #tpu.memory_space<hbm>>
    tpu.enqueue_indirect_dma source(%dma_start3A_377 : memref<10240x128xf32, #tpu.memory_space<hbm>>) target(%dma_start3A_367 : memref<128x128xf32, #tpu.memory_space<vmem>>) offsets(%dma_start3A_374 : memref<128xi32, #tpu.memory_space<vmem>>) semaphore(%arg10 : memref<!tpu.dma_semaphore, #tpu.memory_space<semaphore_mem>>)
    %scan3A_378 = arith.constant 1 : i32
    %scan3A_379 = arith.constant 1 : i32
    %scan3A_380 = arith.constant 0 : i32
    %scan3A_381 = arith.constant 8 : i32
    %scan3A_382 = arith.addi %scan3A_380, %scan3A_381 : i32
    %scan3A_383 = arith.constant 1 : i32
    scf.for %scan3A_915 = %scan3A_380 to %scan3A_382 step %scan3A_383  : i32 {
      %mul3A_916 = arith.constant 2 : i32
      %mul3A_917 = arith.muli %scan3A_915, %mul3A_916 : i32
      %add3A_918 = arith.constant 0 : i32
      %add3A_919 = arith.addi %add3A_918, %mul3A_917 : i32
      %add3A_920 = arith.constant 0 : i32
      %add3A_921 = arith.addi %add3A_919, %add3A_920 : i32
      %dma_wait3A_922 = arith.constant 0 : i32
      %dma_wait3A_923 = arith.constant 0 : i32
      %dma_wait3A_924 = arith.constant 0 : i32
      %dma_wait3A_925 = tpu.memref_slice %arg8[%dma_wait3A_922, %dma_wait3A_923, %dma_wait3A_924] : memref<2x128x128xf32, #tpu.memory_space<vmem>> -> memref<1x128x128xf32, #tpu.memory_space<vmem>>
      %dma_wait3A_926 = tpu.memref_squeeze %dma_wait3A_925 : memref<1x128x128xf32, #tpu.memory_space<vmem>> -> memref<128x128xf32, #tpu.memory_space<vmem>>
      %dma_wait3A_927 = arith.constant 0 : i32
      %dma_wait3A_928 = arith.constant 0 : i32
      %dma_wait3A_929 = tpu.memref_slice %arg6[%scan3A_378, %dma_wait3A_927, %dma_wait3A_928] : memref<2x16x128xi32, #tpu.memory_space<vmem>> -> memref<1x16x128xi32, #tpu.memory_space<vmem>>
      %dma_wait3A_930 = tpu.memref_squeeze %dma_wait3A_929 : memref<1x16x128xi32, #tpu.memory_space<vmem>> -> memref<16x128xi32, #tpu.memory_space<vmem>>
      %dma_wait3A_931 = arith.constant 0 : i32
      %dma_wait3A_932 = tpu.memref_slice %dma_wait3A_930[%add3A_921, %dma_wait3A_931] : memref<16x128xi32, #tpu.memory_space<vmem>> -> memref<1x128xi32, #tpu.memory_space<vmem>>
      %dma_wait3A_933 = tpu.memref_squeeze %dma_wait3A_932 : memref<1x128xi32, #tpu.memory_space<vmem>> -> memref<128xi32, #tpu.memory_space<vmem>>
      %dma_wait3A_934 = arith.constant 0 : i32
      %dma_wait3A_935 = arith.constant 0 : i32
      %dma_wait3A_936 = tpu.memref_slice %arg2[%dma_wait3A_934, %dma_wait3A_935] : memref<10240x128xf32, #tpu.memory_space<hbm>> -> memref<10240x128xf32, #tpu.memory_space<hbm>>
      tpu.wait_indirect_dma semaphore(%arg9 : memref<!tpu.dma_semaphore, #tpu.memory_space<semaphore_mem>>) src(%dma_wait3A_936 : memref<10240x128xf32, #tpu.memory_space<hbm>>) dst(%dma_wait3A_926 : memref<128x128xf32, #tpu.memory_space<vmem>>)
      %dma_start3A_937 = arith.constant 0 : i32
      %dma_start3A_938 = arith.constant 0 : i32
      %dma_start3A_939 = arith.constant 0 : i32
      %dma_start3A_940 = tpu.memref_slice %arg8[%dma_start3A_937, %dma_start3A_938, %dma_start3A_939] : memref<2x128x128xf32, #tpu.memory_space<vmem>> -> memref<1x128x128xf32, #tpu.memory_space<vmem>>
      %dma_start3A_941 = tpu.memref_squeeze %dma_start3A_940 : memref<1x128x128xf32, #tpu.memory_space<vmem>> -> memref<128x128xf32, #tpu.memory_space<vmem>>
      %dma_start3A_942 = arith.constant 0 : i32
      %dma_start3A_943 = arith.constant 0 : i32
      %dma_start3A_944 = tpu.memref_slice %arg7[%scan3A_379, %dma_start3A_942, %dma_start3A_943] : memref<2x16x128xi32, #tpu.memory_space<vmem>> -> memref<1x16x128xi32, #tpu.memory_space<vmem>>
      %dma_start3A_945 = tpu.memref_squeeze %dma_start3A_944 : memref<1x16x128xi32, #tpu.memory_space<vmem>> -> memref<16x128xi32, #tpu.memory_space<vmem>>
      %dma_start3A_946 = arith.constant 0 : i32
      %dma_start3A_947 = tpu.memref_slice %dma_start3A_945[%add3A_921, %dma_start3A_946] : memref<16x128xi32, #tpu.memory_space<vmem>> -> memref<1x128xi32, #tpu.memory_space<vmem>>
      %dma_start3A_948 = tpu.memref_squeeze %dma_start3A_947 : memref<1x128xi32, #tpu.memory_space<vmem>> -> memref<128xi32, #tpu.memory_space<vmem>>
      %dma_start3A_949 = arith.constant 0 : i32
      %dma_start3A_950 = arith.constant 0 : i32
      %dma_start3A_951 = tpu.memref_slice %arg5[%dma_start3A_949, %dma_start3A_950] : memref<10240x128xf32, #tpu.memory_space<vmem_shared>> -> memref<10240x128xf32, #tpu.memory_space<vmem_shared>>
      tpu.enqueue_indirect_dma source(%dma_start3A_941 : memref<128x128xf32, #tpu.memory_space<vmem>>) target(%dma_start3A_951 : memref<10240x128xf32, #tpu.memory_space<vmem_shared>>) offsets(%dma_start3A_948 : memref<128xi32, #tpu.memory_space<vmem>>) semaphore(%arg11 : memref<!tpu.dma_semaphore, #tpu.memory_space<semaphore_mem>>) {add = true}
      %add3A_952 = arith.constant 2 : i32
      %add3A_953 = arith.addi %add3A_921, %add3A_952 : i32
      %sub3A = arith.constant 1 : i32
      %sub3A_954 = arith.subi %add3A_953, %sub3A : i32
      %ge3A = arith.constant 1 : i32
      %ge3A_955 = arith.cmpi sge, %add3A_921, %ge3A : i32
      %lt3A = arith.constant 16 : i32
      %lt3A_956 = arith.cmpi slt, %sub3A_954, %lt3A : i32
      %and3A = arith.andi %ge3A_955, %lt3A_956 : i1
      %convert_element_type3A = arith.extui %and3A : i1 to i32
      %cond3A = arith.constant 0 : i32
      %cond3A_957 = arith.cmpi ne, %convert_element_type3A, %cond3A : i32
      scf.if %cond3A_957 {
        %dma_wait3A_1002 = arith.constant 1 : i32
        %dma_wait3A_1003 = arith.constant 0 : i32
        %dma_wait3A_1004 = arith.constant 0 : i32
        %dma_wait3A_1005 = tpu.memref_slice %arg8[%dma_wait3A_1002, %dma_wait3A_1003, %dma_wait3A_1004] : memref<2x128x128xf32, #tpu.memory_space<vmem>> -> memref<1x128x128xf32, #tpu.memory_space<vmem>>
        %dma_wait3A_1006 = tpu.memref_squeeze %dma_wait3A_1005 : memref<1x128x128xf32, #tpu.memory_space<vmem>> -> memref<128x128xf32, #tpu.memory_space<vmem>>
        %dma_wait3A_1007 = arith.constant 0 : i32
        %dma_wait3A_1008 = arith.constant 0 : i32
        %dma_wait3A_1009 = tpu.memref_slice %arg7[%scan3A_379, %dma_wait3A_1007, %dma_wait3A_1008] : memref<2x16x128xi32, #tpu.memory_space<vmem>> -> memref<1x16x128xi32, #tpu.memory_space<vmem>>
        %dma_wait3A_1010 = tpu.memref_squeeze %dma_wait3A_1009 : memref<1x16x128xi32, #tpu.memory_space<vmem>> -> memref<16x128xi32, #tpu.memory_space<vmem>>
        %dma_wait3A_1011 = arith.constant 0 : i32
        %dma_wait3A_1012 = tpu.memref_slice %dma_wait3A_1010[%add3A_921, %dma_wait3A_1011] : memref<16x128xi32, #tpu.memory_space<vmem>> -> memref<1x128xi32, #tpu.memory_space<vmem>>
        %dma_wait3A_1013 = tpu.memref_squeeze %dma_wait3A_1012 : memref<1x128xi32, #tpu.memory_space<vmem>> -> memref<128xi32, #tpu.memory_space<vmem>>
        %dma_wait3A_1014 = arith.constant 0 : i32
        %dma_wait3A_1015 = arith.constant 0 : i32
        %dma_wait3A_1016 = tpu.memref_slice %arg5[%dma_wait3A_1014, %dma_wait3A_1015] : memref<10240x128xf32, #tpu.memory_space<vmem_shared>> -> memref<10240x128xf32, #tpu.memory_space<vmem_shared>>
        tpu.wait_indirect_dma semaphore(%arg12 : memref<!tpu.dma_semaphore, #tpu.memory_space<semaphore_mem>>) src(%dma_wait3A_1006 : memref<128x128xf32, #tpu.memory_space<vmem>>) dst(%dma_wait3A_1016 : memref<10240x128xf32, #tpu.memory_space<vmem_shared>>)
        %dma_start3A_1017 = arith.constant 1 : i32
        %dma_start3A_1018 = arith.constant 0 : i32
        %dma_start3A_1019 = arith.constant 0 : i32
        %dma_start3A_1020 = tpu.memref_slice %arg8[%dma_start3A_1017, %dma_start3A_1018, %dma_start3A_1019] : memref<2x128x128xf32, #tpu.memory_space<vmem>> -> memref<1x128x128xf32, #tpu.memory_space<vmem>>
        %dma_start3A_1021 = tpu.memref_squeeze %dma_start3A_1020 : memref<1x128x128xf32, #tpu.memory_space<vmem>> -> memref<128x128xf32, #tpu.memory_space<vmem>>
        %dma_start3A_1022 = arith.constant 0 : i32
        %dma_start3A_1023 = arith.constant 0 : i32
        %dma_start3A_1024 = tpu.memref_slice %arg6[%scan3A_378, %dma_start3A_1022, %dma_start3A_1023] : memref<2x16x128xi32, #tpu.memory_space<vmem>> -> memref<1x16x128xi32, #tpu.memory_space<vmem>>
        %dma_start3A_1025 = tpu.memref_squeeze %dma_start3A_1024 : memref<1x16x128xi32, #tpu.memory_space<vmem>> -> memref<16x128xi32, #tpu.memory_space<vmem>>
        %dma_start3A_1026 = arith.constant 0 : i32
        %dma_start3A_1027 = tpu.memref_slice %dma_start3A_1025[%sub3A_954, %dma_start3A_1026] : memref<16x128xi32, #tpu.memory_space<vmem>> -> memref<1x128xi32, #tpu.memory_space<vmem>>
        %dma_start3A_1028 = tpu.memref_squeeze %dma_start3A_1027 : memref<1x128xi32, #tpu.memory_space<vmem>> -> memref<128xi32, #tpu.memory_space<vmem>>
        %dma_start3A_1029 = arith.constant 0 : i32
        %dma_start3A_1030 = arith.constant 0 : i32
        %dma_start3A_1031 = tpu.memref_slice %arg2[%dma_start3A_1029, %dma_start3A_1030] : memref<10240x128xf32, #tpu.memory_space<hbm>> -> memref<10240x128xf32, #tpu.memory_space<hbm>>
        tpu.enqueue_indirect_dma source(%dma_start3A_1031 : memref<10240x128xf32, #tpu.memory_space<hbm>>) target(%dma_start3A_1021 : memref<128x128xf32, #tpu.memory_space<vmem>>) offsets(%dma_start3A_1028 : memref<128xi32, #tpu.memory_space<vmem>>) semaphore(%arg10 : memref<!tpu.dma_semaphore, #tpu.memory_space<semaphore_mem>>)
      } else {
      }
      %add3A_958 = arith.constant 1 : i32
      %add3A_959 = arith.addi %add3A_919, %add3A_958 : i32
      %dma_wait3A_960 = arith.constant 1 : i32
      %dma_wait3A_961 = arith.constant 0 : i32
      %dma_wait3A_962 = arith.constant 0 : i32
      %dma_wait3A_963 = tpu.memref_slice %arg8[%dma_wait3A_960, %dma_wait3A_961, %dma_wait3A_962] : memref<2x128x128xf32, #tpu.memory_space<vmem>> -> memref<1x128x128xf32, #tpu.memory_space<vmem>>
      %dma_wait3A_964 = tpu.memref_squeeze %dma_wait3A_963 : memref<1x128x128xf32, #tpu.memory_space<vmem>> -> memref<128x128xf32, #tpu.memory_space<vmem>>
      %dma_wait3A_965 = arith.constant 0 : i32
      %dma_wait3A_966 = arith.constant 0 : i32
      %dma_wait3A_967 = tpu.memref_slice %arg6[%scan3A_378, %dma_wait3A_965, %dma_wait3A_966] : memref<2x16x128xi32, #tpu.memory_space<vmem>> -> memref<1x16x128xi32, #tpu.memory_space<vmem>>
      %dma_wait3A_968 = tpu.memref_squeeze %dma_wait3A_967 : memref<1x16x128xi32, #tpu.memory_space<vmem>> -> memref<16x128xi32, #tpu.memory_space<vmem>>
      %dma_wait3A_969 = arith.constant 0 : i32
      %dma_wait3A_970 = tpu.memref_slice %dma_wait3A_968[%add3A_959, %dma_wait3A_969] : memref<16x128xi32, #tpu.memory_space<vmem>> -> memref<1x128xi32, #tpu.memory_space<vmem>>
      %dma_wait3A_971 = tpu.memref_squeeze %dma_wait3A_970 : memref<1x128xi32, #tpu.memory_space<vmem>> -> memref<128xi32, #tpu.memory_space<vmem>>
      %dma_wait3A_972 = arith.constant 0 : i32
      %dma_wait3A_973 = arith.constant 0 : i32
      %dma_wait3A_974 = tpu.memref_slice %arg2[%dma_wait3A_972, %dma_wait3A_973] : memref<10240x128xf32, #tpu.memory_space<hbm>> -> memref<10240x128xf32, #tpu.memory_space<hbm>>
      tpu.wait_indirect_dma semaphore(%arg10 : memref<!tpu.dma_semaphore, #tpu.memory_space<semaphore_mem>>) src(%dma_wait3A_974 : memref<10240x128xf32, #tpu.memory_space<hbm>>) dst(%dma_wait3A_964 : memref<128x128xf32, #tpu.memory_space<vmem>>)
      %dma_start3A_975 = arith.constant 1 : i32
      %dma_start3A_976 = arith.constant 0 : i32
      %dma_start3A_977 = arith.constant 0 : i32
      %dma_start3A_978 = tpu.memref_slice %arg8[%dma_start3A_975, %dma_start3A_976, %dma_start3A_977] : memref<2x128x128xf32, #tpu.memory_space<vmem>> -> memref<1x128x128xf32, #tpu.memory_space<vmem>>
      %dma_start3A_979 = tpu.memref_squeeze %dma_start3A_978 : memref<1x128x128xf32, #tpu.memory_space<vmem>> -> memref<128x128xf32, #tpu.memory_space<vmem>>
      %dma_start3A_980 = arith.constant 0 : i32
      %dma_start3A_981 = arith.constant 0 : i32
      %dma_start3A_982 = tpu.memref_slice %arg7[%scan3A_379, %dma_start3A_980, %dma_start3A_981] : memref<2x16x128xi32, #tpu.memory_space<vmem>> -> memref<1x16x128xi32, #tpu.memory_space<vmem>>
      %dma_start3A_983 = tpu.memref_squeeze %dma_start3A_982 : memref<1x16x128xi32, #tpu.memory_space<vmem>> -> memref<16x128xi32, #tpu.memory_space<vmem>>
      %dma_start3A_984 = arith.constant 0 : i32
      %dma_start3A_985 = tpu.memref_slice %dma_start3A_983[%add3A_959, %dma_start3A_984] : memref<16x128xi32, #tpu.memory_space<vmem>> -> memref<1x128xi32, #tpu.memory_space<vmem>>
      %dma_start3A_986 = tpu.memref_squeeze %dma_start3A_985 : memref<1x128xi32, #tpu.memory_space<vmem>> -> memref<128xi32, #tpu.memory_space<vmem>>
      %dma_start3A_987 = arith.constant 0 : i32
      %dma_start3A_988 = arith.constant 0 : i32
      %dma_start3A_989 = tpu.memref_slice %arg5[%dma_start3A_987, %dma_start3A_988] : memref<10240x128xf32, #tpu.memory_space<vmem_shared>> -> memref<10240x128xf32, #tpu.memory_space<vmem_shared>>
      tpu.enqueue_indirect_dma source(%dma_start3A_979 : memref<128x128xf32, #tpu.memory_space<vmem>>) target(%dma_start3A_989 : memref<10240x128xf32, #tpu.memory_space<vmem_shared>>) offsets(%dma_start3A_986 : memref<128xi32, #tpu.memory_space<vmem>>) semaphore(%arg12 : memref<!tpu.dma_semaphore, #tpu.memory_space<semaphore_mem>>) {add = true}
      %add3A_990 = arith.constant 2 : i32
      %add3A_991 = arith.addi %add3A_959, %add3A_990 : i32
      %sub3A_992 = arith.constant 1 : i32
      %sub3A_993 = arith.subi %add3A_991, %sub3A_992 : i32
      %ge3A_994 = arith.constant 1 : i32
      %ge3A_995 = arith.cmpi sge, %add3A_959, %ge3A_994 : i32
      %lt3A_996 = arith.constant 16 : i32
      %lt3A_997 = arith.cmpi slt, %sub3A_993, %lt3A_996 : i32
      %and3A_998 = arith.andi %ge3A_995, %lt3A_997 : i1
      %convert_element_type3A_999 = arith.extui %and3A_998 : i1 to i32
      %cond3A_1000 = arith.constant 0 : i32
      %cond3A_1001 = arith.cmpi ne, %convert_element_type3A_999, %cond3A_1000 : i32
      scf.if %cond3A_1001 {
        %dma_wait3A_1002 = arith.constant 0 : i32
        %dma_wait3A_1003 = arith.constant 0 : i32
        %dma_wait3A_1004 = arith.constant 0 : i32
        %dma_wait3A_1005 = tpu.memref_slice %arg8[%dma_wait3A_1002, %dma_wait3A_1003, %dma_wait3A_1004] : memref<2x128x128xf32, #tpu.memory_space<vmem>> -> memref<1x128x128xf32, #tpu.memory_space<vmem>>
        %dma_wait3A_1006 = tpu.memref_squeeze %dma_wait3A_1005 : memref<1x128x128xf32, #tpu.memory_space<vmem>> -> memref<128x128xf32, #tpu.memory_space<vmem>>
        %dma_wait3A_1007 = arith.constant 0 : i32
        %dma_wait3A_1008 = arith.constant 0 : i32
        %dma_wait3A_1009 = tpu.memref_slice %arg7[%scan3A_379, %dma_wait3A_1007, %dma_wait3A_1008] : memref<2x16x128xi32, #tpu.memory_space<vmem>> -> memref<1x16x128xi32, #tpu.memory_space<vmem>>
        %dma_wait3A_1010 = tpu.memref_squeeze %dma_wait3A_1009 : memref<1x16x128xi32, #tpu.memory_space<vmem>> -> memref<16x128xi32, #tpu.memory_space<vmem>>
        %dma_wait3A_1011 = arith.constant 0 : i32
        %dma_wait3A_1012 = tpu.memref_slice %dma_wait3A_1010[%add3A_959, %dma_wait3A_1011] : memref<16x128xi32, #tpu.memory_space<vmem>> -> memref<1x128xi32, #tpu.memory_space<vmem>>
        %dma_wait3A_1013 = tpu.memref_squeeze %dma_wait3A_1012 : memref<1x128xi32, #tpu.memory_space<vmem>> -> memref<128xi32, #tpu.memory_space<vmem>>
        %dma_wait3A_1014 = arith.constant 0 : i32
        %dma_wait3A_1015 = arith.constant 0 : i32
        %dma_wait3A_1016 = tpu.memref_slice %arg5[%dma_wait3A_1014, %dma_wait3A_1015] : memref<10240x128xf32, #tpu.memory_space<vmem_shared>> -> memref<10240x128xf32, #tpu.memory_space<vmem_shared>>
        tpu.wait_indirect_dma semaphore(%arg11 : memref<!tpu.dma_semaphore, #tpu.memory_space<semaphore_mem>>) src(%dma_wait3A_1006 : memref<128x128xf32, #tpu.memory_space<vmem>>) dst(%dma_wait3A_1016 : memref<10240x128xf32, #tpu.memory_space<vmem_shared>>)
        %dma_start3A_1017 = arith.constant 0 : i32
        %dma_start3A_1018 = arith.constant 0 : i32
        %dma_start3A_1019 = arith.constant 0 : i32
        %dma_start3A_1020 = tpu.memref_slice %arg8[%dma_start3A_1017, %dma_start3A_1018, %dma_start3A_1019] : memref<2x128x128xf32, #tpu.memory_space<vmem>> -> memref<1x128x128xf32, #tpu.memory_space<vmem>>
        %dma_start3A_1021 = tpu.memref_squeeze %dma_start3A_1020 : memref<1x128x128xf32, #tpu.memory_space<vmem>> -> memref<128x128xf32, #tpu.memory_space<vmem>>
        %dma_start3A_1022 = arith.constant 0 : i32
        %dma_start3A_1023 = arith.constant 0 : i32
        %dma_start3A_1024 = tpu.memref_slice %arg6[%scan3A_378, %dma_start3A_1022, %dma_start3A_1023] : memref<2x16x128xi32, #tpu.memory_space<vmem>> -> memref<1x16x128xi32, #tpu.memory_space<vmem>>
        %dma_start3A_1025 = tpu.memref_squeeze %dma_start3A_1024 : memref<1x16x128xi32, #tpu.memory_space<vmem>> -> memref<16x128xi32, #tpu.memory_space<vmem>>
        %dma_start3A_1026 = arith.constant 0 : i32
        %dma_start3A_1027 = tpu.memref_slice %dma_start3A_1025[%sub3A_993, %dma_start3A_1026] : memref<16x128xi32, #tpu.memory_space<vmem>> -> memref<1x128xi32, #tpu.memory_space<vmem>>
        %dma_start3A_1028 = tpu.memref_squeeze %dma_start3A_1027 : memref<1x128xi32, #tpu.memory_space<vmem>> -> memref<128xi32, #tpu.memory_space<vmem>>
        %dma_start3A_1029 = arith.constant 0 : i32
        %dma_start3A_1030 = arith.constant 0 : i32
        %dma_start3A_1031 = tpu.memref_slice %arg2[%dma_start3A_1029, %dma_start3A_1030] : memref<10240x128xf32, #tpu.memory_space<hbm>> -> memref<10240x128xf32, #tpu.memory_space<hbm>>
        tpu.enqueue_indirect_dma source(%dma_start3A_1031 : memref<10240x128xf32, #tpu.memory_space<hbm>>) target(%dma_start3A_1021 : memref<128x128xf32, #tpu.memory_space<vmem>>) offsets(%dma_start3A_1028 : memref<128xi32, #tpu.memory_space<vmem>>) semaphore(%arg9 : memref<!tpu.dma_semaphore, #tpu.memory_space<semaphore_mem>>)
      } else {
      }
    }
    %scan3A_384 = arith.constant 8 : i32
    %dma_wait3A_385 = arith.constant 0 : i32
    %dma_wait3A_386 = arith.constant 1 : i32
    %dma_wait3A_387 = arith.constant 0 : i32
    %dma_wait3A_388 = arith.constant 0 : i32
    %dma_wait3A_389 = arith.constant 0 : i32
    %dma_wait3A_390 = tpu.memref_slice %arg8[%dma_wait3A_385, %dma_wait3A_388, %dma_wait3A_389] : memref<2x128x128xf32, #tpu.memory_space<vmem>> -> memref<1x128x128xf32, #tpu.memory_space<vmem>>
    %dma_wait3A_391 = tpu.memref_squeeze %dma_wait3A_390 : memref<1x128x128xf32, #tpu.memory_space<vmem>> -> memref<128x128xf32, #tpu.memory_space<vmem>>
    %dma_wait3A_392 = arith.constant 0 : i32
    %dma_wait3A_393 = arith.constant 0 : i32
    %dma_wait3A_394 = tpu.memref_slice %arg7[%dma_wait3A_386, %dma_wait3A_392, %dma_wait3A_393] : memref<2x16x128xi32, #tpu.memory_space<vmem>> -> memref<1x16x128xi32, #tpu.memory_space<vmem>>
    %dma_wait3A_395 = tpu.memref_squeeze %dma_wait3A_394 : memref<1x16x128xi32, #tpu.memory_space<vmem>> -> memref<16x128xi32, #tpu.memory_space<vmem>>
    %dma_wait3A_396 = arith.constant 0 : i32
    %dma_wait3A_397 = tpu.memref_slice %dma_wait3A_395[%dma_wait3A_387, %dma_wait3A_396] : memref<16x128xi32, #tpu.memory_space<vmem>> -> memref<1x128xi32, #tpu.memory_space<vmem>>
    %dma_wait3A_398 = tpu.memref_squeeze %dma_wait3A_397 : memref<1x128xi32, #tpu.memory_space<vmem>> -> memref<128xi32, #tpu.memory_space<vmem>>
    %dma_wait3A_399 = arith.constant 0 : i32
    %dma_wait3A_400 = arith.constant 0 : i32
    %dma_wait3A_401 = tpu.memref_slice %arg5[%dma_wait3A_399, %dma_wait3A_400] : memref<10240x128xf32, #tpu.memory_space<vmem_shared>> -> memref<10240x128xf32, #tpu.memory_space<vmem_shared>>
    tpu.wait_indirect_dma semaphore(%arg11 : memref<!tpu.dma_semaphore, #tpu.memory_space<semaphore_mem>>) src(%dma_wait3A_391 : memref<128x128xf32, #tpu.memory_space<vmem>>) dst(%dma_wait3A_401 : memref<10240x128xf32, #tpu.memory_space<vmem_shared>>)
    %dma_wait3A_402 = arith.constant 1 : i32
    %dma_wait3A_403 = arith.constant 1 : i32
    %dma_wait3A_404 = arith.constant 0 : i32
    %dma_wait3A_405 = arith.constant 0 : i32
    %dma_wait3A_406 = arith.constant 0 : i32
    %dma_wait3A_407 = tpu.memref_slice %arg8[%dma_wait3A_402, %dma_wait3A_405, %dma_wait3A_406] : memref<2x128x128xf32, #tpu.memory_space<vmem>> -> memref<1x128x128xf32, #tpu.memory_space<vmem>>
    %dma_wait3A_408 = tpu.memref_squeeze %dma_wait3A_407 : memref<1x128x128xf32, #tpu.memory_space<vmem>> -> memref<128x128xf32, #tpu.memory_space<vmem>>
    %dma_wait3A_409 = arith.constant 0 : i32
    %dma_wait3A_410 = arith.constant 0 : i32
    %dma_wait3A_411 = tpu.memref_slice %arg7[%dma_wait3A_403, %dma_wait3A_409, %dma_wait3A_410] : memref<2x16x128xi32, #tpu.memory_space<vmem>> -> memref<1x16x128xi32, #tpu.memory_space<vmem>>
    %dma_wait3A_412 = tpu.memref_squeeze %dma_wait3A_411 : memref<1x16x128xi32, #tpu.memory_space<vmem>> -> memref<16x128xi32, #tpu.memory_space<vmem>>
    %dma_wait3A_413 = arith.constant 0 : i32
    %dma_wait3A_414 = tpu.memref_slice %dma_wait3A_412[%dma_wait3A_404, %dma_wait3A_413] : memref<16x128xi32, #tpu.memory_space<vmem>> -> memref<1x128xi32, #tpu.memory_space<vmem>>
    %dma_wait3A_415 = tpu.memref_squeeze %dma_wait3A_414 : memref<1x128xi32, #tpu.memory_space<vmem>> -> memref<128xi32, #tpu.memory_space<vmem>>
    %dma_wait3A_416 = arith.constant 0 : i32
    %dma_wait3A_417 = arith.constant 0 : i32
    %dma_wait3A_418 = tpu.memref_slice %arg5[%dma_wait3A_416, %dma_wait3A_417] : memref<10240x128xf32, #tpu.memory_space<vmem_shared>> -> memref<10240x128xf32, #tpu.memory_space<vmem_shared>>
    tpu.wait_indirect_dma semaphore(%arg12 : memref<!tpu.dma_semaphore, #tpu.memory_space<semaphore_mem>>) src(%dma_wait3A_408 : memref<128x128xf32, #tpu.memory_space<vmem>>) dst(%dma_wait3A_418 : memref<10240x128xf32, #tpu.memory_space<vmem_shared>>)
    %mul3A_419 = arith.constant 80 : i32
    %mul3A_420 = arith.muli %add3A, %mul3A_419 : i32
    %add3A_421 = arith.constant 32 : i32
    %add3A_422 = arith.addi %mul3A_420, %add3A_421 : i32
    %dma_wait3A_423 = arith.constant 0 : i32
    %dma_wait3A_424 = arith.constant 0 : i32
    %dma_wait3A_425 = arith.constant 0 : i32
    %dma_wait3A_426 = arith.constant 0 : i32
    %dma_wait3A_427 = tpu.memref_slice %arg6[%dma_wait3A_424, %dma_wait3A_425, %dma_wait3A_426] : memref<2x16x128xi32, #tpu.memory_space<vmem>> -> memref<1x16x128xi32, #tpu.memory_space<vmem>>
    %dma_wait3A_428 = tpu.memref_squeeze %dma_wait3A_427 : memref<1x16x128xi32, #tpu.memory_space<vmem>> -> memref<16x128xi32, #tpu.memory_space<vmem>>
    %dma_wait3A_429 = arith.constant 0 : i32
    %dma_wait3A_430 = arith.constant 0 : i32
    %dma_wait3A_431 = tpu.memref_slice %arg3[%dma_wait3A_423, %dma_wait3A_429, %dma_wait3A_430] : memref<2x2560x128xi32, #tpu.memory_space<hbm>> -> memref<1x2560x128xi32, #tpu.memory_space<hbm>>
    %dma_wait3A_432 = tpu.memref_squeeze %dma_wait3A_431 : memref<1x2560x128xi32, #tpu.memory_space<hbm>> -> memref<2560x128xi32, #tpu.memory_space<hbm>>
    %dma_wait3A_433 = arith.constant 0 : i32
    %dma_wait3A_434 = tpu.memref_slice %dma_wait3A_432[%add3A_422, %dma_wait3A_433] : memref<2560x128xi32, #tpu.memory_space<hbm>> -> memref<16x128xi32, #tpu.memory_space<hbm>>
    %dma_wait3A_435 = arith.constant 0 : i32
    %dma_wait3A_436 = arith.constant 0 : i32
    %dma_wait3A_437 = tpu.memref_slice %arg6[%dma_wait3A_424, %dma_wait3A_435, %dma_wait3A_436] : memref<2x16x128xi32, #tpu.memory_space<vmem>> -> memref<1x16x128xi32, #tpu.memory_space<vmem>>
    %dma_wait3A_438 = tpu.memref_squeeze %dma_wait3A_437 : memref<1x16x128xi32, #tpu.memory_space<vmem>> -> memref<16x128xi32, #tpu.memory_space<vmem>>
    %dma_wait3A_439 = arith.constant 0 : i32
    %dma_wait3A_440 = arith.constant 0 : i32
    %dma_wait3A_441 = tpu.memref_slice %arg3[%dma_wait3A_423, %dma_wait3A_439, %dma_wait3A_440] : memref<2x2560x128xi32, #tpu.memory_space<hbm>> -> memref<1x2560x128xi32, #tpu.memory_space<hbm>>
    %dma_wait3A_442 = tpu.memref_squeeze %dma_wait3A_441 : memref<1x2560x128xi32, #tpu.memory_space<hbm>> -> memref<2560x128xi32, #tpu.memory_space<hbm>>
    %dma_wait3A_443 = arith.constant 0 : i32
    %dma_wait3A_444 = tpu.memref_slice %dma_wait3A_442[%add3A_422, %dma_wait3A_443] : memref<2560x128xi32, #tpu.memory_space<hbm>> -> memref<16x128xi32, #tpu.memory_space<hbm>>
    tpu.wait_dma2 semaphore(%arg13 : memref<!tpu.dma_semaphore, #tpu.memory_space<semaphore_mem>>) src(%dma_wait3A_444 : memref<16x128xi32, #tpu.memory_space<hbm>>) dst(%dma_wait3A_438 : memref<16x128xi32, #tpu.memory_space<vmem>>)
    %dma_wait3A_445 = arith.constant 1 : i32
    %dma_wait3A_446 = arith.constant 0 : i32
    %dma_wait3A_447 = arith.constant 0 : i32
    %dma_wait3A_448 = arith.constant 0 : i32
    %dma_wait3A_449 = tpu.memref_slice %arg7[%dma_wait3A_446, %dma_wait3A_447, %dma_wait3A_448] : memref<2x16x128xi32, #tpu.memory_space<vmem>> -> memref<1x16x128xi32, #tpu.memory_space<vmem>>
    %dma_wait3A_450 = tpu.memref_squeeze %dma_wait3A_449 : memref<1x16x128xi32, #tpu.memory_space<vmem>> -> memref<16x128xi32, #tpu.memory_space<vmem>>
    %dma_wait3A_451 = arith.constant 0 : i32
    %dma_wait3A_452 = arith.constant 0 : i32
    %dma_wait3A_453 = tpu.memref_slice %arg3[%dma_wait3A_445, %dma_wait3A_451, %dma_wait3A_452] : memref<2x2560x128xi32, #tpu.memory_space<hbm>> -> memref<1x2560x128xi32, #tpu.memory_space<hbm>>
    %dma_wait3A_454 = tpu.memref_squeeze %dma_wait3A_453 : memref<1x2560x128xi32, #tpu.memory_space<hbm>> -> memref<2560x128xi32, #tpu.memory_space<hbm>>
    %dma_wait3A_455 = arith.constant 0 : i32
    %dma_wait3A_456 = tpu.memref_slice %dma_wait3A_454[%add3A_422, %dma_wait3A_455] : memref<2560x128xi32, #tpu.memory_space<hbm>> -> memref<16x128xi32, #tpu.memory_space<hbm>>
    %dma_wait3A_457 = arith.constant 0 : i32
    %dma_wait3A_458 = arith.constant 0 : i32
    %dma_wait3A_459 = tpu.memref_slice %arg7[%dma_wait3A_446, %dma_wait3A_457, %dma_wait3A_458] : memref<2x16x128xi32, #tpu.memory_space<vmem>> -> memref<1x16x128xi32, #tpu.memory_space<vmem>>
    %dma_wait3A_460 = tpu.memref_squeeze %dma_wait3A_459 : memref<1x16x128xi32, #tpu.memory_space<vmem>> -> memref<16x128xi32, #tpu.memory_space<vmem>>
    %dma_wait3A_461 = arith.constant 0 : i32
    %dma_wait3A_462 = arith.constant 0 : i32
    %dma_wait3A_463 = tpu.memref_slice %arg3[%dma_wait3A_445, %dma_wait3A_461, %dma_wait3A_462] : memref<2x2560x128xi32, #tpu.memory_space<hbm>> -> memref<1x2560x128xi32, #tpu.memory_space<hbm>>
    %dma_wait3A_464 = tpu.memref_squeeze %dma_wait3A_463 : memref<1x2560x128xi32, #tpu.memory_space<hbm>> -> memref<2560x128xi32, #tpu.memory_space<hbm>>
    %dma_wait3A_465 = arith.constant 0 : i32
    %dma_wait3A_466 = tpu.memref_slice %dma_wait3A_464[%add3A_422, %dma_wait3A_465] : memref<2560x128xi32, #tpu.memory_space<hbm>> -> memref<16x128xi32, #tpu.memory_space<hbm>>
    tpu.wait_dma2 semaphore(%arg14 : memref<!tpu.dma_semaphore, #tpu.memory_space<semaphore_mem>>) src(%dma_wait3A_466 : memref<16x128xi32, #tpu.memory_space<hbm>>) dst(%dma_wait3A_460 : memref<16x128xi32, #tpu.memory_space<vmem>>)
    %mul3A_467 = arith.constant 80 : i32
    %mul3A_468 = arith.muli %add3A, %mul3A_467 : i32
    %add3A_469 = arith.constant 48 : i32
    %add3A_470 = arith.addi %mul3A_468, %add3A_469 : i32
    %dma_start3A_471 = arith.constant 0 : i32
    %dma_start3A_472 = arith.constant 1 : i32
    %dma_start3A_473 = arith.constant 0 : i32
    %dma_start3A_474 = arith.constant 0 : i32
    %dma_start3A_475 = tpu.memref_slice %arg6[%dma_start3A_472, %dma_start3A_473, %dma_start3A_474] : memref<2x16x128xi32, #tpu.memory_space<vmem>> -> memref<1x16x128xi32, #tpu.memory_space<vmem>>
    %dma_start3A_476 = tpu.memref_squeeze %dma_start3A_475 : memref<1x16x128xi32, #tpu.memory_space<vmem>> -> memref<16x128xi32, #tpu.memory_space<vmem>>
    %dma_start3A_477 = arith.constant 0 : i32
    %dma_start3A_478 = arith.constant 0 : i32
    %dma_start3A_479 = tpu.memref_slice %arg3[%dma_start3A_471, %dma_start3A_477, %dma_start3A_478] : memref<2x2560x128xi32, #tpu.memory_space<hbm>> -> memref<1x2560x128xi32, #tpu.memory_space<hbm>>
    %dma_start3A_480 = tpu.memref_squeeze %dma_start3A_479 : memref<1x2560x128xi32, #tpu.memory_space<hbm>> -> memref<2560x128xi32, #tpu.memory_space<hbm>>
    %dma_start3A_481 = arith.constant 0 : i32
    %dma_start3A_482 = tpu.memref_slice %dma_start3A_480[%add3A_470, %dma_start3A_481] : memref<2560x128xi32, #tpu.memory_space<hbm>> -> memref<16x128xi32, #tpu.memory_space<hbm>>
    %dma_start3A_483 = arith.constant 0 : i32
    %dma_start3A_484 = arith.constant 0 : i32
    %dma_start3A_485 = tpu.memref_slice %arg6[%dma_start3A_472, %dma_start3A_483, %dma_start3A_484] : memref<2x16x128xi32, #tpu.memory_space<vmem>> -> memref<1x16x128xi32, #tpu.memory_space<vmem>>
    %dma_start3A_486 = tpu.memref_squeeze %dma_start3A_485 : memref<1x16x128xi32, #tpu.memory_space<vmem>> -> memref<16x128xi32, #tpu.memory_space<vmem>>
    %dma_start3A_487 = arith.constant 0 : i32
    %dma_start3A_488 = arith.constant 0 : i32
    %dma_start3A_489 = tpu.memref_slice %arg3[%dma_start3A_471, %dma_start3A_487, %dma_start3A_488] : memref<2x2560x128xi32, #tpu.memory_space<hbm>> -> memref<1x2560x128xi32, #tpu.memory_space<hbm>>
    %dma_start3A_490 = tpu.memref_squeeze %dma_start3A_489 : memref<1x2560x128xi32, #tpu.memory_space<hbm>> -> memref<2560x128xi32, #tpu.memory_space<hbm>>
    %dma_start3A_491 = arith.constant 0 : i32
    %dma_start3A_492 = tpu.memref_slice %dma_start3A_490[%add3A_470, %dma_start3A_491] : memref<2560x128xi32, #tpu.memory_space<hbm>> -> memref<16x128xi32, #tpu.memory_space<hbm>>
    tpu.enqueue_dma source(%dma_start3A_492 : memref<16x128xi32, #tpu.memory_space<hbm>>) target(%dma_start3A_486 : memref<16x128xi32, #tpu.memory_space<vmem>>) target_semaphore(%arg13 : memref<!tpu.dma_semaphore, #tpu.memory_space<semaphore_mem>>)
    %dma_start3A_493 = arith.constant 1 : i32
    %dma_start3A_494 = arith.constant 1 : i32
    %dma_start3A_495 = arith.constant 0 : i32
    %dma_start3A_496 = arith.constant 0 : i32
    %dma_start3A_497 = tpu.memref_slice %arg7[%dma_start3A_494, %dma_start3A_495, %dma_start3A_496] : memref<2x16x128xi32, #tpu.memory_space<vmem>> -> memref<1x16x128xi32, #tpu.memory_space<vmem>>
    %dma_start3A_498 = tpu.memref_squeeze %dma_start3A_497 : memref<1x16x128xi32, #tpu.memory_space<vmem>> -> memref<16x128xi32, #tpu.memory_space<vmem>>
    %dma_start3A_499 = arith.constant 0 : i32
    %dma_start3A_500 = arith.constant 0 : i32
    %dma_start3A_501 = tpu.memref_slice %arg3[%dma_start3A_493, %dma_start3A_499, %dma_start3A_500] : memref<2x2560x128xi32, #tpu.memory_space<hbm>> -> memref<1x2560x128xi32, #tpu.memory_space<hbm>>
    %dma_start3A_502 = tpu.memref_squeeze %dma_start3A_501 : memref<1x2560x128xi32, #tpu.memory_space<hbm>> -> memref<2560x128xi32, #tpu.memory_space<hbm>>
    %dma_start3A_503 = arith.constant 0 : i32
    %dma_start3A_504 = tpu.memref_slice %dma_start3A_502[%add3A_470, %dma_start3A_503] : memref<2560x128xi32, #tpu.memory_space<hbm>> -> memref<16x128xi32, #tpu.memory_space<hbm>>
    %dma_start3A_505 = arith.constant 0 : i32
    %dma_start3A_506 = arith.constant 0 : i32
    %dma_start3A_507 = tpu.memref_slice %arg7[%dma_start3A_494, %dma_start3A_505, %dma_start3A_506] : memref<2x16x128xi32, #tpu.memory_space<vmem>> -> memref<1x16x128xi32, #tpu.memory_space<vmem>>
    %dma_start3A_508 = tpu.memref_squeeze %dma_start3A_507 : memref<1x16x128xi32, #tpu.memory_space<vmem>> -> memref<16x128xi32, #tpu.memory_space<vmem>>
    %dma_start3A_509 = arith.constant 0 : i32
    %dma_start3A_510 = arith.constant 0 : i32
    %dma_start3A_511 = tpu.memref_slice %arg3[%dma_start3A_493, %dma_start3A_509, %dma_start3A_510] : memref<2x2560x128xi32, #tpu.memory_space<hbm>> -> memref<1x2560x128xi32, #tpu.memory_space<hbm>>
    %dma_start3A_512 = tpu.memref_squeeze %dma_start3A_511 : memref<1x2560x128xi32, #tpu.memory_space<hbm>> -> memref<2560x128xi32, #tpu.memory_space<hbm>>
    %dma_start3A_513 = arith.constant 0 : i32
    %dma_start3A_514 = tpu.memref_slice %dma_start3A_512[%add3A_470, %dma_start3A_513] : memref<2560x128xi32, #tpu.memory_space<hbm>> -> memref<16x128xi32, #tpu.memory_space<hbm>>
    tpu.enqueue_dma source(%dma_start3A_514 : memref<16x128xi32, #tpu.memory_space<hbm>>) target(%dma_start3A_508 : memref<16x128xi32, #tpu.memory_space<vmem>>) target_semaphore(%arg14 : memref<!tpu.dma_semaphore, #tpu.memory_space<semaphore_mem>>)
    %dma_start3A_515 = arith.constant 0 : i32
    %dma_start3A_516 = arith.constant 0 : i32
    %dma_start3A_517 = arith.constant 0 : i32
    %dma_start3A_518 = arith.constant 0 : i32
    %dma_start3A_519 = arith.constant 0 : i32
    %dma_start3A_520 = tpu.memref_slice %arg8[%dma_start3A_517, %dma_start3A_518, %dma_start3A_519] : memref<2x128x128xf32, #tpu.memory_space<vmem>> -> memref<1x128x128xf32, #tpu.memory_space<vmem>>
    %dma_start3A_521 = tpu.memref_squeeze %dma_start3A_520 : memref<1x128x128xf32, #tpu.memory_space<vmem>> -> memref<128x128xf32, #tpu.memory_space<vmem>>
    %dma_start3A_522 = arith.constant 0 : i32
    %dma_start3A_523 = arith.constant 0 : i32
    %dma_start3A_524 = tpu.memref_slice %arg6[%dma_start3A_515, %dma_start3A_522, %dma_start3A_523] : memref<2x16x128xi32, #tpu.memory_space<vmem>> -> memref<1x16x128xi32, #tpu.memory_space<vmem>>
    %dma_start3A_525 = tpu.memref_squeeze %dma_start3A_524 : memref<1x16x128xi32, #tpu.memory_space<vmem>> -> memref<16x128xi32, #tpu.memory_space<vmem>>
    %dma_start3A_526 = arith.constant 0 : i32
    %dma_start3A_527 = tpu.memref_slice %dma_start3A_525[%dma_start3A_516, %dma_start3A_526] : memref<16x128xi32, #tpu.memory_space<vmem>> -> memref<1x128xi32, #tpu.memory_space<vmem>>
    %dma_start3A_528 = tpu.memref_squeeze %dma_start3A_527 : memref<1x128xi32, #tpu.memory_space<vmem>> -> memref<128xi32, #tpu.memory_space<vmem>>
    %dma_start3A_529 = arith.constant 0 : i32
    %dma_start3A_530 = arith.constant 0 : i32
    %dma_start3A_531 = tpu.memref_slice %arg2[%dma_start3A_529, %dma_start3A_530] : memref<10240x128xf32, #tpu.memory_space<hbm>> -> memref<10240x128xf32, #tpu.memory_space<hbm>>
    tpu.enqueue_indirect_dma source(%dma_start3A_531 : memref<10240x128xf32, #tpu.memory_space<hbm>>) target(%dma_start3A_521 : memref<128x128xf32, #tpu.memory_space<vmem>>) offsets(%dma_start3A_528 : memref<128xi32, #tpu.memory_space<vmem>>) semaphore(%arg9 : memref<!tpu.dma_semaphore, #tpu.memory_space<semaphore_mem>>)
    %dma_start3A_532 = arith.constant 0 : i32
    %dma_start3A_533 = arith.constant 1 : i32
    %dma_start3A_534 = arith.constant 1 : i32
    %dma_start3A_535 = arith.constant 0 : i32
    %dma_start3A_536 = arith.constant 0 : i32
    %dma_start3A_537 = tpu.memref_slice %arg8[%dma_start3A_534, %dma_start3A_535, %dma_start3A_536] : memref<2x128x128xf32, #tpu.memory_space<vmem>> -> memref<1x128x128xf32, #tpu.memory_space<vmem>>
    %dma_start3A_538 = tpu.memref_squeeze %dma_start3A_537 : memref<1x128x128xf32, #tpu.memory_space<vmem>> -> memref<128x128xf32, #tpu.memory_space<vmem>>
    %dma_start3A_539 = arith.constant 0 : i32
    %dma_start3A_540 = arith.constant 0 : i32
    %dma_start3A_541 = tpu.memref_slice %arg6[%dma_start3A_532, %dma_start3A_539, %dma_start3A_540] : memref<2x16x128xi32, #tpu.memory_space<vmem>> -> memref<1x16x128xi32, #tpu.memory_space<vmem>>
    %dma_start3A_542 = tpu.memref_squeeze %dma_start3A_541 : memref<1x16x128xi32, #tpu.memory_space<vmem>> -> memref<16x128xi32, #tpu.memory_space<vmem>>
    %dma_start3A_543 = arith.constant 0 : i32
    %dma_start3A_544 = tpu.memref_slice %dma_start3A_542[%dma_start3A_533, %dma_start3A_543] : memref<16x128xi32, #tpu.memory_space<vmem>> -> memref<1x128xi32, #tpu.memory_space<vmem>>
    %dma_start3A_545 = tpu.memref_squeeze %dma_start3A_544 : memref<1x128xi32, #tpu.memory_space<vmem>> -> memref<128xi32, #tpu.memory_space<vmem>>
    %dma_start3A_546 = arith.constant 0 : i32
    %dma_start3A_547 = arith.constant 0 : i32
    %dma_start3A_548 = tpu.memref_slice %arg2[%dma_start3A_546, %dma_start3A_547] : memref<10240x128xf32, #tpu.memory_space<hbm>> -> memref<10240x128xf32, #tpu.memory_space<hbm>>
    tpu.enqueue_indirect_dma source(%dma_start3A_548 : memref<10240x128xf32, #tpu.memory_space<hbm>>) target(%dma_start3A_538 : memref<128x128xf32, #tpu.memory_space<vmem>>) offsets(%dma_start3A_545 : memref<128xi32, #tpu.memory_space<vmem>>) semaphore(%arg10 : memref<!tpu.dma_semaphore, #tpu.memory_space<semaphore_mem>>)
    %scan3A_549 = arith.constant 0 : i32
    %scan3A_550 = arith.constant 0 : i32
    %scan3A_551 = arith.constant 0 : i32
    %scan3A_552 = arith.constant 8 : i32
    %scan3A_553 = arith.addi %scan3A_551, %scan3A_552 : i32
    %scan3A_554 = arith.constant 1 : i32
    scf.for %scan3A_915 = %scan3A_551 to %scan3A_553 step %scan3A_554  : i32 {
      %mul3A_916 = arith.constant 2 : i32
      %mul3A_917 = arith.muli %scan3A_915, %mul3A_916 : i32
      %add3A_918 = arith.constant 0 : i32
      %add3A_919 = arith.addi %add3A_918, %mul3A_917 : i32
      %add3A_920 = arith.constant 0 : i32
      %add3A_921 = arith.addi %add3A_919, %add3A_920 : i32
      %dma_wait3A_922 = arith.constant 0 : i32
      %dma_wait3A_923 = arith.constant 0 : i32
      %dma_wait3A_924 = arith.constant 0 : i32
      %dma_wait3A_925 = tpu.memref_slice %arg8[%dma_wait3A_922, %dma_wait3A_923, %dma_wait3A_924] : memref<2x128x128xf32, #tpu.memory_space<vmem>> -> memref<1x128x128xf32, #tpu.memory_space<vmem>>
      %dma_wait3A_926 = tpu.memref_squeeze %dma_wait3A_925 : memref<1x128x128xf32, #tpu.memory_space<vmem>> -> memref<128x128xf32, #tpu.memory_space<vmem>>
      %dma_wait3A_927 = arith.constant 0 : i32
      %dma_wait3A_928 = arith.constant 0 : i32
      %dma_wait3A_929 = tpu.memref_slice %arg6[%scan3A_549, %dma_wait3A_927, %dma_wait3A_928] : memref<2x16x128xi32, #tpu.memory_space<vmem>> -> memref<1x16x128xi32, #tpu.memory_space<vmem>>
      %dma_wait3A_930 = tpu.memref_squeeze %dma_wait3A_929 : memref<1x16x128xi32, #tpu.memory_space<vmem>> -> memref<16x128xi32, #tpu.memory_space<vmem>>
      %dma_wait3A_931 = arith.constant 0 : i32
      %dma_wait3A_932 = tpu.memref_slice %dma_wait3A_930[%add3A_921, %dma_wait3A_931] : memref<16x128xi32, #tpu.memory_space<vmem>> -> memref<1x128xi32, #tpu.memory_space<vmem>>
      %dma_wait3A_933 = tpu.memref_squeeze %dma_wait3A_932 : memref<1x128xi32, #tpu.memory_space<vmem>> -> memref<128xi32, #tpu.memory_space<vmem>>
      %dma_wait3A_934 = arith.constant 0 : i32
      %dma_wait3A_935 = arith.constant 0 : i32
      %dma_wait3A_936 = tpu.memref_slice %arg2[%dma_wait3A_934, %dma_wait3A_935] : memref<10240x128xf32, #tpu.memory_space<hbm>> -> memref<10240x128xf32, #tpu.memory_space<hbm>>
      tpu.wait_indirect_dma semaphore(%arg9 : memref<!tpu.dma_semaphore, #tpu.memory_space<semaphore_mem>>) src(%dma_wait3A_936 : memref<10240x128xf32, #tpu.memory_space<hbm>>) dst(%dma_wait3A_926 : memref<128x128xf32, #tpu.memory_space<vmem>>)
      %dma_start3A_937 = arith.constant 0 : i32
      %dma_start3A_938 = arith.constant 0 : i32
      %dma_start3A_939 = arith.constant 0 : i32
      %dma_start3A_940 = tpu.memref_slice %arg8[%dma_start3A_937, %dma_start3A_938, %dma_start3A_939] : memref<2x128x128xf32, #tpu.memory_space<vmem>> -> memref<1x128x128xf32, #tpu.memory_space<vmem>>
      %dma_start3A_941 = tpu.memref_squeeze %dma_start3A_940 : memref<1x128x128xf32, #tpu.memory_space<vmem>> -> memref<128x128xf32, #tpu.memory_space<vmem>>
      %dma_start3A_942 = arith.constant 0 : i32
      %dma_start3A_943 = arith.constant 0 : i32
      %dma_start3A_944 = tpu.memref_slice %arg7[%scan3A_550, %dma_start3A_942, %dma_start3A_943] : memref<2x16x128xi32, #tpu.memory_space<vmem>> -> memref<1x16x128xi32, #tpu.memory_space<vmem>>
      %dma_start3A_945 = tpu.memref_squeeze %dma_start3A_944 : memref<1x16x128xi32, #tpu.memory_space<vmem>> -> memref<16x128xi32, #tpu.memory_space<vmem>>
      %dma_start3A_946 = arith.constant 0 : i32
      %dma_start3A_947 = tpu.memref_slice %dma_start3A_945[%add3A_921, %dma_start3A_946] : memref<16x128xi32, #tpu.memory_space<vmem>> -> memref<1x128xi32, #tpu.memory_space<vmem>>
      %dma_start3A_948 = tpu.memref_squeeze %dma_start3A_947 : memref<1x128xi32, #tpu.memory_space<vmem>> -> memref<128xi32, #tpu.memory_space<vmem>>
      %dma_start3A_949 = arith.constant 0 : i32
      %dma_start3A_950 = arith.constant 0 : i32
      %dma_start3A_951 = tpu.memref_slice %arg5[%dma_start3A_949, %dma_start3A_950] : memref<10240x128xf32, #tpu.memory_space<vmem_shared>> -> memref<10240x128xf32, #tpu.memory_space<vmem_shared>>
      tpu.enqueue_indirect_dma source(%dma_start3A_941 : memref<128x128xf32, #tpu.memory_space<vmem>>) target(%dma_start3A_951 : memref<10240x128xf32, #tpu.memory_space<vmem_shared>>) offsets(%dma_start3A_948 : memref<128xi32, #tpu.memory_space<vmem>>) semaphore(%arg11 : memref<!tpu.dma_semaphore, #tpu.memory_space<semaphore_mem>>) {add = true}
      %add3A_952 = arith.constant 2 : i32
      %add3A_953 = arith.addi %add3A_921, %add3A_952 : i32
      %sub3A = arith.constant 1 : i32
      %sub3A_954 = arith.subi %add3A_953, %sub3A : i32
      %ge3A = arith.constant 1 : i32
      %ge3A_955 = arith.cmpi sge, %add3A_921, %ge3A : i32
      %lt3A = arith.constant 16 : i32
      %lt3A_956 = arith.cmpi slt, %sub3A_954, %lt3A : i32
      %and3A = arith.andi %ge3A_955, %lt3A_956 : i1
      %convert_element_type3A = arith.extui %and3A : i1 to i32
      %cond3A = arith.constant 0 : i32
      %cond3A_957 = arith.cmpi ne, %convert_element_type3A, %cond3A : i32
      scf.if %cond3A_957 {
        %dma_wait3A_1002 = arith.constant 1 : i32
        %dma_wait3A_1003 = arith.constant 0 : i32
        %dma_wait3A_1004 = arith.constant 0 : i32
        %dma_wait3A_1005 = tpu.memref_slice %arg8[%dma_wait3A_1002, %dma_wait3A_1003, %dma_wait3A_1004] : memref<2x128x128xf32, #tpu.memory_space<vmem>> -> memref<1x128x128xf32, #tpu.memory_space<vmem>>
        %dma_wait3A_1006 = tpu.memref_squeeze %dma_wait3A_1005 : memref<1x128x128xf32, #tpu.memory_space<vmem>> -> memref<128x128xf32, #tpu.memory_space<vmem>>
        %dma_wait3A_1007 = arith.constant 0 : i32
        %dma_wait3A_1008 = arith.constant 0 : i32
        %dma_wait3A_1009 = tpu.memref_slice %arg7[%scan3A_550, %dma_wait3A_1007, %dma_wait3A_1008] : memref<2x16x128xi32, #tpu.memory_space<vmem>> -> memref<1x16x128xi32, #tpu.memory_space<vmem>>
        %dma_wait3A_1010 = tpu.memref_squeeze %dma_wait3A_1009 : memref<1x16x128xi32, #tpu.memory_space<vmem>> -> memref<16x128xi32, #tpu.memory_space<vmem>>
        %dma_wait3A_1011 = arith.constant 0 : i32
        %dma_wait3A_1012 = tpu.memref_slice %dma_wait3A_1010[%add3A_921, %dma_wait3A_1011] : memref<16x128xi32, #tpu.memory_space<vmem>> -> memref<1x128xi32, #tpu.memory_space<vmem>>
        %dma_wait3A_1013 = tpu.memref_squeeze %dma_wait3A_1012 : memref<1x128xi32, #tpu.memory_space<vmem>> -> memref<128xi32, #tpu.memory_space<vmem>>
        %dma_wait3A_1014 = arith.constant 0 : i32
        %dma_wait3A_1015 = arith.constant 0 : i32
        %dma_wait3A_1016 = tpu.memref_slice %arg5[%dma_wait3A_1014, %dma_wait3A_1015] : memref<10240x128xf32, #tpu.memory_space<vmem_shared>> -> memref<10240x128xf32, #tpu.memory_space<vmem_shared>>
        tpu.wait_indirect_dma semaphore(%arg12 : memref<!tpu.dma_semaphore, #tpu.memory_space<semaphore_mem>>) src(%dma_wait3A_1006 : memref<128x128xf32, #tpu.memory_space<vmem>>) dst(%dma_wait3A_1016 : memref<10240x128xf32, #tpu.memory_space<vmem_shared>>)
        %dma_start3A_1017 = arith.constant 1 : i32
        %dma_start3A_1018 = arith.constant 0 : i32
        %dma_start3A_1019 = arith.constant 0 : i32
        %dma_start3A_1020 = tpu.memref_slice %arg8[%dma_start3A_1017, %dma_start3A_1018, %dma_start3A_1019] : memref<2x128x128xf32, #tpu.memory_space<vmem>> -> memref<1x128x128xf32, #tpu.memory_space<vmem>>
        %dma_start3A_1021 = tpu.memref_squeeze %dma_start3A_1020 : memref<1x128x128xf32, #tpu.memory_space<vmem>> -> memref<128x128xf32, #tpu.memory_space<vmem>>
        %dma_start3A_1022 = arith.constant 0 : i32
        %dma_start3A_1023 = arith.constant 0 : i32
        %dma_start3A_1024 = tpu.memref_slice %arg6[%scan3A_549, %dma_start3A_1022, %dma_start3A_1023] : memref<2x16x128xi32, #tpu.memory_space<vmem>> -> memref<1x16x128xi32, #tpu.memory_space<vmem>>
        %dma_start3A_1025 = tpu.memref_squeeze %dma_start3A_1024 : memref<1x16x128xi32, #tpu.memory_space<vmem>> -> memref<16x128xi32, #tpu.memory_space<vmem>>
        %dma_start3A_1026 = arith.constant 0 : i32
        %dma_start3A_1027 = tpu.memref_slice %dma_start3A_1025[%sub3A_954, %dma_start3A_1026] : memref<16x128xi32, #tpu.memory_space<vmem>> -> memref<1x128xi32, #tpu.memory_space<vmem>>
        %dma_start3A_1028 = tpu.memref_squeeze %dma_start3A_1027 : memref<1x128xi32, #tpu.memory_space<vmem>> -> memref<128xi32, #tpu.memory_space<vmem>>
        %dma_start3A_1029 = arith.constant 0 : i32
        %dma_start3A_1030 = arith.constant 0 : i32
        %dma_start3A_1031 = tpu.memref_slice %arg2[%dma_start3A_1029, %dma_start3A_1030] : memref<10240x128xf32, #tpu.memory_space<hbm>> -> memref<10240x128xf32, #tpu.memory_space<hbm>>
        tpu.enqueue_indirect_dma source(%dma_start3A_1031 : memref<10240x128xf32, #tpu.memory_space<hbm>>) target(%dma_start3A_1021 : memref<128x128xf32, #tpu.memory_space<vmem>>) offsets(%dma_start3A_1028 : memref<128xi32, #tpu.memory_space<vmem>>) semaphore(%arg10 : memref<!tpu.dma_semaphore, #tpu.memory_space<semaphore_mem>>)
      } else {
      }
      %add3A_958 = arith.constant 1 : i32
      %add3A_959 = arith.addi %add3A_919, %add3A_958 : i32
      %dma_wait3A_960 = arith.constant 1 : i32
      %dma_wait3A_961 = arith.constant 0 : i32
      %dma_wait3A_962 = arith.constant 0 : i32
      %dma_wait3A_963 = tpu.memref_slice %arg8[%dma_wait3A_960, %dma_wait3A_961, %dma_wait3A_962] : memref<2x128x128xf32, #tpu.memory_space<vmem>> -> memref<1x128x128xf32, #tpu.memory_space<vmem>>
      %dma_wait3A_964 = tpu.memref_squeeze %dma_wait3A_963 : memref<1x128x128xf32, #tpu.memory_space<vmem>> -> memref<128x128xf32, #tpu.memory_space<vmem>>
      %dma_wait3A_965 = arith.constant 0 : i32
      %dma_wait3A_966 = arith.constant 0 : i32
      %dma_wait3A_967 = tpu.memref_slice %arg6[%scan3A_549, %dma_wait3A_965, %dma_wait3A_966] : memref<2x16x128xi32, #tpu.memory_space<vmem>> -> memref<1x16x128xi32, #tpu.memory_space<vmem>>
      %dma_wait3A_968 = tpu.memref_squeeze %dma_wait3A_967 : memref<1x16x128xi32, #tpu.memory_space<vmem>> -> memref<16x128xi32, #tpu.memory_space<vmem>>
      %dma_wait3A_969 = arith.constant 0 : i32
      %dma_wait3A_970 = tpu.memref_slice %dma_wait3A_968[%add3A_959, %dma_wait3A_969] : memref<16x128xi32, #tpu.memory_space<vmem>> -> memref<1x128xi32, #tpu.memory_space<vmem>>
      %dma_wait3A_971 = tpu.memref_squeeze %dma_wait3A_970 : memref<1x128xi32, #tpu.memory_space<vmem>> -> memref<128xi32, #tpu.memory_space<vmem>>
      %dma_wait3A_972 = arith.constant 0 : i32
      %dma_wait3A_973 = arith.constant 0 : i32
      %dma_wait3A_974 = tpu.memref_slice %arg2[%dma_wait3A_972, %dma_wait3A_973] : memref<10240x128xf32, #tpu.memory_space<hbm>> -> memref<10240x128xf32, #tpu.memory_space<hbm>>
      tpu.wait_indirect_dma semaphore(%arg10 : memref<!tpu.dma_semaphore, #tpu.memory_space<semaphore_mem>>) src(%dma_wait3A_974 : memref<10240x128xf32, #tpu.memory_space<hbm>>) dst(%dma_wait3A_964 : memref<128x128xf32, #tpu.memory_space<vmem>>)
      %dma_start3A_975 = arith.constant 1 : i32
      %dma_start3A_976 = arith.constant 0 : i32
      %dma_start3A_977 = arith.constant 0 : i32
      %dma_start3A_978 = tpu.memref_slice %arg8[%dma_start3A_975, %dma_start3A_976, %dma_start3A_977] : memref<2x128x128xf32, #tpu.memory_space<vmem>> -> memref<1x128x128xf32, #tpu.memory_space<vmem>>
      %dma_start3A_979 = tpu.memref_squeeze %dma_start3A_978 : memref<1x128x128xf32, #tpu.memory_space<vmem>> -> memref<128x128xf32, #tpu.memory_space<vmem>>
      %dma_start3A_980 = arith.constant 0 : i32
      %dma_start3A_981 = arith.constant 0 : i32
      %dma_start3A_982 = tpu.memref_slice %arg7[%scan3A_550, %dma_start3A_980, %dma_start3A_981] : memref<2x16x128xi32, #tpu.memory_space<vmem>> -> memref<1x16x128xi32, #tpu.memory_space<vmem>>
      %dma_start3A_983 = tpu.memref_squeeze %dma_start3A_982 : memref<1x16x128xi32, #tpu.memory_space<vmem>> -> memref<16x128xi32, #tpu.memory_space<vmem>>
      %dma_start3A_984 = arith.constant 0 : i32
      %dma_start3A_985 = tpu.memref_slice %dma_start3A_983[%add3A_959, %dma_start3A_984] : memref<16x128xi32, #tpu.memory_space<vmem>> -> memref<1x128xi32, #tpu.memory_space<vmem>>
      %dma_start3A_986 = tpu.memref_squeeze %dma_start3A_985 : memref<1x128xi32, #tpu.memory_space<vmem>> -> memref<128xi32, #tpu.memory_space<vmem>>
      %dma_start3A_987 = arith.constant 0 : i32
      %dma_start3A_988 = arith.constant 0 : i32
      %dma_start3A_989 = tpu.memref_slice %arg5[%dma_start3A_987, %dma_start3A_988] : memref<10240x128xf32, #tpu.memory_space<vmem_shared>> -> memref<10240x128xf32, #tpu.memory_space<vmem_shared>>
      tpu.enqueue_indirect_dma source(%dma_start3A_979 : memref<128x128xf32, #tpu.memory_space<vmem>>) target(%dma_start3A_989 : memref<10240x128xf32, #tpu.memory_space<vmem_shared>>) offsets(%dma_start3A_986 : memref<128xi32, #tpu.memory_space<vmem>>) semaphore(%arg12 : memref<!tpu.dma_semaphore, #tpu.memory_space<semaphore_mem>>) {add = true}
      %add3A_990 = arith.constant 2 : i32
      %add3A_991 = arith.addi %add3A_959, %add3A_990 : i32
      %sub3A_992 = arith.constant 1 : i32
      %sub3A_993 = arith.subi %add3A_991, %sub3A_992 : i32
      %ge3A_994 = arith.constant 1 : i32
      %ge3A_995 = arith.cmpi sge, %add3A_959, %ge3A_994 : i32
      %lt3A_996 = arith.constant 16 : i32
      %lt3A_997 = arith.cmpi slt, %sub3A_993, %lt3A_996 : i32
      %and3A_998 = arith.andi %ge3A_995, %lt3A_997 : i1
      %convert_element_type3A_999 = arith.extui %and3A_998 : i1 to i32
      %cond3A_1000 = arith.constant 0 : i32
      %cond3A_1001 = arith.cmpi ne, %convert_element_type3A_999, %cond3A_1000 : i32
      scf.if %cond3A_1001 {
        %dma_wait3A_1002 = arith.constant 0 : i32
        %dma_wait3A_1003 = arith.constant 0 : i32
        %dma_wait3A_1004 = arith.constant 0 : i32
        %dma_wait3A_1005 = tpu.memref_slice %arg8[%dma_wait3A_1002, %dma_wait3A_1003, %dma_wait3A_1004] : memref<2x128x128xf32, #tpu.memory_space<vmem>> -> memref<1x128x128xf32, #tpu.memory_space<vmem>>
        %dma_wait3A_1006 = tpu.memref_squeeze %dma_wait3A_1005 : memref<1x128x128xf32, #tpu.memory_space<vmem>> -> memref<128x128xf32, #tpu.memory_space<vmem>>
        %dma_wait3A_1007 = arith.constant 0 : i32
        %dma_wait3A_1008 = arith.constant 0 : i32
        %dma_wait3A_1009 = tpu.memref_slice %arg7[%scan3A_550, %dma_wait3A_1007, %dma_wait3A_1008] : memref<2x16x128xi32, #tpu.memory_space<vmem>> -> memref<1x16x128xi32, #tpu.memory_space<vmem>>
        %dma_wait3A_1010 = tpu.memref_squeeze %dma_wait3A_1009 : memref<1x16x128xi32, #tpu.memory_space<vmem>> -> memref<16x128xi32, #tpu.memory_space<vmem>>
        %dma_wait3A_1011 = arith.constant 0 : i32
        %dma_wait3A_1012 = tpu.memref_slice %dma_wait3A_1010[%add3A_959, %dma_wait3A_1011] : memref<16x128xi32, #tpu.memory_space<vmem>> -> memref<1x128xi32, #tpu.memory_space<vmem>>
        %dma_wait3A_1013 = tpu.memref_squeeze %dma_wait3A_1012 : memref<1x128xi32, #tpu.memory_space<vmem>> -> memref<128xi32, #tpu.memory_space<vmem>>
        %dma_wait3A_1014 = arith.constant 0 : i32
        %dma_wait3A_1015 = arith.constant 0 : i32
        %dma_wait3A_1016 = tpu.memref_slice %arg5[%dma_wait3A_1014, %dma_wait3A_1015] : memref<10240x128xf32, #tpu.memory_space<vmem_shared>> -> memref<10240x128xf32, #tpu.memory_space<vmem_shared>>
        tpu.wait_indirect_dma semaphore(%arg11 : memref<!tpu.dma_semaphore, #tpu.memory_space<semaphore_mem>>) src(%dma_wait3A_1006 : memref<128x128xf32, #tpu.memory_space<vmem>>) dst(%dma_wait3A_1016 : memref<10240x128xf32, #tpu.memory_space<vmem_shared>>)
        %dma_start3A_1017 = arith.constant 0 : i32
        %dma_start3A_1018 = arith.constant 0 : i32
        %dma_start3A_1019 = arith.constant 0 : i32
        %dma_start3A_1020 = tpu.memref_slice %arg8[%dma_start3A_1017, %dma_start3A_1018, %dma_start3A_1019] : memref<2x128x128xf32, #tpu.memory_space<vmem>> -> memref<1x128x128xf32, #tpu.memory_space<vmem>>
        %dma_start3A_1021 = tpu.memref_squeeze %dma_start3A_1020 : memref<1x128x128xf32, #tpu.memory_space<vmem>> -> memref<128x128xf32, #tpu.memory_space<vmem>>
        %dma_start3A_1022 = arith.constant 0 : i32
        %dma_start3A_1023 = arith.constant 0 : i32
        %dma_start3A_1024 = tpu.memref_slice %arg6[%scan3A_549, %dma_start3A_1022, %dma_start3A_1023] : memref<2x16x128xi32, #tpu.memory_space<vmem>> -> memref<1x16x128xi32, #tpu.memory_space<vmem>>
        %dma_start3A_1025 = tpu.memref_squeeze %dma_start3A_1024 : memref<1x16x128xi32, #tpu.memory_space<vmem>> -> memref<16x128xi32, #tpu.memory_space<vmem>>
        %dma_start3A_1026 = arith.constant 0 : i32
        %dma_start3A_1027 = tpu.memref_slice %dma_start3A_1025[%sub3A_993, %dma_start3A_1026] : memref<16x128xi32, #tpu.memory_space<vmem>> -> memref<1x128xi32, #tpu.memory_space<vmem>>
        %dma_start3A_1028 = tpu.memref_squeeze %dma_start3A_1027 : memref<1x128xi32, #tpu.memory_space<vmem>> -> memref<128xi32, #tpu.memory_space<vmem>>
        %dma_start3A_1029 = arith.constant 0 : i32
        %dma_start3A_1030 = arith.constant 0 : i32
        %dma_start3A_1031 = tpu.memref_slice %arg2[%dma_start3A_1029, %dma_start3A_1030] : memref<10240x128xf32, #tpu.memory_space<hbm>> -> memref<10240x128xf32, #tpu.memory_space<hbm>>
        tpu.enqueue_indirect_dma source(%dma_start3A_1031 : memref<10240x128xf32, #tpu.memory_space<hbm>>) target(%dma_start3A_1021 : memref<128x128xf32, #tpu.memory_space<vmem>>) offsets(%dma_start3A_1028 : memref<128xi32, #tpu.memory_space<vmem>>) semaphore(%arg9 : memref<!tpu.dma_semaphore, #tpu.memory_space<semaphore_mem>>)
      } else {
      }
    }
    %scan3A_555 = arith.constant 8 : i32
    %dma_wait3A_556 = arith.constant 0 : i32
    %dma_wait3A_557 = arith.constant 0 : i32
    %dma_wait3A_558 = arith.constant 0 : i32
    %dma_wait3A_559 = arith.constant 0 : i32
    %dma_wait3A_560 = arith.constant 0 : i32
    %dma_wait3A_561 = tpu.memref_slice %arg8[%dma_wait3A_556, %dma_wait3A_559, %dma_wait3A_560] : memref<2x128x128xf32, #tpu.memory_space<vmem>> -> memref<1x128x128xf32, #tpu.memory_space<vmem>>
    %dma_wait3A_562 = tpu.memref_squeeze %dma_wait3A_561 : memref<1x128x128xf32, #tpu.memory_space<vmem>> -> memref<128x128xf32, #tpu.memory_space<vmem>>
    %dma_wait3A_563 = arith.constant 0 : i32
    %dma_wait3A_564 = arith.constant 0 : i32
    %dma_wait3A_565 = tpu.memref_slice %arg7[%dma_wait3A_557, %dma_wait3A_563, %dma_wait3A_564] : memref<2x16x128xi32, #tpu.memory_space<vmem>> -> memref<1x16x128xi32, #tpu.memory_space<vmem>>
    %dma_wait3A_566 = tpu.memref_squeeze %dma_wait3A_565 : memref<1x16x128xi32, #tpu.memory_space<vmem>> -> memref<16x128xi32, #tpu.memory_space<vmem>>
    %dma_wait3A_567 = arith.constant 0 : i32
    %dma_wait3A_568 = tpu.memref_slice %dma_wait3A_566[%dma_wait3A_558, %dma_wait3A_567] : memref<16x128xi32, #tpu.memory_space<vmem>> -> memref<1x128xi32, #tpu.memory_space<vmem>>
    %dma_wait3A_569 = tpu.memref_squeeze %dma_wait3A_568 : memref<1x128xi32, #tpu.memory_space<vmem>> -> memref<128xi32, #tpu.memory_space<vmem>>
    %dma_wait3A_570 = arith.constant 0 : i32
    %dma_wait3A_571 = arith.constant 0 : i32
    %dma_wait3A_572 = tpu.memref_slice %arg5[%dma_wait3A_570, %dma_wait3A_571] : memref<10240x128xf32, #tpu.memory_space<vmem_shared>> -> memref<10240x128xf32, #tpu.memory_space<vmem_shared>>
    tpu.wait_indirect_dma semaphore(%arg11 : memref<!tpu.dma_semaphore, #tpu.memory_space<semaphore_mem>>) src(%dma_wait3A_562 : memref<128x128xf32, #tpu.memory_space<vmem>>) dst(%dma_wait3A_572 : memref<10240x128xf32, #tpu.memory_space<vmem_shared>>)
    %dma_wait3A_573 = arith.constant 1 : i32
    %dma_wait3A_574 = arith.constant 0 : i32
    %dma_wait3A_575 = arith.constant 0 : i32
    %dma_wait3A_576 = arith.constant 0 : i32
    %dma_wait3A_577 = arith.constant 0 : i32
    %dma_wait3A_578 = tpu.memref_slice %arg8[%dma_wait3A_573, %dma_wait3A_576, %dma_wait3A_577] : memref<2x128x128xf32, #tpu.memory_space<vmem>> -> memref<1x128x128xf32, #tpu.memory_space<vmem>>
    %dma_wait3A_579 = tpu.memref_squeeze %dma_wait3A_578 : memref<1x128x128xf32, #tpu.memory_space<vmem>> -> memref<128x128xf32, #tpu.memory_space<vmem>>
    %dma_wait3A_580 = arith.constant 0 : i32
    %dma_wait3A_581 = arith.constant 0 : i32
    %dma_wait3A_582 = tpu.memref_slice %arg7[%dma_wait3A_574, %dma_wait3A_580, %dma_wait3A_581] : memref<2x16x128xi32, #tpu.memory_space<vmem>> -> memref<1x16x128xi32, #tpu.memory_space<vmem>>
    %dma_wait3A_583 = tpu.memref_squeeze %dma_wait3A_582 : memref<1x16x128xi32, #tpu.memory_space<vmem>> -> memref<16x128xi32, #tpu.memory_space<vmem>>
    %dma_wait3A_584 = arith.constant 0 : i32
    %dma_wait3A_585 = tpu.memref_slice %dma_wait3A_583[%dma_wait3A_575, %dma_wait3A_584] : memref<16x128xi32, #tpu.memory_space<vmem>> -> memref<1x128xi32, #tpu.memory_space<vmem>>
    %dma_wait3A_586 = tpu.memref_squeeze %dma_wait3A_585 : memref<1x128xi32, #tpu.memory_space<vmem>> -> memref<128xi32, #tpu.memory_space<vmem>>
    %dma_wait3A_587 = arith.constant 0 : i32
    %dma_wait3A_588 = arith.constant 0 : i32
    %dma_wait3A_589 = tpu.memref_slice %arg5[%dma_wait3A_587, %dma_wait3A_588] : memref<10240x128xf32, #tpu.memory_space<vmem_shared>> -> memref<10240x128xf32, #tpu.memory_space<vmem_shared>>
    tpu.wait_indirect_dma semaphore(%arg12 : memref<!tpu.dma_semaphore, #tpu.memory_space<semaphore_mem>>) src(%dma_wait3A_579 : memref<128x128xf32, #tpu.memory_space<vmem>>) dst(%dma_wait3A_589 : memref<10240x128xf32, #tpu.memory_space<vmem_shared>>)
    %mul3A_590 = arith.constant 80 : i32
    %mul3A_591 = arith.muli %add3A, %mul3A_590 : i32
    %add3A_592 = arith.constant 48 : i32
    %add3A_593 = arith.addi %mul3A_591, %add3A_592 : i32
    %dma_wait3A_594 = arith.constant 0 : i32
    %dma_wait3A_595 = arith.constant 1 : i32
    %dma_wait3A_596 = arith.constant 0 : i32
    %dma_wait3A_597 = arith.constant 0 : i32
    %dma_wait3A_598 = tpu.memref_slice %arg6[%dma_wait3A_595, %dma_wait3A_596, %dma_wait3A_597] : memref<2x16x128xi32, #tpu.memory_space<vmem>> -> memref<1x16x128xi32, #tpu.memory_space<vmem>>
    %dma_wait3A_599 = tpu.memref_squeeze %dma_wait3A_598 : memref<1x16x128xi32, #tpu.memory_space<vmem>> -> memref<16x128xi32, #tpu.memory_space<vmem>>
    %dma_wait3A_600 = arith.constant 0 : i32
    %dma_wait3A_601 = arith.constant 0 : i32
    %dma_wait3A_602 = tpu.memref_slice %arg3[%dma_wait3A_594, %dma_wait3A_600, %dma_wait3A_601] : memref<2x2560x128xi32, #tpu.memory_space<hbm>> -> memref<1x2560x128xi32, #tpu.memory_space<hbm>>
    %dma_wait3A_603 = tpu.memref_squeeze %dma_wait3A_602 : memref<1x2560x128xi32, #tpu.memory_space<hbm>> -> memref<2560x128xi32, #tpu.memory_space<hbm>>
    %dma_wait3A_604 = arith.constant 0 : i32
    %dma_wait3A_605 = tpu.memref_slice %dma_wait3A_603[%add3A_593, %dma_wait3A_604] : memref<2560x128xi32, #tpu.memory_space<hbm>> -> memref<16x128xi32, #tpu.memory_space<hbm>>
    %dma_wait3A_606 = arith.constant 0 : i32
    %dma_wait3A_607 = arith.constant 0 : i32
    %dma_wait3A_608 = tpu.memref_slice %arg6[%dma_wait3A_595, %dma_wait3A_606, %dma_wait3A_607] : memref<2x16x128xi32, #tpu.memory_space<vmem>> -> memref<1x16x128xi32, #tpu.memory_space<vmem>>
    %dma_wait3A_609 = tpu.memref_squeeze %dma_wait3A_608 : memref<1x16x128xi32, #tpu.memory_space<vmem>> -> memref<16x128xi32, #tpu.memory_space<vmem>>
    %dma_wait3A_610 = arith.constant 0 : i32
    %dma_wait3A_611 = arith.constant 0 : i32
    %dma_wait3A_612 = tpu.memref_slice %arg3[%dma_wait3A_594, %dma_wait3A_610, %dma_wait3A_611] : memref<2x2560x128xi32, #tpu.memory_space<hbm>> -> memref<1x2560x128xi32, #tpu.memory_space<hbm>>
    %dma_wait3A_613 = tpu.memref_squeeze %dma_wait3A_612 : memref<1x2560x128xi32, #tpu.memory_space<hbm>> -> memref<2560x128xi32, #tpu.memory_space<hbm>>
    %dma_wait3A_614 = arith.constant 0 : i32
    %dma_wait3A_615 = tpu.memref_slice %dma_wait3A_613[%add3A_593, %dma_wait3A_614] : memref<2560x128xi32, #tpu.memory_space<hbm>> -> memref<16x128xi32, #tpu.memory_space<hbm>>
    tpu.wait_dma2 semaphore(%arg13 : memref<!tpu.dma_semaphore, #tpu.memory_space<semaphore_mem>>) src(%dma_wait3A_615 : memref<16x128xi32, #tpu.memory_space<hbm>>) dst(%dma_wait3A_609 : memref<16x128xi32, #tpu.memory_space<vmem>>)
    %dma_wait3A_616 = arith.constant 1 : i32
    %dma_wait3A_617 = arith.constant 1 : i32
    %dma_wait3A_618 = arith.constant 0 : i32
    %dma_wait3A_619 = arith.constant 0 : i32
    %dma_wait3A_620 = tpu.memref_slice %arg7[%dma_wait3A_617, %dma_wait3A_618, %dma_wait3A_619] : memref<2x16x128xi32, #tpu.memory_space<vmem>> -> memref<1x16x128xi32, #tpu.memory_space<vmem>>
    %dma_wait3A_621 = tpu.memref_squeeze %dma_wait3A_620 : memref<1x16x128xi32, #tpu.memory_space<vmem>> -> memref<16x128xi32, #tpu.memory_space<vmem>>
    %dma_wait3A_622 = arith.constant 0 : i32
    %dma_wait3A_623 = arith.constant 0 : i32
    %dma_wait3A_624 = tpu.memref_slice %arg3[%dma_wait3A_616, %dma_wait3A_622, %dma_wait3A_623] : memref<2x2560x128xi32, #tpu.memory_space<hbm>> -> memref<1x2560x128xi32, #tpu.memory_space<hbm>>
    %dma_wait3A_625 = tpu.memref_squeeze %dma_wait3A_624 : memref<1x2560x128xi32, #tpu.memory_space<hbm>> -> memref<2560x128xi32, #tpu.memory_space<hbm>>
    %dma_wait3A_626 = arith.constant 0 : i32
    %dma_wait3A_627 = tpu.memref_slice %dma_wait3A_625[%add3A_593, %dma_wait3A_626] : memref<2560x128xi32, #tpu.memory_space<hbm>> -> memref<16x128xi32, #tpu.memory_space<hbm>>
    %dma_wait3A_628 = arith.constant 0 : i32
    %dma_wait3A_629 = arith.constant 0 : i32
    %dma_wait3A_630 = tpu.memref_slice %arg7[%dma_wait3A_617, %dma_wait3A_628, %dma_wait3A_629] : memref<2x16x128xi32, #tpu.memory_space<vmem>> -> memref<1x16x128xi32, #tpu.memory_space<vmem>>
    %dma_wait3A_631 = tpu.memref_squeeze %dma_wait3A_630 : memref<1x16x128xi32, #tpu.memory_space<vmem>> -> memref<16x128xi32, #tpu.memory_space<vmem>>
    %dma_wait3A_632 = arith.constant 0 : i32
    %dma_wait3A_633 = arith.constant 0 : i32
    %dma_wait3A_634 = tpu.memref_slice %arg3[%dma_wait3A_616, %dma_wait3A_632, %dma_wait3A_633] : memref<2x2560x128xi32, #tpu.memory_space<hbm>> -> memref<1x2560x128xi32, #tpu.memory_space<hbm>>
    %dma_wait3A_635 = tpu.memref_squeeze %dma_wait3A_634 : memref<1x2560x128xi32, #tpu.memory_space<hbm>> -> memref<2560x128xi32, #tpu.memory_space<hbm>>
    %dma_wait3A_636 = arith.constant 0 : i32
    %dma_wait3A_637 = tpu.memref_slice %dma_wait3A_635[%add3A_593, %dma_wait3A_636] : memref<2560x128xi32, #tpu.memory_space<hbm>> -> memref<16x128xi32, #tpu.memory_space<hbm>>
    tpu.wait_dma2 semaphore(%arg14 : memref<!tpu.dma_semaphore, #tpu.memory_space<semaphore_mem>>) src(%dma_wait3A_637 : memref<16x128xi32, #tpu.memory_space<hbm>>) dst(%dma_wait3A_631 : memref<16x128xi32, #tpu.memory_space<vmem>>)
    %mul3A_638 = arith.constant 80 : i32
    %mul3A_639 = arith.muli %add3A, %mul3A_638 : i32
    %add3A_640 = arith.constant 64 : i32
    %add3A_641 = arith.addi %mul3A_639, %add3A_640 : i32
    %dma_start3A_642 = arith.constant 0 : i32
    %dma_start3A_643 = arith.constant 0 : i32
    %dma_start3A_644 = arith.constant 0 : i32
    %dma_start3A_645 = arith.constant 0 : i32
    %dma_start3A_646 = tpu.memref_slice %arg6[%dma_start3A_643, %dma_start3A_644, %dma_start3A_645] : memref<2x16x128xi32, #tpu.memory_space<vmem>> -> memref<1x16x128xi32, #tpu.memory_space<vmem>>
    %dma_start3A_647 = tpu.memref_squeeze %dma_start3A_646 : memref<1x16x128xi32, #tpu.memory_space<vmem>> -> memref<16x128xi32, #tpu.memory_space<vmem>>
    %dma_start3A_648 = arith.constant 0 : i32
    %dma_start3A_649 = arith.constant 0 : i32
    %dma_start3A_650 = tpu.memref_slice %arg3[%dma_start3A_642, %dma_start3A_648, %dma_start3A_649] : memref<2x2560x128xi32, #tpu.memory_space<hbm>> -> memref<1x2560x128xi32, #tpu.memory_space<hbm>>
    %dma_start3A_651 = tpu.memref_squeeze %dma_start3A_650 : memref<1x2560x128xi32, #tpu.memory_space<hbm>> -> memref<2560x128xi32, #tpu.memory_space<hbm>>
    %dma_start3A_652 = arith.constant 0 : i32
    %dma_start3A_653 = tpu.memref_slice %dma_start3A_651[%add3A_641, %dma_start3A_652] : memref<2560x128xi32, #tpu.memory_space<hbm>> -> memref<16x128xi32, #tpu.memory_space<hbm>>
    %dma_start3A_654 = arith.constant 0 : i32
    %dma_start3A_655 = arith.constant 0 : i32
    %dma_start3A_656 = tpu.memref_slice %arg6[%dma_start3A_643, %dma_start3A_654, %dma_start3A_655] : memref<2x16x128xi32, #tpu.memory_space<vmem>> -> memref<1x16x128xi32, #tpu.memory_space<vmem>>
    %dma_start3A_657 = tpu.memref_squeeze %dma_start3A_656 : memref<1x16x128xi32, #tpu.memory_space<vmem>> -> memref<16x128xi32, #tpu.memory_space<vmem>>
    %dma_start3A_658 = arith.constant 0 : i32
    %dma_start3A_659 = arith.constant 0 : i32
    %dma_start3A_660 = tpu.memref_slice %arg3[%dma_start3A_642, %dma_start3A_658, %dma_start3A_659] : memref<2x2560x128xi32, #tpu.memory_space<hbm>> -> memref<1x2560x128xi32, #tpu.memory_space<hbm>>
    %dma_start3A_661 = tpu.memref_squeeze %dma_start3A_660 : memref<1x2560x128xi32, #tpu.memory_space<hbm>> -> memref<2560x128xi32, #tpu.memory_space<hbm>>
    %dma_start3A_662 = arith.constant 0 : i32
    %dma_start3A_663 = tpu.memref_slice %dma_start3A_661[%add3A_641, %dma_start3A_662] : memref<2560x128xi32, #tpu.memory_space<hbm>> -> memref<16x128xi32, #tpu.memory_space<hbm>>
    tpu.enqueue_dma source(%dma_start3A_663 : memref<16x128xi32, #tpu.memory_space<hbm>>) target(%dma_start3A_657 : memref<16x128xi32, #tpu.memory_space<vmem>>) target_semaphore(%arg13 : memref<!tpu.dma_semaphore, #tpu.memory_space<semaphore_mem>>)
    %dma_start3A_664 = arith.constant 1 : i32
    %dma_start3A_665 = arith.constant 0 : i32
    %dma_start3A_666 = arith.constant 0 : i32
    %dma_start3A_667 = arith.constant 0 : i32
    %dma_start3A_668 = tpu.memref_slice %arg7[%dma_start3A_665, %dma_start3A_666, %dma_start3A_667] : memref<2x16x128xi32, #tpu.memory_space<vmem>> -> memref<1x16x128xi32, #tpu.memory_space<vmem>>
    %dma_start3A_669 = tpu.memref_squeeze %dma_start3A_668 : memref<1x16x128xi32, #tpu.memory_space<vmem>> -> memref<16x128xi32, #tpu.memory_space<vmem>>
    %dma_start3A_670 = arith.constant 0 : i32
    %dma_start3A_671 = arith.constant 0 : i32
    %dma_start3A_672 = tpu.memref_slice %arg3[%dma_start3A_664, %dma_start3A_670, %dma_start3A_671] : memref<2x2560x128xi32, #tpu.memory_space<hbm>> -> memref<1x2560x128xi32, #tpu.memory_space<hbm>>
    %dma_start3A_673 = tpu.memref_squeeze %dma_start3A_672 : memref<1x2560x128xi32, #tpu.memory_space<hbm>> -> memref<2560x128xi32, #tpu.memory_space<hbm>>
    %dma_start3A_674 = arith.constant 0 : i32
    %dma_start3A_675 = tpu.memref_slice %dma_start3A_673[%add3A_641, %dma_start3A_674] : memref<2560x128xi32, #tpu.memory_space<hbm>> -> memref<16x128xi32, #tpu.memory_space<hbm>>
    %dma_start3A_676 = arith.constant 0 : i32
    %dma_start3A_677 = arith.constant 0 : i32
    %dma_start3A_678 = tpu.memref_slice %arg7[%dma_start3A_665, %dma_start3A_676, %dma_start3A_677] : memref<2x16x128xi32, #tpu.memory_space<vmem>> -> memref<1x16x128xi32, #tpu.memory_space<vmem>>
    %dma_start3A_679 = tpu.memref_squeeze %dma_start3A_678 : memref<1x16x128xi32, #tpu.memory_space<vmem>> -> memref<16x128xi32, #tpu.memory_space<vmem>>
    %dma_start3A_680 = arith.constant 0 : i32
    %dma_start3A_681 = arith.constant 0 : i32
    %dma_start3A_682 = tpu.memref_slice %arg3[%dma_start3A_664, %dma_start3A_680, %dma_start3A_681] : memref<2x2560x128xi32, #tpu.memory_space<hbm>> -> memref<1x2560x128xi32, #tpu.memory_space<hbm>>
    %dma_start3A_683 = tpu.memref_squeeze %dma_start3A_682 : memref<1x2560x128xi32, #tpu.memory_space<hbm>> -> memref<2560x128xi32, #tpu.memory_space<hbm>>
    %dma_start3A_684 = arith.constant 0 : i32
    %dma_start3A_685 = tpu.memref_slice %dma_start3A_683[%add3A_641, %dma_start3A_684] : memref<2560x128xi32, #tpu.memory_space<hbm>> -> memref<16x128xi32, #tpu.memory_space<hbm>>
    tpu.enqueue_dma source(%dma_start3A_685 : memref<16x128xi32, #tpu.memory_space<hbm>>) target(%dma_start3A_679 : memref<16x128xi32, #tpu.memory_space<vmem>>) target_semaphore(%arg14 : memref<!tpu.dma_semaphore, #tpu.memory_space<semaphore_mem>>)
    %dma_start3A_686 = arith.constant 1 : i32
    %dma_start3A_687 = arith.constant 0 : i32
    %dma_start3A_688 = arith.constant 0 : i32
    %dma_start3A_689 = arith.constant 0 : i32
    %dma_start3A_690 = arith.constant 0 : i32
    %dma_start3A_691 = tpu.memref_slice %arg8[%dma_start3A_688, %dma_start3A_689, %dma_start3A_690] : memref<2x128x128xf32, #tpu.memory_space<vmem>> -> memref<1x128x128xf32, #tpu.memory_space<vmem>>
    %dma_start3A_692 = tpu.memref_squeeze %dma_start3A_691 : memref<1x128x128xf32, #tpu.memory_space<vmem>> -> memref<128x128xf32, #tpu.memory_space<vmem>>
    %dma_start3A_693 = arith.constant 0 : i32
    %dma_start3A_694 = arith.constant 0 : i32
    %dma_start3A_695 = tpu.memref_slice %arg6[%dma_start3A_686, %dma_start3A_693, %dma_start3A_694] : memref<2x16x128xi32, #tpu.memory_space<vmem>> -> memref<1x16x128xi32, #tpu.memory_space<vmem>>
    %dma_start3A_696 = tpu.memref_squeeze %dma_start3A_695 : memref<1x16x128xi32, #tpu.memory_space<vmem>> -> memref<16x128xi32, #tpu.memory_space<vmem>>
    %dma_start3A_697 = arith.constant 0 : i32
    %dma_start3A_698 = tpu.memref_slice %dma_start3A_696[%dma_start3A_687, %dma_start3A_697] : memref<16x128xi32, #tpu.memory_space<vmem>> -> memref<1x128xi32, #tpu.memory_space<vmem>>
    %dma_start3A_699 = tpu.memref_squeeze %dma_start3A_698 : memref<1x128xi32, #tpu.memory_space<vmem>> -> memref<128xi32, #tpu.memory_space<vmem>>
    %dma_start3A_700 = arith.constant 0 : i32
    %dma_start3A_701 = arith.constant 0 : i32
    %dma_start3A_702 = tpu.memref_slice %arg2[%dma_start3A_700, %dma_start3A_701] : memref<10240x128xf32, #tpu.memory_space<hbm>> -> memref<10240x128xf32, #tpu.memory_space<hbm>>
    tpu.enqueue_indirect_dma source(%dma_start3A_702 : memref<10240x128xf32, #tpu.memory_space<hbm>>) target(%dma_start3A_692 : memref<128x128xf32, #tpu.memory_space<vmem>>) offsets(%dma_start3A_699 : memref<128xi32, #tpu.memory_space<vmem>>) semaphore(%arg9 : memref<!tpu.dma_semaphore, #tpu.memory_space<semaphore_mem>>)
    %dma_start3A_703 = arith.constant 1 : i32
    %dma_start3A_704 = arith.constant 1 : i32
    %dma_start3A_705 = arith.constant 1 : i32
    %dma_start3A_706 = arith.constant 0 : i32
    %dma_start3A_707 = arith.constant 0 : i32
    %dma_start3A_708 = tpu.memref_slice %arg8[%dma_start3A_705, %dma_start3A_706, %dma_start3A_707] : memref<2x128x128xf32, #tpu.memory_space<vmem>> -> memref<1x128x128xf32, #tpu.memory_space<vmem>>
    %dma_start3A_709 = tpu.memref_squeeze %dma_start3A_708 : memref<1x128x128xf32, #tpu.memory_space<vmem>> -> memref<128x128xf32, #tpu.memory_space<vmem>>
    %dma_start3A_710 = arith.constant 0 : i32
    %dma_start3A_711 = arith.constant 0 : i32
    %dma_start3A_712 = tpu.memref_slice %arg6[%dma_start3A_703, %dma_start3A_710, %dma_start3A_711] : memref<2x16x128xi32, #tpu.memory_space<vmem>> -> memref<1x16x128xi32, #tpu.memory_space<vmem>>
    %dma_start3A_713 = tpu.memref_squeeze %dma_start3A_712 : memref<1x16x128xi32, #tpu.memory_space<vmem>> -> memref<16x128xi32, #tpu.memory_space<vmem>>
    %dma_start3A_714 = arith.constant 0 : i32
    %dma_start3A_715 = tpu.memref_slice %dma_start3A_713[%dma_start3A_704, %dma_start3A_714] : memref<16x128xi32, #tpu.memory_space<vmem>> -> memref<1x128xi32, #tpu.memory_space<vmem>>
    %dma_start3A_716 = tpu.memref_squeeze %dma_start3A_715 : memref<1x128xi32, #tpu.memory_space<vmem>> -> memref<128xi32, #tpu.memory_space<vmem>>
    %dma_start3A_717 = arith.constant 0 : i32
    %dma_start3A_718 = arith.constant 0 : i32
    %dma_start3A_719 = tpu.memref_slice %arg2[%dma_start3A_717, %dma_start3A_718] : memref<10240x128xf32, #tpu.memory_space<hbm>> -> memref<10240x128xf32, #tpu.memory_space<hbm>>
    tpu.enqueue_indirect_dma source(%dma_start3A_719 : memref<10240x128xf32, #tpu.memory_space<hbm>>) target(%dma_start3A_709 : memref<128x128xf32, #tpu.memory_space<vmem>>) offsets(%dma_start3A_716 : memref<128xi32, #tpu.memory_space<vmem>>) semaphore(%arg10 : memref<!tpu.dma_semaphore, #tpu.memory_space<semaphore_mem>>)
    %scan3A_720 = arith.constant 1 : i32
    %scan3A_721 = arith.constant 1 : i32
    %scan3A_722 = arith.constant 0 : i32
    %scan3A_723 = arith.constant 8 : i32
    %scan3A_724 = arith.addi %scan3A_722, %scan3A_723 : i32
    %scan3A_725 = arith.constant 1 : i32
    scf.for %scan3A_915 = %scan3A_722 to %scan3A_724 step %scan3A_725  : i32 {
      %mul3A_916 = arith.constant 2 : i32
      %mul3A_917 = arith.muli %scan3A_915, %mul3A_916 : i32
      %add3A_918 = arith.constant 0 : i32
      %add3A_919 = arith.addi %add3A_918, %mul3A_917 : i32
      %add3A_920 = arith.constant 0 : i32
      %add3A_921 = arith.addi %add3A_919, %add3A_920 : i32
      %dma_wait3A_922 = arith.constant 0 : i32
      %dma_wait3A_923 = arith.constant 0 : i32
      %dma_wait3A_924 = arith.constant 0 : i32
      %dma_wait3A_925 = tpu.memref_slice %arg8[%dma_wait3A_922, %dma_wait3A_923, %dma_wait3A_924] : memref<2x128x128xf32, #tpu.memory_space<vmem>> -> memref<1x128x128xf32, #tpu.memory_space<vmem>>
      %dma_wait3A_926 = tpu.memref_squeeze %dma_wait3A_925 : memref<1x128x128xf32, #tpu.memory_space<vmem>> -> memref<128x128xf32, #tpu.memory_space<vmem>>
      %dma_wait3A_927 = arith.constant 0 : i32
      %dma_wait3A_928 = arith.constant 0 : i32
      %dma_wait3A_929 = tpu.memref_slice %arg6[%scan3A_720, %dma_wait3A_927, %dma_wait3A_928] : memref<2x16x128xi32, #tpu.memory_space<vmem>> -> memref<1x16x128xi32, #tpu.memory_space<vmem>>
      %dma_wait3A_930 = tpu.memref_squeeze %dma_wait3A_929 : memref<1x16x128xi32, #tpu.memory_space<vmem>> -> memref<16x128xi32, #tpu.memory_space<vmem>>
      %dma_wait3A_931 = arith.constant 0 : i32
      %dma_wait3A_932 = tpu.memref_slice %dma_wait3A_930[%add3A_921, %dma_wait3A_931] : memref<16x128xi32, #tpu.memory_space<vmem>> -> memref<1x128xi32, #tpu.memory_space<vmem>>
      %dma_wait3A_933 = tpu.memref_squeeze %dma_wait3A_932 : memref<1x128xi32, #tpu.memory_space<vmem>> -> memref<128xi32, #tpu.memory_space<vmem>>
      %dma_wait3A_934 = arith.constant 0 : i32
      %dma_wait3A_935 = arith.constant 0 : i32
      %dma_wait3A_936 = tpu.memref_slice %arg2[%dma_wait3A_934, %dma_wait3A_935] : memref<10240x128xf32, #tpu.memory_space<hbm>> -> memref<10240x128xf32, #tpu.memory_space<hbm>>
      tpu.wait_indirect_dma semaphore(%arg9 : memref<!tpu.dma_semaphore, #tpu.memory_space<semaphore_mem>>) src(%dma_wait3A_936 : memref<10240x128xf32, #tpu.memory_space<hbm>>) dst(%dma_wait3A_926 : memref<128x128xf32, #tpu.memory_space<vmem>>)
      %dma_start3A_937 = arith.constant 0 : i32
      %dma_start3A_938 = arith.constant 0 : i32
      %dma_start3A_939 = arith.constant 0 : i32
      %dma_start3A_940 = tpu.memref_slice %arg8[%dma_start3A_937, %dma_start3A_938, %dma_start3A_939] : memref<2x128x128xf32, #tpu.memory_space<vmem>> -> memref<1x128x128xf32, #tpu.memory_space<vmem>>
      %dma_start3A_941 = tpu.memref_squeeze %dma_start3A_940 : memref<1x128x128xf32, #tpu.memory_space<vmem>> -> memref<128x128xf32, #tpu.memory_space<vmem>>
      %dma_start3A_942 = arith.constant 0 : i32
      %dma_start3A_943 = arith.constant 0 : i32
      %dma_start3A_944 = tpu.memref_slice %arg7[%scan3A_721, %dma_start3A_942, %dma_start3A_943] : memref<2x16x128xi32, #tpu.memory_space<vmem>> -> memref<1x16x128xi32, #tpu.memory_space<vmem>>
      %dma_start3A_945 = tpu.memref_squeeze %dma_start3A_944 : memref<1x16x128xi32, #tpu.memory_space<vmem>> -> memref<16x128xi32, #tpu.memory_space<vmem>>
      %dma_start3A_946 = arith.constant 0 : i32
      %dma_start3A_947 = tpu.memref_slice %dma_start3A_945[%add3A_921, %dma_start3A_946] : memref<16x128xi32, #tpu.memory_space<vmem>> -> memref<1x128xi32, #tpu.memory_space<vmem>>
      %dma_start3A_948 = tpu.memref_squeeze %dma_start3A_947 : memref<1x128xi32, #tpu.memory_space<vmem>> -> memref<128xi32, #tpu.memory_space<vmem>>
      %dma_start3A_949 = arith.constant 0 : i32
      %dma_start3A_950 = arith.constant 0 : i32
      %dma_start3A_951 = tpu.memref_slice %arg5[%dma_start3A_949, %dma_start3A_950] : memref<10240x128xf32, #tpu.memory_space<vmem_shared>> -> memref<10240x128xf32, #tpu.memory_space<vmem_shared>>
      tpu.enqueue_indirect_dma source(%dma_start3A_941 : memref<128x128xf32, #tpu.memory_space<vmem>>) target(%dma_start3A_951 : memref<10240x128xf32, #tpu.memory_space<vmem_shared>>) offsets(%dma_start3A_948 : memref<128xi32, #tpu.memory_space<vmem>>) semaphore(%arg11 : memref<!tpu.dma_semaphore, #tpu.memory_space<semaphore_mem>>) {add = true}
      %add3A_952 = arith.constant 2 : i32
      %add3A_953 = arith.addi %add3A_921, %add3A_952 : i32
      %sub3A = arith.constant 1 : i32
      %sub3A_954 = arith.subi %add3A_953, %sub3A : i32
      %ge3A = arith.constant 1 : i32
      %ge3A_955 = arith.cmpi sge, %add3A_921, %ge3A : i32
      %lt3A = arith.constant 16 : i32
      %lt3A_956 = arith.cmpi slt, %sub3A_954, %lt3A : i32
      %and3A = arith.andi %ge3A_955, %lt3A_956 : i1
      %convert_element_type3A = arith.extui %and3A : i1 to i32
      %cond3A = arith.constant 0 : i32
      %cond3A_957 = arith.cmpi ne, %convert_element_type3A, %cond3A : i32
      scf.if %cond3A_957 {
        %dma_wait3A_1002 = arith.constant 1 : i32
        %dma_wait3A_1003 = arith.constant 0 : i32
        %dma_wait3A_1004 = arith.constant 0 : i32
        %dma_wait3A_1005 = tpu.memref_slice %arg8[%dma_wait3A_1002, %dma_wait3A_1003, %dma_wait3A_1004] : memref<2x128x128xf32, #tpu.memory_space<vmem>> -> memref<1x128x128xf32, #tpu.memory_space<vmem>>
        %dma_wait3A_1006 = tpu.memref_squeeze %dma_wait3A_1005 : memref<1x128x128xf32, #tpu.memory_space<vmem>> -> memref<128x128xf32, #tpu.memory_space<vmem>>
        %dma_wait3A_1007 = arith.constant 0 : i32
        %dma_wait3A_1008 = arith.constant 0 : i32
        %dma_wait3A_1009 = tpu.memref_slice %arg7[%scan3A_721, %dma_wait3A_1007, %dma_wait3A_1008] : memref<2x16x128xi32, #tpu.memory_space<vmem>> -> memref<1x16x128xi32, #tpu.memory_space<vmem>>
        %dma_wait3A_1010 = tpu.memref_squeeze %dma_wait3A_1009 : memref<1x16x128xi32, #tpu.memory_space<vmem>> -> memref<16x128xi32, #tpu.memory_space<vmem>>
        %dma_wait3A_1011 = arith.constant 0 : i32
        %dma_wait3A_1012 = tpu.memref_slice %dma_wait3A_1010[%add3A_921, %dma_wait3A_1011] : memref<16x128xi32, #tpu.memory_space<vmem>> -> memref<1x128xi32, #tpu.memory_space<vmem>>
        %dma_wait3A_1013 = tpu.memref_squeeze %dma_wait3A_1012 : memref<1x128xi32, #tpu.memory_space<vmem>> -> memref<128xi32, #tpu.memory_space<vmem>>
        %dma_wait3A_1014 = arith.constant 0 : i32
        %dma_wait3A_1015 = arith.constant 0 : i32
        %dma_wait3A_1016 = tpu.memref_slice %arg5[%dma_wait3A_1014, %dma_wait3A_1015] : memref<10240x128xf32, #tpu.memory_space<vmem_shared>> -> memref<10240x128xf32, #tpu.memory_space<vmem_shared>>
        tpu.wait_indirect_dma semaphore(%arg12 : memref<!tpu.dma_semaphore, #tpu.memory_space<semaphore_mem>>) src(%dma_wait3A_1006 : memref<128x128xf32, #tpu.memory_space<vmem>>) dst(%dma_wait3A_1016 : memref<10240x128xf32, #tpu.memory_space<vmem_shared>>)
        %dma_start3A_1017 = arith.constant 1 : i32
        %dma_start3A_1018 = arith.constant 0 : i32
        %dma_start3A_1019 = arith.constant 0 : i32
        %dma_start3A_1020 = tpu.memref_slice %arg8[%dma_start3A_1017, %dma_start3A_1018, %dma_start3A_1019] : memref<2x128x128xf32, #tpu.memory_space<vmem>> -> memref<1x128x128xf32, #tpu.memory_space<vmem>>
        %dma_start3A_1021 = tpu.memref_squeeze %dma_start3A_1020 : memref<1x128x128xf32, #tpu.memory_space<vmem>> -> memref<128x128xf32, #tpu.memory_space<vmem>>
        %dma_start3A_1022 = arith.constant 0 : i32
        %dma_start3A_1023 = arith.constant 0 : i32
        %dma_start3A_1024 = tpu.memref_slice %arg6[%scan3A_720, %dma_start3A_1022, %dma_start3A_1023] : memref<2x16x128xi32, #tpu.memory_space<vmem>> -> memref<1x16x128xi32, #tpu.memory_space<vmem>>
        %dma_start3A_1025 = tpu.memref_squeeze %dma_start3A_1024 : memref<1x16x128xi32, #tpu.memory_space<vmem>> -> memref<16x128xi32, #tpu.memory_space<vmem>>
        %dma_start3A_1026 = arith.constant 0 : i32
        %dma_start3A_1027 = tpu.memref_slice %dma_start3A_1025[%sub3A_954, %dma_start3A_1026] : memref<16x128xi32, #tpu.memory_space<vmem>> -> memref<1x128xi32, #tpu.memory_space<vmem>>
        %dma_start3A_1028 = tpu.memref_squeeze %dma_start3A_1027 : memref<1x128xi32, #tpu.memory_space<vmem>> -> memref<128xi32, #tpu.memory_space<vmem>>
        %dma_start3A_1029 = arith.constant 0 : i32
        %dma_start3A_1030 = arith.constant 0 : i32
        %dma_start3A_1031 = tpu.memref_slice %arg2[%dma_start3A_1029, %dma_start3A_1030] : memref<10240x128xf32, #tpu.memory_space<hbm>> -> memref<10240x128xf32, #tpu.memory_space<hbm>>
        tpu.enqueue_indirect_dma source(%dma_start3A_1031 : memref<10240x128xf32, #tpu.memory_space<hbm>>) target(%dma_start3A_1021 : memref<128x128xf32, #tpu.memory_space<vmem>>) offsets(%dma_start3A_1028 : memref<128xi32, #tpu.memory_space<vmem>>) semaphore(%arg10 : memref<!tpu.dma_semaphore, #tpu.memory_space<semaphore_mem>>)
      } else {
      }
      %add3A_958 = arith.constant 1 : i32
      %add3A_959 = arith.addi %add3A_919, %add3A_958 : i32
      %dma_wait3A_960 = arith.constant 1 : i32
      %dma_wait3A_961 = arith.constant 0 : i32
      %dma_wait3A_962 = arith.constant 0 : i32
      %dma_wait3A_963 = tpu.memref_slice %arg8[%dma_wait3A_960, %dma_wait3A_961, %dma_wait3A_962] : memref<2x128x128xf32, #tpu.memory_space<vmem>> -> memref<1x128x128xf32, #tpu.memory_space<vmem>>
      %dma_wait3A_964 = tpu.memref_squeeze %dma_wait3A_963 : memref<1x128x128xf32, #tpu.memory_space<vmem>> -> memref<128x128xf32, #tpu.memory_space<vmem>>
      %dma_wait3A_965 = arith.constant 0 : i32
      %dma_wait3A_966 = arith.constant 0 : i32
      %dma_wait3A_967 = tpu.memref_slice %arg6[%scan3A_720, %dma_wait3A_965, %dma_wait3A_966] : memref<2x16x128xi32, #tpu.memory_space<vmem>> -> memref<1x16x128xi32, #tpu.memory_space<vmem>>
      %dma_wait3A_968 = tpu.memref_squeeze %dma_wait3A_967 : memref<1x16x128xi32, #tpu.memory_space<vmem>> -> memref<16x128xi32, #tpu.memory_space<vmem>>
      %dma_wait3A_969 = arith.constant 0 : i32
      %dma_wait3A_970 = tpu.memref_slice %dma_wait3A_968[%add3A_959, %dma_wait3A_969] : memref<16x128xi32, #tpu.memory_space<vmem>> -> memref<1x128xi32, #tpu.memory_space<vmem>>
      %dma_wait3A_971 = tpu.memref_squeeze %dma_wait3A_970 : memref<1x128xi32, #tpu.memory_space<vmem>> -> memref<128xi32, #tpu.memory_space<vmem>>
      %dma_wait3A_972 = arith.constant 0 : i32
      %dma_wait3A_973 = arith.constant 0 : i32
      %dma_wait3A_974 = tpu.memref_slice %arg2[%dma_wait3A_972, %dma_wait3A_973] : memref<10240x128xf32, #tpu.memory_space<hbm>> -> memref<10240x128xf32, #tpu.memory_space<hbm>>
      tpu.wait_indirect_dma semaphore(%arg10 : memref<!tpu.dma_semaphore, #tpu.memory_space<semaphore_mem>>) src(%dma_wait3A_974 : memref<10240x128xf32, #tpu.memory_space<hbm>>) dst(%dma_wait3A_964 : memref<128x128xf32, #tpu.memory_space<vmem>>)
      %dma_start3A_975 = arith.constant 1 : i32
      %dma_start3A_976 = arith.constant 0 : i32
      %dma_start3A_977 = arith.constant 0 : i32
      %dma_start3A_978 = tpu.memref_slice %arg8[%dma_start3A_975, %dma_start3A_976, %dma_start3A_977] : memref<2x128x128xf32, #tpu.memory_space<vmem>> -> memref<1x128x128xf32, #tpu.memory_space<vmem>>
      %dma_start3A_979 = tpu.memref_squeeze %dma_start3A_978 : memref<1x128x128xf32, #tpu.memory_space<vmem>> -> memref<128x128xf32, #tpu.memory_space<vmem>>
      %dma_start3A_980 = arith.constant 0 : i32
      %dma_start3A_981 = arith.constant 0 : i32
      %dma_start3A_982 = tpu.memref_slice %arg7[%scan3A_721, %dma_start3A_980, %dma_start3A_981] : memref<2x16x128xi32, #tpu.memory_space<vmem>> -> memref<1x16x128xi32, #tpu.memory_space<vmem>>
      %dma_start3A_983 = tpu.memref_squeeze %dma_start3A_982 : memref<1x16x128xi32, #tpu.memory_space<vmem>> -> memref<16x128xi32, #tpu.memory_space<vmem>>
      %dma_start3A_984 = arith.constant 0 : i32
      %dma_start3A_985 = tpu.memref_slice %dma_start3A_983[%add3A_959, %dma_start3A_984] : memref<16x128xi32, #tpu.memory_space<vmem>> -> memref<1x128xi32, #tpu.memory_space<vmem>>
      %dma_start3A_986 = tpu.memref_squeeze %dma_start3A_985 : memref<1x128xi32, #tpu.memory_space<vmem>> -> memref<128xi32, #tpu.memory_space<vmem>>
      %dma_start3A_987 = arith.constant 0 : i32
      %dma_start3A_988 = arith.constant 0 : i32
      %dma_start3A_989 = tpu.memref_slice %arg5[%dma_start3A_987, %dma_start3A_988] : memref<10240x128xf32, #tpu.memory_space<vmem_shared>> -> memref<10240x128xf32, #tpu.memory_space<vmem_shared>>
      tpu.enqueue_indirect_dma source(%dma_start3A_979 : memref<128x128xf32, #tpu.memory_space<vmem>>) target(%dma_start3A_989 : memref<10240x128xf32, #tpu.memory_space<vmem_shared>>) offsets(%dma_start3A_986 : memref<128xi32, #tpu.memory_space<vmem>>) semaphore(%arg12 : memref<!tpu.dma_semaphore, #tpu.memory_space<semaphore_mem>>) {add = true}
      %add3A_990 = arith.constant 2 : i32
      %add3A_991 = arith.addi %add3A_959, %add3A_990 : i32
      %sub3A_992 = arith.constant 1 : i32
      %sub3A_993 = arith.subi %add3A_991, %sub3A_992 : i32
      %ge3A_994 = arith.constant 1 : i32
      %ge3A_995 = arith.cmpi sge, %add3A_959, %ge3A_994 : i32
      %lt3A_996 = arith.constant 16 : i32
      %lt3A_997 = arith.cmpi slt, %sub3A_993, %lt3A_996 : i32
      %and3A_998 = arith.andi %ge3A_995, %lt3A_997 : i1
      %convert_element_type3A_999 = arith.extui %and3A_998 : i1 to i32
      %cond3A_1000 = arith.constant 0 : i32
      %cond3A_1001 = arith.cmpi ne, %convert_element_type3A_999, %cond3A_1000 : i32
      scf.if %cond3A_1001 {
        %dma_wait3A_1002 = arith.constant 0 : i32
        %dma_wait3A_1003 = arith.constant 0 : i32
        %dma_wait3A_1004 = arith.constant 0 : i32
        %dma_wait3A_1005 = tpu.memref_slice %arg8[%dma_wait3A_1002, %dma_wait3A_1003, %dma_wait3A_1004] : memref<2x128x128xf32, #tpu.memory_space<vmem>> -> memref<1x128x128xf32, #tpu.memory_space<vmem>>
        %dma_wait3A_1006 = tpu.memref_squeeze %dma_wait3A_1005 : memref<1x128x128xf32, #tpu.memory_space<vmem>> -> memref<128x128xf32, #tpu.memory_space<vmem>>
        %dma_wait3A_1007 = arith.constant 0 : i32
        %dma_wait3A_1008 = arith.constant 0 : i32
        %dma_wait3A_1009 = tpu.memref_slice %arg7[%scan3A_721, %dma_wait3A_1007, %dma_wait3A_1008] : memref<2x16x128xi32, #tpu.memory_space<vmem>> -> memref<1x16x128xi32, #tpu.memory_space<vmem>>
        %dma_wait3A_1010 = tpu.memref_squeeze %dma_wait3A_1009 : memref<1x16x128xi32, #tpu.memory_space<vmem>> -> memref<16x128xi32, #tpu.memory_space<vmem>>
        %dma_wait3A_1011 = arith.constant 0 : i32
        %dma_wait3A_1012 = tpu.memref_slice %dma_wait3A_1010[%add3A_959, %dma_wait3A_1011] : memref<16x128xi32, #tpu.memory_space<vmem>> -> memref<1x128xi32, #tpu.memory_space<vmem>>
        %dma_wait3A_1013 = tpu.memref_squeeze %dma_wait3A_1012 : memref<1x128xi32, #tpu.memory_space<vmem>> -> memref<128xi32, #tpu.memory_space<vmem>>
        %dma_wait3A_1014 = arith.constant 0 : i32
        %dma_wait3A_1015 = arith.constant 0 : i32
        %dma_wait3A_1016 = tpu.memref_slice %arg5[%dma_wait3A_1014, %dma_wait3A_1015] : memref<10240x128xf32, #tpu.memory_space<vmem_shared>> -> memref<10240x128xf32, #tpu.memory_space<vmem_shared>>
        tpu.wait_indirect_dma semaphore(%arg11 : memref<!tpu.dma_semaphore, #tpu.memory_space<semaphore_mem>>) src(%dma_wait3A_1006 : memref<128x128xf32, #tpu.memory_space<vmem>>) dst(%dma_wait3A_1016 : memref<10240x128xf32, #tpu.memory_space<vmem_shared>>)
        %dma_start3A_1017 = arith.constant 0 : i32
        %dma_start3A_1018 = arith.constant 0 : i32
        %dma_start3A_1019 = arith.constant 0 : i32
        %dma_start3A_1020 = tpu.memref_slice %arg8[%dma_start3A_1017, %dma_start3A_1018, %dma_start3A_1019] : memref<2x128x128xf32, #tpu.memory_space<vmem>> -> memref<1x128x128xf32, #tpu.memory_space<vmem>>
        %dma_start3A_1021 = tpu.memref_squeeze %dma_start3A_1020 : memref<1x128x128xf32, #tpu.memory_space<vmem>> -> memref<128x128xf32, #tpu.memory_space<vmem>>
        %dma_start3A_1022 = arith.constant 0 : i32
        %dma_start3A_1023 = arith.constant 0 : i32
        %dma_start3A_1024 = tpu.memref_slice %arg6[%scan3A_720, %dma_start3A_1022, %dma_start3A_1023] : memref<2x16x128xi32, #tpu.memory_space<vmem>> -> memref<1x16x128xi32, #tpu.memory_space<vmem>>
        %dma_start3A_1025 = tpu.memref_squeeze %dma_start3A_1024 : memref<1x16x128xi32, #tpu.memory_space<vmem>> -> memref<16x128xi32, #tpu.memory_space<vmem>>
        %dma_start3A_1026 = arith.constant 0 : i32
        %dma_start3A_1027 = tpu.memref_slice %dma_start3A_1025[%sub3A_993, %dma_start3A_1026] : memref<16x128xi32, #tpu.memory_space<vmem>> -> memref<1x128xi32, #tpu.memory_space<vmem>>
        %dma_start3A_1028 = tpu.memref_squeeze %dma_start3A_1027 : memref<1x128xi32, #tpu.memory_space<vmem>> -> memref<128xi32, #tpu.memory_space<vmem>>
        %dma_start3A_1029 = arith.constant 0 : i32
        %dma_start3A_1030 = arith.constant 0 : i32
        %dma_start3A_1031 = tpu.memref_slice %arg2[%dma_start3A_1029, %dma_start3A_1030] : memref<10240x128xf32, #tpu.memory_space<hbm>> -> memref<10240x128xf32, #tpu.memory_space<hbm>>
        tpu.enqueue_indirect_dma source(%dma_start3A_1031 : memref<10240x128xf32, #tpu.memory_space<hbm>>) target(%dma_start3A_1021 : memref<128x128xf32, #tpu.memory_space<vmem>>) offsets(%dma_start3A_1028 : memref<128xi32, #tpu.memory_space<vmem>>) semaphore(%arg9 : memref<!tpu.dma_semaphore, #tpu.memory_space<semaphore_mem>>)
      } else {
      }
    }
    %scan3A_726 = arith.constant 8 : i32
    %dma_wait3A_727 = arith.constant 0 : i32
    %dma_wait3A_728 = arith.constant 1 : i32
    %dma_wait3A_729 = arith.constant 0 : i32
    %dma_wait3A_730 = arith.constant 0 : i32
    %dma_wait3A_731 = arith.constant 0 : i32
    %dma_wait3A_732 = tpu.memref_slice %arg8[%dma_wait3A_727, %dma_wait3A_730, %dma_wait3A_731] : memref<2x128x128xf32, #tpu.memory_space<vmem>> -> memref<1x128x128xf32, #tpu.memory_space<vmem>>
    %dma_wait3A_733 = tpu.memref_squeeze %dma_wait3A_732 : memref<1x128x128xf32, #tpu.memory_space<vmem>> -> memref<128x128xf32, #tpu.memory_space<vmem>>
    %dma_wait3A_734 = arith.constant 0 : i32
    %dma_wait3A_735 = arith.constant 0 : i32
    %dma_wait3A_736 = tpu.memref_slice %arg7[%dma_wait3A_728, %dma_wait3A_734, %dma_wait3A_735] : memref<2x16x128xi32, #tpu.memory_space<vmem>> -> memref<1x16x128xi32, #tpu.memory_space<vmem>>
    %dma_wait3A_737 = tpu.memref_squeeze %dma_wait3A_736 : memref<1x16x128xi32, #tpu.memory_space<vmem>> -> memref<16x128xi32, #tpu.memory_space<vmem>>
    %dma_wait3A_738 = arith.constant 0 : i32
    %dma_wait3A_739 = tpu.memref_slice %dma_wait3A_737[%dma_wait3A_729, %dma_wait3A_738] : memref<16x128xi32, #tpu.memory_space<vmem>> -> memref<1x128xi32, #tpu.memory_space<vmem>>
    %dma_wait3A_740 = tpu.memref_squeeze %dma_wait3A_739 : memref<1x128xi32, #tpu.memory_space<vmem>> -> memref<128xi32, #tpu.memory_space<vmem>>
    %dma_wait3A_741 = arith.constant 0 : i32
    %dma_wait3A_742 = arith.constant 0 : i32
    %dma_wait3A_743 = tpu.memref_slice %arg5[%dma_wait3A_741, %dma_wait3A_742] : memref<10240x128xf32, #tpu.memory_space<vmem_shared>> -> memref<10240x128xf32, #tpu.memory_space<vmem_shared>>
    tpu.wait_indirect_dma semaphore(%arg11 : memref<!tpu.dma_semaphore, #tpu.memory_space<semaphore_mem>>) src(%dma_wait3A_733 : memref<128x128xf32, #tpu.memory_space<vmem>>) dst(%dma_wait3A_743 : memref<10240x128xf32, #tpu.memory_space<vmem_shared>>)
    %dma_wait3A_744 = arith.constant 1 : i32
    %dma_wait3A_745 = arith.constant 1 : i32
    %dma_wait3A_746 = arith.constant 0 : i32
    %dma_wait3A_747 = arith.constant 0 : i32
    %dma_wait3A_748 = arith.constant 0 : i32
    %dma_wait3A_749 = tpu.memref_slice %arg8[%dma_wait3A_744, %dma_wait3A_747, %dma_wait3A_748] : memref<2x128x128xf32, #tpu.memory_space<vmem>> -> memref<1x128x128xf32, #tpu.memory_space<vmem>>
    %dma_wait3A_750 = tpu.memref_squeeze %dma_wait3A_749 : memref<1x128x128xf32, #tpu.memory_space<vmem>> -> memref<128x128xf32, #tpu.memory_space<vmem>>
    %dma_wait3A_751 = arith.constant 0 : i32
    %dma_wait3A_752 = arith.constant 0 : i32
    %dma_wait3A_753 = tpu.memref_slice %arg7[%dma_wait3A_745, %dma_wait3A_751, %dma_wait3A_752] : memref<2x16x128xi32, #tpu.memory_space<vmem>> -> memref<1x16x128xi32, #tpu.memory_space<vmem>>
    %dma_wait3A_754 = tpu.memref_squeeze %dma_wait3A_753 : memref<1x16x128xi32, #tpu.memory_space<vmem>> -> memref<16x128xi32, #tpu.memory_space<vmem>>
    %dma_wait3A_755 = arith.constant 0 : i32
    %dma_wait3A_756 = tpu.memref_slice %dma_wait3A_754[%dma_wait3A_746, %dma_wait3A_755] : memref<16x128xi32, #tpu.memory_space<vmem>> -> memref<1x128xi32, #tpu.memory_space<vmem>>
    %dma_wait3A_757 = tpu.memref_squeeze %dma_wait3A_756 : memref<1x128xi32, #tpu.memory_space<vmem>> -> memref<128xi32, #tpu.memory_space<vmem>>
    %dma_wait3A_758 = arith.constant 0 : i32
    %dma_wait3A_759 = arith.constant 0 : i32
    %dma_wait3A_760 = tpu.memref_slice %arg5[%dma_wait3A_758, %dma_wait3A_759] : memref<10240x128xf32, #tpu.memory_space<vmem_shared>> -> memref<10240x128xf32, #tpu.memory_space<vmem_shared>>
    tpu.wait_indirect_dma semaphore(%arg12 : memref<!tpu.dma_semaphore, #tpu.memory_space<semaphore_mem>>) src(%dma_wait3A_750 : memref<128x128xf32, #tpu.memory_space<vmem>>) dst(%dma_wait3A_760 : memref<10240x128xf32, #tpu.memory_space<vmem_shared>>)
    %mul3A_761 = arith.constant 80 : i32
    %mul3A_762 = arith.muli %add3A, %mul3A_761 : i32
    %add3A_763 = arith.constant 64 : i32
    %add3A_764 = arith.addi %mul3A_762, %add3A_763 : i32
    %dma_wait3A_765 = arith.constant 0 : i32
    %dma_wait3A_766 = arith.constant 0 : i32
    %dma_wait3A_767 = arith.constant 0 : i32
    %dma_wait3A_768 = arith.constant 0 : i32
    %dma_wait3A_769 = tpu.memref_slice %arg6[%dma_wait3A_766, %dma_wait3A_767, %dma_wait3A_768] : memref<2x16x128xi32, #tpu.memory_space<vmem>> -> memref<1x16x128xi32, #tpu.memory_space<vmem>>
    %dma_wait3A_770 = tpu.memref_squeeze %dma_wait3A_769 : memref<1x16x128xi32, #tpu.memory_space<vmem>> -> memref<16x128xi32, #tpu.memory_space<vmem>>
    %dma_wait3A_771 = arith.constant 0 : i32
    %dma_wait3A_772 = arith.constant 0 : i32
    %dma_wait3A_773 = tpu.memref_slice %arg3[%dma_wait3A_765, %dma_wait3A_771, %dma_wait3A_772] : memref<2x2560x128xi32, #tpu.memory_space<hbm>> -> memref<1x2560x128xi32, #tpu.memory_space<hbm>>
    %dma_wait3A_774 = tpu.memref_squeeze %dma_wait3A_773 : memref<1x2560x128xi32, #tpu.memory_space<hbm>> -> memref<2560x128xi32, #tpu.memory_space<hbm>>
    %dma_wait3A_775 = arith.constant 0 : i32
    %dma_wait3A_776 = tpu.memref_slice %dma_wait3A_774[%add3A_764, %dma_wait3A_775] : memref<2560x128xi32, #tpu.memory_space<hbm>> -> memref<16x128xi32, #tpu.memory_space<hbm>>
    %dma_wait3A_777 = arith.constant 0 : i32
    %dma_wait3A_778 = arith.constant 0 : i32
    %dma_wait3A_779 = tpu.memref_slice %arg6[%dma_wait3A_766, %dma_wait3A_777, %dma_wait3A_778] : memref<2x16x128xi32, #tpu.memory_space<vmem>> -> memref<1x16x128xi32, #tpu.memory_space<vmem>>
    %dma_wait3A_780 = tpu.memref_squeeze %dma_wait3A_779 : memref<1x16x128xi32, #tpu.memory_space<vmem>> -> memref<16x128xi32, #tpu.memory_space<vmem>>
    %dma_wait3A_781 = arith.constant 0 : i32
    %dma_wait3A_782 = arith.constant 0 : i32
    %dma_wait3A_783 = tpu.memref_slice %arg3[%dma_wait3A_765, %dma_wait3A_781, %dma_wait3A_782] : memref<2x2560x128xi32, #tpu.memory_space<hbm>> -> memref<1x2560x128xi32, #tpu.memory_space<hbm>>
    %dma_wait3A_784 = tpu.memref_squeeze %dma_wait3A_783 : memref<1x2560x128xi32, #tpu.memory_space<hbm>> -> memref<2560x128xi32, #tpu.memory_space<hbm>>
    %dma_wait3A_785 = arith.constant 0 : i32
    %dma_wait3A_786 = tpu.memref_slice %dma_wait3A_784[%add3A_764, %dma_wait3A_785] : memref<2560x128xi32, #tpu.memory_space<hbm>> -> memref<16x128xi32, #tpu.memory_space<hbm>>
    tpu.wait_dma2 semaphore(%arg13 : memref<!tpu.dma_semaphore, #tpu.memory_space<semaphore_mem>>) src(%dma_wait3A_786 : memref<16x128xi32, #tpu.memory_space<hbm>>) dst(%dma_wait3A_780 : memref<16x128xi32, #tpu.memory_space<vmem>>)
    %dma_wait3A_787 = arith.constant 1 : i32
    %dma_wait3A_788 = arith.constant 0 : i32
    %dma_wait3A_789 = arith.constant 0 : i32
    %dma_wait3A_790 = arith.constant 0 : i32
    %dma_wait3A_791 = tpu.memref_slice %arg7[%dma_wait3A_788, %dma_wait3A_789, %dma_wait3A_790] : memref<2x16x128xi32, #tpu.memory_space<vmem>> -> memref<1x16x128xi32, #tpu.memory_space<vmem>>
    %dma_wait3A_792 = tpu.memref_squeeze %dma_wait3A_791 : memref<1x16x128xi32, #tpu.memory_space<vmem>> -> memref<16x128xi32, #tpu.memory_space<vmem>>
    %dma_wait3A_793 = arith.constant 0 : i32
    %dma_wait3A_794 = arith.constant 0 : i32
    %dma_wait3A_795 = tpu.memref_slice %arg3[%dma_wait3A_787, %dma_wait3A_793, %dma_wait3A_794] : memref<2x2560x128xi32, #tpu.memory_space<hbm>> -> memref<1x2560x128xi32, #tpu.memory_space<hbm>>
    %dma_wait3A_796 = tpu.memref_squeeze %dma_wait3A_795 : memref<1x2560x128xi32, #tpu.memory_space<hbm>> -> memref<2560x128xi32, #tpu.memory_space<hbm>>
    %dma_wait3A_797 = arith.constant 0 : i32
    %dma_wait3A_798 = tpu.memref_slice %dma_wait3A_796[%add3A_764, %dma_wait3A_797] : memref<2560x128xi32, #tpu.memory_space<hbm>> -> memref<16x128xi32, #tpu.memory_space<hbm>>
    %dma_wait3A_799 = arith.constant 0 : i32
    %dma_wait3A_800 = arith.constant 0 : i32
    %dma_wait3A_801 = tpu.memref_slice %arg7[%dma_wait3A_788, %dma_wait3A_799, %dma_wait3A_800] : memref<2x16x128xi32, #tpu.memory_space<vmem>> -> memref<1x16x128xi32, #tpu.memory_space<vmem>>
    %dma_wait3A_802 = tpu.memref_squeeze %dma_wait3A_801 : memref<1x16x128xi32, #tpu.memory_space<vmem>> -> memref<16x128xi32, #tpu.memory_space<vmem>>
    %dma_wait3A_803 = arith.constant 0 : i32
    %dma_wait3A_804 = arith.constant 0 : i32
    %dma_wait3A_805 = tpu.memref_slice %arg3[%dma_wait3A_787, %dma_wait3A_803, %dma_wait3A_804] : memref<2x2560x128xi32, #tpu.memory_space<hbm>> -> memref<1x2560x128xi32, #tpu.memory_space<hbm>>
    %dma_wait3A_806 = tpu.memref_squeeze %dma_wait3A_805 : memref<1x2560x128xi32, #tpu.memory_space<hbm>> -> memref<2560x128xi32, #tpu.memory_space<hbm>>
    %dma_wait3A_807 = arith.constant 0 : i32
    %dma_wait3A_808 = tpu.memref_slice %dma_wait3A_806[%add3A_764, %dma_wait3A_807] : memref<2560x128xi32, #tpu.memory_space<hbm>> -> memref<16x128xi32, #tpu.memory_space<hbm>>
    tpu.wait_dma2 semaphore(%arg14 : memref<!tpu.dma_semaphore, #tpu.memory_space<semaphore_mem>>) src(%dma_wait3A_808 : memref<16x128xi32, #tpu.memory_space<hbm>>) dst(%dma_wait3A_802 : memref<16x128xi32, #tpu.memory_space<vmem>>)
    %dma_start3A_809 = arith.constant 0 : i32
    %dma_start3A_810 = arith.constant 0 : i32
    %dma_start3A_811 = arith.constant 0 : i32
    %dma_start3A_812 = arith.constant 0 : i32
    %dma_start3A_813 = arith.constant 0 : i32
    %dma_start3A_814 = tpu.memref_slice %arg8[%dma_start3A_811, %dma_start3A_812, %dma_start3A_813] : memref<2x128x128xf32, #tpu.memory_space<vmem>> -> memref<1x128x128xf32, #tpu.memory_space<vmem>>
    %dma_start3A_815 = tpu.memref_squeeze %dma_start3A_814 : memref<1x128x128xf32, #tpu.memory_space<vmem>> -> memref<128x128xf32, #tpu.memory_space<vmem>>
    %dma_start3A_816 = arith.constant 0 : i32
    %dma_start3A_817 = arith.constant 0 : i32
    %dma_start3A_818 = tpu.memref_slice %arg6[%dma_start3A_809, %dma_start3A_816, %dma_start3A_817] : memref<2x16x128xi32, #tpu.memory_space<vmem>> -> memref<1x16x128xi32, #tpu.memory_space<vmem>>
    %dma_start3A_819 = tpu.memref_squeeze %dma_start3A_818 : memref<1x16x128xi32, #tpu.memory_space<vmem>> -> memref<16x128xi32, #tpu.memory_space<vmem>>
    %dma_start3A_820 = arith.constant 0 : i32
    %dma_start3A_821 = tpu.memref_slice %dma_start3A_819[%dma_start3A_810, %dma_start3A_820] : memref<16x128xi32, #tpu.memory_space<vmem>> -> memref<1x128xi32, #tpu.memory_space<vmem>>
    %dma_start3A_822 = tpu.memref_squeeze %dma_start3A_821 : memref<1x128xi32, #tpu.memory_space<vmem>> -> memref<128xi32, #tpu.memory_space<vmem>>
    %dma_start3A_823 = arith.constant 0 : i32
    %dma_start3A_824 = arith.constant 0 : i32
    %dma_start3A_825 = tpu.memref_slice %arg2[%dma_start3A_823, %dma_start3A_824] : memref<10240x128xf32, #tpu.memory_space<hbm>> -> memref<10240x128xf32, #tpu.memory_space<hbm>>
    tpu.enqueue_indirect_dma source(%dma_start3A_825 : memref<10240x128xf32, #tpu.memory_space<hbm>>) target(%dma_start3A_815 : memref<128x128xf32, #tpu.memory_space<vmem>>) offsets(%dma_start3A_822 : memref<128xi32, #tpu.memory_space<vmem>>) semaphore(%arg9 : memref<!tpu.dma_semaphore, #tpu.memory_space<semaphore_mem>>)
    %dma_start3A_826 = arith.constant 0 : i32
    %dma_start3A_827 = arith.constant 1 : i32
    %dma_start3A_828 = arith.constant 1 : i32
    %dma_start3A_829 = arith.constant 0 : i32
    %dma_start3A_830 = arith.constant 0 : i32
    %dma_start3A_831 = tpu.memref_slice %arg8[%dma_start3A_828, %dma_start3A_829, %dma_start3A_830] : memref<2x128x128xf32, #tpu.memory_space<vmem>> -> memref<1x128x128xf32, #tpu.memory_space<vmem>>
    %dma_start3A_832 = tpu.memref_squeeze %dma_start3A_831 : memref<1x128x128xf32, #tpu.memory_space<vmem>> -> memref<128x128xf32, #tpu.memory_space<vmem>>
    %dma_start3A_833 = arith.constant 0 : i32
    %dma_start3A_834 = arith.constant 0 : i32
    %dma_start3A_835 = tpu.memref_slice %arg6[%dma_start3A_826, %dma_start3A_833, %dma_start3A_834] : memref<2x16x128xi32, #tpu.memory_space<vmem>> -> memref<1x16x128xi32, #tpu.memory_space<vmem>>
    %dma_start3A_836 = tpu.memref_squeeze %dma_start3A_835 : memref<1x16x128xi32, #tpu.memory_space<vmem>> -> memref<16x128xi32, #tpu.memory_space<vmem>>
    %dma_start3A_837 = arith.constant 0 : i32
    %dma_start3A_838 = tpu.memref_slice %dma_start3A_836[%dma_start3A_827, %dma_start3A_837] : memref<16x128xi32, #tpu.memory_space<vmem>> -> memref<1x128xi32, #tpu.memory_space<vmem>>
    %dma_start3A_839 = tpu.memref_squeeze %dma_start3A_838 : memref<1x128xi32, #tpu.memory_space<vmem>> -> memref<128xi32, #tpu.memory_space<vmem>>
    %dma_start3A_840 = arith.constant 0 : i32
    %dma_start3A_841 = arith.constant 0 : i32
    %dma_start3A_842 = tpu.memref_slice %arg2[%dma_start3A_840, %dma_start3A_841] : memref<10240x128xf32, #tpu.memory_space<hbm>> -> memref<10240x128xf32, #tpu.memory_space<hbm>>
    tpu.enqueue_indirect_dma source(%dma_start3A_842 : memref<10240x128xf32, #tpu.memory_space<hbm>>) target(%dma_start3A_832 : memref<128x128xf32, #tpu.memory_space<vmem>>) offsets(%dma_start3A_839 : memref<128xi32, #tpu.memory_space<vmem>>) semaphore(%arg10 : memref<!tpu.dma_semaphore, #tpu.memory_space<semaphore_mem>>)
    %scan3A_843 = arith.constant 0 : i32
    %scan3A_844 = arith.constant 0 : i32
    %scan3A_845 = arith.constant 0 : i32
    %scan3A_846 = arith.constant 8 : i32
    %scan3A_847 = arith.addi %scan3A_845, %scan3A_846 : i32
    %scan3A_848 = arith.constant 1 : i32
    scf.for %scan3A_915 = %scan3A_845 to %scan3A_847 step %scan3A_848  : i32 {
      %mul3A_916 = arith.constant 2 : i32
      %mul3A_917 = arith.muli %scan3A_915, %mul3A_916 : i32
      %add3A_918 = arith.constant 0 : i32
      %add3A_919 = arith.addi %add3A_918, %mul3A_917 : i32
      %add3A_920 = arith.constant 0 : i32
      %add3A_921 = arith.addi %add3A_919, %add3A_920 : i32
      %dma_wait3A_922 = arith.constant 0 : i32
      %dma_wait3A_923 = arith.constant 0 : i32
      %dma_wait3A_924 = arith.constant 0 : i32
      %dma_wait3A_925 = tpu.memref_slice %arg8[%dma_wait3A_922, %dma_wait3A_923, %dma_wait3A_924] : memref<2x128x128xf32, #tpu.memory_space<vmem>> -> memref<1x128x128xf32, #tpu.memory_space<vmem>>
      %dma_wait3A_926 = tpu.memref_squeeze %dma_wait3A_925 : memref<1x128x128xf32, #tpu.memory_space<vmem>> -> memref<128x128xf32, #tpu.memory_space<vmem>>
      %dma_wait3A_927 = arith.constant 0 : i32
      %dma_wait3A_928 = arith.constant 0 : i32
      %dma_wait3A_929 = tpu.memref_slice %arg6[%scan3A_843, %dma_wait3A_927, %dma_wait3A_928] : memref<2x16x128xi32, #tpu.memory_space<vmem>> -> memref<1x16x128xi32, #tpu.memory_space<vmem>>
      %dma_wait3A_930 = tpu.memref_squeeze %dma_wait3A_929 : memref<1x16x128xi32, #tpu.memory_space<vmem>> -> memref<16x128xi32, #tpu.memory_space<vmem>>
      %dma_wait3A_931 = arith.constant 0 : i32
      %dma_wait3A_932 = tpu.memref_slice %dma_wait3A_930[%add3A_921, %dma_wait3A_931] : memref<16x128xi32, #tpu.memory_space<vmem>> -> memref<1x128xi32, #tpu.memory_space<vmem>>
      %dma_wait3A_933 = tpu.memref_squeeze %dma_wait3A_932 : memref<1x128xi32, #tpu.memory_space<vmem>> -> memref<128xi32, #tpu.memory_space<vmem>>
      %dma_wait3A_934 = arith.constant 0 : i32
      %dma_wait3A_935 = arith.constant 0 : i32
      %dma_wait3A_936 = tpu.memref_slice %arg2[%dma_wait3A_934, %dma_wait3A_935] : memref<10240x128xf32, #tpu.memory_space<hbm>> -> memref<10240x128xf32, #tpu.memory_space<hbm>>
      tpu.wait_indirect_dma semaphore(%arg9 : memref<!tpu.dma_semaphore, #tpu.memory_space<semaphore_mem>>) src(%dma_wait3A_936 : memref<10240x128xf32, #tpu.memory_space<hbm>>) dst(%dma_wait3A_926 : memref<128x128xf32, #tpu.memory_space<vmem>>)
      %dma_start3A_937 = arith.constant 0 : i32
      %dma_start3A_938 = arith.constant 0 : i32
      %dma_start3A_939 = arith.constant 0 : i32
      %dma_start3A_940 = tpu.memref_slice %arg8[%dma_start3A_937, %dma_start3A_938, %dma_start3A_939] : memref<2x128x128xf32, #tpu.memory_space<vmem>> -> memref<1x128x128xf32, #tpu.memory_space<vmem>>
      %dma_start3A_941 = tpu.memref_squeeze %dma_start3A_940 : memref<1x128x128xf32, #tpu.memory_space<vmem>> -> memref<128x128xf32, #tpu.memory_space<vmem>>
      %dma_start3A_942 = arith.constant 0 : i32
      %dma_start3A_943 = arith.constant 0 : i32
      %dma_start3A_944 = tpu.memref_slice %arg7[%scan3A_844, %dma_start3A_942, %dma_start3A_943] : memref<2x16x128xi32, #tpu.memory_space<vmem>> -> memref<1x16x128xi32, #tpu.memory_space<vmem>>
      %dma_start3A_945 = tpu.memref_squeeze %dma_start3A_944 : memref<1x16x128xi32, #tpu.memory_space<vmem>> -> memref<16x128xi32, #tpu.memory_space<vmem>>
      %dma_start3A_946 = arith.constant 0 : i32
      %dma_start3A_947 = tpu.memref_slice %dma_start3A_945[%add3A_921, %dma_start3A_946] : memref<16x128xi32, #tpu.memory_space<vmem>> -> memref<1x128xi32, #tpu.memory_space<vmem>>
      %dma_start3A_948 = tpu.memref_squeeze %dma_start3A_947 : memref<1x128xi32, #tpu.memory_space<vmem>> -> memref<128xi32, #tpu.memory_space<vmem>>
      %dma_start3A_949 = arith.constant 0 : i32
      %dma_start3A_950 = arith.constant 0 : i32
      %dma_start3A_951 = tpu.memref_slice %arg5[%dma_start3A_949, %dma_start3A_950] : memref<10240x128xf32, #tpu.memory_space<vmem_shared>> -> memref<10240x128xf32, #tpu.memory_space<vmem_shared>>
      tpu.enqueue_indirect_dma source(%dma_start3A_941 : memref<128x128xf32, #tpu.memory_space<vmem>>) target(%dma_start3A_951 : memref<10240x128xf32, #tpu.memory_space<vmem_shared>>) offsets(%dma_start3A_948 : memref<128xi32, #tpu.memory_space<vmem>>) semaphore(%arg11 : memref<!tpu.dma_semaphore, #tpu.memory_space<semaphore_mem>>) {add = true}
      %add3A_952 = arith.constant 2 : i32
      %add3A_953 = arith.addi %add3A_921, %add3A_952 : i32
      %sub3A = arith.constant 1 : i32
      %sub3A_954 = arith.subi %add3A_953, %sub3A : i32
      %ge3A = arith.constant 1 : i32
      %ge3A_955 = arith.cmpi sge, %add3A_921, %ge3A : i32
      %lt3A = arith.constant 16 : i32
      %lt3A_956 = arith.cmpi slt, %sub3A_954, %lt3A : i32
      %and3A = arith.andi %ge3A_955, %lt3A_956 : i1
      %convert_element_type3A = arith.extui %and3A : i1 to i32
      %cond3A = arith.constant 0 : i32
      %cond3A_957 = arith.cmpi ne, %convert_element_type3A, %cond3A : i32
      scf.if %cond3A_957 {
        %dma_wait3A_1002 = arith.constant 1 : i32
        %dma_wait3A_1003 = arith.constant 0 : i32
        %dma_wait3A_1004 = arith.constant 0 : i32
        %dma_wait3A_1005 = tpu.memref_slice %arg8[%dma_wait3A_1002, %dma_wait3A_1003, %dma_wait3A_1004] : memref<2x128x128xf32, #tpu.memory_space<vmem>> -> memref<1x128x128xf32, #tpu.memory_space<vmem>>
        %dma_wait3A_1006 = tpu.memref_squeeze %dma_wait3A_1005 : memref<1x128x128xf32, #tpu.memory_space<vmem>> -> memref<128x128xf32, #tpu.memory_space<vmem>>
        %dma_wait3A_1007 = arith.constant 0 : i32
        %dma_wait3A_1008 = arith.constant 0 : i32
        %dma_wait3A_1009 = tpu.memref_slice %arg7[%scan3A_844, %dma_wait3A_1007, %dma_wait3A_1008] : memref<2x16x128xi32, #tpu.memory_space<vmem>> -> memref<1x16x128xi32, #tpu.memory_space<vmem>>
        %dma_wait3A_1010 = tpu.memref_squeeze %dma_wait3A_1009 : memref<1x16x128xi32, #tpu.memory_space<vmem>> -> memref<16x128xi32, #tpu.memory_space<vmem>>
        %dma_wait3A_1011 = arith.constant 0 : i32
        %dma_wait3A_1012 = tpu.memref_slice %dma_wait3A_1010[%add3A_921, %dma_wait3A_1011] : memref<16x128xi32, #tpu.memory_space<vmem>> -> memref<1x128xi32, #tpu.memory_space<vmem>>
        %dma_wait3A_1013 = tpu.memref_squeeze %dma_wait3A_1012 : memref<1x128xi32, #tpu.memory_space<vmem>> -> memref<128xi32, #tpu.memory_space<vmem>>
        %dma_wait3A_1014 = arith.constant 0 : i32
        %dma_wait3A_1015 = arith.constant 0 : i32
        %dma_wait3A_1016 = tpu.memref_slice %arg5[%dma_wait3A_1014, %dma_wait3A_1015] : memref<10240x128xf32, #tpu.memory_space<vmem_shared>> -> memref<10240x128xf32, #tpu.memory_space<vmem_shared>>
        tpu.wait_indirect_dma semaphore(%arg12 : memref<!tpu.dma_semaphore, #tpu.memory_space<semaphore_mem>>) src(%dma_wait3A_1006 : memref<128x128xf32, #tpu.memory_space<vmem>>) dst(%dma_wait3A_1016 : memref<10240x128xf32, #tpu.memory_space<vmem_shared>>)
        %dma_start3A_1017 = arith.constant 1 : i32
        %dma_start3A_1018 = arith.constant 0 : i32
        %dma_start3A_1019 = arith.constant 0 : i32
        %dma_start3A_1020 = tpu.memref_slice %arg8[%dma_start3A_1017, %dma_start3A_1018, %dma_start3A_1019] : memref<2x128x128xf32, #tpu.memory_space<vmem>> -> memref<1x128x128xf32, #tpu.memory_space<vmem>>
        %dma_start3A_1021 = tpu.memref_squeeze %dma_start3A_1020 : memref<1x128x128xf32, #tpu.memory_space<vmem>> -> memref<128x128xf32, #tpu.memory_space<vmem>>
        %dma_start3A_1022 = arith.constant 0 : i32
        %dma_start3A_1023 = arith.constant 0 : i32
        %dma_start3A_1024 = tpu.memref_slice %arg6[%scan3A_843, %dma_start3A_1022, %dma_start3A_1023] : memref<2x16x128xi32, #tpu.memory_space<vmem>> -> memref<1x16x128xi32, #tpu.memory_space<vmem>>
        %dma_start3A_1025 = tpu.memref_squeeze %dma_start3A_1024 : memref<1x16x128xi32, #tpu.memory_space<vmem>> -> memref<16x128xi32, #tpu.memory_space<vmem>>
        %dma_start3A_1026 = arith.constant 0 : i32
        %dma_start3A_1027 = tpu.memref_slice %dma_start3A_1025[%sub3A_954, %dma_start3A_1026] : memref<16x128xi32, #tpu.memory_space<vmem>> -> memref<1x128xi32, #tpu.memory_space<vmem>>
        %dma_start3A_1028 = tpu.memref_squeeze %dma_start3A_1027 : memref<1x128xi32, #tpu.memory_space<vmem>> -> memref<128xi32, #tpu.memory_space<vmem>>
        %dma_start3A_1029 = arith.constant 0 : i32
        %dma_start3A_1030 = arith.constant 0 : i32
        %dma_start3A_1031 = tpu.memref_slice %arg2[%dma_start3A_1029, %dma_start3A_1030] : memref<10240x128xf32, #tpu.memory_space<hbm>> -> memref<10240x128xf32, #tpu.memory_space<hbm>>
        tpu.enqueue_indirect_dma source(%dma_start3A_1031 : memref<10240x128xf32, #tpu.memory_space<hbm>>) target(%dma_start3A_1021 : memref<128x128xf32, #tpu.memory_space<vmem>>) offsets(%dma_start3A_1028 : memref<128xi32, #tpu.memory_space<vmem>>) semaphore(%arg10 : memref<!tpu.dma_semaphore, #tpu.memory_space<semaphore_mem>>)
      } else {
      }
      %add3A_958 = arith.constant 1 : i32
      %add3A_959 = arith.addi %add3A_919, %add3A_958 : i32
      %dma_wait3A_960 = arith.constant 1 : i32
      %dma_wait3A_961 = arith.constant 0 : i32
      %dma_wait3A_962 = arith.constant 0 : i32
      %dma_wait3A_963 = tpu.memref_slice %arg8[%dma_wait3A_960, %dma_wait3A_961, %dma_wait3A_962] : memref<2x128x128xf32, #tpu.memory_space<vmem>> -> memref<1x128x128xf32, #tpu.memory_space<vmem>>
      %dma_wait3A_964 = tpu.memref_squeeze %dma_wait3A_963 : memref<1x128x128xf32, #tpu.memory_space<vmem>> -> memref<128x128xf32, #tpu.memory_space<vmem>>
      %dma_wait3A_965 = arith.constant 0 : i32
      %dma_wait3A_966 = arith.constant 0 : i32
      %dma_wait3A_967 = tpu.memref_slice %arg6[%scan3A_843, %dma_wait3A_965, %dma_wait3A_966] : memref<2x16x128xi32, #tpu.memory_space<vmem>> -> memref<1x16x128xi32, #tpu.memory_space<vmem>>
      %dma_wait3A_968 = tpu.memref_squeeze %dma_wait3A_967 : memref<1x16x128xi32, #tpu.memory_space<vmem>> -> memref<16x128xi32, #tpu.memory_space<vmem>>
      %dma_wait3A_969 = arith.constant 0 : i32
      %dma_wait3A_970 = tpu.memref_slice %dma_wait3A_968[%add3A_959, %dma_wait3A_969] : memref<16x128xi32, #tpu.memory_space<vmem>> -> memref<1x128xi32, #tpu.memory_space<vmem>>
      %dma_wait3A_971 = tpu.memref_squeeze %dma_wait3A_970 : memref<1x128xi32, #tpu.memory_space<vmem>> -> memref<128xi32, #tpu.memory_space<vmem>>
      %dma_wait3A_972 = arith.constant 0 : i32
      %dma_wait3A_973 = arith.constant 0 : i32
      %dma_wait3A_974 = tpu.memref_slice %arg2[%dma_wait3A_972, %dma_wait3A_973] : memref<10240x128xf32, #tpu.memory_space<hbm>> -> memref<10240x128xf32, #tpu.memory_space<hbm>>
      tpu.wait_indirect_dma semaphore(%arg10 : memref<!tpu.dma_semaphore, #tpu.memory_space<semaphore_mem>>) src(%dma_wait3A_974 : memref<10240x128xf32, #tpu.memory_space<hbm>>) dst(%dma_wait3A_964 : memref<128x128xf32, #tpu.memory_space<vmem>>)
      %dma_start3A_975 = arith.constant 1 : i32
      %dma_start3A_976 = arith.constant 0 : i32
      %dma_start3A_977 = arith.constant 0 : i32
      %dma_start3A_978 = tpu.memref_slice %arg8[%dma_start3A_975, %dma_start3A_976, %dma_start3A_977] : memref<2x128x128xf32, #tpu.memory_space<vmem>> -> memref<1x128x128xf32, #tpu.memory_space<vmem>>
      %dma_start3A_979 = tpu.memref_squeeze %dma_start3A_978 : memref<1x128x128xf32, #tpu.memory_space<vmem>> -> memref<128x128xf32, #tpu.memory_space<vmem>>
      %dma_start3A_980 = arith.constant 0 : i32
      %dma_start3A_981 = arith.constant 0 : i32
      %dma_start3A_982 = tpu.memref_slice %arg7[%scan3A_844, %dma_start3A_980, %dma_start3A_981] : memref<2x16x128xi32, #tpu.memory_space<vmem>> -> memref<1x16x128xi32, #tpu.memory_space<vmem>>
      %dma_start3A_983 = tpu.memref_squeeze %dma_start3A_982 : memref<1x16x128xi32, #tpu.memory_space<vmem>> -> memref<16x128xi32, #tpu.memory_space<vmem>>
      %dma_start3A_984 = arith.constant 0 : i32
      %dma_start3A_985 = tpu.memref_slice %dma_start3A_983[%add3A_959, %dma_start3A_984] : memref<16x128xi32, #tpu.memory_space<vmem>> -> memref<1x128xi32, #tpu.memory_space<vmem>>
      %dma_start3A_986 = tpu.memref_squeeze %dma_start3A_985 : memref<1x128xi32, #tpu.memory_space<vmem>> -> memref<128xi32, #tpu.memory_space<vmem>>
      %dma_start3A_987 = arith.constant 0 : i32
      %dma_start3A_988 = arith.constant 0 : i32
      %dma_start3A_989 = tpu.memref_slice %arg5[%dma_start3A_987, %dma_start3A_988] : memref<10240x128xf32, #tpu.memory_space<vmem_shared>> -> memref<10240x128xf32, #tpu.memory_space<vmem_shared>>
      tpu.enqueue_indirect_dma source(%dma_start3A_979 : memref<128x128xf32, #tpu.memory_space<vmem>>) target(%dma_start3A_989 : memref<10240x128xf32, #tpu.memory_space<vmem_shared>>) offsets(%dma_start3A_986 : memref<128xi32, #tpu.memory_space<vmem>>) semaphore(%arg12 : memref<!tpu.dma_semaphore, #tpu.memory_space<semaphore_mem>>) {add = true}
      %add3A_990 = arith.constant 2 : i32
      %add3A_991 = arith.addi %add3A_959, %add3A_990 : i32
      %sub3A_992 = arith.constant 1 : i32
      %sub3A_993 = arith.subi %add3A_991, %sub3A_992 : i32
      %ge3A_994 = arith.constant 1 : i32
      %ge3A_995 = arith.cmpi sge, %add3A_959, %ge3A_994 : i32
      %lt3A_996 = arith.constant 16 : i32
      %lt3A_997 = arith.cmpi slt, %sub3A_993, %lt3A_996 : i32
      %and3A_998 = arith.andi %ge3A_995, %lt3A_997 : i1
      %convert_element_type3A_999 = arith.extui %and3A_998 : i1 to i32
      %cond3A_1000 = arith.constant 0 : i32
      %cond3A_1001 = arith.cmpi ne, %convert_element_type3A_999, %cond3A_1000 : i32
      scf.if %cond3A_1001 {
        %dma_wait3A_1002 = arith.constant 0 : i32
        %dma_wait3A_1003 = arith.constant 0 : i32
        %dma_wait3A_1004 = arith.constant 0 : i32
        %dma_wait3A_1005 = tpu.memref_slice %arg8[%dma_wait3A_1002, %dma_wait3A_1003, %dma_wait3A_1004] : memref<2x128x128xf32, #tpu.memory_space<vmem>> -> memref<1x128x128xf32, #tpu.memory_space<vmem>>
        %dma_wait3A_1006 = tpu.memref_squeeze %dma_wait3A_1005 : memref<1x128x128xf32, #tpu.memory_space<vmem>> -> memref<128x128xf32, #tpu.memory_space<vmem>>
        %dma_wait3A_1007 = arith.constant 0 : i32
        %dma_wait3A_1008 = arith.constant 0 : i32
        %dma_wait3A_1009 = tpu.memref_slice %arg7[%scan3A_844, %dma_wait3A_1007, %dma_wait3A_1008] : memref<2x16x128xi32, #tpu.memory_space<vmem>> -> memref<1x16x128xi32, #tpu.memory_space<vmem>>
        %dma_wait3A_1010 = tpu.memref_squeeze %dma_wait3A_1009 : memref<1x16x128xi32, #tpu.memory_space<vmem>> -> memref<16x128xi32, #tpu.memory_space<vmem>>
        %dma_wait3A_1011 = arith.constant 0 : i32
        %dma_wait3A_1012 = tpu.memref_slice %dma_wait3A_1010[%add3A_959, %dma_wait3A_1011] : memref<16x128xi32, #tpu.memory_space<vmem>> -> memref<1x128xi32, #tpu.memory_space<vmem>>
        %dma_wait3A_1013 = tpu.memref_squeeze %dma_wait3A_1012 : memref<1x128xi32, #tpu.memory_space<vmem>> -> memref<128xi32, #tpu.memory_space<vmem>>
        %dma_wait3A_1014 = arith.constant 0 : i32
        %dma_wait3A_1015 = arith.constant 0 : i32
        %dma_wait3A_1016 = tpu.memref_slice %arg5[%dma_wait3A_1014, %dma_wait3A_1015] : memref<10240x128xf32, #tpu.memory_space<vmem_shared>> -> memref<10240x128xf32, #tpu.memory_space<vmem_shared>>
        tpu.wait_indirect_dma semaphore(%arg11 : memref<!tpu.dma_semaphore, #tpu.memory_space<semaphore_mem>>) src(%dma_wait3A_1006 : memref<128x128xf32, #tpu.memory_space<vmem>>) dst(%dma_wait3A_1016 : memref<10240x128xf32, #tpu.memory_space<vmem_shared>>)
        %dma_start3A_1017 = arith.constant 0 : i32
        %dma_start3A_1018 = arith.constant 0 : i32
        %dma_start3A_1019 = arith.constant 0 : i32
        %dma_start3A_1020 = tpu.memref_slice %arg8[%dma_start3A_1017, %dma_start3A_1018, %dma_start3A_1019] : memref<2x128x128xf32, #tpu.memory_space<vmem>> -> memref<1x128x128xf32, #tpu.memory_space<vmem>>
        %dma_start3A_1021 = tpu.memref_squeeze %dma_start3A_1020 : memref<1x128x128xf32, #tpu.memory_space<vmem>> -> memref<128x128xf32, #tpu.memory_space<vmem>>
        %dma_start3A_1022 = arith.constant 0 : i32
        %dma_start3A_1023 = arith.constant 0 : i32
        %dma_start3A_1024 = tpu.memref_slice %arg6[%scan3A_843, %dma_start3A_1022, %dma_start3A_1023] : memref<2x16x128xi32, #tpu.memory_space<vmem>> -> memref<1x16x128xi32, #tpu.memory_space<vmem>>
        %dma_start3A_1025 = tpu.memref_squeeze %dma_start3A_1024 : memref<1x16x128xi32, #tpu.memory_space<vmem>> -> memref<16x128xi32, #tpu.memory_space<vmem>>
        %dma_start3A_1026 = arith.constant 0 : i32
        %dma_start3A_1027 = tpu.memref_slice %dma_start3A_1025[%sub3A_993, %dma_start3A_1026] : memref<16x128xi32, #tpu.memory_space<vmem>> -> memref<1x128xi32, #tpu.memory_space<vmem>>
        %dma_start3A_1028 = tpu.memref_squeeze %dma_start3A_1027 : memref<1x128xi32, #tpu.memory_space<vmem>> -> memref<128xi32, #tpu.memory_space<vmem>>
        %dma_start3A_1029 = arith.constant 0 : i32
        %dma_start3A_1030 = arith.constant 0 : i32
        %dma_start3A_1031 = tpu.memref_slice %arg2[%dma_start3A_1029, %dma_start3A_1030] : memref<10240x128xf32, #tpu.memory_space<hbm>> -> memref<10240x128xf32, #tpu.memory_space<hbm>>
        tpu.enqueue_indirect_dma source(%dma_start3A_1031 : memref<10240x128xf32, #tpu.memory_space<hbm>>) target(%dma_start3A_1021 : memref<128x128xf32, #tpu.memory_space<vmem>>) offsets(%dma_start3A_1028 : memref<128xi32, #tpu.memory_space<vmem>>) semaphore(%arg9 : memref<!tpu.dma_semaphore, #tpu.memory_space<semaphore_mem>>)
      } else {
      }
    }
    %scan3A_849 = arith.constant 8 : i32
    %dma_wait3A_850 = arith.constant 0 : i32
    %dma_wait3A_851 = arith.constant 0 : i32
    %dma_wait3A_852 = arith.constant 0 : i32
    %dma_wait3A_853 = arith.constant 0 : i32
    %dma_wait3A_854 = arith.constant 0 : i32
    %dma_wait3A_855 = tpu.memref_slice %arg8[%dma_wait3A_850, %dma_wait3A_853, %dma_wait3A_854] : memref<2x128x128xf32, #tpu.memory_space<vmem>> -> memref<1x128x128xf32, #tpu.memory_space<vmem>>
    %dma_wait3A_856 = tpu.memref_squeeze %dma_wait3A_855 : memref<1x128x128xf32, #tpu.memory_space<vmem>> -> memref<128x128xf32, #tpu.memory_space<vmem>>
    %dma_wait3A_857 = arith.constant 0 : i32
    %dma_wait3A_858 = arith.constant 0 : i32
    %dma_wait3A_859 = tpu.memref_slice %arg7[%dma_wait3A_851, %dma_wait3A_857, %dma_wait3A_858] : memref<2x16x128xi32, #tpu.memory_space<vmem>> -> memref<1x16x128xi32, #tpu.memory_space<vmem>>
    %dma_wait3A_860 = tpu.memref_squeeze %dma_wait3A_859 : memref<1x16x128xi32, #tpu.memory_space<vmem>> -> memref<16x128xi32, #tpu.memory_space<vmem>>
    %dma_wait3A_861 = arith.constant 0 : i32
    %dma_wait3A_862 = tpu.memref_slice %dma_wait3A_860[%dma_wait3A_852, %dma_wait3A_861] : memref<16x128xi32, #tpu.memory_space<vmem>> -> memref<1x128xi32, #tpu.memory_space<vmem>>
    %dma_wait3A_863 = tpu.memref_squeeze %dma_wait3A_862 : memref<1x128xi32, #tpu.memory_space<vmem>> -> memref<128xi32, #tpu.memory_space<vmem>>
    %dma_wait3A_864 = arith.constant 0 : i32
    %dma_wait3A_865 = arith.constant 0 : i32
    %dma_wait3A_866 = tpu.memref_slice %arg5[%dma_wait3A_864, %dma_wait3A_865] : memref<10240x128xf32, #tpu.memory_space<vmem_shared>> -> memref<10240x128xf32, #tpu.memory_space<vmem_shared>>
    tpu.wait_indirect_dma semaphore(%arg11 : memref<!tpu.dma_semaphore, #tpu.memory_space<semaphore_mem>>) src(%dma_wait3A_856 : memref<128x128xf32, #tpu.memory_space<vmem>>) dst(%dma_wait3A_866 : memref<10240x128xf32, #tpu.memory_space<vmem_shared>>)
    %dma_wait3A_867 = arith.constant 1 : i32
    %dma_wait3A_868 = arith.constant 0 : i32
    %dma_wait3A_869 = arith.constant 0 : i32
    %dma_wait3A_870 = arith.constant 0 : i32
    %dma_wait3A_871 = arith.constant 0 : i32
    %dma_wait3A_872 = tpu.memref_slice %arg8[%dma_wait3A_867, %dma_wait3A_870, %dma_wait3A_871] : memref<2x128x128xf32, #tpu.memory_space<vmem>> -> memref<1x128x128xf32, #tpu.memory_space<vmem>>
    %dma_wait3A_873 = tpu.memref_squeeze %dma_wait3A_872 : memref<1x128x128xf32, #tpu.memory_space<vmem>> -> memref<128x128xf32, #tpu.memory_space<vmem>>
    %dma_wait3A_874 = arith.constant 0 : i32
    %dma_wait3A_875 = arith.constant 0 : i32
    %dma_wait3A_876 = tpu.memref_slice %arg7[%dma_wait3A_868, %dma_wait3A_874, %dma_wait3A_875] : memref<2x16x128xi32, #tpu.memory_space<vmem>> -> memref<1x16x128xi32, #tpu.memory_space<vmem>>
    %dma_wait3A_877 = tpu.memref_squeeze %dma_wait3A_876 : memref<1x16x128xi32, #tpu.memory_space<vmem>> -> memref<16x128xi32, #tpu.memory_space<vmem>>
    %dma_wait3A_878 = arith.constant 0 : i32
    %dma_wait3A_879 = tpu.memref_slice %dma_wait3A_877[%dma_wait3A_869, %dma_wait3A_878] : memref<16x128xi32, #tpu.memory_space<vmem>> -> memref<1x128xi32, #tpu.memory_space<vmem>>
    %dma_wait3A_880 = tpu.memref_squeeze %dma_wait3A_879 : memref<1x128xi32, #tpu.memory_space<vmem>> -> memref<128xi32, #tpu.memory_space<vmem>>
    %dma_wait3A_881 = arith.constant 0 : i32
    %dma_wait3A_882 = arith.constant 0 : i32
    %dma_wait3A_883 = tpu.memref_slice %arg5[%dma_wait3A_881, %dma_wait3A_882] : memref<10240x128xf32, #tpu.memory_space<vmem_shared>> -> memref<10240x128xf32, #tpu.memory_space<vmem_shared>>
    tpu.wait_indirect_dma semaphore(%arg12 : memref<!tpu.dma_semaphore, #tpu.memory_space<semaphore_mem>>) src(%dma_wait3A_873 : memref<128x128xf32, #tpu.memory_space<vmem>>) dst(%dma_wait3A_883 : memref<10240x128xf32, #tpu.memory_space<vmem_shared>>)
    %barrier3A_884 = arith.constant 0 : index
    tpu.barrier barrier_id(%barrier3A_884)
    %mul3A_885 = arith.constant 640 : i32
    %mul3A_886 = arith.muli %arg1, %mul3A_885 : i32
    %add3A_887 = arith.constant 0 : i32
    %add3A_888 = arith.addi %mul3A_886, %add3A_887 : i32
    %run_scoped3A_889 = arith.constant 0 : i32
    "tpu.region"() ({
      %run_scoped3A_915 = tpu.sem_alloc : memref<!tpu.dma_semaphore, #tpu.memory_space<semaphore_mem>>
      %dma_start3A_916 = arith.constant 0 : i32
      %dma_start3A_917 = arith.constant 0 : i32
      %dma_start3A_918 = tpu.memref_slice %arg8[%run_scoped3A_889, %dma_start3A_916, %dma_start3A_917] : memref<2x128x128xf32, #tpu.memory_space<vmem>> -> memref<1x128x128xf32, #tpu.memory_space<vmem>>
      %dma_start3A_919 = tpu.memref_squeeze %dma_start3A_918 : memref<1x128x128xf32, #tpu.memory_space<vmem>> -> memref<128x128xf32, #tpu.memory_space<vmem>>
      %dma_start3A_920 = arith.constant 0 : i32
      %dma_start3A_921 = tpu.memref_slice %arg5[%add3A_888, %dma_start3A_920] : memref<10240x128xf32, #tpu.memory_space<vmem_shared>> -> memref<128x128xf32, #tpu.memory_space<vmem_shared>>
      %dma_start3A_922 = arith.constant 0 : i32
      %dma_start3A_923 = arith.constant 0 : i32
      %dma_start3A_924 = tpu.memref_slice %arg8[%run_scoped3A_889, %dma_start3A_922, %dma_start3A_923] : memref<2x128x128xf32, #tpu.memory_space<vmem>> -> memref<1x128x128xf32, #tpu.memory_space<vmem>>
      %dma_start3A_925 = tpu.memref_squeeze %dma_start3A_924 : memref<1x128x128xf32, #tpu.memory_space<vmem>> -> memref<128x128xf32, #tpu.memory_space<vmem>>
      %dma_start3A_926 = arith.constant 0 : i32
      %dma_start3A_927 = tpu.memref_slice %arg5[%add3A_888, %dma_start3A_926] : memref<10240x128xf32, #tpu.memory_space<vmem_shared>> -> memref<128x128xf32, #tpu.memory_space<vmem_shared>>
      tpu.enqueue_dma source(%dma_start3A_927 : memref<128x128xf32, #tpu.memory_space<vmem_shared>>) target(%dma_start3A_925 : memref<128x128xf32, #tpu.memory_space<vmem>>) target_semaphore(%run_scoped3A_915 : memref<!tpu.dma_semaphore, #tpu.memory_space<semaphore_mem>>)
      %dma_wait3A_928 = arith.constant 0 : i32
      %dma_wait3A_929 = arith.constant 0 : i32
      %dma_wait3A_930 = tpu.memref_slice %arg8[%run_scoped3A_889, %dma_wait3A_928, %dma_wait3A_929] : memref<2x128x128xf32, #tpu.memory_space<vmem>> -> memref<1x128x128xf32, #tpu.memory_space<vmem>>
      %dma_wait3A_931 = tpu.memref_squeeze %dma_wait3A_930 : memref<1x128x128xf32, #tpu.memory_space<vmem>> -> memref<128x128xf32, #tpu.memory_space<vmem>>
      %dma_wait3A_932 = arith.constant 0 : i32
      %dma_wait3A_933 = tpu.memref_slice %arg5[%add3A_888, %dma_wait3A_932] : memref<10240x128xf32, #tpu.memory_space<vmem_shared>> -> memref<128x128xf32, #tpu.memory_space<vmem_shared>>
      %dma_wait3A_934 = arith.constant 0 : i32
      %dma_wait3A_935 = arith.constant 0 : i32
      %dma_wait3A_936 = tpu.memref_slice %arg8[%run_scoped3A_889, %dma_wait3A_934, %dma_wait3A_935] : memref<2x128x128xf32, #tpu.memory_space<vmem>> -> memref<1x128x128xf32, #tpu.memory_space<vmem>>
      %dma_wait3A_937 = tpu.memref_squeeze %dma_wait3A_936 : memref<1x128x128xf32, #tpu.memory_space<vmem>> -> memref<128x128xf32, #tpu.memory_space<vmem>>
      %dma_wait3A_938 = arith.constant 0 : i32
      %dma_wait3A_939 = tpu.memref_slice %arg5[%add3A_888, %dma_wait3A_938] : memref<10240x128xf32, #tpu.memory_space<vmem_shared>> -> memref<128x128xf32, #tpu.memory_space<vmem_shared>>
      tpu.wait_dma2 semaphore(%run_scoped3A_915 : memref<!tpu.dma_semaphore, #tpu.memory_space<semaphore_mem>>) src(%dma_wait3A_939 : memref<128x128xf32, #tpu.memory_space<vmem_shared>>) dst(%dma_wait3A_937 : memref<128x128xf32, #tpu.memory_space<vmem>>)
      tpu.yield
    }) : () -> ()
    %run_scoped3A_890 = arith.constant 0 : i32
    "tpu.region"() ({
      %run_scoped3A_915 = tpu.sem_alloc : memref<!tpu.dma_semaphore, #tpu.memory_space<semaphore_mem>>
      %dma_start3A_916 = arith.constant 0 : i32
      %dma_start3A_917 = arith.constant 0 : i32
      %dma_start3A_918 = tpu.memref_slice %arg8[%run_scoped3A_890, %dma_start3A_916, %dma_start3A_917] : memref<2x128x128xf32, #tpu.memory_space<vmem>> -> memref<1x128x128xf32, #tpu.memory_space<vmem>>
      %dma_start3A_919 = tpu.memref_squeeze %dma_start3A_918 : memref<1x128x128xf32, #tpu.memory_space<vmem>> -> memref<128x128xf32, #tpu.memory_space<vmem>>
      %dma_start3A_920 = arith.constant 0 : i32
      %dma_start3A_921 = tpu.memref_slice %arg4[%arg0, %add3A_888, %dma_start3A_920] : memref<2x10240x128xf32, #tpu.memory_space<hbm>> -> memref<1x128x128xf32, #tpu.memory_space<hbm>>
      %dma_start3A_922 = tpu.memref_squeeze %dma_start3A_921 : memref<1x128x128xf32, #tpu.memory_space<hbm>> -> memref<128x128xf32, #tpu.memory_space<hbm>>
      %dma_start3A_923 = arith.constant 0 : i32
      %dma_start3A_924 = tpu.memref_slice %arg4[%arg0, %add3A_888, %dma_start3A_923] : memref<2x10240x128xf32, #tpu.memory_space<hbm>> -> memref<1x128x128xf32, #tpu.memory_space<hbm>>
      %dma_start3A_925 = tpu.memref_squeeze %dma_start3A_924 : memref<1x128x128xf32, #tpu.memory_space<hbm>> -> memref<128x128xf32, #tpu.memory_space<hbm>>
      %dma_start3A_926 = arith.constant 0 : i32
      %dma_start3A_927 = arith.constant 0 : i32
      %dma_start3A_928 = tpu.memref_slice %arg8[%run_scoped3A_890, %dma_start3A_926, %dma_start3A_927] : memref<2x128x128xf32, #tpu.memory_space<vmem>> -> memref<1x128x128xf32, #tpu.memory_space<vmem>>
      %dma_start3A_929 = tpu.memref_squeeze %dma_start3A_928 : memref<1x128x128xf32, #tpu.memory_space<vmem>> -> memref<128x128xf32, #tpu.memory_space<vmem>>
      tpu.enqueue_dma source(%dma_start3A_929 : memref<128x128xf32, #tpu.memory_space<vmem>>) target(%dma_start3A_925 : memref<128x128xf32, #tpu.memory_space<hbm>>) target_semaphore(%run_scoped3A_915 : memref<!tpu.dma_semaphore, #tpu.memory_space<semaphore_mem>>)
      %dma_wait3A_930 = arith.constant 0 : i32
      %dma_wait3A_931 = arith.constant 0 : i32
      %dma_wait3A_932 = tpu.memref_slice %arg8[%run_scoped3A_890, %dma_wait3A_930, %dma_wait3A_931] : memref<2x128x128xf32, #tpu.memory_space<vmem>> -> memref<1x128x128xf32, #tpu.memory_space<vmem>>
      %dma_wait3A_933 = tpu.memref_squeeze %dma_wait3A_932 : memref<1x128x128xf32, #tpu.memory_space<vmem>> -> memref<128x128xf32, #tpu.memory_space<vmem>>
      %dma_wait3A_934 = arith.constant 0 : i32
      %dma_wait3A_935 = tpu.memref_slice %arg4[%arg0, %add3A_888, %dma_wait3A_934] : memref<2x10240x128xf32, #tpu.memory_space<hbm>> -> memref<1x128x128xf32, #tpu.memory_space<hbm>>
      %dma_wait3A_936 = tpu.memref_squeeze %dma_wait3A_935 : memref<1x128x128xf32, #tpu.memory_space<hbm>> -> memref<128x128xf32, #tpu.memory_space<hbm>>
      %dma_wait3A_937 = arith.constant 0 : i32
      %dma_wait3A_938 = tpu.memref_slice %arg4[%arg0, %add3A_888, %dma_wait3A_937] : memref<2x10240x128xf32, #tpu.memory_space<hbm>> -> memref<1x128x128xf32, #tpu.memory_space<hbm>>
      %dma_wait3A_939 = tpu.memref_squeeze %dma_wait3A_938 : memref<1x128x128xf32, #tpu.memory_space<hbm>> -> memref<128x128xf32, #tpu.memory_space<hbm>>
      %dma_wait3A_940 = arith.constant 0 : i32
      %dma_wait3A_941 = arith.constant 0 : i32
      %dma_wait3A_942 = tpu.memref_slice %arg8[%run_scoped3A_890, %dma_wait3A_940, %dma_wait3A_941] : memref<2x128x128xf32, #tpu.memory_space<vmem>> -> memref<1x128x128xf32, #tpu.memory_space<vmem>>
      %dma_wait3A_943 = tpu.memref_squeeze %dma_wait3A_942 : memref<1x128x128xf32, #tpu.memory_space<vmem>> -> memref<128x128xf32, #tpu.memory_space<vmem>>
      tpu.wait_dma2 semaphore(%run_scoped3A_915 : memref<!tpu.dma_semaphore, #tpu.memory_space<semaphore_mem>>) src(%dma_wait3A_943 : memref<128x128xf32, #tpu.memory_space<vmem>>) dst(%dma_wait3A_939 : memref<128x128xf32, #tpu.memory_space<hbm>>)
      tpu.yield
    }) : () -> ()
    %mul3A_891 = arith.constant 640 : i32
    %mul3A_892 = arith.muli %arg1, %mul3A_891 : i32
    %add3A_893 = arith.constant 128 : i32
    %add3A_894 = arith.addi %mul3A_892, %add3A_893 : i32
    %run_scoped3A_895 = arith.constant 0 : i32
    "tpu.region"() ({
      %run_scoped3A_915 = tpu.sem_alloc : memref<!tpu.dma_semaphore, #tpu.memory_space<semaphore_mem>>
      %dma_start3A_916 = arith.constant 0 : i32
      %dma_start3A_917 = arith.constant 0 : i32
      %dma_start3A_918 = tpu.memref_slice %arg8[%run_scoped3A_895, %dma_start3A_916, %dma_start3A_917] : memref<2x128x128xf32, #tpu.memory_space<vmem>> -> memref<1x128x128xf32, #tpu.memory_space<vmem>>
      %dma_start3A_919 = tpu.memref_squeeze %dma_start3A_918 : memref<1x128x128xf32, #tpu.memory_space<vmem>> -> memref<128x128xf32, #tpu.memory_space<vmem>>
      %dma_start3A_920 = arith.constant 0 : i32
      %dma_start3A_921 = tpu.memref_slice %arg5[%add3A_894, %dma_start3A_920] : memref<10240x128xf32, #tpu.memory_space<vmem_shared>> -> memref<128x128xf32, #tpu.memory_space<vmem_shared>>
      %dma_start3A_922 = arith.constant 0 : i32
      %dma_start3A_923 = arith.constant 0 : i32
      %dma_start3A_924 = tpu.memref_slice %arg8[%run_scoped3A_895, %dma_start3A_922, %dma_start3A_923] : memref<2x128x128xf32, #tpu.memory_space<vmem>> -> memref<1x128x128xf32, #tpu.memory_space<vmem>>
      %dma_start3A_925 = tpu.memref_squeeze %dma_start3A_924 : memref<1x128x128xf32, #tpu.memory_space<vmem>> -> memref<128x128xf32, #tpu.memory_space<vmem>>
      %dma_start3A_926 = arith.constant 0 : i32
      %dma_start3A_927 = tpu.memref_slice %arg5[%add3A_894, %dma_start3A_926] : memref<10240x128xf32, #tpu.memory_space<vmem_shared>> -> memref<128x128xf32, #tpu.memory_space<vmem_shared>>
      tpu.enqueue_dma source(%dma_start3A_927 : memref<128x128xf32, #tpu.memory_space<vmem_shared>>) target(%dma_start3A_925 : memref<128x128xf32, #tpu.memory_space<vmem>>) target_semaphore(%run_scoped3A_915 : memref<!tpu.dma_semaphore, #tpu.memory_space<semaphore_mem>>)
      %dma_wait3A_928 = arith.constant 0 : i32
      %dma_wait3A_929 = arith.constant 0 : i32
      %dma_wait3A_930 = tpu.memref_slice %arg8[%run_scoped3A_895, %dma_wait3A_928, %dma_wait3A_929] : memref<2x128x128xf32, #tpu.memory_space<vmem>> -> memref<1x128x128xf32, #tpu.memory_space<vmem>>
      %dma_wait3A_931 = tpu.memref_squeeze %dma_wait3A_930 : memref<1x128x128xf32, #tpu.memory_space<vmem>> -> memref<128x128xf32, #tpu.memory_space<vmem>>
      %dma_wait3A_932 = arith.constant 0 : i32
      %dma_wait3A_933 = tpu.memref_slice %arg5[%add3A_894, %dma_wait3A_932] : memref<10240x128xf32, #tpu.memory_space<vmem_shared>> -> memref<128x128xf32, #tpu.memory_space<vmem_shared>>
      %dma_wait3A_934 = arith.constant 0 : i32
      %dma_wait3A_935 = arith.constant 0 : i32
      %dma_wait3A_936 = tpu.memref_slice %arg8[%run_scoped3A_895, %dma_wait3A_934, %dma_wait3A_935] : memref<2x128x128xf32, #tpu.memory_space<vmem>> -> memref<1x128x128xf32, #tpu.memory_space<vmem>>
      %dma_wait3A_937 = tpu.memref_squeeze %dma_wait3A_936 : memref<1x128x128xf32, #tpu.memory_space<vmem>> -> memref<128x128xf32, #tpu.memory_space<vmem>>
      %dma_wait3A_938 = arith.constant 0 : i32
      %dma_wait3A_939 = tpu.memref_slice %arg5[%add3A_894, %dma_wait3A_938] : memref<10240x128xf32, #tpu.memory_space<vmem_shared>> -> memref<128x128xf32, #tpu.memory_space<vmem_shared>>
      tpu.wait_dma2 semaphore(%run_scoped3A_915 : memref<!tpu.dma_semaphore, #tpu.memory_space<semaphore_mem>>) src(%dma_wait3A_939 : memref<128x128xf32, #tpu.memory_space<vmem_shared>>) dst(%dma_wait3A_937 : memref<128x128xf32, #tpu.memory_space<vmem>>)
      tpu.yield
    }) : () -> ()
    %run_scoped3A_896 = arith.constant 0 : i32
    "tpu.region"() ({
      %run_scoped3A_915 = tpu.sem_alloc : memref<!tpu.dma_semaphore, #tpu.memory_space<semaphore_mem>>
      %dma_start3A_916 = arith.constant 0 : i32
      %dma_start3A_917 = arith.constant 0 : i32
      %dma_start3A_918 = tpu.memref_slice %arg8[%run_scoped3A_896, %dma_start3A_916, %dma_start3A_917] : memref<2x128x128xf32, #tpu.memory_space<vmem>> -> memref<1x128x128xf32, #tpu.memory_space<vmem>>
      %dma_start3A_919 = tpu.memref_squeeze %dma_start3A_918 : memref<1x128x128xf32, #tpu.memory_space<vmem>> -> memref<128x128xf32, #tpu.memory_space<vmem>>
      %dma_start3A_920 = arith.constant 0 : i32
      %dma_start3A_921 = tpu.memref_slice %arg4[%arg0, %add3A_894, %dma_start3A_920] : memref<2x10240x128xf32, #tpu.memory_space<hbm>> -> memref<1x128x128xf32, #tpu.memory_space<hbm>>
      %dma_start3A_922 = tpu.memref_squeeze %dma_start3A_921 : memref<1x128x128xf32, #tpu.memory_space<hbm>> -> memref<128x128xf32, #tpu.memory_space<hbm>>
      %dma_start3A_923 = arith.constant 0 : i32
      %dma_start3A_924 = tpu.memref_slice %arg4[%arg0, %add3A_894, %dma_start3A_923] : memref<2x10240x128xf32, #tpu.memory_space<hbm>> -> memref<1x128x128xf32, #tpu.memory_space<hbm>>
      %dma_start3A_925 = tpu.memref_squeeze %dma_start3A_924 : memref<1x128x128xf32, #tpu.memory_space<hbm>> -> memref<128x128xf32, #tpu.memory_space<hbm>>
      %dma_start3A_926 = arith.constant 0 : i32
      %dma_start3A_927 = arith.constant 0 : i32
      %dma_start3A_928 = tpu.memref_slice %arg8[%run_scoped3A_896, %dma_start3A_926, %dma_start3A_927] : memref<2x128x128xf32, #tpu.memory_space<vmem>> -> memref<1x128x128xf32, #tpu.memory_space<vmem>>
      %dma_start3A_929 = tpu.memref_squeeze %dma_start3A_928 : memref<1x128x128xf32, #tpu.memory_space<vmem>> -> memref<128x128xf32, #tpu.memory_space<vmem>>
      tpu.enqueue_dma source(%dma_start3A_929 : memref<128x128xf32, #tpu.memory_space<vmem>>) target(%dma_start3A_925 : memref<128x128xf32, #tpu.memory_space<hbm>>) target_semaphore(%run_scoped3A_915 : memref<!tpu.dma_semaphore, #tpu.memory_space<semaphore_mem>>)
      %dma_wait3A_930 = arith.constant 0 : i32
      %dma_wait3A_931 = arith.constant 0 : i32
      %dma_wait3A_932 = tpu.memref_slice %arg8[%run_scoped3A_896, %dma_wait3A_930, %dma_wait3A_931] : memref<2x128x128xf32, #tpu.memory_space<vmem>> -> memref<1x128x128xf32, #tpu.memory_space<vmem>>
      %dma_wait3A_933 = tpu.memref_squeeze %dma_wait3A_932 : memref<1x128x128xf32, #tpu.memory_space<vmem>> -> memref<128x128xf32, #tpu.memory_space<vmem>>
      %dma_wait3A_934 = arith.constant 0 : i32
      %dma_wait3A_935 = tpu.memref_slice %arg4[%arg0, %add3A_894, %dma_wait3A_934] : memref<2x10240x128xf32, #tpu.memory_space<hbm>> -> memref<1x128x128xf32, #tpu.memory_space<hbm>>
      %dma_wait3A_936 = tpu.memref_squeeze %dma_wait3A_935 : memref<1x128x128xf32, #tpu.memory_space<hbm>> -> memref<128x128xf32, #tpu.memory_space<hbm>>
      %dma_wait3A_937 = arith.constant 0 : i32
      %dma_wait3A_938 = tpu.memref_slice %arg4[%arg0, %add3A_894, %dma_wait3A_937] : memref<2x10240x128xf32, #tpu.memory_space<hbm>> -> memref<1x128x128xf32, #tpu.memory_space<hbm>>
      %dma_wait3A_939 = tpu.memref_squeeze %dma_wait3A_938 : memref<1x128x128xf32, #tpu.memory_space<hbm>> -> memref<128x128xf32, #tpu.memory_space<hbm>>
      %dma_wait3A_940 = arith.constant 0 : i32
      %dma_wait3A_941 = arith.constant 0 : i32
      %dma_wait3A_942 = tpu.memref_slice %arg8[%run_scoped3A_896, %dma_wait3A_940, %dma_wait3A_941] : memref<2x128x128xf32, #tpu.memory_space<vmem>> -> memref<1x128x128xf32, #tpu.memory_space<vmem>>
      %dma_wait3A_943 = tpu.memref_squeeze %dma_wait3A_942 : memref<1x128x128xf32, #tpu.memory_space<vmem>> -> memref<128x128xf32, #tpu.memory_space<vmem>>
      tpu.wait_dma2 semaphore(%run_scoped3A_915 : memref<!tpu.dma_semaphore, #tpu.memory_space<semaphore_mem>>) src(%dma_wait3A_943 : memref<128x128xf32, #tpu.memory_space<vmem>>) dst(%dma_wait3A_939 : memref<128x128xf32, #tpu.memory_space<hbm>>)
      tpu.yield
    }) : () -> ()
    %mul3A_897 = arith.constant 640 : i32
    %mul3A_898 = arith.muli %arg1, %mul3A_897 : i32
    %add3A_899 = arith.constant 256 : i32
    %add3A_900 = arith.addi %mul3A_898, %add3A_899 : i32
    %run_scoped3A_901 = arith.constant 0 : i32
    "tpu.region"() ({
      %run_scoped3A_915 = tpu.sem_alloc : memref<!tpu.dma_semaphore, #tpu.memory_space<semaphore_mem>>
      %dma_start3A_916 = arith.constant 0 : i32
      %dma_start3A_917 = arith.constant 0 : i32
      %dma_start3A_918 = tpu.memref_slice %arg8[%run_scoped3A_901, %dma_start3A_916, %dma_start3A_917] : memref<2x128x128xf32, #tpu.memory_space<vmem>> -> memref<1x128x128xf32, #tpu.memory_space<vmem>>
      %dma_start3A_919 = tpu.memref_squeeze %dma_start3A_918 : memref<1x128x128xf32, #tpu.memory_space<vmem>> -> memref<128x128xf32, #tpu.memory_space<vmem>>
      %dma_start3A_920 = arith.constant 0 : i32
      %dma_start3A_921 = tpu.memref_slice %arg5[%add3A_900, %dma_start3A_920] : memref<10240x128xf32, #tpu.memory_space<vmem_shared>> -> memref<128x128xf32, #tpu.memory_space<vmem_shared>>
      %dma_start3A_922 = arith.constant 0 : i32
      %dma_start3A_923 = arith.constant 0 : i32
      %dma_start3A_924 = tpu.memref_slice %arg8[%run_scoped3A_901, %dma_start3A_922, %dma_start3A_923] : memref<2x128x128xf32, #tpu.memory_space<vmem>> -> memref<1x128x128xf32, #tpu.memory_space<vmem>>
      %dma_start3A_925 = tpu.memref_squeeze %dma_start3A_924 : memref<1x128x128xf32, #tpu.memory_space<vmem>> -> memref<128x128xf32, #tpu.memory_space<vmem>>
      %dma_start3A_926 = arith.constant 0 : i32
      %dma_start3A_927 = tpu.memref_slice %arg5[%add3A_900, %dma_start3A_926] : memref<10240x128xf32, #tpu.memory_space<vmem_shared>> -> memref<128x128xf32, #tpu.memory_space<vmem_shared>>
      tpu.enqueue_dma source(%dma_start3A_927 : memref<128x128xf32, #tpu.memory_space<vmem_shared>>) target(%dma_start3A_925 : memref<128x128xf32, #tpu.memory_space<vmem>>) target_semaphore(%run_scoped3A_915 : memref<!tpu.dma_semaphore, #tpu.memory_space<semaphore_mem>>)
      %dma_wait3A_928 = arith.constant 0 : i32
      %dma_wait3A_929 = arith.constant 0 : i32
      %dma_wait3A_930 = tpu.memref_slice %arg8[%run_scoped3A_901, %dma_wait3A_928, %dma_wait3A_929] : memref<2x128x128xf32, #tpu.memory_space<vmem>> -> memref<1x128x128xf32, #tpu.memory_space<vmem>>
      %dma_wait3A_931 = tpu.memref_squeeze %dma_wait3A_930 : memref<1x128x128xf32, #tpu.memory_space<vmem>> -> memref<128x128xf32, #tpu.memory_space<vmem>>
      %dma_wait3A_932 = arith.constant 0 : i32
      %dma_wait3A_933 = tpu.memref_slice %arg5[%add3A_900, %dma_wait3A_932] : memref<10240x128xf32, #tpu.memory_space<vmem_shared>> -> memref<128x128xf32, #tpu.memory_space<vmem_shared>>
      %dma_wait3A_934 = arith.constant 0 : i32
      %dma_wait3A_935 = arith.constant 0 : i32
      %dma_wait3A_936 = tpu.memref_slice %arg8[%run_scoped3A_901, %dma_wait3A_934, %dma_wait3A_935] : memref<2x128x128xf32, #tpu.memory_space<vmem>> -> memref<1x128x128xf32, #tpu.memory_space<vmem>>
      %dma_wait3A_937 = tpu.memref_squeeze %dma_wait3A_936 : memref<1x128x128xf32, #tpu.memory_space<vmem>> -> memref<128x128xf32, #tpu.memory_space<vmem>>
      %dma_wait3A_938 = arith.constant 0 : i32
      %dma_wait3A_939 = tpu.memref_slice %arg5[%add3A_900, %dma_wait3A_938] : memref<10240x128xf32, #tpu.memory_space<vmem_shared>> -> memref<128x128xf32, #tpu.memory_space<vmem_shared>>
      tpu.wait_dma2 semaphore(%run_scoped3A_915 : memref<!tpu.dma_semaphore, #tpu.memory_space<semaphore_mem>>) src(%dma_wait3A_939 : memref<128x128xf32, #tpu.memory_space<vmem_shared>>) dst(%dma_wait3A_937 : memref<128x128xf32, #tpu.memory_space<vmem>>)
      tpu.yield
    }) : () -> ()
    %run_scoped3A_902 = arith.constant 0 : i32
    "tpu.region"() ({
      %run_scoped3A_915 = tpu.sem_alloc : memref<!tpu.dma_semaphore, #tpu.memory_space<semaphore_mem>>
      %dma_start3A_916 = arith.constant 0 : i32
      %dma_start3A_917 = arith.constant 0 : i32
      %dma_start3A_918 = tpu.memref_slice %arg8[%run_scoped3A_902, %dma_start3A_916, %dma_start3A_917] : memref<2x128x128xf32, #tpu.memory_space<vmem>> -> memref<1x128x128xf32, #tpu.memory_space<vmem>>
      %dma_start3A_919 = tpu.memref_squeeze %dma_start3A_918 : memref<1x128x128xf32, #tpu.memory_space<vmem>> -> memref<128x128xf32, #tpu.memory_space<vmem>>
      %dma_start3A_920 = arith.constant 0 : i32
      %dma_start3A_921 = tpu.memref_slice %arg4[%arg0, %add3A_900, %dma_start3A_920] : memref<2x10240x128xf32, #tpu.memory_space<hbm>> -> memref<1x128x128xf32, #tpu.memory_space<hbm>>
      %dma_start3A_922 = tpu.memref_squeeze %dma_start3A_921 : memref<1x128x128xf32, #tpu.memory_space<hbm>> -> memref<128x128xf32, #tpu.memory_space<hbm>>
      %dma_start3A_923 = arith.constant 0 : i32
      %dma_start3A_924 = tpu.memref_slice %arg4[%arg0, %add3A_900, %dma_start3A_923] : memref<2x10240x128xf32, #tpu.memory_space<hbm>> -> memref<1x128x128xf32, #tpu.memory_space<hbm>>
      %dma_start3A_925 = tpu.memref_squeeze %dma_start3A_924 : memref<1x128x128xf32, #tpu.memory_space<hbm>> -> memref<128x128xf32, #tpu.memory_space<hbm>>
      %dma_start3A_926 = arith.constant 0 : i32
      %dma_start3A_927 = arith.constant 0 : i32
      %dma_start3A_928 = tpu.memref_slice %arg8[%run_scoped3A_902, %dma_start3A_926, %dma_start3A_927] : memref<2x128x128xf32, #tpu.memory_space<vmem>> -> memref<1x128x128xf32, #tpu.memory_space<vmem>>
      %dma_start3A_929 = tpu.memref_squeeze %dma_start3A_928 : memref<1x128x128xf32, #tpu.memory_space<vmem>> -> memref<128x128xf32, #tpu.memory_space<vmem>>
      tpu.enqueue_dma source(%dma_start3A_929 : memref<128x128xf32, #tpu.memory_space<vmem>>) target(%dma_start3A_925 : memref<128x128xf32, #tpu.memory_space<hbm>>) target_semaphore(%run_scoped3A_915 : memref<!tpu.dma_semaphore, #tpu.memory_space<semaphore_mem>>)
      %dma_wait3A_930 = arith.constant 0 : i32
      %dma_wait3A_931 = arith.constant 0 : i32
      %dma_wait3A_932 = tpu.memref_slice %arg8[%run_scoped3A_902, %dma_wait3A_930, %dma_wait3A_931] : memref<2x128x128xf32, #tpu.memory_space<vmem>> -> memref<1x128x128xf32, #tpu.memory_space<vmem>>
      %dma_wait3A_933 = tpu.memref_squeeze %dma_wait3A_932 : memref<1x128x128xf32, #tpu.memory_space<vmem>> -> memref<128x128xf32, #tpu.memory_space<vmem>>
      %dma_wait3A_934 = arith.constant 0 : i32
      %dma_wait3A_935 = tpu.memref_slice %arg4[%arg0, %add3A_900, %dma_wait3A_934] : memref<2x10240x128xf32, #tpu.memory_space<hbm>> -> memref<1x128x128xf32, #tpu.memory_space<hbm>>
      %dma_wait3A_936 = tpu.memref_squeeze %dma_wait3A_935 : memref<1x128x128xf32, #tpu.memory_space<hbm>> -> memref<128x128xf32, #tpu.memory_space<hbm>>
      %dma_wait3A_937 = arith.constant 0 : i32
      %dma_wait3A_938 = tpu.memref_slice %arg4[%arg0, %add3A_900, %dma_wait3A_937] : memref<2x10240x128xf32, #tpu.memory_space<hbm>> -> memref<1x128x128xf32, #tpu.memory_space<hbm>>
      %dma_wait3A_939 = tpu.memref_squeeze %dma_wait3A_938 : memref<1x128x128xf32, #tpu.memory_space<hbm>> -> memref<128x128xf32, #tpu.memory_space<hbm>>
      %dma_wait3A_940 = arith.constant 0 : i32
      %dma_wait3A_941 = arith.constant 0 : i32
      %dma_wait3A_942 = tpu.memref_slice %arg8[%run_scoped3A_902, %dma_wait3A_940, %dma_wait3A_941] : memref<2x128x128xf32, #tpu.memory_space<vmem>> -> memref<1x128x128xf32, #tpu.memory_space<vmem>>
      %dma_wait3A_943 = tpu.memref_squeeze %dma_wait3A_942 : memref<1x128x128xf32, #tpu.memory_space<vmem>> -> memref<128x128xf32, #tpu.memory_space<vmem>>
      tpu.wait_dma2 semaphore(%run_scoped3A_915 : memref<!tpu.dma_semaphore, #tpu.memory_space<semaphore_mem>>) src(%dma_wait3A_943 : memref<128x128xf32, #tpu.memory_space<vmem>>) dst(%dma_wait3A_939 : memref<128x128xf32, #tpu.memory_space<hbm>>)
      tpu.yield
    }) : () -> ()
    %mul3A_903 = arith.constant 640 : i32
    %mul3A_904 = arith.muli %arg1, %mul3A_903 : i32
    %add3A_905 = arith.constant 384 : i32
    %add3A_906 = arith.addi %mul3A_904, %add3A_905 : i32
    %run_scoped3A_907 = arith.constant 0 : i32
    "tpu.region"() ({
      %run_scoped3A_915 = tpu.sem_alloc : memref<!tpu.dma_semaphore, #tpu.memory_space<semaphore_mem>>
      %dma_start3A_916 = arith.constant 0 : i32
      %dma_start3A_917 = arith.constant 0 : i32
      %dma_start3A_918 = tpu.memref_slice %arg8[%run_scoped3A_907, %dma_start3A_916, %dma_start3A_917] : memref<2x128x128xf32, #tpu.memory_space<vmem>> -> memref<1x128x128xf32, #tpu.memory_space<vmem>>
      %dma_start3A_919 = tpu.memref_squeeze %dma_start3A_918 : memref<1x128x128xf32, #tpu.memory_space<vmem>> -> memref<128x128xf32, #tpu.memory_space<vmem>>
      %dma_start3A_920 = arith.constant 0 : i32
      %dma_start3A_921 = tpu.memref_slice %arg5[%add3A_906, %dma_start3A_920] : memref<10240x128xf32, #tpu.memory_space<vmem_shared>> -> memref<128x128xf32, #tpu.memory_space<vmem_shared>>
      %dma_start3A_922 = arith.constant 0 : i32
      %dma_start3A_923 = arith.constant 0 : i32
      %dma_start3A_924 = tpu.memref_slice %arg8[%run_scoped3A_907, %dma_start3A_922, %dma_start3A_923] : memref<2x128x128xf32, #tpu.memory_space<vmem>> -> memref<1x128x128xf32, #tpu.memory_space<vmem>>
      %dma_start3A_925 = tpu.memref_squeeze %dma_start3A_924 : memref<1x128x128xf32, #tpu.memory_space<vmem>> -> memref<128x128xf32, #tpu.memory_space<vmem>>
      %dma_start3A_926 = arith.constant 0 : i32
      %dma_start3A_927 = tpu.memref_slice %arg5[%add3A_906, %dma_start3A_926] : memref<10240x128xf32, #tpu.memory_space<vmem_shared>> -> memref<128x128xf32, #tpu.memory_space<vmem_shared>>
      tpu.enqueue_dma source(%dma_start3A_927 : memref<128x128xf32, #tpu.memory_space<vmem_shared>>) target(%dma_start3A_925 : memref<128x128xf32, #tpu.memory_space<vmem>>) target_semaphore(%run_scoped3A_915 : memref<!tpu.dma_semaphore, #tpu.memory_space<semaphore_mem>>)
      %dma_wait3A_928 = arith.constant 0 : i32
      %dma_wait3A_929 = arith.constant 0 : i32
      %dma_wait3A_930 = tpu.memref_slice %arg8[%run_scoped3A_907, %dma_wait3A_928, %dma_wait3A_929] : memref<2x128x128xf32, #tpu.memory_space<vmem>> -> memref<1x128x128xf32, #tpu.memory_space<vmem>>
      %dma_wait3A_931 = tpu.memref_squeeze %dma_wait3A_930 : memref<1x128x128xf32, #tpu.memory_space<vmem>> -> memref<128x128xf32, #tpu.memory_space<vmem>>
      %dma_wait3A_932 = arith.constant 0 : i32
      %dma_wait3A_933 = tpu.memref_slice %arg5[%add3A_906, %dma_wait3A_932] : memref<10240x128xf32, #tpu.memory_space<vmem_shared>> -> memref<128x128xf32, #tpu.memory_space<vmem_shared>>
      %dma_wait3A_934 = arith.constant 0 : i32
      %dma_wait3A_935 = arith.constant 0 : i32
      %dma_wait3A_936 = tpu.memref_slice %arg8[%run_scoped3A_907, %dma_wait3A_934, %dma_wait3A_935] : memref<2x128x128xf32, #tpu.memory_space<vmem>> -> memref<1x128x128xf32, #tpu.memory_space<vmem>>
      %dma_wait3A_937 = tpu.memref_squeeze %dma_wait3A_936 : memref<1x128x128xf32, #tpu.memory_space<vmem>> -> memref<128x128xf32, #tpu.memory_space<vmem>>
      %dma_wait3A_938 = arith.constant 0 : i32
      %dma_wait3A_939 = tpu.memref_slice %arg5[%add3A_906, %dma_wait3A_938] : memref<10240x128xf32, #tpu.memory_space<vmem_shared>> -> memref<128x128xf32, #tpu.memory_space<vmem_shared>>
      tpu.wait_dma2 semaphore(%run_scoped3A_915 : memref<!tpu.dma_semaphore, #tpu.memory_space<semaphore_mem>>) src(%dma_wait3A_939 : memref<128x128xf32, #tpu.memory_space<vmem_shared>>) dst(%dma_wait3A_937 : memref<128x128xf32, #tpu.memory_space<vmem>>)
      tpu.yield
    }) : () -> ()
    %run_scoped3A_908 = arith.constant 0 : i32
    "tpu.region"() ({
      %run_scoped3A_915 = tpu.sem_alloc : memref<!tpu.dma_semaphore, #tpu.memory_space<semaphore_mem>>
      %dma_start3A_916 = arith.constant 0 : i32
      %dma_start3A_917 = arith.constant 0 : i32
      %dma_start3A_918 = tpu.memref_slice %arg8[%run_scoped3A_908, %dma_start3A_916, %dma_start3A_917] : memref<2x128x128xf32, #tpu.memory_space<vmem>> -> memref<1x128x128xf32, #tpu.memory_space<vmem>>
      %dma_start3A_919 = tpu.memref_squeeze %dma_start3A_918 : memref<1x128x128xf32, #tpu.memory_space<vmem>> -> memref<128x128xf32, #tpu.memory_space<vmem>>
      %dma_start3A_920 = arith.constant 0 : i32
      %dma_start3A_921 = tpu.memref_slice %arg4[%arg0, %add3A_906, %dma_start3A_920] : memref<2x10240x128xf32, #tpu.memory_space<hbm>> -> memref<1x128x128xf32, #tpu.memory_space<hbm>>
      %dma_start3A_922 = tpu.memref_squeeze %dma_start3A_921 : memref<1x128x128xf32, #tpu.memory_space<hbm>> -> memref<128x128xf32, #tpu.memory_space<hbm>>
      %dma_start3A_923 = arith.constant 0 : i32
      %dma_start3A_924 = tpu.memref_slice %arg4[%arg0, %add3A_906, %dma_start3A_923] : memref<2x10240x128xf32, #tpu.memory_space<hbm>> -> memref<1x128x128xf32, #tpu.memory_space<hbm>>
      %dma_start3A_925 = tpu.memref_squeeze %dma_start3A_924 : memref<1x128x128xf32, #tpu.memory_space<hbm>> -> memref<128x128xf32, #tpu.memory_space<hbm>>
      %dma_start3A_926 = arith.constant 0 : i32
      %dma_start3A_927 = arith.constant 0 : i32
      %dma_start3A_928 = tpu.memref_slice %arg8[%run_scoped3A_908, %dma_start3A_926, %dma_start3A_927] : memref<2x128x128xf32, #tpu.memory_space<vmem>> -> memref<1x128x128xf32, #tpu.memory_space<vmem>>
      %dma_start3A_929 = tpu.memref_squeeze %dma_start3A_928 : memref<1x128x128xf32, #tpu.memory_space<vmem>> -> memref<128x128xf32, #tpu.memory_space<vmem>>
      tpu.enqueue_dma source(%dma_start3A_929 : memref<128x128xf32, #tpu.memory_space<vmem>>) target(%dma_start3A_925 : memref<128x128xf32, #tpu.memory_space<hbm>>) target_semaphore(%run_scoped3A_915 : memref<!tpu.dma_semaphore, #tpu.memory_space<semaphore_mem>>)
      %dma_wait3A_930 = arith.constant 0 : i32
      %dma_wait3A_931 = arith.constant 0 : i32
      %dma_wait3A_932 = tpu.memref_slice %arg8[%run_scoped3A_908, %dma_wait3A_930, %dma_wait3A_931] : memref<2x128x128xf32, #tpu.memory_space<vmem>> -> memref<1x128x128xf32, #tpu.memory_space<vmem>>
      %dma_wait3A_933 = tpu.memref_squeeze %dma_wait3A_932 : memref<1x128x128xf32, #tpu.memory_space<vmem>> -> memref<128x128xf32, #tpu.memory_space<vmem>>
      %dma_wait3A_934 = arith.constant 0 : i32
      %dma_wait3A_935 = tpu.memref_slice %arg4[%arg0, %add3A_906, %dma_wait3A_934] : memref<2x10240x128xf32, #tpu.memory_space<hbm>> -> memref<1x128x128xf32, #tpu.memory_space<hbm>>
      %dma_wait3A_936 = tpu.memref_squeeze %dma_wait3A_935 : memref<1x128x128xf32, #tpu.memory_space<hbm>> -> memref<128x128xf32, #tpu.memory_space<hbm>>
      %dma_wait3A_937 = arith.constant 0 : i32
      %dma_wait3A_938 = tpu.memref_slice %arg4[%arg0, %add3A_906, %dma_wait3A_937] : memref<2x10240x128xf32, #tpu.memory_space<hbm>> -> memref<1x128x128xf32, #tpu.memory_space<hbm>>
      %dma_wait3A_939 = tpu.memref_squeeze %dma_wait3A_938 : memref<1x128x128xf32, #tpu.memory_space<hbm>> -> memref<128x128xf32, #tpu.memory_space<hbm>>
      %dma_wait3A_940 = arith.constant 0 : i32
      %dma_wait3A_941 = arith.constant 0 : i32
      %dma_wait3A_942 = tpu.memref_slice %arg8[%run_scoped3A_908, %dma_wait3A_940, %dma_wait3A_941] : memref<2x128x128xf32, #tpu.memory_space<vmem>> -> memref<1x128x128xf32, #tpu.memory_space<vmem>>
      %dma_wait3A_943 = tpu.memref_squeeze %dma_wait3A_942 : memref<1x128x128xf32, #tpu.memory_space<vmem>> -> memref<128x128xf32, #tpu.memory_space<vmem>>
      tpu.wait_dma2 semaphore(%run_scoped3A_915 : memref<!tpu.dma_semaphore, #tpu.memory_space<semaphore_mem>>) src(%dma_wait3A_943 : memref<128x128xf32, #tpu.memory_space<vmem>>) dst(%dma_wait3A_939 : memref<128x128xf32, #tpu.memory_space<hbm>>)
      tpu.yield
    }) : () -> ()
    %mul3A_909 = arith.constant 640 : i32
    %mul3A_910 = arith.muli %arg1, %mul3A_909 : i32
    %add3A_911 = arith.constant 512 : i32
    %add3A_912 = arith.addi %mul3A_910, %add3A_911 : i32
    %run_scoped3A_913 = arith.constant 0 : i32
    "tpu.region"() ({
      %run_scoped3A_915 = tpu.sem_alloc : memref<!tpu.dma_semaphore, #tpu.memory_space<semaphore_mem>>
      %dma_start3A_916 = arith.constant 0 : i32
      %dma_start3A_917 = arith.constant 0 : i32
      %dma_start3A_918 = tpu.memref_slice %arg8[%run_scoped3A_913, %dma_start3A_916, %dma_start3A_917] : memref<2x128x128xf32, #tpu.memory_space<vmem>> -> memref<1x128x128xf32, #tpu.memory_space<vmem>>
      %dma_start3A_919 = tpu.memref_squeeze %dma_start3A_918 : memref<1x128x128xf32, #tpu.memory_space<vmem>> -> memref<128x128xf32, #tpu.memory_space<vmem>>
      %dma_start3A_920 = arith.constant 0 : i32
      %dma_start3A_921 = tpu.memref_slice %arg5[%add3A_912, %dma_start3A_920] : memref<10240x128xf32, #tpu.memory_space<vmem_shared>> -> memref<128x128xf32, #tpu.memory_space<vmem_shared>>
      %dma_start3A_922 = arith.constant 0 : i32
      %dma_start3A_923 = arith.constant 0 : i32
      %dma_start3A_924 = tpu.memref_slice %arg8[%run_scoped3A_913, %dma_start3A_922, %dma_start3A_923] : memref<2x128x128xf32, #tpu.memory_space<vmem>> -> memref<1x128x128xf32, #tpu.memory_space<vmem>>
      %dma_start3A_925 = tpu.memref_squeeze %dma_start3A_924 : memref<1x128x128xf32, #tpu.memory_space<vmem>> -> memref<128x128xf32, #tpu.memory_space<vmem>>
      %dma_start3A_926 = arith.constant 0 : i32
      %dma_start3A_927 = tpu.memref_slice %arg5[%add3A_912, %dma_start3A_926] : memref<10240x128xf32, #tpu.memory_space<vmem_shared>> -> memref<128x128xf32, #tpu.memory_space<vmem_shared>>
      tpu.enqueue_dma source(%dma_start3A_927 : memref<128x128xf32, #tpu.memory_space<vmem_shared>>) target(%dma_start3A_925 : memref<128x128xf32, #tpu.memory_space<vmem>>) target_semaphore(%run_scoped3A_915 : memref<!tpu.dma_semaphore, #tpu.memory_space<semaphore_mem>>)
      %dma_wait3A_928 = arith.constant 0 : i32
      %dma_wait3A_929 = arith.constant 0 : i32
      %dma_wait3A_930 = tpu.memref_slice %arg8[%run_scoped3A_913, %dma_wait3A_928, %dma_wait3A_929] : memref<2x128x128xf32, #tpu.memory_space<vmem>> -> memref<1x128x128xf32, #tpu.memory_space<vmem>>
      %dma_wait3A_931 = tpu.memref_squeeze %dma_wait3A_930 : memref<1x128x128xf32, #tpu.memory_space<vmem>> -> memref<128x128xf32, #tpu.memory_space<vmem>>
      %dma_wait3A_932 = arith.constant 0 : i32
      %dma_wait3A_933 = tpu.memref_slice %arg5[%add3A_912, %dma_wait3A_932] : memref<10240x128xf32, #tpu.memory_space<vmem_shared>> -> memref<128x128xf32, #tpu.memory_space<vmem_shared>>
      %dma_wait3A_934 = arith.constant 0 : i32
      %dma_wait3A_935 = arith.constant 0 : i32
      %dma_wait3A_936 = tpu.memref_slice %arg8[%run_scoped3A_913, %dma_wait3A_934, %dma_wait3A_935] : memref<2x128x128xf32, #tpu.memory_space<vmem>> -> memref<1x128x128xf32, #tpu.memory_space<vmem>>
      %dma_wait3A_937 = tpu.memref_squeeze %dma_wait3A_936 : memref<1x128x128xf32, #tpu.memory_space<vmem>> -> memref<128x128xf32, #tpu.memory_space<vmem>>
      %dma_wait3A_938 = arith.constant 0 : i32
      %dma_wait3A_939 = tpu.memref_slice %arg5[%add3A_912, %dma_wait3A_938] : memref<10240x128xf32, #tpu.memory_space<vmem_shared>> -> memref<128x128xf32, #tpu.memory_space<vmem_shared>>
      tpu.wait_dma2 semaphore(%run_scoped3A_915 : memref<!tpu.dma_semaphore, #tpu.memory_space<semaphore_mem>>) src(%dma_wait3A_939 : memref<128x128xf32, #tpu.memory_space<vmem_shared>>) dst(%dma_wait3A_937 : memref<128x128xf32, #tpu.memory_space<vmem>>)
      tpu.yield
    }) : () -> ()
    %run_scoped3A_914 = arith.constant 0 : i32
    "tpu.region"() ({
      %run_scoped3A_915 = tpu.sem_alloc : memref<!tpu.dma_semaphore, #tpu.memory_space<semaphore_mem>>
      %dma_start3A_916 = arith.constant 0 : i32
      %dma_start3A_917 = arith.constant 0 : i32
      %dma_start3A_918 = tpu.memref_slice %arg8[%run_scoped3A_914, %dma_start3A_916, %dma_start3A_917] : memref<2x128x128xf32, #tpu.memory_space<vmem>> -> memref<1x128x128xf32, #tpu.memory_space<vmem>>
      %dma_start3A_919 = tpu.memref_squeeze %dma_start3A_918 : memref<1x128x128xf32, #tpu.memory_space<vmem>> -> memref<128x128xf32, #tpu.memory_space<vmem>>
      %dma_start3A_920 = arith.constant 0 : i32
      %dma_start3A_921 = tpu.memref_slice %arg4[%arg0, %add3A_912, %dma_start3A_920] : memref<2x10240x128xf32, #tpu.memory_space<hbm>> -> memref<1x128x128xf32, #tpu.memory_space<hbm>>
      %dma_start3A_922 = tpu.memref_squeeze %dma_start3A_921 : memref<1x128x128xf32, #tpu.memory_space<hbm>> -> memref<128x128xf32, #tpu.memory_space<hbm>>
      %dma_start3A_923 = arith.constant 0 : i32
      %dma_start3A_924 = tpu.memref_slice %arg4[%arg0, %add3A_912, %dma_start3A_923] : memref<2x10240x128xf32, #tpu.memory_space<hbm>> -> memref<1x128x128xf32, #tpu.memory_space<hbm>>
      %dma_start3A_925 = tpu.memref_squeeze %dma_start3A_924 : memref<1x128x128xf32, #tpu.memory_space<hbm>> -> memref<128x128xf32, #tpu.memory_space<hbm>>
      %dma_start3A_926 = arith.constant 0 : i32
      %dma_start3A_927 = arith.constant 0 : i32
      %dma_start3A_928 = tpu.memref_slice %arg8[%run_scoped3A_914, %dma_start3A_926, %dma_start3A_927] : memref<2x128x128xf32, #tpu.memory_space<vmem>> -> memref<1x128x128xf32, #tpu.memory_space<vmem>>
      %dma_start3A_929 = tpu.memref_squeeze %dma_start3A_928 : memref<1x128x128xf32, #tpu.memory_space<vmem>> -> memref<128x128xf32, #tpu.memory_space<vmem>>
      tpu.enqueue_dma source(%dma_start3A_929 : memref<128x128xf32, #tpu.memory_space<vmem>>) target(%dma_start3A_925 : memref<128x128xf32, #tpu.memory_space<hbm>>) target_semaphore(%run_scoped3A_915 : memref<!tpu.dma_semaphore, #tpu.memory_space<semaphore_mem>>)
      %dma_wait3A_930 = arith.constant 0 : i32
      %dma_wait3A_931 = arith.constant 0 : i32
      %dma_wait3A_932 = tpu.memref_slice %arg8[%run_scoped3A_914, %dma_wait3A_930, %dma_wait3A_931] : memref<2x128x128xf32, #tpu.memory_space<vmem>> -> memref<1x128x128xf32, #tpu.memory_space<vmem>>
      %dma_wait3A_933 = tpu.memref_squeeze %dma_wait3A_932 : memref<1x128x128xf32, #tpu.memory_space<vmem>> -> memref<128x128xf32, #tpu.memory_space<vmem>>
      %dma_wait3A_934 = arith.constant 0 : i32
      %dma_wait3A_935 = tpu.memref_slice %arg4[%arg0, %add3A_912, %dma_wait3A_934] : memref<2x10240x128xf32, #tpu.memory_space<hbm>> -> memref<1x128x128xf32, #tpu.memory_space<hbm>>
      %dma_wait3A_936 = tpu.memref_squeeze %dma_wait3A_935 : memref<1x128x128xf32, #tpu.memory_space<hbm>> -> memref<128x128xf32, #tpu.memory_space<hbm>>
      %dma_wait3A_937 = arith.constant 0 : i32
      %dma_wait3A_938 = tpu.memref_slice %arg4[%arg0, %add3A_912, %dma_wait3A_937] : memref<2x10240x128xf32, #tpu.memory_space<hbm>> -> memref<1x128x128xf32, #tpu.memory_space<hbm>>
      %dma_wait3A_939 = tpu.memref_squeeze %dma_wait3A_938 : memref<1x128x128xf32, #tpu.memory_space<hbm>> -> memref<128x128xf32, #tpu.memory_space<hbm>>
      %dma_wait3A_940 = arith.constant 0 : i32
      %dma_wait3A_941 = arith.constant 0 : i32
      %dma_wait3A_942 = tpu.memref_slice %arg8[%run_scoped3A_914, %dma_wait3A_940, %dma_wait3A_941] : memref<2x128x128xf32, #tpu.memory_space<vmem>> -> memref<1x128x128xf32, #tpu.memory_space<vmem>>
      %dma_wait3A_943 = tpu.memref_squeeze %dma_wait3A_942 : memref<1x128x128xf32, #tpu.memory_space<vmem>> -> memref<128x128xf32, #tpu.memory_space<vmem>>
      tpu.wait_dma2 semaphore(%run_scoped3A_915 : memref<!tpu.dma_semaphore, #tpu.memory_space<semaphore_mem>>) src(%dma_wait3A_943 : memref<128x128xf32, #tpu.memory_space<vmem>>) dst(%dma_wait3A_939 : memref<128x128xf32, #tpu.memory_space<hbm>>)
      tpu.yield
    }) : () -> ()
    return
  }
}

module attributes {stable_mosaic.version = 14 : i64} {
  func.func @_lin_body(%arg0: i32, %arg1: memref<128x2048xf32, #tpu.memory_space<vmem>>, %arg2: memref<128x128xf32, #tpu.memory_space<vmem>>, %arg3: memref<2x2048xf32, #tpu.memory_space<vmem>>, %arg4: memref<2048x128xf32, #tpu.memory_space<vmem>>) attributes {dimension_semantics = [#tpu.dimension_semantics<arbitrary>], iteration_bounds = array<i64: 5>, scalar_prefetch = 0 : i64, scratch_operands = 0 : i64, tpu.core_type = #tpu.core_type<tc>, window_params = [{transform_indices = @transform_0, window_bounds = array<i64: 128, 2048>}, {pipeline_mode = #tpu.pipeline_mode<synchronous>, transform_indices = @transform_1, window_bounds = array<i64: 128, 128>}, {transform_indices = @transform_2, window_bounds = array<i64: 2, 2048>}, {transform_indices = @transform_3, window_bounds = array<i64: 2048, 128>}]} {
    %get3A = arith.constant 0 : index
    %get3A_0 = arith.constant 0 : index
    %get3A_1 = vector.load %arg3[%get3A, %get3A_0] : memref<2x2048xf32, #tpu.memory_space<vmem>>, vector<1x2048xf32>
    %get3A_2 = arith.constant 1 : index
    %get3A_3 = arith.constant 0 : index
    %get3A_4 = vector.load %arg3[%get3A_2, %get3A_3] : memref<2x2048xf32, #tpu.memory_space<vmem>>, vector<1x2048xf32>
    %add3A = arith.addf %get3A_1, %get3A_4 : vector<1x2048xf32>
    %add3A_5 = arith.constant 1.000000e+00 : f32
    %add3A_6 = vector.broadcast %add3A_5 : f32 to vector<1x2048xf32>
    %add3A_7 = arith.addf %add3A, %add3A_6 : vector<1x2048xf32>
    %rsqrt3A = math.rsqrt %add3A_7 : vector<1x2048xf32>
    %get3A_8 = arith.constant 0 : index
    %get3A_9 = arith.constant 0 : index
    %get3A_10 = vector.load %arg1[%get3A_8, %get3A_9] : memref<128x2048xf32, #tpu.memory_space<vmem>>, vector<128x2048xf32>
    %mul3A = vector.broadcast %rsqrt3A : vector<1x2048xf32> to vector<128x2048xf32>
    %mul3A_11 = arith.mulf %get3A_10, %mul3A : vector<128x2048xf32>
    %get3A_12 = arith.constant 0 : index
    %get3A_13 = arith.constant 0 : index
    %get3A_14 = vector.load %arg2[%get3A_12, %get3A_13] : memref<128x128xf32, #tpu.memory_space<vmem>>, vector<128x128xf32>
    %dot_general3A = arith.constant dense<0.000000e+00> : vector<2048x128xf32>
    %dot_general3A_15 = tpu.matmul %mul3A_11, %get3A_14, %dot_general3A {dimension_numbers = #tpu.dot_dimension_numbers<[0], [1], [1], [0], [0, 1, 1, 0], [], []>, transpose_lhs_hint = false} : vector<128x2048xf32>, vector<128x128xf32>, vector<2048x128xf32> -> vector<2048x128xf32>
    %swap3A = arith.constant 0 : index
    %swap3A_16 = arith.constant 0 : index
    %swap3A_17 = vector.load %arg4[%swap3A, %swap3A_16] : memref<2048x128xf32, #tpu.memory_space<vmem>>, vector<2048x128xf32>
    tpu.vector_store %arg4[%swap3A, %swap3A_16], %dot_general3A_15 {strides = array<i32>} : memref<2048x128xf32, #tpu.memory_space<vmem>>, vector<2048x128xf32>,
    return
  }
  func.func @transform_0(%arg0: i32) -> (i32, i32) {
    %c0_i32 = arith.constant 0 : i32
    %c0_i32_0 = arith.constant 0 : i32
    return %c0_i32, %arg0 : i32, i32
  }
  func.func @transform_1(%arg0: i32) -> (i32, i32) {
    %c0_i32 = arith.constant 0 : i32
    %c0_i32_0 = arith.constant 0 : i32
    %c0_i32_1 = arith.constant 0 : i32
    return %c0_i32, %c0_i32_0 : i32, i32
  }
  func.func @transform_2(%arg0: i32) -> (i32, i32) {
    %c0_i32 = arith.constant 0 : i32
    %c0_i32_0 = arith.constant 0 : i32
    return %c0_i32, %arg0 : i32, i32
  }
  func.func @transform_3(%arg0: i32) -> (i32, i32) {
    %c0_i32 = arith.constant 0 : i32
    %c0_i32_0 = arith.constant 0 : i32
    return %arg0, %c0_i32 : i32, i32
  }
}

module attributes {stable_mosaic.version = 14 : i64} {
  func.func @_final_body(%arg0: i32, %arg1: memref<2x2048x128xf32, #tpu.memory_space<vmem>>, %arg2: memref<2048x128xf32, #tpu.memory_space<vmem>>, %arg3: memref<2x2048xf32, #tpu.memory_space<vmem>>, %arg4: memref<128x2048xf32, #tpu.memory_space<vmem>>, %arg5: memref<128x2048xf32, #tpu.memory_space<vmem>>) attributes {dimension_semantics = [#tpu.dimension_semantics<arbitrary>], iteration_bounds = array<i64: 5>, scalar_prefetch = 0 : i64, scratch_operands = 0 : i64, tpu.core_type = #tpu.core_type<tc>, window_params = [{transform_indices = @transform_0, window_bounds = array<i64: 2, 2048, 128>}, {transform_indices = @transform_1, window_bounds = array<i64: 2048, 128>}, {transform_indices = @transform_2, window_bounds = array<i64: 2, 2048>}, {transform_indices = @transform_3, window_bounds = array<i64: 128, 2048>}, {transform_indices = @transform_4, window_bounds = array<i64: 128, 2048>}]} {
    %get3A = arith.constant 0 : index
    %get3A_0 = arith.constant 0 : index
    %get3A_1 = vector.load %arg3[%get3A, %get3A_0] : memref<2x2048xf32, #tpu.memory_space<vmem>>, vector<1x2048xf32>
    %get3A_2 = arith.constant 1 : index
    %get3A_3 = arith.constant 0 : index
    %get3A_4 = vector.load %arg3[%get3A_2, %get3A_3] : memref<2x2048xf32, #tpu.memory_space<vmem>>, vector<1x2048xf32>
    %add3A = arith.addf %get3A_1, %get3A_4 : vector<1x2048xf32>
    %add3A_5 = arith.constant 1.000000e+00 : f32
    %add3A_6 = vector.broadcast %add3A_5 : f32 to vector<1x2048xf32>
    %add3A_7 = arith.addf %add3A, %add3A_6 : vector<1x2048xf32>
    %rsqrt3A = math.rsqrt %add3A_7 : vector<1x2048xf32>
    %get3A_8 = arith.constant 0 : index
    %get3A_9 = arith.constant 0 : index
    %get3A_10 = arith.constant 0 : index
    %get3A_11 = vector.load %arg1[%get3A_8, %get3A_9, %get3A_10] : memref<2x2048x128xf32, #tpu.memory_space<vmem>>, vector<1x2048x128xf32>
    %get3A_12 = vector.shape_cast %get3A_11 : vector<1x2048x128xf32> to vector<2048x128xf32>
    %get3A_13 = arith.constant 1 : index
    %get3A_14 = arith.constant 0 : index
    %get3A_15 = arith.constant 0 : index
    %get3A_16 = vector.load %arg1[%get3A_13, %get3A_14, %get3A_15] : memref<2x2048x128xf32, #tpu.memory_space<vmem>>, vector<1x2048x128xf32>
    %get3A_17 = vector.shape_cast %get3A_16 : vector<1x2048x128xf32> to vector<2048x128xf32>
    %add3A_18 = arith.addf %get3A_12, %get3A_17 : vector<2048x128xf32>
    %get3A_19 = arith.constant 0 : index
    %get3A_20 = arith.constant 0 : index
    %get3A_21 = vector.load %arg2[%get3A_19, %get3A_20] : memref<2048x128xf32, #tpu.memory_space<vmem>>, vector<2048x128xf32>
    %add3A_22 = arith.addf %add3A_18, %get3A_21 : vector<2048x128xf32>
    %transpose3A = tpu.transpose %add3A_22, [1, 0] : vector<2048x128xf32> -> vector<128x2048xf32>
    %mul3A = vector.broadcast %rsqrt3A : vector<1x2048xf32> to vector<128x2048xf32>
    %mul3A_23 = arith.mulf %transpose3A, %mul3A : vector<128x2048xf32>
    %tanh3A = math.tanh %mul3A_23 : vector<128x2048xf32>
    %get3A_24 = arith.constant 0 : index
    %get3A_25 = arith.constant 0 : index
    %get3A_26 = vector.load %arg4[%get3A_24, %get3A_25] : memref<128x2048xf32, #tpu.memory_space<vmem>>, vector<128x2048xf32>
    %add3A_27 = arith.addf %tanh3A, %get3A_26 : vector<128x2048xf32>
    %swap3A = arith.constant 0 : index
    %swap3A_28 = arith.constant 0 : index
    %swap3A_29 = vector.load %arg5[%swap3A, %swap3A_28] : memref<128x2048xf32, #tpu.memory_space<vmem>>, vector<128x2048xf32>
    tpu.vector_store %arg5[%swap3A, %swap3A_28], %add3A_27 {strides = array<i32>} : memref<128x2048xf32, #tpu.memory_space<vmem>>, vector<128x2048xf32>,
    return
  }
  func.func @transform_0(%arg0: i32) -> (i32, i32, i32) {
    %c0_i32 = arith.constant 0 : i32
    %c0_i32_0 = arith.constant 0 : i32
    %c0_i32_1 = arith.constant 0 : i32
    return %c0_i32, %arg0, %c0_i32_0 : i32, i32, i32
  }
  func.func @transform_1(%arg0: i32) -> (i32, i32) {
    %c0_i32 = arith.constant 0 : i32
    %c0_i32_0 = arith.constant 0 : i32
    return %arg0, %c0_i32 : i32, i32
  }
  func.func @transform_2(%arg0: i32) -> (i32, i32) {
    %c0_i32 = arith.constant 0 : i32
    %c0_i32_0 = arith.constant 0 : i32
    return %c0_i32, %arg0 : i32, i32
  }
  func.func @transform_3(%arg0: i32) -> (i32, i32) {
    %c0_i32 = arith.constant 0 : i32
    %c0_i32_0 = arith.constant 0 : i32
    return %c0_i32, %arg0 : i32, i32
  }
  func.func @transform_4(%arg0: i32) -> (i32, i32) {
    %c0_i32 = arith.constant 0 : i32
    %c0_i32_0 = arith.constant 0 : i32
    return %c0_i32, %arg0 : i32, i32
  }
}

</mosaic_0001>

<sc_bundles>
// kernel: kernel.6.cloned.1.call-start
scs
__scs_entry_jumppad:
0x0: {  	(pc) =	sbr.rel $0x88, $3  }
0x1: {  	(tag) =	ssettag $0x0;
	lr =	simm.s32 $0x1  }
0x2: {  	[smem:$0x3F9E] =	sst lr;
	_ =	strace $0xD0000000  }
0x3: {  	_ = 	snop  }
0x4: {  	_ = 	snop  }
0x5: {  	_ = 	snop  }
0x6: {  	_ = 	snop  }
0x7: {  	_ = 	snop  }
__scs_overlays_trampoline_lowered:
0x8: {  	[smem:$0x3FAD] =	sst s0  }
0x9: {  	[smem:$0x3FAE] =	sst s1  }
0xa: {  	[smem:$0x3FAF] =	sst s2  }
0xb: {  	[smem:$0x3FB0] =	sst s3  }
0xc: {  	[smem:$0x3FB1] =	sst s4  }
0xd: {  	[smem:$0x3FB2] =	sst s5  }
0xe: {  	[smem:$0x3FB3] =	sst s6  }
0xf: {  	[smem:$0x3FB4] =	sst s7  }
0x10: {  	[smem:$0x3FB5] =	sst s8  }
0x11: {  	[smem:$0x3FB6] =	sst s9;
	s0 =	simm.s32 @!p0 $0x0  }
0x12: {  	s1 =	sld [smem:$0x3F9C];
	s0 =	simm.s32 @p0 $0x1  }
0x13: {  	[smem:$0x3FB7] =	sst s0;
	s0 =	simm.s32 @!p1 $0x0  }
0x14: {  	s2 =	sld [smem:$0x3F9B];
	s0 =	simm.s32 @p1 $0x1  }
0x15: {  	[smem:$0x3FB8] =	sst s0;
	s0 =	simm.s32 @!p2 $0x0  }
0x16: {  	s3 =	sld [smem:$0x3FDB];
	s0 =	simm.s32 @p2 $0x1  }
0x17: {  	s4 =	simm.s32 $0x1BF5;
	[smem:$0x3FBA] =	sst s0  }
0x18: {  	s0 =	sld [smem:$0x3F9D];
	_ =	swait.ge [sflag:s4], $0x0  }
0x19: {  	s7 =	sld [smem:$0x3F9E]  }
0x1a: {  	s8 =	sadd.s32 $0xFFFFE003, lr  }
0x1b: {  	s9 =	sadd.s32 $0xFFFFFEF7, lr;
	s5 =	simm.s32 $0xFFFFFFFF;
	p2 =	slt.u32 s8, $0xFFFFF086  }
0x1c: {  	p1 =	slt.u32 s9, $0xF7A;
	s5 =	simm.s32 @!p2 $0x0  }
0x1d: {  	s5 =	simm.s32 @p1 $0x1;
	p0 =	seq.s32 s7, s2  }
0x1e: {  	s7 =	smul.u32 @!p0 $0xF7A, s2;
	p2 =	seq.s32 @!p0 s5, $0x0  }
0x1f: {  	s9 =	smul.u32 $0xF7A, s1;
	s8 =	simm.s32 @!p0 $0x1BF5;
	p2 =	por !p2, p0  }
0x20: {  	[sflag:s8] =	ssyncset.s32 @!p0 $0xFFFFF086;
	s6 =	sadd.s32 @!p0 s3, s7;
	s7 =	simm.s32 @!p0 $0x108  }
0x21: {  	s3 =	sadd.s32 s3, s9;
	s6 =	sadd.s32 @!p0 $0x88, s6;
	s7 =	simm.s32 @p2 $0x1082  }
0x22: {  	[simem:s7], [sflag:s8] =	dma.local @!p0 [hbm:s6], $0xF7A  }
0x23: {  	s9 =	sor.u32 $0xD0000000, s2;
	s6 =	simm.s32 $0x108;
	_ =	swait.ge @!p0 [sflag:s8], $0x0  }
0x24: {  	s3 =	sadd.s32 $0x88, s3;
	s6 =	simm.s32 @!p1 $0x1082;
	[sflag:s4] =	ssyncset.s32 $0xFFFFF086  }
0x25: {  	[simem:s6], [sflag:s4] =	dma.local [hbm:s3], $0xF7A  }
0x26: {  	[smem:$0x3F9E] =	sst s1;
	(tag) =	ssettag s2;
	_ =	strace s9  }
0x27: {  	s1 =	sld [smem:$0x3FAE]  }
0x28: {  	s2 =	sld [smem:$0x3FAF]  }
0x29: {  	s4 =	sld [smem:$0x3FB1]  }
0x2a: {  	p0 =	seq.s32 s5, $0x0;
	s5 =	sld [smem:$0x3FB2]  }
0x2b: {  	s6 =	sld [smem:$0x3FB3]  }
0x2c: {  	s7 =	sld [smem:$0x3FB4]  }
0x2d: {  	s3 =	simm.s32 $0x108;
	s8 =	sld [smem:$0x3FB5]  }
0x2e: {  	s3 =	simm.s32 @!p0 $0x1082;
	s9 =	sld [smem:$0x3FB6]  }
0x2f: {  	lr =	sadd.s32 s0, s3;
	s0 =	sld [smem:$0x3FAD]  }
0x30: {  	s3 =	sld [smem:$0x3FB0]  }
0x31: {  	[smem:$0x3FB9] =	sst s10  }
0x32: {  	s10 =	sld [smem:$0x3FB7];
	_ =	sdelay $0x3  }
0x33: {  	p0 =	seq.s32 s10, $0x1;
	s10 =	sld [smem:$0x3FB9];
	_ =	sdelay $0x3  }
0x34: {  	[smem:$0x3FB9] =	sst s10  }
0x35: {  	s10 =	sld [smem:$0x3FB8];
	_ =	sdelay $0x3  }
0x36: {  	p1 =	seq.s32 s10, $0x1;
	s10 =	sld [smem:$0x3FB9];
	_ =	sdelay $0x3  }
0x37: {  	[smem:$0x3FB9] =	sst s10  }
0x38: {  	s10 =	sld [smem:$0x3FBA]  }
0x39: {  	_ = 	snop;
	(pc) =	sbr.ind lr, $3  }
0x3a: {  	_ = 	snop  }
0x3b: {  	_ = 	snop  }
0x3c: {  	p2 =	seq.s32 s10, $0x1;
	s10 =	sld [smem:$0x3FB9]  }
0x3d: {  	_ =	shalt  }
0x3e: {  	_ =	shalt  }
0x3f: {  	_ =	shalt  }
0x40: {  	_ =	shalt  }
0x41: {  	_ =	shalt  }
0x42: {  	_ =	shalt  }
0x43: {  	_ =	shalt  }
0x44: {  	_ =	shalt  }
0x45: {  	_ =	shalt  }
0x46: {  	_ =	shalt  }
0x47: {  	_ =	shalt  }
0x48: {  	_ =	shalt  }
0x49: {  	_ =	shalt  }
0x4a: {  	_ =	shalt  }
0x4b: {  	_ =	shalt  }
0x4c: {  	_ =	shalt  }
0x4d: {  	_ =	shalt  }
0x4e: {  	_ =	shalt  }
0x4f: {  	_ =	shalt  }
0x50: {  	_ =	shalt  }
0x51: {  	_ =	shalt  }
0x52: {  	_ =	shalt  }
0x53: {  	_ =	shalt  }
0x54: {  	_ =	shalt  }
0x55: {  	_ =	shalt  }
0x56: {  	_ =	shalt  }
0x57: {  	_ =	shalt  }
0x58: {  	_ =	shalt  }
0x59: {  	_ =	shalt  }
0x5a: {  	_ =	shalt  }
0x5b: {  	_ =	shalt  }
0x5c: {  	_ =	shalt  }
0x5d: {  	_ =	shalt  }
0x5e: {  	_ =	shalt  }
0x5f: {  	_ =	shalt  }
0x60: {  	_ =	shalt  }
0x61: {  	_ =	shalt  }
0x62: {  	_ =	shalt  }
0x63: {  	_ =	shalt  }
0x64: {  	_ =	shalt  }
0x65: {  	_ =	shalt  }
0x66: {  	_ =	shalt  }
0x67: {  	_ =	shalt  }
0x68: {  	_ =	shalt  }
0x69: {  	_ =	shalt  }
0x6a: {  	_ =	shalt  }
0x6b: {  	_ =	shalt  }
0x6c: {  	_ =	shalt  }
0x6d: {  	_ =	shalt  }
0x6e: {  	_ =	shalt  }
0x6f: {  	_ =	shalt  }
0x70: {  	_ =	shalt  }
0x71: {  	_ =	shalt  }
0x72: {  	_ =	shalt  }
0x73: {  	_ =	shalt  }
0x74: {  	_ =	shalt  }
0x75: {  	_ =	shalt  }
0x76: {  	_ =	shalt  }
0x77: {  	_ =	shalt  }
0x78: {  	_ =	shalt  }
0x79: {  	_ =	shalt  }
0x7a: {  	_ =	shalt  }
0x7b: {  	_ =	shalt  }
0x7c: {  	_ =	shalt  }
0x7d: {  	_ =	shalt  }
0x7e: {  	_ =	shalt  }
0x7f: {  	_ =	shalt  }
0x80: {  	_ =	shalt  }
0x81: {  	_ =	shalt  }
0x82: {  	_ =	shalt  }
0x83: {  	_ =	shalt  }
0x84: {  	_ =	shalt  }
0x85: {  	_ =	shalt  }
0x86: {  	_ =	shalt  }
0x87: {  	_ =	shalt  }
.Lfunc_end0:
.L_simem_size_0:
called_computation_lowered:
.L_overlay_start_0:
0x88: {  	s2 =	sld [smem:$0x3FD9]  }
0x89: {  	s3 =	sld [smem:$0x3FFE];
	_ =	sdelay $0x1  }
0x8a: {  	s1 =	srdreg.scid  }
0x8b: {  	s0 =	sand.u32 $0x1, s1  }
0x8c: {  	s17 =	sshll.u32 s0, $0xA;
	s2 =	sadd.s32 s3, s2  }
0x8d: {  	s2 =	sadd.s32 s2, s17  }
0x8e: {  	[smem:$0x3FC5] =	sst s2  }
0x8f: {  	_ = 	snop  }
0x90: {  	s2 =	sld [smem:$0x3FD0];
	(tm) =	ssettm $0x1  }
0x91: {  	s18 =	sld [smem:$0x3FFB];
	_ =	sdelay $0x3  }
0x92: {  	_ =	strace s18  }
0x93: {  	s3 =	sld [smem:$0x3FFC];
	_ =	sdelay $0x3  }
0x94: {  	_ =	strace s3  }
0x95: {  	s3 =	sld [smem:$0x3FFD];
	_ =	sdelay $0x3  }
0x96: {  	_ =	strace s3  }
0x97: {  	_ =	strace $0x8FFFFFFF  }
0x98: {  	s19 =	sld [smem:$0x3FDB];
	_ =	sdelay $0x1  }
0x99: {  	s4 =	simm.s32 $_scs_section_size  }
0x9a: {  	s5 =	simm.s32 $_size__tile_overlayer_lowered;
	s6 =	simm.s32 $_tile_overlayer_lowered  }
0x9b: {  	s22 =	simm.s32 $0x1BFF;
	s21 =	sshll.u32 s6, $0x1;
	s3 =	sadd.s32 s4, s19  }
0x9c: {  	s7 =	simm.s32 $0x0;
	s20 =	sshll.u32 s5, $0x1;
	s5 =	sadd.s32 s21, s3  }
0x9d: {  	[timem:s7], [sflag:s22] =	dma.local [hbm:s5], s20  }
0x9e: {  	_ =	swait.ge [sflag:s22], s20  }
0x9f: {  	s4 =	ssub.s32 $0x0, s20;
	[sflag:s22] =	ssyncset.done $0x0  }
0xa0: {  	[sflag:s22] =	ssyncadd.s32 s4;
	_ =	sdelay $0x1  }
0xa1: {  	s23 =	simm.s32 $0x1B8B  }
0xa2: {  	_ =	swait.ge [sflag:s23], $0x1  }
0xa3: {  	[sflag:s23] =	ssyncset.done $0x0  }
0xa4: {  	s25 =	simm.s32 $0x1B8E;
	s24 =	sld [smem:$0x3FFE];
	[sflag:s23] =	ssyncadd.s32 $0xFFFFFFFF  }
0xa5: {  	s26 =	simm.s32 $execute0_lowered;
	[smem:$0x3FD2] =	sst s25  }
0xa6: {  	s5 =	sshll.u32 s26, $0x1;
	_ =	strace $0x80000046;
	[dreg:$0x1] =	wrdreg $0xFFFFFFFF  }
0xa7: {  	s28 =	simm.s32 $_size_execute0_lowered;
	s3 =	sadd.s32 s3, s5;
	[dreg:$0x0] =	wrdreg $0x0  }
0xa8: {  	s5 =	sshll.u32 s28, $0x1;
	[dreg:$0x2] =	wrdreg s3  }
0xa9: {  	[dreg:$0x3] =	wrdreg s5  }
0xaa: {  	[dreg:$0x4] =	wrdreg $0xC0  }
0xab: {  	_ =	task [dreg:s7], $0x5FFFF  }
0xac: {  	[dreg:$0x1] =	wrdreg $0xFFFFFFFF  }
0xad: {  	[dreg:$0x0] =	wrdreg $0x60  }
0xae: {  	[dreg:$0x2] =	wrdreg s2  }
0xaf: {  	[dreg:$0x3] =	wrdreg s24  }
0xb0: {  	[dreg:$0x4] =	wrdreg $0x0  }
0xb1: {  	[dreg:$0x5] =	wrdreg $0x9  }
0xb2: {  	_ =	task.clear_ibuf [dreg:s7], $0x6FFFF;
	_ =	strace $0x90000046  }
0xb3: {  	s29 =	simm.s32 $0x9;
	_ =	strace $0x80000048  }
0xb4: {  	_ =	swait.ge [sflag:s29], $0x1  }
0xb5: {  	[sflag:s29] =	ssyncadd.s32 $0xFFFFFFFF  }
0xb6: {  	_ =	strace $0x90000048  }
0xb7: {  	_ =	sfence  }
0xb8: {  	s30 =	sld [smem:$0x0];
	_ =	sdelay $0x2  }
0xb9: {  	s31 =	sshll.u32 s1, $0xD;
	s1 =	sshrl.u32 s1, $0x2  }
0xba: {  	s3 =	sand.u32 $0x4000, s31;
	s1 =	sadd.s32 s1, s30  }
0xbb: {  	s0 =	sor.u32 s3, s0;
	s1 =	sshll.u32 s1, $0x11  }
0xbc: {  	s0 =	sor.u32 s1, s0  }
0xbd: {  	s0 =	sadd.s32 $0x8F2B, s0  }
0xbe: {  	[sflag:s0] =	ssyncadd.remote.s32 $0x1  }
0xbf: {  	_ =	sfence.sel $0xFFFF  }
0xc0: {  	[dreg:$0x0] =	wrdreg $0xFFFFFFFF;
	(pc) =	sbr.abs _section_cstart, $3  }
0xc1: {  	[dreg:$0x1] =	wrdreg $0xFFFFFFFF  }
0xc2: {  	_ =	task.clear_ibuf [dreg:s7], $0x2FFFF;
	_ =	strace $0x9FFFFFFF  }
0xc3: {  	(tm) =	ssettm $0x7FFFFFFF  }
tec
execute0_lowered:
.L_overlay_start_1:
0x0: {  	(tag) =	ssettag $0x1  }
0x1: {  	s5 =	rddreg [dreg:$0x0]  }
0x2: {  	s4 =	rddreg [dreg:$0x1];
	s1 =	srdreg.scid  }
0x3: {  	s0 =	stileid.u32;
	s2 =	rddreg [dreg:$0x2];
	s3 =	simm.s32 $0x0  }
0x4: {  	s12 =	simm.s32 $0x2A80;
	s13 =	simm.s32 $0x1;
	s14 =	simm.s32 $0x100  }
0x5: {  	s6 =	sand.u32 $0x1, s1;
	s7 =	smul.u32 $0x500, s0;
	s1 =	rddreg [dreg:$0x3]  }
0x6: {  	s15 =	simm.s32 $0x0;
	[smem:$0x7FF] =	sst s3;
	s30 =	smul.u32 $0xA00, s0  }
0x7: {  	s11 =	sadd.s32 $0xA000, s5;
	s8 =	sshll.u32 s6, $0x7;
	_ =	strace $0x80000047  }
0x8: {  	s31 =	ssub.s32 $0x2, s6;
	s6 =	sshll.u32 s6, $0x4;
	s7 =	sor.u32 s8, s7  }
0x9: {  	s9 =	sshrl.u32 s31, $0x1;
	s8 =	sshrl.u32 s30, $0x2;
	s6 =	sor.u32 s0, s6  }
0xa: {  	s7 =	sshrl.u32 s7, $0x3;
	s9 =	ssub.s32 s31, s9;
	s10 =	smul.u32 $0x500, s6  }
0xb: {  	s7 =	sadd.s32 s7, s4;
	s4 =	sadd.s32 s8, s2;
	s6 =	smax.u32 s9, $0x1  }
0xc: {  	s8 =	simm.s32 $0x2;
	s5 =	sadd.s32 $0x1800, s7;
	s7 =	simm.s32 $0x2B00  }
0xd: {  	v0 =	vimm.f32 $0.0e+00;
	v1 =	vimm.f32 $1.000000000e+00;
	s9 =	sadd.s32 s10, s11;
	s10 =	simm.s32 $0x280;
	s11 =	simm.s32 $0x80  }
.LBB2_1:
0xe: {  	[tilespmem:$0x2B00] =	vst v0  }
0xf: {  	[tilespmem:$0x2B10] =	vst v0  }
0x10: {  	[tilespmem:$0x2B20] =	vst v0  }
0x11: {  	[tilespmem:$0x2B30] =	vst v0  }
0x12: {  	[tilespmem:$0x2B40] =	vst v0  }
0x13: {  	[tilespmem:$0x2B50] =	vst v0  }
0x14: {  	[tilespmem:$0x2B60] =	vst v0  }
0x15: {  	[tilespmem:$0x2B70] =	vst v0  }
0x16: {  	[tilespmem:$0x2B80] =	vst v0  }
0x17: {  	[tilespmem:$0x2B90] =	vst v0  }
0x18: {  	[tilespmem:$0x2BA0] =	vst v0  }
0x19: {  	[tilespmem:$0x2BB0] =	vst v0  }
0x1a: {  	[tilespmem:$0x2BC0] =	vst v0  }
0x1b: {  	[tilespmem:$0x2BD0] =	vst v0  }
0x1c: {  	[tilespmem:$0x2BE0] =	vst v0  }
0x1d: {  	[tilespmem:$0x2BF0] =	vst v0  }
0x1e: {  	[tilespmem:$0x2C00] =	vst v0  }
0x1f: {  	[tilespmem:$0x2C10] =	vst v0  }
0x20: {  	[tilespmem:$0x2C20] =	vst v0  }
0x21: {  	[tilespmem:$0x2C30] =	vst v0  }
0x22: {  	[tilespmem:$0x2C40] =	vst v0  }
0x23: {  	[tilespmem:$0x2C50] =	vst v0  }
0x24: {  	[tilespmem:$0x2C60] =	vst v0  }
0x25: {  	[tilespmem:$0x2C70] =	vst v0  }
0x26: {  	[tilespmem:$0x2C80] =	vst v0  }
0x27: {  	[tilespmem:$0x2C90] =	vst v0  }
0x28: {  	[tilespmem:$0x2CA0] =	vst v0  }
0x29: {  	[tilespmem:$0x2CB0] =	vst v0  }
0x2a: {  	[tilespmem:$0x2CC0] =	vst v0  }
0x2b: {  	[tilespmem:$0x2CD0] =	vst v0  }
0x2c: {  	[tilespmem:$0x2CE0] =	vst v0  }
0x2d: {  	[tilespmem:$0x2CF0] =	vst v0  }
0x2e: {  	[tilespmem:$0x2D00] =	vst v0  }
0x2f: {  	[tilespmem:$0x2D10] =	vst v0  }
0x30: {  	[tilespmem:$0x2D20] =	vst v0  }
0x31: {  	[tilespmem:$0x2D30] =	vst v0  }
0x32: {  	[tilespmem:$0x2D40] =	vst v0  }
0x33: {  	[tilespmem:$0x2D50] =	vst v0  }
0x34: {  	[tilespmem:$0x2D60] =	vst v0  }
0x35: {  	[tilespmem:$0x2D70] =	vst v0  }
0x36: {  	[tilespmem:$0x2A80] =	vst v1  }
0x37: {  	[tilespmem:$0x2A90] =	vst v1  }
0x38: {  	[tilespmem:$0x2AA0] =	vst v1  }
0x39: {  	[tilespmem:$0x2AB0] =	vst v1  }
0x3a: {  	[tilespmem:$0x2AC0] =	vst v1  }
0x3b: {  	[tilespmem:$0x2AD0] =	vst v1  }
0x3c: {  	[tilespmem:$0x2AE0] =	vst v1  }
0x3d: {  	[tilespmem:$0x2AF0] =	vst v1  }
0x3e: {  	[spmem:s4] =	stream.linear.scatter [tilespmem:s7], [sflag:$0x2], $0x280, $0x38;
	[tilespmem:$0x2D80] =	vst v63  }
0x3f: {  	_ =	swait.ge [sflag:s8], $0x280  }
0x40: {  	[sflag:s8] =	ssyncset.done $0x0  }
0x41: {  	[sflag:s8] =	ssyncadd.s32 $0xFFFFFD80  }
0x42: {  	[bflag:$0x0] =	sbarrier.arrive $0xFFFF  }
0x43: {  	[tilespmem:s10], [sflag:$0x2] =	stream.linear.gather [hbm4b:s9+s3], $0x2800, $0x38;
	[tilespmem:$0x2D80] =	vst v63  }
0x44: {  	_ =	swait.ge [sflag:s8], $0x2800  }
0x45: {  	[sflag:s8] =	ssyncset.done $0x0  }
0x46: {  	s16 =	simm.s32 $0x0;
	[sflag:s8] =	ssyncadd.s32 $0xFFFFD800  }
.LBB2_2:
0x47: {  	p0 =	sne.s32 s16, $0x9E00  }
.Ltmp0:
0x48: {  	_ = 	snop;
	(pc) =	sbr.rel @p0 .LBB2_2-.Ltmp0, $4  }
0x49: {  	_ = 	snop  }
0x4a: {  	s17 =	sshra.s32 s16, $0x2  }
0x4b: {  	s16 =	sadd.s32 $0x200, s16;
	s17 =	sadd.s32 $0x280, s17  }
0x4c: {  	[spmem:s2] =	stream.indirect.scatter.add.f32 [tilespmem:s12], [sflag:$0x1], $0x1, s17, s11, $0xb8;
	[tilespmem:$0x2D80] =	vst v63  }
0x4d: {  	_ =	swait.ge [sflag:s13], $0x80  }
0x4e: {  	s16 =	simm.s32 $0x4F;
	[sflag:s13] =	ssyncset.done $0x0  }
.LBB2_4:
0x4f: {  	p0 =	sne.s32 s16, $0x1;
	s16 =	sadd.s32 $0xFFFFFFFF, s16;
	[sflag:s13] =	ssyncadd.s32 $0xFFFFFF80  }
.Ltmp1:
0x50: {  	(pc) =	sbr.rel @p0 .LBB2_4-.Ltmp1, $3  }
0x51: {  	_ =	sdelay $0x1  }
0x52: {  	_ =	swait.ge [sflag:s13], $0x80  }
0x53: {  	[sflag:s13] =	ssyncset.done $0x0  }
0x54: {  	[sflag:s13] =	ssyncadd.s32 $0xFFFFFF80  }
0x55: {  	[bflag:$0x0] =	sbarrier.arrive $0xFFFF  }
0x56: {  	[tilespmem:s7], [sflag:$0x2] =	stream.linear.gather [spmem:s4], $0x280, $0x38;
	[tilespmem:$0x2D80] =	vst v63  }
0x57: {  	s15 =	sadd.s32 $0x1, s15;
	_ =	swait.ge [sflag:s8], $0x280  }
0x58: {  	p0 =	sne.s32 s15, s6;
	[sflag:s8] =	ssyncset.done $0x0  }
.Ltmp2:
0x59: {  	[sflag:s8] =	ssyncadd.s32 $0xFFFFFD80;
	(pc) =	sbr.rel @p0 .LBB2_1-.Ltmp2, $4  }
0x5a: {  	[hbm4b:s5+s11] =	stream.strided.scatter [tilespmem:s7], [sflag:$0x2], $0x280, s14, s11, $0x38;
	[tilespmem:$0x2D80] =	vst v63  }
0x5b: {  	_ =	swait.ge [sflag:s8], $0x280  }
0x5c: {  	[sflag:s8] =	ssyncset.done $0x0  }
0x5d: {  	[sflag:s8] =	ssyncadd.s32 $0xFFFFFD80  }
0x5e: {  	_ =	sfence.sel $0x180000  }
0x5f: {  	[bflag:$0x0] =	sbarrier.arrive $0xFFFF  }
0x60: {  	p0 =	sne.s32 s0, $0x0;
	_ =	strace $0x90000047  }
0x61: {  	s0 =	sadd.s32 @!p0 $0x100000, s1;
	[bflag:$0x2] =	sbarrier.arrive $0xFFFF  }
0x62: {  	[sflag:s0] =	ssyncadd.tile.s32 @!p0 $0x1;
	_ =	shalt  }
.Lfunc_end2:
_tile_overlayer_lowered:
.L_overlay_start_2:
0x63: {  	(tag) =	ssettag $0x2  }
0x64: {  	s0 =	rddreg [dreg:$0x0];
	s2 =	stileid.u32  }
0x65: {  	s1 =	rddreg [dreg:$0x1];
	p0 =	sne.s32 s2, $0x0  }
0x66: {  	s3 =	rddreg [dreg:$0x2];
	[bflag:$0x3] =	sbarrier.arrive $0xFFFF;
	s2 =	simm.s32 @!p0 $0x1C02  }
0x67: {  	[timem:s3], [sflag:s2] =	dma.local @!p0 [hbm:s0], s1  }
0x68: {  	s0 =	simm.s32 @!p0 $0x2  }
0x69: {  	_ =	swait.ge @!p0 [sflag:s0], s1  }
0x6a: {  	s1 =	ssub.s32 @!p0 $0x0, s1;
	[sflag:s0] =	ssyncset.done @!p0 $0x0  }
0x6b: {  	[sflag:s0] =	ssyncadd.s32 @!p0 s1  }
0x6c: {  	[bflag:$0x3] =	sbarrier.arrive $0xFFFF  }
0x6d: {  	_ =	shalt  }

// kernel: kernel.9.cloned.1.call-start
scs
__scs_entry_jumppad:
0x0: {  	(pc) =	sbr.rel $0x88, $3  }
0x1: {  	(tag) =	ssettag $0x0;
	lr =	simm.s32 $0x1  }
0x2: {  	[smem:$0x3F9E] =	sst lr;
	_ =	strace $0xD0000000  }
0x3: {  	_ = 	snop  }
0x4: {  	_ = 	snop  }
0x5: {  	_ = 	snop  }
0x6: {  	_ = 	snop  }
0x7: {  	_ = 	snop  }
__scs_overlays_trampoline_lowered:
0x8: {  	[smem:$0x3FAD] =	sst s0  }
0x9: {  	[smem:$0x3FAE] =	sst s1  }
0xa: {  	[smem:$0x3FAF] =	sst s2  }
0xb: {  	[smem:$0x3FB0] =	sst s3  }
0xc: {  	[smem:$0x3FB1] =	sst s4  }
0xd: {  	[smem:$0x3FB2] =	sst s5  }
0xe: {  	[smem:$0x3FB3] =	sst s6  }
0xf: {  	[smem:$0x3FB4] =	sst s7  }
0x10: {  	[smem:$0x3FB5] =	sst s8  }
0x11: {  	[smem:$0x3FB6] =	sst s9;
	s0 =	simm.s32 @!p0 $0x0  }
0x12: {  	s1 =	sld [smem:$0x3F9C];
	s0 =	simm.s32 @p0 $0x1  }
0x13: {  	[smem:$0x3FB7] =	sst s0;
	s0 =	simm.s32 @!p1 $0x0  }
0x14: {  	s2 =	sld [smem:$0x3F9B];
	s0 =	simm.s32 @p1 $0x1  }
0x15: {  	[smem:$0x3FB8] =	sst s0;
	s0 =	simm.s32 @!p2 $0x0  }
0x16: {  	s3 =	sld [smem:$0x3FDB];
	s0 =	simm.s32 @p2 $0x1  }
0x17: {  	s4 =	simm.s32 $0x1BF5;
	[smem:$0x3FBA] =	sst s0  }
0x18: {  	s0 =	sld [smem:$0x3F9D];
	_ =	swait.ge [sflag:s4], $0x0  }
0x19: {  	s7 =	sld [smem:$0x3F9E]  }
0x1a: {  	s8 =	sadd.s32 $0xFFFFE003, lr  }
0x1b: {  	s9 =	sadd.s32 $0xFFFFFEF7, lr;
	s5 =	simm.s32 $0xFFFFFFFF;
	p2 =	slt.u32 s8, $0xFFFFF086  }
0x1c: {  	p1 =	slt.u32 s9, $0xF7A;
	s5 =	simm.s32 @!p2 $0x0  }
0x1d: {  	s5 =	simm.s32 @p1 $0x1;
	p0 =	seq.s32 s7, s2  }
0x1e: {  	s7 =	smul.u32 @!p0 $0xF7A, s2;
	p2 =	seq.s32 @!p0 s5, $0x0  }
0x1f: {  	s9 =	smul.u32 $0xF7A, s1;
	s8 =	simm.s32 @!p0 $0x1BF5;
	p2 =	por !p2, p0  }
0x20: {  	[sflag:s8] =	ssyncset.s32 @!p0 $0xFFFFF086;
	s6 =	sadd.s32 @!p0 s3, s7;
	s7 =	simm.s32 @!p0 $0x108  }
0x21: {  	s3 =	sadd.s32 s3, s9;
	s6 =	sadd.s32 @!p0 $0x88, s6;
	s7 =	simm.s32 @p2 $0x1082  }
0x22: {  	[simem:s7], [sflag:s8] =	dma.local @!p0 [hbm:s6], $0xF7A  }
0x23: {  	s9 =	sor.u32 $0xD0000000, s2;
	s6 =	simm.s32 $0x108;
	_ =	swait.ge @!p0 [sflag:s8], $0x0  }
0x24: {  	s3 =	sadd.s32 $0x88, s3;
	s6 =	simm.s32 @!p1 $0x1082;
	[sflag:s4] =	ssyncset.s32 $0xFFFFF086  }
0x25: {  	[simem:s6], [sflag:s4] =	dma.local [hbm:s3], $0xF7A  }
0x26: {  	[smem:$0x3F9E] =	sst s1;
	(tag) =	ssettag s2;
	_ =	strace s9  }
0x27: {  	s1 =	sld [smem:$0x3FAE]  }
0x28: {  	s2 =	sld [smem:$0x3FAF]  }
0x29: {  	s4 =	sld [smem:$0x3FB1]  }
0x2a: {  	p0 =	seq.s32 s5, $0x0;
	s5 =	sld [smem:$0x3FB2]  }
0x2b: {  	s6 =	sld [smem:$0x3FB3]  }
0x2c: {  	s7 =	sld [smem:$0x3FB4]  }
0x2d: {  	s3 =	simm.s32 $0x108;
	s8 =	sld [smem:$0x3FB5]  }
0x2e: {  	s3 =	simm.s32 @!p0 $0x1082;
	s9 =	sld [smem:$0x3FB6]  }
0x2f: {  	lr =	sadd.s32 s0, s3;
	s0 =	sld [smem:$0x3FAD]  }
0x30: {  	s3 =	sld [smem:$0x3FB0]  }
0x31: {  	[smem:$0x3FB9] =	sst s10  }
0x32: {  	s10 =	sld [smem:$0x3FB7];
	_ =	sdelay $0x3  }
0x33: {  	p0 =	seq.s32 s10, $0x1;
	s10 =	sld [smem:$0x3FB9];
	_ =	sdelay $0x3  }
0x34: {  	[smem:$0x3FB9] =	sst s10  }
0x35: {  	s10 =	sld [smem:$0x3FB8];
	_ =	sdelay $0x3  }
0x36: {  	p1 =	seq.s32 s10, $0x1;
	s10 =	sld [smem:$0x3FB9];
	_ =	sdelay $0x3  }
0x37: {  	[smem:$0x3FB9] =	sst s10  }
0x38: {  	s10 =	sld [smem:$0x3FBA]  }
0x39: {  	_ = 	snop;
	(pc) =	sbr.ind lr, $3  }
0x3a: {  	_ = 	snop  }
0x3b: {  	_ = 	snop  }
0x3c: {  	p2 =	seq.s32 s10, $0x1;
	s10 =	sld [smem:$0x3FB9]  }
0x3d: {  	_ =	shalt  }
0x3e: {  	_ =	shalt  }
0x3f: {  	_ =	shalt  }
0x40: {  	_ =	shalt  }
0x41: {  	_ =	shalt  }
0x42: {  	_ =	shalt  }
0x43: {  	_ =	shalt  }
0x44: {  	_ =	shalt  }
0x45: {  	_ =	shalt  }
0x46: {  	_ =	shalt  }
0x47: {  	_ =	shalt  }
0x48: {  	_ =	shalt  }
0x49: {  	_ =	shalt  }
0x4a: {  	_ =	shalt  }
0x4b: {  	_ =	shalt  }
0x4c: {  	_ =	shalt  }
0x4d: {  	_ =	shalt  }
0x4e: {  	_ =	shalt  }
0x4f: {  	_ =	shalt  }
0x50: {  	_ =	shalt  }
0x51: {  	_ =	shalt  }
0x52: {  	_ =	shalt  }
0x53: {  	_ =	shalt  }
0x54: {  	_ =	shalt  }
0x55: {  	_ =	shalt  }
0x56: {  	_ =	shalt  }
0x57: {  	_ =	shalt  }
0x58: {  	_ =	shalt  }
0x59: {  	_ =	shalt  }
0x5a: {  	_ =	shalt  }
0x5b: {  	_ =	shalt  }
0x5c: {  	_ =	shalt  }
0x5d: {  	_ =	shalt  }
0x5e: {  	_ =	shalt  }
0x5f: {  	_ =	shalt  }
0x60: {  	_ =	shalt  }
0x61: {  	_ =	shalt  }
0x62: {  	_ =	shalt  }
0x63: {  	_ =	shalt  }
0x64: {  	_ =	shalt  }
0x65: {  	_ =	shalt  }
0x66: {  	_ =	shalt  }
0x67: {  	_ =	shalt  }
0x68: {  	_ =	shalt  }
0x69: {  	_ =	shalt  }
0x6a: {  	_ =	shalt  }
0x6b: {  	_ =	shalt  }
0x6c: {  	_ =	shalt  }
0x6d: {  	_ =	shalt  }
0x6e: {  	_ =	shalt  }
0x6f: {  	_ =	shalt  }
0x70: {  	_ =	shalt  }
0x71: {  	_ =	shalt  }
0x72: {  	_ =	shalt  }
0x73: {  	_ =	shalt  }
0x74: {  	_ =	shalt  }
0x75: {  	_ =	shalt  }
0x76: {  	_ =	shalt  }
0x77: {  	_ =	shalt  }
0x78: {  	_ =	shalt  }
0x79: {  	_ =	shalt  }
0x7a: {  	_ =	shalt  }
0x7b: {  	_ =	shalt  }
0x7c: {  	_ =	shalt  }
0x7d: {  	_ =	shalt  }
0x7e: {  	_ =	shalt  }
0x7f: {  	_ =	shalt  }
0x80: {  	_ =	shalt  }
0x81: {  	_ =	shalt  }
0x82: {  	_ =	shalt  }
0x83: {  	_ =	shalt  }
0x84: {  	_ =	shalt  }
0x85: {  	_ =	shalt  }
0x86: {  	_ =	shalt  }
0x87: {  	_ =	shalt  }
.Lfunc_end0:
.L_simem_size_0:
called_computation.1_lowered:
.L_overlay_start_0:
0x88: {  	s2 =	sld [smem:$0x3FD9]  }
0x89: {  	s3 =	sld [smem:$0x3FFE];
	_ =	sdelay $0x1  }
0x8a: {  	s1 =	srdreg.scid  }
0x8b: {  	s0 =	sand.u32 $0x1, s1  }
0x8c: {  	s17 =	sshll.u32 s0, $0xA;
	s2 =	sadd.s32 s3, s2  }
0x8d: {  	s2 =	sadd.s32 s2, s17  }
0x8e: {  	[smem:$0x3FC5] =	sst s2  }
0x8f: {  	_ = 	snop  }
0x90: {  	s2 =	sld [smem:$0x3FD0];
	(tm) =	ssettm $0x1  }
0x91: {  	s18 =	sld [smem:$0x3FFB];
	_ =	sdelay $0x3  }
0x92: {  	_ =	strace s18  }
0x93: {  	s3 =	sld [smem:$0x3FFC];
	_ =	sdelay $0x3  }
0x94: {  	_ =	strace s3  }
0x95: {  	s3 =	sld [smem:$0x3FFD];
	_ =	sdelay $0x3  }
0x96: {  	_ =	strace s3  }
0x97: {  	_ =	strace $0x8FFFFFFF  }
0x98: {  	s19 =	sld [smem:$0x3FDB];
	_ =	sdelay $0x1  }
0x99: {  	s4 =	simm.s32 $_scs_section_size  }
0x9a: {  	s5 =	simm.s32 $_size__tile_overlayer_lowered;
	s6 =	simm.s32 $_tile_overlayer_lowered  }
0x9b: {  	s22 =	simm.s32 $0x1BFF;
	s21 =	sshll.u32 s6, $0x1;
	s3 =	sadd.s32 s4, s19  }
0x9c: {  	s7 =	simm.s32 $0x0;
	s20 =	sshll.u32 s5, $0x1;
	s5 =	sadd.s32 s21, s3  }
0x9d: {  	[timem:s7], [sflag:s22] =	dma.local [hbm:s5], s20  }
0x9e: {  	_ =	swait.ge [sflag:s22], s20  }
0x9f: {  	s4 =	ssub.s32 $0x0, s20;
	[sflag:s22] =	ssyncset.done $0x0  }
0xa0: {  	[sflag:s22] =	ssyncadd.s32 s4;
	_ =	sdelay $0x1  }
0xa1: {  	s23 =	simm.s32 $0x1B8B  }
0xa2: {  	_ =	swait.ge [sflag:s23], $0x1  }
0xa3: {  	[sflag:s23] =	ssyncset.done $0x0  }
0xa4: {  	s25 =	simm.s32 $0x1B8E;
	s24 =	sld [smem:$0x3FFE];
	[sflag:s23] =	ssyncadd.s32 $0xFFFFFFFF  }
0xa5: {  	s26 =	simm.s32 $execute0_lowered;
	[smem:$0x3FD2] =	sst s25  }
0xa6: {  	s5 =	sshll.u32 s26, $0x1;
	_ =	strace $0x80000049;
	[dreg:$0x1] =	wrdreg $0xFFFFFFFF  }
0xa7: {  	s28 =	simm.s32 $_size_execute0_lowered;
	s3 =	sadd.s32 s3, s5;
	[dreg:$0x0] =	wrdreg $0x0  }
0xa8: {  	s5 =	sshll.u32 s28, $0x1;
	[dreg:$0x2] =	wrdreg s3  }
0xa9: {  	[dreg:$0x3] =	wrdreg s5  }
0xaa: {  	[dreg:$0x4] =	wrdreg $0xC0  }
0xab: {  	_ =	task [dreg:s7], $0x5FFFF  }
0xac: {  	[dreg:$0x1] =	wrdreg $0xFFFFFFFF  }
0xad: {  	[dreg:$0x0] =	wrdreg $0x60  }
0xae: {  	[dreg:$0x2] =	wrdreg s24  }
0xaf: {  	[dreg:$0x3] =	wrdreg s2  }
0xb0: {  	[dreg:$0x4] =	wrdreg $0x0  }
0xb1: {  	[dreg:$0x5] =	wrdreg $0x9  }
0xb2: {  	_ =	task.clear_ibuf [dreg:s7], $0x6FFFF;
	_ =	strace $0x90000049  }
0xb3: {  	s29 =	simm.s32 $0x9;
	_ =	strace $0x8000004B  }
0xb4: {  	_ =	swait.ge [sflag:s29], $0x1  }
0xb5: {  	[sflag:s29] =	ssyncadd.s32 $0xFFFFFFFF  }
0xb6: {  	_ =	strace $0x9000004B  }
0xb7: {  	_ =	sfence  }
0xb8: {  	s30 =	sld [smem:$0x0];
	_ =	sdelay $0x2  }
0xb9: {  	s31 =	sshll.u32 s1, $0xD;
	s1 =	sshrl.u32 s1, $0x2  }
0xba: {  	s3 =	sand.u32 $0x4000, s31;
	s1 =	sadd.s32 s1, s30  }
0xbb: {  	s0 =	sor.u32 s3, s0;
	s1 =	sshll.u32 s1, $0x11  }
0xbc: {  	s0 =	sor.u32 s1, s0  }
0xbd: {  	s0 =	sadd.s32 $0x8F2B, s0  }
0xbe: {  	[sflag:s0] =	ssyncadd.remote.s32 $0x1  }
0xbf: {  	_ =	sfence.sel $0xFFFF  }
0xc0: {  	[dreg:$0x0] =	wrdreg $0xFFFFFFFF;
	(pc) =	sbr.abs _section_cstart, $3  }
0xc1: {  	[dreg:$0x1] =	wrdreg $0xFFFFFFFF  }
0xc2: {  	_ =	task.clear_ibuf [dreg:s7], $0x2FFFF;
	_ =	strace $0x9FFFFFFF  }
0xc3: {  	(tm) =	ssettm $0x7FFFFFFF  }
tec
execute0_lowered:
.L_overlay_start_1:
0x0: {  	(tag) =	ssettag $0x1  }
0x1: {  	s0 =	rddreg [dreg:$0x0]  }
0x2: {  	s1 =	rddreg [dreg:$0x1]  }
0x3: {  	s2 =	rddreg [dreg:$0x2]  }
0x4: {  	s4 =	srdreg.scid;
	s3 =	simm.s32 $0x0;
	s8 =	stileid.u32  }
0x5: {  	s28 =	simm.s32 $0x16000;
	s29 =	simm.s32 $0x7;
	s31 =	simm.s32 $0x14000  }
0x6: {  	s30 =	simm.s32 $0x15800;
	s9 =	sand.u32 $0x1, s4;
	s6 =	smul.u32 $0x50000, s8  }
0x7: {  	[smem:$0x7FF] =	sst s3;
	s11 =	smul.u32 $0x14000, s8;
	s4 =	sadd.s32 $0x1800, s0  }
0x8: {  	s0 =	sadd.s32 $0x29800, s0;
	s5 =	ssub.s32 $0x2, s9;
	_ =	strace $0x8000004A  }
0x9: {  	s21 =	sshll.u32 s9, $0x4;
	s9 =	smul.u32 $0x140000, s9;
	s7 =	sshrl.u32 s5, $0x1  }
0xa: {  	s6 =	sshrl.u32 s6, $0x2;
	s14 =	sadd.s32 $0x4000, s11;
	s10 =	sor.u32 s8, s21  }
0xb: {  	s15 =	sadd.s32 $0x8000, s11;
	s16 =	sadd.s32 $0xC000, s11;
	s17 =	sadd.s32 $0x10000, s11  }
0xc: {  	s12 =	ssub.s32 s5, s7;
	s22 =	sadd.s32 s6, s2;
	s23 =	sadd.s32 s14, s2  }
0xd: {  	s13 =	smul.u32 $0x2800, s10;
	s24 =	sadd.s32 s15, s2;
	[dreg:$0x14] =	wrdreg s22  }
0xe: {  	s25 =	sadd.s32 s16, s2;
	s19 =	smul.u32 $0x500, s10;
	[dreg:$0x15] =	wrdreg s23  }
0xf: {  	s26 =	sadd.s32 s17, s2;
	s11 =	sadd.s32 s11, s9;
	[dreg:$0x16] =	wrdreg s24  }
0x10: {  	s14 =	sadd.s32 s9, s14;
	s15 =	sadd.s32 s9, s15;
	[dreg:$0x17] =	wrdreg s25  }
0x11: {  	s16 =	sadd.s32 s9, s16;
	s9 =	sadd.s32 s9, s17;
	[dreg:$0x18] =	wrdreg s26  }
0x12: {  	s11 =	sshrl.u32 s11, $0x3;
	s20 =	sshrl.u32 s15, $0x3;
	s21 =	sshrl.u32 s16, $0x3  }
0x13: {  	s9 =	sshrl.u32 s9, $0x3;
	s26 =	smax.u32 s12, $0x1;
	s16 =	simm.s32 $0x80  }
0x14: {  	s12 =	simm.s32 $0x15980;
	s15 =	simm.s32 $0x14A00;
	[dreg:$0x4] =	wrdreg s19  }
0x15: {  	s18 =	sshrl.u32 s13, $0x3;
	s6 =	sadd.s32 s1, s19;
	[dreg:$0x13] =	wrdreg s26  }
0x16: {  	s13 =	sadd.s32 $0xA000, s1;
	s11 =	sadd.s32 s0, s11;
	[dreg:$0x5] =	wrdreg s6  }
0x17: {  	s22 =	sadd.s32 s0, s21;
	s26 =	simm.s32 $0x4;
	[dreg:$0xa] =	wrdreg s11  }
0x18: {  	s21 =	simm.s32 $0x15A00;
	s7 =	sadd.s32 $0x100, s18;
	[dreg:$0xd] =	wrdreg s22  }
0x19: {  	s8 =	sadd.s32 $0x200, s18;
	s23 =	sadd.s32 $0x300, s18;
	[dreg:$0x6] =	wrdreg s7  }
0x1a: {  	s24 =	sadd.s32 $0x400, s18;
	s18 =	simm.s32 $0x1A000;
	[dreg:$0x8] =	wrdreg s8  }
0x1b: {  	s22 =	simm.s32 $0x0;
	s19 =	sadd.s32 s1, s7;
	[dreg:$0xf] =	wrdreg s23  }
0x1c: {  	s10 =	sadd.s32 s1, s8;
	[dreg:$0x10] =	wrdreg s24;
	s25 =	sadd.s32 s1, s24  }
0x1d: {  	s7 =	simm.s32 $0x15880;
	s8 =	simm.s32 $0x14900;
	[dreg:$0x7] =	wrdreg s19  }
0x1e: {  	s24 =	simm.s32 $0x15A80;
	[dreg:$0x9] =	wrdreg s10;
	s19 =	sshrl.u32 s14, $0x3  }
0x1f: {  	[dreg:$0x12] =	wrdreg s25;
	s14 =	simm.s32 $0x14800;
	s10 =	simm.s32 $0x15900  }
0x20: {  	s25 =	simm.s32 $0x14B00;
	s11 =	sadd.s32 s0, s19;
	s19 =	simm.s32 $0x1  }
0x21: {  	[dreg:$0xb] =	wrdreg s11;
	s11 =	sadd.s32 s0, s20;
	s0 =	sadd.s32 s0, s9  }
0x22: {  	s20 =	simm.s32 $0x2;
	s9 =	simm.s32 $0x3;
	[dreg:$0xc] =	wrdreg s11  }
0x23: {  	[dreg:$0xe] =	wrdreg s0;
	s0 =	sadd.s32 s1, s23;
	s1 =	simm.s32 $0x6  }
0x24: {  	v0 =	vimm.f32 $0.0e+00;
	s11 =	simm.s32 $0x14980;
	[dreg:$0x11] =	wrdreg s0;
	s0 =	simm.s32 $0x5  }
.LBB2_1:
0x25: {  	s23 =	simm.s32 $0x0;
	s17 =	simm.s32 $0x200  }
.LBB2_2:
0x26: {  	p0 =	sne.s32 s17, $0xFE00;
	[tilespmem:s23+$0x16070] =	vst v0  }
0x27: {  	[tilespmem:s23+$0x16000] =	vst v0  }
0x28: {  	[tilespmem:s23+$0x16010] =	vst v0  }
.Ltmp0:
0x29: {  	[tilespmem:s23+$0x16020] =	vst v0;
	(pc) =	sbr.rel @p0 .LBB2_2-.Ltmp0, $4  }
0x2a: {  	[tilespmem:s23+$0x16030] =	vst v0  }
0x2b: {  	[tilespmem:s23+$0x16040] =	vst v0  }
0x2c: {  	[tilespmem:s23+$0x16050] =	vst v0  }
0x2d: {  	[tilespmem:s23+$0x16060] =	vst v0;
	s23 =	sshra.s32 s17, $0x2;
	s17 =	sadd.s32 $0x200, s17  }
0x2e: {  	[tilespmem:s23+$0x16070] =	vst v0  }
0x2f: {  	[tilespmem:s23+$0x16000] =	vst v0  }
0x30: {  	[tilespmem:s23+$0x16010] =	vst v0  }
0x31: {  	[tilespmem:s23+$0x16020] =	vst v0  }
0x32: {  	[tilespmem:s23+$0x16030] =	vst v0  }
0x33: {  	[tilespmem:s23+$0x16040] =	vst v0  }
0x34: {  	[tilespmem:s23+$0x16050] =	vst v0  }
0x35: {  	[tilespmem:s23+$0x16060] =	vst v0;
	s5 =	rddreg [dreg:$0x14]  }
0x36: {  	[spmem:s5] =	stream.linear.scatter [tilespmem:s28], [sflag:$0x7], $0x4000, $0x38;
	[tilespmem:$0x1E000] =	vst v63  }
0x37: {  	_ =	swait.ge [sflag:s29], $0x4000  }
0x38: {  	[sflag:s29] =	ssyncset.done $0x0  }
0x39: {  	s23 =	rddreg [dreg:$0x15];
	[sflag:s29] =	ssyncadd.s32 $0xFFFFC000  }
0x3a: {  	[spmem:s23] =	stream.linear.scatter [tilespmem:s28], [sflag:$0x7], $0x4000, $0x38;
	[tilespmem:$0x1E000] =	vst v63  }
0x3b: {  	_ =	swait.ge [sflag:s29], $0x4000  }
0x3c: {  	[sflag:s29] =	ssyncset.done $0x0  }
0x3d: {  	s6 =	rddreg [dreg:$0x16];
	[sflag:s29] =	ssyncadd.s32 $0xFFFFC000  }
0x3e: {  	[spmem:s6] =	stream.linear.scatter [tilespmem:s28], [sflag:$0x7], $0x4000, $0x38;
	[tilespmem:$0x1E000] =	vst v63  }
0x3f: {  	_ =	swait.ge [sflag:s29], $0x4000  }
0x40: {  	[sflag:s29] =	ssyncset.done $0x0  }
0x41: {  	s17 =	rddreg [dreg:$0x17];
	[sflag:s29] =	ssyncadd.s32 $0xFFFFC000  }
0x42: {  	[spmem:s17] =	stream.linear.scatter [tilespmem:s28], [sflag:$0x7], $0x4000, $0x38;
	[tilespmem:$0x1E000] =	vst v63  }
0x43: {  	_ =	swait.ge [sflag:s29], $0x4000  }
0x44: {  	[sflag:s29] =	ssyncset.done $0x0  }
0x45: {  	s23 =	rddreg [dreg:$0x18];
	[sflag:s29] =	ssyncadd.s32 $0xFFFFC000  }
0x46: {  	[spmem:s23] =	stream.linear.scatter [tilespmem:s28], [sflag:$0x7], $0x4000, $0x38;
	[tilespmem:$0x1E000] =	vst v63  }
0x47: {  	_ =	swait.ge [sflag:s29], $0x4000  }
0x48: {  	[sflag:s29] =	ssyncset.done $0x0  }
0x49: {  	[sflag:s29] =	ssyncadd.s32 $0xFFFFC000  }
0x4a: {  	[bflag:$0x0] =	sbarrier.arrive $0xFFFF  }
0x4b: {  	s17 =	rddreg [dreg:$0x5]  }
0x4c: {  	s6 =	rddreg [dreg:$0x4]  }
0x4d: {  	[tilespmem:s31], [sflag:$0x5] =	stream.linear.gather [hbm4b:s17+s3], $0x800, $0x38;
	[tilespmem:$0x1E000] =	vst v63  }
0x4e: {  	s5 =	simm.s32 $0x15000;
	s17 =	sadd.s32 s6, s13  }
0x4f: {  	[tilespmem:s5], [sflag:$0x6] =	stream.linear.gather [hbm4b:s17+s3], $0x800, $0x38;
	[tilespmem:$0x1E000] =	vst v63  }
0x50: {  	_ =	swait.ge [sflag:s0], $0x800  }
0x51: {  	[sflag:s0] =	ssyncset.done $0x0  }
0x52: {  	[sflag:s0] =	ssyncadd.s32 $0xFFFFF800  }
0x53: {  	_ =	swait.ge [sflag:s1], $0x800  }
0x54: {  	[sflag:s1] =	ssyncset.done $0x0;
	s23 =	rddreg [dreg:$0x7]  }
0x55: {  	s6 =	rddreg [dreg:$0x6];
	[sflag:s1] =	ssyncadd.s32 $0xFFFFF800  }
0x56: {  	[tilespmem:s14], [sflag:$0x5] =	stream.linear.gather [hbm4b:s23+s3], $0x800, $0x38;
	[tilespmem:$0x1E000] =	vst v63  }
0x57: {  	s17 =	sadd.s32 s6, s13  }
0x58: {  	[tilespmem:s30], [sflag:$0x6] =	stream.linear.gather [hbm4b:s17+s3], $0x800, $0x38;
	[tilespmem:$0x1E000] =	vst v63  }
0x59: {  	_ = 	snop  }
0x5a: {  	[tilespmem:s28], [sflag:$0x1] =	stream.indirect.gather [hbm4b:s4+s16], $0x80, s31, s16, $0xb8;
	[tilespmem:$0x1E000] =	vst v63  }
0x5b: {  	s6 =	simm.s32 $0x14080  }
0x5c: {  	[tilespmem:s18], [sflag:$0x2] =	stream.indirect.gather [hbm4b:s4+s16], $0x80, s6, s16, $0xb8;
	[tilespmem:$0x1E000] =	vst v63  }
0x5d: {  	_ =	swait.ge [sflag:s19], $0x4000  }
0x5e: {  	[sflag:s19] =	ssyncset.done $0x0  }
0x5f: {  	[sflag:s19] =	ssyncadd.s32 $0xFFFFC000  }
0x60: {  	[spmem:s2] =	stream.indirect.scatter.add.f32 [tilespmem:s28], [sflag:$0x3], $0x80, s5, s16, $0xb8;
	[tilespmem:$0x1E000] =	vst v63  }
0x61: {  	_ =	swait.ge [sflag:s20], $0x4000  }
0x62: {  	[sflag:s20] =	ssyncset.done $0x0  }
0x63: {  	s17 =	simm.s32 $0x15080;
	[sflag:s20] =	ssyncadd.s32 $0xFFFFC000  }
0x64: {  	[spmem:s2] =	stream.indirect.scatter.add.f32 [tilespmem:s18], [sflag:$0x4], $0x80, s17, s16, $0xb8;
	[tilespmem:$0x1E000] =	vst v63  }
0x65: {  	_ =	swait.ge [sflag:s9], $0x4000  }
0x66: {  	[sflag:s9] =	ssyncset.done $0x0  }
0x67: {  	s23 =	simm.s32 $0x14100;
	[sflag:s9] =	ssyncadd.s32 $0xFFFFC000  }
0x68: {  	[tilespmem:s28], [sflag:$0x1] =	stream.indirect.gather [hbm4b:s4+s16], $0x80, s23, s16, $0xb8;
	[tilespmem:$0x1E000] =	vst v63  }
0x69: {  	_ =	swait.ge [sflag:s19], $0x4000  }
0x6a: {  	[sflag:s19] =	ssyncset.done $0x0  }
0x6b: {  	s17 =	simm.s32 $0x15100;
	[sflag:s19] =	ssyncadd.s32 $0xFFFFC000  }
0x6c: {  	[spmem:s2] =	stream.indirect.scatter.add.f32 [tilespmem:s28], [sflag:$0x3], $0x80, s17, s16, $0xb8;
	[tilespmem:$0x1E000] =	vst v63  }
0x6d: {  	_ =	swait.ge [sflag:s26], $0x4000  }
0x6e: {  	[sflag:s26] =	ssyncset.done $0x0  }
0x6f: {  	s23 =	simm.s32 $0x14180;
	[sflag:s26] =	ssyncadd.s32 $0xFFFFC000  }
0x70: {  	[tilespmem:s18], [sflag:$0x2] =	stream.indirect.gather [hbm4b:s4+s16], $0x80, s23, s16, $0xb8;
	[tilespmem:$0x1E000] =	vst v63  }
0x71: {  	_ =	swait.ge [sflag:s20], $0x4000  }
0x72: {  	[sflag:s20] =	ssyncset.done $0x0  }
0x73: {  	s17 =	simm.s32 $0x15180;
	[sflag:s20] =	ssyncadd.s32 $0xFFFFC000  }
0x74: {  	[spmem:s2] =	stream.indirect.scatter.add.f32 [tilespmem:s18], [sflag:$0x4], $0x80, s17, s16, $0xb8;
	[tilespmem:$0x1E000] =	vst v63  }
0x75: {  	_ =	swait.ge [sflag:s9], $0x4000  }
0x76: {  	[sflag:s9] =	ssyncset.done $0x0  }
0x77: {  	s23 =	simm.s32 $0x14200;
	[sflag:s9] =	ssyncadd.s32 $0xFFFFC000  }
0x78: {  	[tilespmem:s28], [sflag:$0x1] =	stream.indirect.gather [hbm4b:s4+s16], $0x80, s23, s16, $0xb8;
	[tilespmem:$0x1E000] =	vst v63  }
0x79: {  	_ =	swait.ge [sflag:s19], $0x4000  }
0x7a: {  	[sflag:s19] =	ssyncset.done $0x0  }
0x7b: {  	s17 =	simm.s32 $0x15200;
	[sflag:s19] =	ssyncadd.s32 $0xFFFFC000  }
0x7c: {  	[spmem:s2] =	stream.indirect.scatter.add.f32 [tilespmem:s28], [sflag:$0x3], $0x80, s17, s16, $0xb8;
	[tilespmem:$0x1E000] =	vst v63  }
0x7d: {  	_ =	swait.ge [sflag:s26], $0x4000  }
0x7e: {  	[sflag:s26] =	ssyncset.done $0x0  }
0x7f: {  	s23 =	simm.s32 $0x14280;
	[sflag:s26] =	ssyncadd.s32 $0xFFFFC000  }
0x80: {  	[tilespmem:s18], [sflag:$0x2] =	stream.indirect.gather [hbm4b:s4+s16], $0x80, s23, s16, $0xb8;
	[tilespmem:$0x1E000] =	vst v63  }
0x81: {  	_ =	swait.ge [sflag:s20], $0x4000  }
0x82: {  	[sflag:s20] =	ssyncset.done $0x0  }
0x83: {  	s17 =	simm.s32 $0x15280;
	[sflag:s20] =	ssyncadd.s32 $0xFFFFC000  }
0x84: {  	[spmem:s2] =	stream.indirect.scatter.add.f32 [tilespmem:s18], [sflag:$0x4], $0x80, s17, s16, $0xb8;
	[tilespmem:$0x1E000] =	vst v63  }
0x85: {  	_ =	swait.ge [sflag:s9], $0x4000  }
0x86: {  	[sflag:s9] =	ssyncset.done $0x0  }
0x87: {  	s23 =	simm.s32 $0x14300;
	[sflag:s9] =	ssyncadd.s32 $0xFFFFC000  }
0x88: {  	[tilespmem:s28], [sflag:$0x1] =	stream.indirect.gather [hbm4b:s4+s16], $0x80, s23, s16, $0xb8;
	[tilespmem:$0x1E000] =	vst v63  }
0x89: {  	_ =	swait.ge [sflag:s19], $0x4000  }
0x8a: {  	[sflag:s19] =	ssyncset.done $0x0  }
0x8b: {  	s17 =	simm.s32 $0x15300;
	[sflag:s19] =	ssyncadd.s32 $0xFFFFC000  }
0x8c: {  	[spmem:s2] =	stream.indirect.scatter.add.f32 [tilespmem:s28], [sflag:$0x3], $0x80, s17, s16, $0xb8;
	[tilespmem:$0x1E000] =	vst v63  }
0x8d: {  	_ =	swait.ge [sflag:s26], $0x4000  }
0x8e: {  	[sflag:s26] =	ssyncset.done $0x0  }
0x8f: {  	s23 =	simm.s32 $0x14380;
	[sflag:s26] =	ssyncadd.s32 $0xFFFFC000  }
0x90: {  	[tilespmem:s18], [sflag:$0x2] =	stream.indirect.gather [hbm4b:s4+s16], $0x80, s23, s16, $0xb8;
	[tilespmem:$0x1E000] =	vst v63  }
0x91: {  	_ =	swait.ge [sflag:s20], $0x4000  }
0x92: {  	[sflag:s20] =	ssyncset.done $0x0  }
0x93: {  	s17 =	simm.s32 $0x15380;
	[sflag:s20] =	ssyncadd.s32 $0xFFFFC000  }
0x94: {  	[spmem:s2] =	stream.indirect.scatter.add.f32 [tilespmem:s18], [sflag:$0x4], $0x80, s17, s16, $0xb8;
	[tilespmem:$0x1E000] =	vst v63  }
0x95: {  	_ =	swait.ge [sflag:s9], $0x4000  }
0x96: {  	[sflag:s9] =	ssyncset.done $0x0  }
0x97: {  	s23 =	simm.s32 $0x14400;
	[sflag:s9] =	ssyncadd.s32 $0xFFFFC000  }
0x98: {  	[tilespmem:s28], [sflag:$0x1] =	stream.indirect.gather [hbm4b:s4+s16], $0x80, s23, s16, $0xb8;
	[tilespmem:$0x1E000] =	vst v63  }
0x99: {  	_ =	swait.ge [sflag:s19], $0x4000  }
0x9a: {  	[sflag:s19] =	ssyncset.done $0x0  }
0x9b: {  	s17 =	simm.s32 $0x15400;
	[sflag:s19] =	ssyncadd.s32 $0xFFFFC000  }
0x9c: {  	[spmem:s2] =	stream.indirect.scatter.add.f32 [tilespmem:s28], [sflag:$0x3], $0x80, s17, s16, $0xb8;
	[tilespmem:$0x1E000] =	vst v63  }
0x9d: {  	_ =	swait.ge [sflag:s26], $0x4000  }
0x9e: {  	[sflag:s26] =	ssyncset.done $0x0  }
0x9f: {  	s23 =	simm.s32 $0x14480;
	[sflag:s26] =	ssyncadd.s32 $0xFFFFC000  }
0xa0: {  	[tilespmem:s18], [sflag:$0x2] =	stream.indirect.gather [hbm4b:s4+s16], $0x80, s23, s16, $0xb8;
	[tilespmem:$0x1E000] =	vst v63  }
0xa1: {  	_ =	swait.ge [sflag:s20], $0x4000  }
0xa2: {  	[sflag:s20] =	ssyncset.done $0x0  }
0xa3: {  	s17 =	simm.s32 $0x15480;
	[sflag:s20] =	ssyncadd.s32 $0xFFFFC000  }
0xa4: {  	[spmem:s2] =	stream.indirect.scatter.add.f32 [tilespmem:s18], [sflag:$0x4], $0x80, s17, s16, $0xb8;
	[tilespmem:$0x1E000] =	vst v63  }
0xa5: {  	_ =	swait.ge [sflag:s9], $0x4000  }
0xa6: {  	[sflag:s9] =	ssyncset.done $0x0  }
0xa7: {  	s23 =	simm.s32 $0x14500;
	[sflag:s9] =	ssyncadd.s32 $0xFFFFC000  }
0xa8: {  	[tilespmem:s28], [sflag:$0x1] =	stream.indirect.gather [hbm4b:s4+s16], $0x80, s23, s16, $0xb8;
	[tilespmem:$0x1E000] =	vst v63  }
0xa9: {  	_ =	swait.ge [sflag:s19], $0x4000  }
0xaa: {  	[sflag:s19] =	ssyncset.done $0x0  }
0xab: {  	s17 =	simm.s32 $0x15500;
	[sflag:s19] =	ssyncadd.s32 $0xFFFFC000  }
0xac: {  	[spmem:s2] =	stream.indirect.scatter.add.f32 [tilespmem:s28], [sflag:$0x3], $0x80, s17, s16, $0xb8;
	[tilespmem:$0x1E000] =	vst v63  }
0xad: {  	_ =	swait.ge [sflag:s26], $0x4000  }
0xae: {  	[sflag:s26] =	ssyncset.done $0x0  }
0xaf: {  	s23 =	simm.s32 $0x14580;
	[sflag:s26] =	ssyncadd.s32 $0xFFFFC000  }
0xb0: {  	[tilespmem:s18], [sflag:$0x2] =	stream.indirect.gather [hbm4b:s4+s16], $0x80, s23, s16, $0xb8;
	[tilespmem:$0x1E000] =	vst v63  }
0xb1: {  	_ =	swait.ge [sflag:s20], $0x4000  }
0xb2: {  	[sflag:s20] =	ssyncset.done $0x0  }
0xb3: {  	s17 =	simm.s32 $0x15580;
	[sflag:s20] =	ssyncadd.s32 $0xFFFFC000  }
0xb4: {  	[spmem:s2] =	stream.indirect.scatter.add.f32 [tilespmem:s18], [sflag:$0x4], $0x80, s17, s16, $0xb8;
	[tilespmem:$0x1E000] =	vst v63  }
0xb5: {  	_ =	swait.ge [sflag:s9], $0x4000  }
0xb6: {  	[sflag:s9] =	ssyncset.done $0x0  }
0xb7: {  	s23 =	simm.s32 $0x14600;
	[sflag:s9] =	ssyncadd.s32 $0xFFFFC000  }
0xb8: {  	[tilespmem:s28], [sflag:$0x1] =	stream.indirect.gather [hbm4b:s4+s16], $0x80, s23, s16, $0xb8;
	[tilespmem:$0x1E000] =	vst v63  }
0xb9: {  	_ =	swait.ge [sflag:s19], $0x4000  }
0xba: {  	[sflag:s19] =	ssyncset.done $0x0  }
0xbb: {  	s17 =	simm.s32 $0x15600;
	[sflag:s19] =	ssyncadd.s32 $0xFFFFC000  }
0xbc: {  	[spmem:s2] =	stream.indirect.scatter.add.f32 [tilespmem:s28], [sflag:$0x3], $0x80, s17, s16, $0xb8;
	[tilespmem:$0x1E000] =	vst v63  }
0xbd: {  	_ =	swait.ge [sflag:s26], $0x4000  }
0xbe: {  	[sflag:s26] =	ssyncset.done $0x0  }
0xbf: {  	s23 =	simm.s32 $0x14680;
	[sflag:s26] =	ssyncadd.s32 $0xFFFFC000  }
0xc0: {  	[tilespmem:s18], [sflag:$0x2] =	stream.indirect.gather [hbm4b:s4+s16], $0x80, s23, s16, $0xb8;
	[tilespmem:$0x1E000] =	vst v63  }
0xc1: {  	_ =	swait.ge [sflag:s20], $0x4000  }
0xc2: {  	[sflag:s20] =	ssyncset.done $0x0  }
0xc3: {  	s17 =	simm.s32 $0x15680;
	[sflag:s20] =	ssyncadd.s32 $0xFFFFC000  }
0xc4: {  	[spmem:s2] =	stream.indirect.scatter.add.f32 [tilespmem:s18], [sflag:$0x4], $0x80, s17, s16, $0xb8;
	[tilespmem:$0x1E000] =	vst v63  }
0xc5: {  	_ =	swait.ge [sflag:s9], $0x4000  }
0xc6: {  	[sflag:s9] =	ssyncset.done $0x0  }
0xc7: {  	s23 =	simm.s32 $0x14700;
	[sflag:s9] =	ssyncadd.s32 $0xFFFFC000  }
0xc8: {  	[tilespmem:s28], [sflag:$0x1] =	stream.indirect.gather [hbm4b:s4+s16], $0x80, s23, s16, $0xb8;
	[tilespmem:$0x1E000] =	vst v63  }
0xc9: {  	_ =	swait.ge [sflag:s19], $0x4000  }
0xca: {  	[sflag:s19] =	ssyncset.done $0x0  }
0xcb: {  	s17 =	simm.s32 $0x15700;
	[sflag:s19] =	ssyncadd.s32 $0xFFFFC000  }
0xcc: {  	[spmem:s2] =	stream.indirect.scatter.add.f32 [tilespmem:s28], [sflag:$0x3], $0x80, s17, s16, $0xb8;
	[tilespmem:$0x1E000] =	vst v63  }
0xcd: {  	_ =	swait.ge [sflag:s26], $0x4000  }
0xce: {  	[sflag:s26] =	ssyncset.done $0x0  }
0xcf: {  	s23 =	simm.s32 $0x14780;
	[sflag:s26] =	ssyncadd.s32 $0xFFFFC000  }
0xd0: {  	[tilespmem:s18], [sflag:$0x2] =	stream.indirect.gather [hbm4b:s4+s16], $0x80, s23, s16, $0xb8;
	[tilespmem:$0x1E000] =	vst v63  }
0xd1: {  	_ =	swait.ge [sflag:s20], $0x4000  }
0xd2: {  	[sflag:s20] =	ssyncset.done $0x0  }
0xd3: {  	s17 =	simm.s32 $0x15780;
	[sflag:s20] =	ssyncadd.s32 $0xFFFFC000  }
0xd4: {  	[spmem:s2] =	stream.indirect.scatter.add.f32 [tilespmem:s18], [sflag:$0x4], $0x80, s17, s16, $0xb8;
	[tilespmem:$0x1E000] =	vst v63  }
0xd5: {  	_ =	swait.ge [sflag:s9], $0x4000  }
0xd6: {  	[sflag:s9] =	ssyncset.done $0x0  }
0xd7: {  	[sflag:s9] =	ssyncadd.s32 $0xFFFFC000  }
0xd8: {  	_ =	swait.ge [sflag:s26], $0x4000  }
0xd9: {  	[sflag:s26] =	ssyncset.done $0x0  }
0xda: {  	[sflag:s26] =	ssyncadd.s32 $0xFFFFC000  }
0xdb: {  	_ =	swait.ge [sflag:s0], $0x800  }
0xdc: {  	[sflag:s0] =	ssyncset.done $0x0  }
0xdd: {  	[sflag:s0] =	ssyncadd.s32 $0xFFFFF800  }
0xde: {  	_ =	swait.ge [sflag:s1], $0x800  }
0xdf: {  	[sflag:s1] =	ssyncset.done $0x0;
	s23 =	rddreg [dreg:$0x9]  }
0xe0: {  	s6 =	rddreg [dreg:$0x8];
	[sflag:s1] =	ssyncadd.s32 $0xFFFFF800  }
0xe1: {  	[tilespmem:s31], [sflag:$0x5] =	stream.linear.gather [hbm4b:s23+s3], $0x800, $0x38;
	[tilespmem:$0x1E000] =	vst v63  }
0xe2: {  	s17 =	sadd.s32 s6, s13  }
0xe3: {  	[tilespmem:s5], [sflag:$0x6] =	stream.linear.gather [hbm4b:s17+s3], $0x800, $0x38;
	[tilespmem:$0x1E000] =	vst v63  }
0xe4: {  	_ = 	snop  }
0xe5: {  	[tilespmem:s28], [sflag:$0x1] =	stream.indirect.gather [hbm4b:s4+s16], $0x80, s14, s16, $0xb8;
	[tilespmem:$0x1E000] =	vst v63  }
0xe6: {  	s6 =	simm.s32 $0x14880  }
0xe7: {  	[tilespmem:s18], [sflag:$0x2] =	stream.indirect.gather [hbm4b:s4+s16], $0x80, s6, s16, $0xb8;
	[tilespmem:$0x1E000] =	vst v63  }
0xe8: {  	_ =	swait.ge [sflag:s19], $0x4000  }
0xe9: {  	[sflag:s19] =	ssyncset.done $0x0  }
0xea: {  	[sflag:s19] =	ssyncadd.s32 $0xFFFFC000  }
0xeb: {  	[spmem:s2] =	stream.indirect.scatter.add.f32 [tilespmem:s28], [sflag:$0x3], $0x80, s30, s16, $0xb8;
	[tilespmem:$0x1E000] =	vst v63  }
0xec: {  	_ =	swait.ge [sflag:s20], $0x4000  }
0xed: {  	[sflag:s20] =	ssyncset.done $0x0  }
0xee: {  	[sflag:s20] =	ssyncadd.s32 $0xFFFFC000  }
0xef: {  	[spmem:s2] =	stream.indirect.scatter.add.f32 [tilespmem:s18], [sflag:$0x4], $0x80, s7, s16, $0xb8;
	[tilespmem:$0x1E000] =	vst v63  }
0xf0: {  	_ =	swait.ge [sflag:s9], $0x4000  }
0xf1: {  	[sflag:s9] =	ssyncset.done $0x0  }
0xf2: {  	[sflag:s9] =	ssyncadd.s32 $0xFFFFC000  }
0xf3: {  	[tilespmem:s28], [sflag:$0x1] =	stream.indirect.gather [hbm4b:s4+s16], $0x80, s8, s16, $0xb8;
	[tilespmem:$0x1E000] =	vst v63  }
0xf4: {  	_ =	swait.ge [sflag:s19], $0x4000  }
0xf5: {  	[sflag:s19] =	ssyncset.done $0x0  }
0xf6: {  	[sflag:s19] =	ssyncadd.s32 $0xFFFFC000  }
0xf7: {  	[spmem:s2] =	stream.indirect.scatter.add.f32 [tilespmem:s28], [sflag:$0x3], $0x80, s10, s16, $0xb8;
	[tilespmem:$0x1E000] =	vst v63  }
0xf8: {  	_ =	swait.ge [sflag:s26], $0x4000  }
0xf9: {  	[sflag:s26] =	ssyncset.done $0x0  }
0xfa: {  	[sflag:s26] =	ssyncadd.s32 $0xFFFFC000  }
0xfb: {  	[tilespmem:s18], [sflag:$0x2] =	stream.indirect.gather [hbm4b:s4+s16], $0x80, s11, s16, $0xb8;
	[tilespmem:$0x1E000] =	vst v63  }
0xfc: {  	_ =	swait.ge [sflag:s20], $0x4000  }
0xfd: {  	[sflag:s20] =	ssyncset.done $0x0  }
0xfe: {  	[sflag:s20] =	ssyncadd.s32 $0xFFFFC000  }
0xff: {  	[spmem:s2] =	stream.indirect.scatter.add.f32 [tilespmem:s18], [sflag:$0x4], $0x80, s12, s16, $0xb8;
	[tilespmem:$0x1E000] =	vst v63  }
0x100: {  	_ =	swait.ge [sflag:s9], $0x4000  }
0x101: {  	[sflag:s9] =	ssyncset.done $0x0  }
0x102: {  	[sflag:s9] =	ssyncadd.s32 $0xFFFFC000  }
0x103: {  	[tilespmem:s28], [sflag:$0x1] =	stream.indirect.gather [hbm4b:s4+s16], $0x80, s15, s16, $0xb8;
	[tilespmem:$0x1E000] =	vst v63  }
0x104: {  	_ =	swait.ge [sflag:s19], $0x4000  }
0x105: {  	[sflag:s19] =	ssyncset.done $0x0  }
0x106: {  	[sflag:s19] =	ssyncadd.s32 $0xFFFFC000  }
0x107: {  	[spmem:s2] =	stream.indirect.scatter.add.f32 [tilespmem:s28], [sflag:$0x3], $0x80, s21, s16, $0xb8;
	[tilespmem:$0x1E000] =	vst v63  }
0x108: {  	_ =	swait.ge [sflag:s26], $0x4000  }
0x109: {  	[sflag:s26] =	ssyncset.done $0x0  }
0x10a: {  	s23 =	simm.s32 $0x14A80;
	[sflag:s26] =	ssyncadd.s32 $0xFFFFC000  }
0x10b: {  	[tilespmem:s18], [sflag:$0x2] =	stream.indirect.gather [hbm4b:s4+s16], $0x80, s23, s16, $0xb8;
	[tilespmem:$0x1E000] =	vst v63  }
0x10c: {  	_ =	swait.ge [sflag:s20], $0x4000  }
0x10d: {  	[sflag:s20] =	ssyncset.done $0x0  }
0x10e: {  	[sflag:s20] =	ssyncadd.s32 $0xFFFFC000  }
0x10f: {  	[spmem:s2] =	stream.indirect.scatter.add.f32 [tilespmem:s18], [sflag:$0x4], $0x80, s24, s16, $0xb8;
	[tilespmem:$0x1E000] =	vst v63  }
0x110: {  	_ =	swait.ge [sflag:s9], $0x4000  }
0x111: {  	[sflag:s9] =	ssyncset.done $0x0  }
0x112: {  	[sflag:s9] =	ssyncadd.s32 $0xFFFFC000  }
0x113: {  	[tilespmem:s28], [sflag:$0x1] =	stream.indirect.gather [hbm4b:s4+s16], $0x80, s25, s16, $0xb8;
	[tilespmem:$0x1E000] =	vst v63  }
0x114: {  	_ =	swait.ge [sflag:s19], $0x4000  }
0x115: {  	[sflag:s19] =	ssyncset.done $0x0  }
0x116: {  	s17 =	simm.s32 $0x15B00;
	[sflag:s19] =	ssyncadd.s32 $0xFFFFC000  }
0x117: {  	[spmem:s2] =	stream.indirect.scatter.add.f32 [tilespmem:s28], [sflag:$0x3], $0x80, s17, s16, $0xb8;
	[tilespmem:$0x1E000] =	vst v63  }
0x118: {  	_ =	swait.ge [sflag:s26], $0x4000  }
0x119: {  	[sflag:s26] =	ssyncset.done $0x0  }
0x11a: {  	s17 =	simm.s32 $0x14B80;
	[sflag:s26] =	ssyncadd.s32 $0xFFFFC000  }
0x11b: {  	[tilespmem:s18], [sflag:$0x2] =	stream.indirect.gather [hbm4b:s4+s16], $0x80, s17, s16, $0xb8;
	[tilespmem:$0x1E000] =	vst v63  }
0x11c: {  	_ =	swait.ge [sflag:s20], $0x4000  }
0x11d: {  	[sflag:s20] =	ssyncset.done $0x0  }
0x11e: {  	s17 =	simm.s32 $0x15B80;
	[sflag:s20] =	ssyncadd.s32 $0xFFFFC000  }
0x11f: {  	[spmem:s2] =	stream.indirect.scatter.add.f32 [tilespmem:s18], [sflag:$0x4], $0x80, s17, s16, $0xb8;
	[tilespmem:$0x1E000] =	vst v63  }
0x120: {  	_ =	swait.ge [sflag:s9], $0x4000  }
0x121: {  	[sflag:s9] =	ssyncset.done $0x0  }
0x122: {  	s17 =	simm.s32 $0x14C00;
	[sflag:s9] =	ssyncadd.s32 $0xFFFFC000  }
0x123: {  	[tilespmem:s28], [sflag:$0x1] =	stream.indirect.gather [hbm4b:s4+s16], $0x80, s17, s16, $0xb8;
	[tilespmem:$0x1E000] =	vst v63  }
0x124: {  	_ =	swait.ge [sflag:s19], $0x4000  }
0x125: {  	[sflag:s19] =	ssyncset.done $0x0  }
0x126: {  	s17 =	simm.s32 $0x15C00;
	[sflag:s19] =	ssyncadd.s32 $0xFFFFC000  }
0x127: {  	[spmem:s2] =	stream.indirect.scatter.add.f32 [tilespmem:s28], [sflag:$0x3], $0x80, s17, s16, $0xb8;
	[tilespmem:$0x1E000] =	vst v63  }
0x128: {  	_ =	swait.ge [sflag:s26], $0x4000  }
0x129: {  	[sflag:s26] =	ssyncset.done $0x0  }
0x12a: {  	s17 =	simm.s32 $0x14C80;
	[sflag:s26] =	ssyncadd.s32 $0xFFFFC000  }
0x12b: {  	[tilespmem:s18], [sflag:$0x2] =	stream.indirect.gather [hbm4b:s4+s16], $0x80, s17, s16, $0xb8;
	[tilespmem:$0x1E000] =	vst v63  }
0x12c: {  	_ =	swait.ge [sflag:s20], $0x4000  }
0x12d: {  	[sflag:s20] =	ssyncset.done $0x0  }
0x12e: {  	s17 =	simm.s32 $0x15C80;
	[sflag:s20] =	ssyncadd.s32 $0xFFFFC000  }
0x12f: {  	[spmem:s2] =	stream.indirect.scatter.add.f32 [tilespmem:s18], [sflag:$0x4], $0x80, s17, s16, $0xb8;
	[tilespmem:$0x1E000] =	vst v63  }
0x130: {  	_ =	swait.ge [sflag:s9], $0x4000  }
0x131: {  	[sflag:s9] =	ssyncset.done $0x0  }
0x132: {  	s17 =	simm.s32 $0x14D00;
	[sflag:s9] =	ssyncadd.s32 $0xFFFFC000  }
0x133: {  	[tilespmem:s28], [sflag:$0x1] =	stream.indirect.gather [hbm4b:s4+s16], $0x80, s17, s16, $0xb8;
	[tilespmem:$0x1E000] =	vst v63  }
0x134: {  	_ =	swait.ge [sflag:s19], $0x4000  }
0x135: {  	[sflag:s19] =	ssyncset.done $0x0  }
0x136: {  	s17 =	simm.s32 $0x15D00;
	[sflag:s19] =	ssyncadd.s32 $0xFFFFC000  }
0x137: {  	[spmem:s2] =	stream.indirect.scatter.add.f32 [tilespmem:s28], [sflag:$0x3], $0x80, s17, s16, $0xb8;
	[tilespmem:$0x1E000] =	vst v63  }
0x138: {  	_ =	swait.ge [sflag:s26], $0x4000  }
0x139: {  	[sflag:s26] =	ssyncset.done $0x0  }
0x13a: {  	s17 =	simm.s32 $0x14D80;
	[sflag:s26] =	ssyncadd.s32 $0xFFFFC000  }
0x13b: {  	[tilespmem:s18], [sflag:$0x2] =	stream.indirect.gather [hbm4b:s4+s16], $0x80, s17, s16, $0xb8;
	[tilespmem:$0x1E000] =	vst v63  }
0x13c: {  	_ =	swait.ge [sflag:s20], $0x4000  }
0x13d: {  	[sflag:s20] =	ssyncset.done $0x0  }
0x13e: {  	s17 =	simm.s32 $0x15D80;
	[sflag:s20] =	ssyncadd.s32 $0xFFFFC000  }
0x13f: {  	[spmem:s2] =	stream.indirect.scatter.add.f32 [tilespmem:s18], [sflag:$0x4], $0x80, s17, s16, $0xb8;
	[tilespmem:$0x1E000] =	vst v63  }
0x140: {  	_ =	swait.ge [sflag:s9], $0x4000  }
0x141: {  	[sflag:s9] =	ssyncset.done $0x0  }
0x142: {  	s17 =	simm.s32 $0x14E00;
	[sflag:s9] =	ssyncadd.s32 $0xFFFFC000  }
0x143: {  	[tilespmem:s28], [sflag:$0x1] =	stream.indirect.gather [hbm4b:s4+s16], $0x80, s17, s16, $0xb8;
	[tilespmem:$0x1E000] =	vst v63  }
0x144: {  	_ =	swait.ge [sflag:s19], $0x4000  }
0x145: {  	[sflag:s19] =	ssyncset.done $0x0  }
0x146: {  	s17 =	simm.s32 $0x15E00;
	[sflag:s19] =	ssyncadd.s32 $0xFFFFC000  }
0x147: {  	[spmem:s2] =	stream.indirect.scatter.add.f32 [tilespmem:s28], [sflag:$0x3], $0x80, s17, s16, $0xb8;
	[tilespmem:$0x1E000] =	vst v63  }
0x148: {  	_ =	swait.ge [sflag:s26], $0x4000  }
0x149: {  	[sflag:s26] =	ssyncset.done $0x0  }
0x14a: {  	s17 =	simm.s32 $0x14E80;
	[sflag:s26] =	ssyncadd.s32 $0xFFFFC000  }
0x14b: {  	[tilespmem:s18], [sflag:$0x2] =	stream.indirect.gather [hbm4b:s4+s16], $0x80, s17, s16, $0xb8;
	[tilespmem:$0x1E000] =	vst v63  }
0x14c: {  	_ =	swait.ge [sflag:s20], $0x4000  }
0x14d: {  	[sflag:s20] =	ssyncset.done $0x0  }
0x14e: {  	s17 =	simm.s32 $0x15E80;
	[sflag:s20] =	ssyncadd.s32 $0xFFFFC000  }
0x14f: {  	[spmem:s2] =	stream.indirect.scatter.add.f32 [tilespmem:s18], [sflag:$0x4], $0x80, s17, s16, $0xb8;
	[tilespmem:$0x1E000] =	vst v63  }
0x150: {  	_ =	swait.ge [sflag:s9], $0x4000  }
0x151: {  	[sflag:s9] =	ssyncset.done $0x0  }
0x152: {  	s17 =	simm.s32 $0x14F00;
	[sflag:s9] =	ssyncadd.s32 $0xFFFFC000  }
0x153: {  	[tilespmem:s28], [sflag:$0x1] =	stream.indirect.gather [hbm4b:s4+s16], $0x80, s17, s16, $0xb8;
	[tilespmem:$0x1E000] =	vst v63  }
0x154: {  	_ =	swait.ge [sflag:s19], $0x4000  }
0x155: {  	[sflag:s19] =	ssyncset.done $0x0  }
0x156: {  	s17 =	simm.s32 $0x15F00;
	[sflag:s19] =	ssyncadd.s32 $0xFFFFC000  }
0x157: {  	[spmem:s2] =	stream.indirect.scatter.add.f32 [tilespmem:s28], [sflag:$0x3], $0x80, s17, s16, $0xb8;
	[tilespmem:$0x1E000] =	vst v63  }
0x158: {  	_ =	swait.ge [sflag:s26], $0x4000  }
0x159: {  	[sflag:s26] =	ssyncset.done $0x0  }
0x15a: {  	s17 =	simm.s32 $0x14F80;
	[sflag:s26] =	ssyncadd.s32 $0xFFFFC000  }
0x15b: {  	[tilespmem:s18], [sflag:$0x2] =	stream.indirect.gather [hbm4b:s4+s16], $0x80, s17, s16, $0xb8;
	[tilespmem:$0x1E000] =	vst v63  }
0x15c: {  	_ =	swait.ge [sflag:s20], $0x4000  }
0x15d: {  	[sflag:s20] =	ssyncset.done $0x0  }
0x15e: {  	s17 =	simm.s32 $0x15F80;
	[sflag:s20] =	ssyncadd.s32 $0xFFFFC000  }
0x15f: {  	[spmem:s2] =	stream.indirect.scatter.add.f32 [tilespmem:s18], [sflag:$0x4], $0x80, s17, s16, $0xb8;
	[tilespmem:$0x1E000] =	vst v63  }
0x160: {  	_ =	swait.ge [sflag:s9], $0x4000  }
0x161: {  	[sflag:s9] =	ssyncset.done $0x0  }
0x162: {  	[sflag:s9] =	ssyncadd.s32 $0xFFFFC000  }
0x163: {  	_ =	swait.ge [sflag:s26], $0x4000  }
0x164: {  	[sflag:s26] =	ssyncset.done $0x0  }
0x165: {  	[sflag:s26] =	ssyncadd.s32 $0xFFFFC000  }
0x166: {  	_ =	swait.ge [sflag:s0], $0x800  }
0x167: {  	[sflag:s0] =	ssyncset.done $0x0  }
0x168: {  	[sflag:s0] =	ssyncadd.s32 $0xFFFFF800  }
0x169: {  	_ =	swait.ge [sflag:s1], $0x800  }
0x16a: {  	[sflag:s1] =	ssyncset.done $0x0  }
0x16b: {  	s17 =	rddreg [dreg:$0x11];
	[sflag:s1] =	ssyncadd.s32 $0xFFFFF800  }
0x16c: {  	[tilespmem:s14], [sflag:$0x5] =	stream.linear.gather [hbm4b:s17+s3], $0x800, $0x38;
	[tilespmem:$0x1E000] =	vst v63  }
0x16d: {  	s17 =	rddreg [dreg:$0xf]  }
0x16e: {  	s17 =	sadd.s32 s17, s13  }
0x16f: {  	[tilespmem:s30], [sflag:$0x6] =	stream.linear.gather [hbm4b:s17+s3], $0x800, $0x38;
	[tilespmem:$0x1E000] =	vst v63  }
0x170: {  	_ = 	snop  }
0x171: {  	[tilespmem:s28], [sflag:$0x1] =	stream.indirect.gather [hbm4b:s4+s16], $0x80, s31, s16, $0xb8;
	[tilespmem:$0x1E000] =	vst v63  }
0x172: {  	s17 =	simm.s32 $0x14080  }
0x173: {  	[tilespmem:s18], [sflag:$0x2] =	stream.indirect.gather [hbm4b:s4+s16], $0x80, s17, s16, $0xb8;
	[tilespmem:$0x1E000] =	vst v63  }
0x174: {  	_ =	swait.ge [sflag:s19], $0x4000  }
0x175: {  	[sflag:s19] =	ssyncset.done $0x0  }
0x176: {  	[sflag:s19] =	ssyncadd.s32 $0xFFFFC000  }
0x177: {  	[spmem:s2] =	stream.indirect.scatter.add.f32 [tilespmem:s28], [sflag:$0x3], $0x80, s5, s16, $0xb8;
	[tilespmem:$0x1E000] =	vst v63  }
0x178: {  	_ =	swait.ge [sflag:s20], $0x4000  }
0x179: {  	[sflag:s20] =	ssyncset.done $0x0  }
0x17a: {  	s17 =	simm.s32 $0x15080;
	[sflag:s20] =	ssyncadd.s32 $0xFFFFC000  }
0x17b: {  	[spmem:s2] =	stream.indirect.scatter.add.f32 [tilespmem:s18], [sflag:$0x4], $0x80, s17, s16, $0xb8;
	[tilespmem:$0x1E000] =	vst v63  }
0x17c: {  	_ =	swait.ge [sflag:s9], $0x4000  }
0x17d: {  	[sflag:s9] =	ssyncset.done $0x0  }
0x17e: {  	s17 =	simm.s32 $0x14100;
	[sflag:s9] =	ssyncadd.s32 $0xFFFFC000  }
0x17f: {  	[tilespmem:s28], [sflag:$0x1] =	stream.indirect.gather [hbm4b:s4+s16], $0x80, s17, s16, $0xb8;
	[tilespmem:$0x1E000] =	vst v63  }
0x180: {  	_ =	swait.ge [sflag:s19], $0x4000  }
0x181: {  	[sflag:s19] =	ssyncset.done $0x0  }
0x182: {  	s17 =	simm.s32 $0x15100;
	[sflag:s19] =	ssyncadd.s32 $0xFFFFC000  }
0x183: {  	[spmem:s2] =	stream.indirect.scatter.add.f32 [tilespmem:s28], [sflag:$0x3], $0x80, s17, s16, $0xb8;
	[tilespmem:$0x1E000] =	vst v63  }
0x184: {  	_ =	swait.ge [sflag:s26], $0x4000  }
0x185: {  	[sflag:s26] =	ssyncset.done $0x0  }
0x186: {  	s17 =	simm.s32 $0x14180;
	[sflag:s26] =	ssyncadd.s32 $0xFFFFC000  }
0x187: {  	[tilespmem:s18], [sflag:$0x2] =	stream.indirect.gather [hbm4b:s4+s16], $0x80, s17, s16, $0xb8;
	[tilespmem:$0x1E000] =	vst v63  }
0x188: {  	_ =	swait.ge [sflag:s20], $0x4000  }
0x189: {  	[sflag:s20] =	ssyncset.done $0x0  }
0x18a: {  	s17 =	simm.s32 $0x15180;
	[sflag:s20] =	ssyncadd.s32 $0xFFFFC000  }
0x18b: {  	[spmem:s2] =	stream.indirect.scatter.add.f32 [tilespmem:s18], [sflag:$0x4], $0x80, s17, s16, $0xb8;
	[tilespmem:$0x1E000] =	vst v63  }
0x18c: {  	_ =	swait.ge [sflag:s9], $0x4000  }
0x18d: {  	[sflag:s9] =	ssyncset.done $0x0  }
0x18e: {  	s17 =	simm.s32 $0x14200;
	[sflag:s9] =	ssyncadd.s32 $0xFFFFC000  }
0x18f: {  	[tilespmem:s28], [sflag:$0x1] =	stream.indirect.gather [hbm4b:s4+s16], $0x80, s17, s16, $0xb8;
	[tilespmem:$0x1E000] =	vst v63  }
0x190: {  	_ =	swait.ge [sflag:s19], $0x4000  }
0x191: {  	[sflag:s19] =	ssyncset.done $0x0  }
0x192: {  	s17 =	simm.s32 $0x15200;
	[sflag:s19] =	ssyncadd.s32 $0xFFFFC000  }
0x193: {  	[spmem:s2] =	stream.indirect.scatter.add.f32 [tilespmem:s28], [sflag:$0x3], $0x80, s17, s16, $0xb8;
	[tilespmem:$0x1E000] =	vst v63  }
0x194: {  	_ =	swait.ge [sflag:s26], $0x4000  }
0x195: {  	[sflag:s26] =	ssyncset.done $0x0  }
0x196: {  	s17 =	simm.s32 $0x14280;
	[sflag:s26] =	ssyncadd.s32 $0xFFFFC000  }
0x197: {  	[tilespmem:s18], [sflag:$0x2] =	stream.indirect.gather [hbm4b:s4+s16], $0x80, s17, s16, $0xb8;
	[tilespmem:$0x1E000] =	vst v63  }
0x198: {  	_ =	swait.ge [sflag:s20], $0x4000  }
0x199: {  	[sflag:s20] =	ssyncset.done $0x0  }
0x19a: {  	s17 =	simm.s32 $0x15280;
	[sflag:s20] =	ssyncadd.s32 $0xFFFFC000  }
0x19b: {  	[spmem:s2] =	stream.indirect.scatter.add.f32 [tilespmem:s18], [sflag:$0x4], $0x80, s17, s16, $0xb8;
	[tilespmem:$0x1E000] =	vst v63  }
0x19c: {  	_ =	swait.ge [sflag:s9], $0x4000  }
0x19d: {  	[sflag:s9] =	ssyncset.done $0x0  }
0x19e: {  	s17 =	simm.s32 $0x14300;
	[sflag:s9] =	ssyncadd.s32 $0xFFFFC000  }
0x19f: {  	[tilespmem:s28], [sflag:$0x1] =	stream.indirect.gather [hbm4b:s4+s16], $0x80, s17, s16, $0xb8;
	[tilespmem:$0x1E000] =	vst v63  }
0x1a0: {  	_ =	swait.ge [sflag:s19], $0x4000  }
0x1a1: {  	[sflag:s19] =	ssyncset.done $0x0  }
0x1a2: {  	s17 =	simm.s32 $0x15300;
	[sflag:s19] =	ssyncadd.s32 $0xFFFFC000  }
0x1a3: {  	[spmem:s2] =	stream.indirect.scatter.add.f32 [tilespmem:s28], [sflag:$0x3], $0x80, s17, s16, $0xb8;
	[tilespmem:$0x1E000] =	vst v63  }
0x1a4: {  	_ =	swait.ge [sflag:s26], $0x4000  }
0x1a5: {  	[sflag:s26] =	ssyncset.done $0x0  }
0x1a6: {  	s17 =	simm.s32 $0x14380;
	[sflag:s26] =	ssyncadd.s32 $0xFFFFC000  }
0x1a7: {  	[tilespmem:s18], [sflag:$0x2] =	stream.indirect.gather [hbm4b:s4+s16], $0x80, s17, s16, $0xb8;
	[tilespmem:$0x1E000] =	vst v63  }
0x1a8: {  	_ =	swait.ge [sflag:s20], $0x4000  }
0x1a9: {  	[sflag:s20] =	ssyncset.done $0x0  }
0x1aa: {  	s17 =	simm.s32 $0x15380;
	[sflag:s20] =	ssyncadd.s32 $0xFFFFC000  }
0x1ab: {  	[spmem:s2] =	stream.indirect.scatter.add.f32 [tilespmem:s18], [sflag:$0x4], $0x80, s17, s16, $0xb8;
	[tilespmem:$0x1E000] =	vst v63  }
0x1ac: {  	_ =	swait.ge [sflag:s9], $0x4000  }
0x1ad: {  	[sflag:s9] =	ssyncset.done $0x0  }
0x1ae: {  	s17 =	simm.s32 $0x14400;
	[sflag:s9] =	ssyncadd.s32 $0xFFFFC000  }
0x1af: {  	[tilespmem:s28], [sflag:$0x1] =	stream.indirect.gather [hbm4b:s4+s16], $0x80, s17, s16, $0xb8;
	[tilespmem:$0x1E000] =	vst v63  }
0x1b0: {  	_ =	swait.ge [sflag:s19], $0x4000  }
0x1b1: {  	[sflag:s19] =	ssyncset.done $0x0  }
0x1b2: {  	s17 =	simm.s32 $0x15400;
	[sflag:s19] =	ssyncadd.s32 $0xFFFFC000  }
0x1b3: {  	[spmem:s2] =	stream.indirect.scatter.add.f32 [tilespmem:s28], [sflag:$0x3], $0x80, s17, s16, $0xb8;
	[tilespmem:$0x1E000] =	vst v63  }
0x1b4: {  	_ =	swait.ge [sflag:s26], $0x4000  }
0x1b5: {  	[sflag:s26] =	ssyncset.done $0x0  }
0x1b6: {  	s17 =	simm.s32 $0x14480;
	[sflag:s26] =	ssyncadd.s32 $0xFFFFC000  }
0x1b7: {  	[tilespmem:s18], [sflag:$0x2] =	stream.indirect.gather [hbm4b:s4+s16], $0x80, s17, s16, $0xb8;
	[tilespmem:$0x1E000] =	vst v63  }
0x1b8: {  	_ =	swait.ge [sflag:s20], $0x4000  }
0x1b9: {  	[sflag:s20] =	ssyncset.done $0x0  }
0x1ba: {  	s17 =	simm.s32 $0x15480;
	[sflag:s20] =	ssyncadd.s32 $0xFFFFC000  }
0x1bb: {  	[spmem:s2] =	stream.indirect.scatter.add.f32 [tilespmem:s18], [sflag:$0x4], $0x80, s17, s16, $0xb8;
	[tilespmem:$0x1E000] =	vst v63  }
0x1bc: {  	_ =	swait.ge [sflag:s9], $0x4000  }
0x1bd: {  	[sflag:s9] =	ssyncset.done $0x0  }
0x1be: {  	s17 =	simm.s32 $0x14500;
	[sflag:s9] =	ssyncadd.s32 $0xFFFFC000  }
0x1bf: {  	[tilespmem:s28], [sflag:$0x1] =	stream.indirect.gather [hbm4b:s4+s16], $0x80, s17, s16, $0xb8;
	[tilespmem:$0x1E000] =	vst v63  }
0x1c0: {  	_ =	swait.ge [sflag:s19], $0x4000  }
0x1c1: {  	[sflag:s19] =	ssyncset.done $0x0  }
0x1c2: {  	s17 =	simm.s32 $0x15500;
	[sflag:s19] =	ssyncadd.s32 $0xFFFFC000  }
0x1c3: {  	[spmem:s2] =	stream.indirect.scatter.add.f32 [tilespmem:s28], [sflag:$0x3], $0x80, s17, s16, $0xb8;
	[tilespmem:$0x1E000] =	vst v63  }
0x1c4: {  	_ =	swait.ge [sflag:s26], $0x4000  }
0x1c5: {  	[sflag:s26] =	ssyncset.done $0x0  }
0x1c6: {  	s17 =	simm.s32 $0x14580;
	[sflag:s26] =	ssyncadd.s32 $0xFFFFC000  }
0x1c7: {  	[tilespmem:s18], [sflag:$0x2] =	stream.indirect.gather [hbm4b:s4+s16], $0x80, s17, s16, $0xb8;
	[tilespmem:$0x1E000] =	vst v63  }
0x1c8: {  	_ =	swait.ge [sflag:s20], $0x4000  }
0x1c9: {  	[sflag:s20] =	ssyncset.done $0x0  }
0x1ca: {  	s17 =	simm.s32 $0x15580;
	[sflag:s20] =	ssyncadd.s32 $0xFFFFC000  }
0x1cb: {  	[spmem:s2] =	stream.indirect.scatter.add.f32 [tilespmem:s18], [sflag:$0x4], $0x80, s17, s16, $0xb8;
	[tilespmem:$0x1E000] =	vst v63  }
0x1cc: {  	_ =	swait.ge [sflag:s9], $0x4000  }
0x1cd: {  	[sflag:s9] =	ssyncset.done $0x0  }
0x1ce: {  	s17 =	simm.s32 $0x14600;
	[sflag:s9] =	ssyncadd.s32 $0xFFFFC000  }
0x1cf: {  	[tilespmem:s28], [sflag:$0x1] =	stream.indirect.gather [hbm4b:s4+s16], $0x80, s17, s16, $0xb8;
	[tilespmem:$0x1E000] =	vst v63  }
0x1d0: {  	_ =	swait.ge [sflag:s19], $0x4000  }
0x1d1: {  	[sflag:s19] =	ssyncset.done $0x0  }
0x1d2: {  	s17 =	simm.s32 $0x15600;
	[sflag:s19] =	ssyncadd.s32 $0xFFFFC000  }
0x1d3: {  	[spmem:s2] =	stream.indirect.scatter.add.f32 [tilespmem:s28], [sflag:$0x3], $0x80, s17, s16, $0xb8;
	[tilespmem:$0x1E000] =	vst v63  }
0x1d4: {  	_ =	swait.ge [sflag:s26], $0x4000  }
0x1d5: {  	[sflag:s26] =	ssyncset.done $0x0  }
0x1d6: {  	s17 =	simm.s32 $0x14680;
	[sflag:s26] =	ssyncadd.s32 $0xFFFFC000  }
0x1d7: {  	[tilespmem:s18], [sflag:$0x2] =	stream.indirect.gather [hbm4b:s4+s16], $0x80, s17, s16, $0xb8;
	[tilespmem:$0x1E000] =	vst v63  }
0x1d8: {  	_ =	swait.ge [sflag:s20], $0x4000  }
0x1d9: {  	[sflag:s20] =	ssyncset.done $0x0  }
0x1da: {  	s17 =	simm.s32 $0x15680;
	[sflag:s20] =	ssyncadd.s32 $0xFFFFC000  }
0x1db: {  	[spmem:s2] =	stream.indirect.scatter.add.f32 [tilespmem:s18], [sflag:$0x4], $0x80, s17, s16, $0xb8;
	[tilespmem:$0x1E000] =	vst v63  }
0x1dc: {  	_ =	swait.ge [sflag:s9], $0x4000  }
0x1dd: {  	[sflag:s9] =	ssyncset.done $0x0  }
0x1de: {  	s17 =	simm.s32 $0x14700;
	[sflag:s9] =	ssyncadd.s32 $0xFFFFC000  }
0x1df: {  	[tilespmem:s28], [sflag:$0x1] =	stream.indirect.gather [hbm4b:s4+s16], $0x80, s17, s16, $0xb8;
	[tilespmem:$0x1E000] =	vst v63  }
0x1e0: {  	_ =	swait.ge [sflag:s19], $0x4000  }
0x1e1: {  	[sflag:s19] =	ssyncset.done $0x0  }
0x1e2: {  	s17 =	simm.s32 $0x15700;
	[sflag:s19] =	ssyncadd.s32 $0xFFFFC000  }
0x1e3: {  	[spmem:s2] =	stream.indirect.scatter.add.f32 [tilespmem:s28], [sflag:$0x3], $0x80, s17, s16, $0xb8;
	[tilespmem:$0x1E000] =	vst v63  }
0x1e4: {  	_ =	swait.ge [sflag:s26], $0x4000  }
0x1e5: {  	[sflag:s26] =	ssyncset.done $0x0  }
0x1e6: {  	s17 =	simm.s32 $0x14780;
	[sflag:s26] =	ssyncadd.s32 $0xFFFFC000  }
0x1e7: {  	[tilespmem:s18], [sflag:$0x2] =	stream.indirect.gather [hbm4b:s4+s16], $0x80, s17, s16, $0xb8;
	[tilespmem:$0x1E000] =	vst v63  }
0x1e8: {  	_ =	swait.ge [sflag:s20], $0x4000  }
0x1e9: {  	[sflag:s20] =	ssyncset.done $0x0  }
0x1ea: {  	s17 =	simm.s32 $0x15780;
	[sflag:s20] =	ssyncadd.s32 $0xFFFFC000  }
0x1eb: {  	[spmem:s2] =	stream.indirect.scatter.add.f32 [tilespmem:s18], [sflag:$0x4], $0x80, s17, s16, $0xb8;
	[tilespmem:$0x1E000] =	vst v63  }
0x1ec: {  	_ =	swait.ge [sflag:s9], $0x4000  }
0x1ed: {  	[sflag:s9] =	ssyncset.done $0x0  }
0x1ee: {  	[sflag:s9] =	ssyncadd.s32 $0xFFFFC000  }
0x1ef: {  	_ =	swait.ge [sflag:s26], $0x4000  }
0x1f0: {  	[sflag:s26] =	ssyncset.done $0x0  }
0x1f1: {  	[sflag:s26] =	ssyncadd.s32 $0xFFFFC000  }
0x1f2: {  	_ =	swait.ge [sflag:s0], $0x800  }
0x1f3: {  	[sflag:s0] =	ssyncset.done $0x0  }
0x1f4: {  	[sflag:s0] =	ssyncadd.s32 $0xFFFFF800  }
0x1f5: {  	_ =	swait.ge [sflag:s1], $0x800  }
0x1f6: {  	[sflag:s1] =	ssyncset.done $0x0  }
0x1f7: {  	s17 =	rddreg [dreg:$0x12];
	[sflag:s1] =	ssyncadd.s32 $0xFFFFF800  }
0x1f8: {  	[tilespmem:s31], [sflag:$0x5] =	stream.linear.gather [hbm4b:s17+s3], $0x800, $0x38;
	[tilespmem:$0x1E000] =	vst v63  }
0x1f9: {  	s17 =	rddreg [dreg:$0x10]  }
0x1fa: {  	s17 =	sadd.s32 s17, s13  }
0x1fb: {  	[tilespmem:s5], [sflag:$0x6] =	stream.linear.gather [hbm4b:s17+s3], $0x800, $0x38;
	[tilespmem:$0x1E000] =	vst v63  }
0x1fc: {  	_ = 	snop  }
0x1fd: {  	[tilespmem:s28], [sflag:$0x1] =	stream.indirect.gather [hbm4b:s4+s16], $0x80, s14, s16, $0xb8;
	[tilespmem:$0x1E000] =	vst v63  }
0x1fe: {  	_ = 	snop  }
0x1ff: {  	[tilespmem:s18], [sflag:$0x2] =	stream.indirect.gather [hbm4b:s4+s16], $0x80, s6, s16, $0xb8;
	[tilespmem:$0x1E000] =	vst v63  }
0x200: {  	_ =	swait.ge [sflag:s19], $0x4000  }
0x201: {  	[sflag:s19] =	ssyncset.done $0x0  }
0x202: {  	[sflag:s19] =	ssyncadd.s32 $0xFFFFC000  }
0x203: {  	[spmem:s2] =	stream.indirect.scatter.add.f32 [tilespmem:s28], [sflag:$0x3], $0x80, s30, s16, $0xb8;
	[tilespmem:$0x1E000] =	vst v63  }
0x204: {  	_ =	swait.ge [sflag:s20], $0x4000  }
0x205: {  	[sflag:s20] =	ssyncset.done $0x0  }
0x206: {  	[sflag:s20] =	ssyncadd.s32 $0xFFFFC000  }
0x207: {  	[spmem:s2] =	stream.indirect.scatter.add.f32 [tilespmem:s18], [sflag:$0x4], $0x80, s7, s16, $0xb8;
	[tilespmem:$0x1E000] =	vst v63  }
0x208: {  	_ =	swait.ge [sflag:s9], $0x4000  }
0x209: {  	[sflag:s9] =	ssyncset.done $0x0  }
0x20a: {  	[sflag:s9] =	ssyncadd.s32 $0xFFFFC000  }
0x20b: {  	[tilespmem:s28], [sflag:$0x1] =	stream.indirect.gather [hbm4b:s4+s16], $0x80, s8, s16, $0xb8;
	[tilespmem:$0x1E000] =	vst v63  }
0x20c: {  	_ =	swait.ge [sflag:s19], $0x4000  }
0x20d: {  	[sflag:s19] =	ssyncset.done $0x0  }
0x20e: {  	[sflag:s19] =	ssyncadd.s32 $0xFFFFC000  }
0x20f: {  	[spmem:s2] =	stream.indirect.scatter.add.f32 [tilespmem:s28], [sflag:$0x3], $0x80, s10, s16, $0xb8;
	[tilespmem:$0x1E000] =	vst v63  }
0x210: {  	_ =	swait.ge [sflag:s26], $0x4000  }
0x211: {  	[sflag:s26] =	ssyncset.done $0x0  }
0x212: {  	[sflag:s26] =	ssyncadd.s32 $0xFFFFC000  }
0x213: {  	[tilespmem:s18], [sflag:$0x2] =	stream.indirect.gather [hbm4b:s4+s16], $0x80, s11, s16, $0xb8;
	[tilespmem:$0x1E000] =	vst v63  }
0x214: {  	_ =	swait.ge [sflag:s20], $0x4000  }
0x215: {  	[sflag:s20] =	ssyncset.done $0x0  }
0x216: {  	[sflag:s20] =	ssyncadd.s32 $0xFFFFC000  }
0x217: {  	[spmem:s2] =	stream.indirect.scatter.add.f32 [tilespmem:s18], [sflag:$0x4], $0x80, s12, s16, $0xb8;
	[tilespmem:$0x1E000] =	vst v63  }
0x218: {  	_ =	swait.ge [sflag:s9], $0x4000  }
0x219: {  	[sflag:s9] =	ssyncset.done $0x0  }
0x21a: {  	[sflag:s9] =	ssyncadd.s32 $0xFFFFC000  }
0x21b: {  	[tilespmem:s28], [sflag:$0x1] =	stream.indirect.gather [hbm4b:s4+s16], $0x80, s15, s16, $0xb8;
	[tilespmem:$0x1E000] =	vst v63  }
0x21c: {  	_ =	swait.ge [sflag:s19], $0x4000  }
0x21d: {  	[sflag:s19] =	ssyncset.done $0x0  }
0x21e: {  	[sflag:s19] =	ssyncadd.s32 $0xFFFFC000  }
0x21f: {  	[spmem:s2] =	stream.indirect.scatter.add.f32 [tilespmem:s28], [sflag:$0x3], $0x80, s21, s16, $0xb8;
	[tilespmem:$0x1E000] =	vst v63  }
0x220: {  	_ =	swait.ge [sflag:s26], $0x4000  }
0x221: {  	[sflag:s26] =	ssyncset.done $0x0  }
0x222: {  	[sflag:s26] =	ssyncadd.s32 $0xFFFFC000  }
0x223: {  	[tilespmem:s18], [sflag:$0x2] =	stream.indirect.gather [hbm4b:s4+s16], $0x80, s23, s16, $0xb8;
	[tilespmem:$0x1E000] =	vst v63  }
0x224: {  	_ =	swait.ge [sflag:s20], $0x4000  }
0x225: {  	[sflag:s20] =	ssyncset.done $0x0  }
0x226: {  	[sflag:s20] =	ssyncadd.s32 $0xFFFFC000  }
0x227: {  	[spmem:s2] =	stream.indirect.scatter.add.f32 [tilespmem:s18], [sflag:$0x4], $0x80, s24, s16, $0xb8;
	[tilespmem:$0x1E000] =	vst v63  }
0x228: {  	_ =	swait.ge [sflag:s9], $0x4000  }
0x229: {  	[sflag:s9] =	ssyncset.done $0x0  }
0x22a: {  	[sflag:s9] =	ssyncadd.s32 $0xFFFFC000  }
0x22b: {  	[tilespmem:s28], [sflag:$0x1] =	stream.indirect.gather [hbm4b:s4+s16], $0x80, s25, s16, $0xb8;
	[tilespmem:$0x1E000] =	vst v63  }
0x22c: {  	_ =	swait.ge [sflag:s19], $0x4000  }
0x22d: {  	[sflag:s19] =	ssyncset.done $0x0  }
0x22e: {  	s17 =	simm.s32 $0x15B00;
	[sflag:s19] =	ssyncadd.s32 $0xFFFFC000  }
0x22f: {  	[spmem:s2] =	stream.indirect.scatter.add.f32 [tilespmem:s28], [sflag:$0x3], $0x80, s17, s16, $0xb8;
	[tilespmem:$0x1E000] =	vst v63  }
0x230: {  	_ =	swait.ge [sflag:s26], $0x4000  }
0x231: {  	[sflag:s26] =	ssyncset.done $0x0  }
0x232: {  	s23 =	simm.s32 $0x14B80;
	[sflag:s26] =	ssyncadd.s32 $0xFFFFC000  }
0x233: {  	[tilespmem:s18], [sflag:$0x2] =	stream.indirect.gather [hbm4b:s4+s16], $0x80, s23, s16, $0xb8;
	[tilespmem:$0x1E000] =	vst v63  }
0x234: {  	_ =	swait.ge [sflag:s20], $0x4000  }
0x235: {  	[sflag:s20] =	ssyncset.done $0x0  }
0x236: {  	s17 =	simm.s32 $0x15B80;
	[sflag:s20] =	ssyncadd.s32 $0xFFFFC000  }
0x237: {  	[spmem:s2] =	stream.indirect.scatter.add.f32 [tilespmem:s18], [sflag:$0x4], $0x80, s17, s16, $0xb8;
	[tilespmem:$0x1E000] =	vst v63  }
0x238: {  	_ =	swait.ge [sflag:s9], $0x4000  }
0x239: {  	[sflag:s9] =	ssyncset.done $0x0  }
0x23a: {  	s23 =	simm.s32 $0x14C00;
	[sflag:s9] =	ssyncadd.s32 $0xFFFFC000  }
0x23b: {  	[tilespmem:s28], [sflag:$0x1] =	stream.indirect.gather [hbm4b:s4+s16], $0x80, s23, s16, $0xb8;
	[tilespmem:$0x1E000] =	vst v63  }
0x23c: {  	_ =	swait.ge [sflag:s19], $0x4000  }
0x23d: {  	[sflag:s19] =	ssyncset.done $0x0  }
0x23e: {  	s17 =	simm.s32 $0x15C00;
	[sflag:s19] =	ssyncadd.s32 $0xFFFFC000  }
0x23f: {  	[spmem:s2] =	stream.indirect.scatter.add.f32 [tilespmem:s28], [sflag:$0x3], $0x80, s17, s16, $0xb8;
	[tilespmem:$0x1E000] =	vst v63  }
0x240: {  	_ =	swait.ge [sflag:s26], $0x4000  }
0x241: {  	[sflag:s26] =	ssyncset.done $0x0  }
0x242: {  	s23 =	simm.s32 $0x14C80;
	[sflag:s26] =	ssyncadd.s32 $0xFFFFC000  }
0x243: {  	[tilespmem:s18], [sflag:$0x2] =	stream.indirect.gather [hbm4b:s4+s16], $0x80, s23, s16, $0xb8;
	[tilespmem:$0x1E000] =	vst v63  }
0x244: {  	_ =	swait.ge [sflag:s20], $0x4000  }
0x245: {  	[sflag:s20] =	ssyncset.done $0x0  }
0x246: {  	s17 =	simm.s32 $0x15C80;
	[sflag:s20] =	ssyncadd.s32 $0xFFFFC000  }
0x247: {  	[spmem:s2] =	stream.indirect.scatter.add.f32 [tilespmem:s18], [sflag:$0x4], $0x80, s17, s16, $0xb8;
	[tilespmem:$0x1E000] =	vst v63  }
0x248: {  	_ =	swait.ge [sflag:s9], $0x4000  }
0x249: {  	[sflag:s9] =	ssyncset.done $0x0  }
0x24a: {  	s23 =	simm.s32 $0x14D00;
	[sflag:s9] =	ssyncadd.s32 $0xFFFFC000  }
0x24b: {  	[tilespmem:s28], [sflag:$0x1] =	stream.indirect.gather [hbm4b:s4+s16], $0x80, s23, s16, $0xb8;
	[tilespmem:$0x1E000] =	vst v63  }
0x24c: {  	_ =	swait.ge [sflag:s19], $0x4000  }
0x24d: {  	[sflag:s19] =	ssyncset.done $0x0  }
0x24e: {  	s17 =	simm.s32 $0x15D00;
	[sflag:s19] =	ssyncadd.s32 $0xFFFFC000  }
0x24f: {  	[spmem:s2] =	stream.indirect.scatter.add.f32 [tilespmem:s28], [sflag:$0x3], $0x80, s17, s16, $0xb8;
	[tilespmem:$0x1E000] =	vst v63  }
0x250: {  	_ =	swait.ge [sflag:s26], $0x4000  }
0x251: {  	[sflag:s26] =	ssyncset.done $0x0  }
0x252: {  	s23 =	simm.s32 $0x14D80;
	[sflag:s26] =	ssyncadd.s32 $0xFFFFC000  }
0x253: {  	[tilespmem:s18], [sflag:$0x2] =	stream.indirect.gather [hbm4b:s4+s16], $0x80, s23, s16, $0xb8;
	[tilespmem:$0x1E000] =	vst v63  }
0x254: {  	_ =	swait.ge [sflag:s20], $0x4000  }
0x255: {  	[sflag:s20] =	ssyncset.done $0x0  }
0x256: {  	s17 =	simm.s32 $0x15D80;
	[sflag:s20] =	ssyncadd.s32 $0xFFFFC000  }
0x257: {  	[spmem:s2] =	stream.indirect.scatter.add.f32 [tilespmem:s18], [sflag:$0x4], $0x80, s17, s16, $0xb8;
	[tilespmem:$0x1E000] =	vst v63  }
0x258: {  	_ =	swait.ge [sflag:s9], $0x4000  }
0x259: {  	[sflag:s9] =	ssyncset.done $0x0  }
0x25a: {  	s23 =	simm.s32 $0x14E00;
	[sflag:s9] =	ssyncadd.s32 $0xFFFFC000  }
0x25b: {  	[tilespmem:s28], [sflag:$0x1] =	stream.indirect.gather [hbm4b:s4+s16], $0x80, s23, s16, $0xb8;
	[tilespmem:$0x1E000] =	vst v63  }
0x25c: {  	_ =	swait.ge [sflag:s19], $0x4000  }
0x25d: {  	[sflag:s19] =	ssyncset.done $0x0  }
0x25e: {  	s17 =	simm.s32 $0x15E00;
	[sflag:s19] =	ssyncadd.s32 $0xFFFFC000  }
0x25f: {  	[spmem:s2] =	stream.indirect.scatter.add.f32 [tilespmem:s28], [sflag:$0x3], $0x80, s17, s16, $0xb8;
	[tilespmem:$0x1E000] =	vst v63  }
0x260: {  	_ =	swait.ge [sflag:s26], $0x4000  }
0x261: {  	[sflag:s26] =	ssyncset.done $0x0  }
0x262: {  	s23 =	simm.s32 $0x14E80;
	[sflag:s26] =	ssyncadd.s32 $0xFFFFC000  }
0x263: {  	[tilespmem:s18], [sflag:$0x2] =	stream.indirect.gather [hbm4b:s4+s16], $0x80, s23, s16, $0xb8;
	[tilespmem:$0x1E000] =	vst v63  }
0x264: {  	_ =	swait.ge [sflag:s20], $0x4000  }
0x265: {  	[sflag:s20] =	ssyncset.done $0x0  }
0x266: {  	s17 =	simm.s32 $0x15E80;
	[sflag:s20] =	ssyncadd.s32 $0xFFFFC000  }
0x267: {  	[spmem:s2] =	stream.indirect.scatter.add.f32 [tilespmem:s18], [sflag:$0x4], $0x80, s17, s16, $0xb8;
	[tilespmem:$0x1E000] =	vst v63  }
0x268: {  	_ =	swait.ge [sflag:s9], $0x4000  }
0x269: {  	[sflag:s9] =	ssyncset.done $0x0  }
0x26a: {  	s23 =	simm.s32 $0x14F00;
	[sflag:s9] =	ssyncadd.s32 $0xFFFFC000  }
0x26b: {  	[tilespmem:s28], [sflag:$0x1] =	stream.indirect.gather [hbm4b:s4+s16], $0x80, s23, s16, $0xb8;
	[tilespmem:$0x1E000] =	vst v63  }
0x26c: {  	_ =	swait.ge [sflag:s19], $0x4000  }
0x26d: {  	[sflag:s19] =	ssyncset.done $0x0  }
0x26e: {  	s17 =	simm.s32 $0x15F00;
	[sflag:s19] =	ssyncadd.s32 $0xFFFFC000  }
0x26f: {  	[spmem:s2] =	stream.indirect.scatter.add.f32 [tilespmem:s28], [sflag:$0x3], $0x80, s17, s16, $0xb8;
	[tilespmem:$0x1E000] =	vst v63  }
0x270: {  	_ =	swait.ge [sflag:s26], $0x4000  }
0x271: {  	[sflag:s26] =	ssyncset.done $0x0  }
0x272: {  	s23 =	simm.s32 $0x14F80;
	[sflag:s26] =	ssyncadd.s32 $0xFFFFC000  }
0x273: {  	[tilespmem:s18], [sflag:$0x2] =	stream.indirect.gather [hbm4b:s4+s16], $0x80, s23, s16, $0xb8;
	[tilespmem:$0x1E000] =	vst v63  }
0x274: {  	_ =	swait.ge [sflag:s20], $0x4000  }
0x275: {  	[sflag:s20] =	ssyncset.done $0x0  }
0x276: {  	s17 =	simm.s32 $0x15F80;
	[sflag:s20] =	ssyncadd.s32 $0xFFFFC000  }
0x277: {  	[spmem:s2] =	stream.indirect.scatter.add.f32 [tilespmem:s18], [sflag:$0x4], $0x80, s17, s16, $0xb8;
	[tilespmem:$0x1E000] =	vst v63  }
0x278: {  	_ =	swait.ge [sflag:s9], $0x4000  }
0x279: {  	[sflag:s9] =	ssyncset.done $0x0  }
0x27a: {  	[sflag:s9] =	ssyncadd.s32 $0xFFFFC000  }
0x27b: {  	_ =	swait.ge [sflag:s26], $0x4000  }
0x27c: {  	[sflag:s26] =	ssyncset.done $0x0  }
0x27d: {  	[sflag:s26] =	ssyncadd.s32 $0xFFFFC000  }
0x27e: {  	_ =	swait.ge [sflag:s0], $0x800  }
0x27f: {  	[sflag:s0] =	ssyncset.done $0x0  }
0x280: {  	[sflag:s0] =	ssyncadd.s32 $0xFFFFF800  }
0x281: {  	_ =	swait.ge [sflag:s1], $0x800  }
0x282: {  	[sflag:s1] =	ssyncset.done $0x0  }
0x283: {  	[sflag:s1] =	ssyncadd.s32 $0xFFFFF800  }
0x284: {  	[tilespmem:s28], [sflag:$0x1] =	stream.indirect.gather [hbm4b:s4+s16], $0x80, s31, s16, $0xb8;
	[tilespmem:$0x1E000] =	vst v63  }
0x285: {  	s23 =	simm.s32 $0x14080  }
0x286: {  	[tilespmem:s18], [sflag:$0x2] =	stream.indirect.gather [hbm4b:s4+s16], $0x80, s23, s16, $0xb8;
	[tilespmem:$0x1E000] =	vst v63  }
0x287: {  	_ =	swait.ge [sflag:s19], $0x4000  }
0x288: {  	[sflag:s19] =	ssyncset.done $0x0  }
0x289: {  	[sflag:s19] =	ssyncadd.s32 $0xFFFFC000  }
0x28a: {  	[spmem:s2] =	stream.indirect.scatter.add.f32 [tilespmem:s28], [sflag:$0x3], $0x80, s5, s16, $0xb8;
	[tilespmem:$0x1E000] =	vst v63  }
0x28b: {  	_ =	swait.ge [sflag:s20], $0x4000  }
0x28c: {  	[sflag:s20] =	ssyncset.done $0x0  }
0x28d: {  	s6 =	simm.s32 $0x15080;
	[sflag:s20] =	ssyncadd.s32 $0xFFFFC000  }
0x28e: {  	[spmem:s2] =	stream.indirect.scatter.add.f32 [tilespmem:s18], [sflag:$0x4], $0x80, s6, s16, $0xb8;
	[tilespmem:$0x1E000] =	vst v63  }
0x28f: {  	_ =	swait.ge [sflag:s9], $0x4000  }
0x290: {  	[sflag:s9] =	ssyncset.done $0x0  }
0x291: {  	s17 =	simm.s32 $0x14100;
	[sflag:s9] =	ssyncadd.s32 $0xFFFFC000  }
0x292: {  	[tilespmem:s28], [sflag:$0x1] =	stream.indirect.gather [hbm4b:s4+s16], $0x80, s17, s16, $0xb8;
	[tilespmem:$0x1E000] =	vst v63  }
0x293: {  	_ =	swait.ge [sflag:s19], $0x4000  }
0x294: {  	[sflag:s19] =	ssyncset.done $0x0  }
0x295: {  	s23 =	simm.s32 $0x15100;
	[sflag:s19] =	ssyncadd.s32 $0xFFFFC000  }
0x296: {  	[spmem:s2] =	stream.indirect.scatter.add.f32 [tilespmem:s28], [sflag:$0x3], $0x80, s23, s16, $0xb8;
	[tilespmem:$0x1E000] =	vst v63  }
0x297: {  	_ =	swait.ge [sflag:s26], $0x4000  }
0x298: {  	[sflag:s26] =	ssyncset.done $0x0  }
0x299: {  	s6 =	simm.s32 $0x14180;
	[sflag:s26] =	ssyncadd.s32 $0xFFFFC000  }
0x29a: {  	[tilespmem:s18], [sflag:$0x2] =	stream.indirect.gather [hbm4b:s4+s16], $0x80, s6, s16, $0xb8;
	[tilespmem:$0x1E000] =	vst v63  }
0x29b: {  	_ =	swait.ge [sflag:s20], $0x4000  }
0x29c: {  	[sflag:s20] =	ssyncset.done $0x0  }
0x29d: {  	s17 =	simm.s32 $0x15180;
	[sflag:s20] =	ssyncadd.s32 $0xFFFFC000  }
0x29e: {  	[spmem:s2] =	stream.indirect.scatter.add.f32 [tilespmem:s18], [sflag:$0x4], $0x80, s17, s16, $0xb8;
	[tilespmem:$0x1E000] =	vst v63  }
0x29f: {  	_ =	swait.ge [sflag:s9], $0x4000  }
0x2a0: {  	[sflag:s9] =	ssyncset.done $0x0  }
0x2a1: {  	s23 =	simm.s32 $0x14200;
	[sflag:s9] =	ssyncadd.s32 $0xFFFFC000  }
0x2a2: {  	[tilespmem:s28], [sflag:$0x1] =	stream.indirect.gather [hbm4b:s4+s16], $0x80, s23, s16, $0xb8;
	[tilespmem:$0x1E000] =	vst v63  }
0x2a3: {  	_ =	swait.ge [sflag:s19], $0x4000  }
0x2a4: {  	[sflag:s19] =	ssyncset.done $0x0  }
0x2a5: {  	s6 =	simm.s32 $0x15200;
	[sflag:s19] =	ssyncadd.s32 $0xFFFFC000  }
0x2a6: {  	[spmem:s2] =	stream.indirect.scatter.add.f32 [tilespmem:s28], [sflag:$0x3], $0x80, s6, s16, $0xb8;
	[tilespmem:$0x1E000] =	vst v63  }
0x2a7: {  	_ =	swait.ge [sflag:s26], $0x4000  }
0x2a8: {  	[sflag:s26] =	ssyncset.done $0x0  }
0x2a9: {  	s17 =	simm.s32 $0x14280;
	[sflag:s26] =	ssyncadd.s32 $0xFFFFC000  }
0x2aa: {  	[tilespmem:s18], [sflag:$0x2] =	stream.indirect.gather [hbm4b:s4+s16], $0x80, s17, s16, $0xb8;
	[tilespmem:$0x1E000] =	vst v63  }
0x2ab: {  	_ =	swait.ge [sflag:s20], $0x4000  }
0x2ac: {  	[sflag:s20] =	ssyncset.done $0x0  }
0x2ad: {  	s23 =	simm.s32 $0x15280;
	[sflag:s20] =	ssyncadd.s32 $0xFFFFC000  }
0x2ae: {  	[spmem:s2] =	stream.indirect.scatter.add.f32 [tilespmem:s18], [sflag:$0x4], $0x80, s23, s16, $0xb8;
	[tilespmem:$0x1E000] =	vst v63  }
0x2af: {  	_ =	swait.ge [sflag:s9], $0x4000  }
0x2b0: {  	[sflag:s9] =	ssyncset.done $0x0  }
0x2b1: {  	s6 =	simm.s32 $0x14300;
	[sflag:s9] =	ssyncadd.s32 $0xFFFFC000  }
0x2b2: {  	[tilespmem:s28], [sflag:$0x1] =	stream.indirect.gather [hbm4b:s4+s16], $0x80, s6, s16, $0xb8;
	[tilespmem:$0x1E000] =	vst v63  }
0x2b3: {  	_ =	swait.ge [sflag:s19], $0x4000  }
0x2b4: {  	[sflag:s19] =	ssyncset.done $0x0  }
0x2b5: {  	s17 =	simm.s32 $0x15300;
	[sflag:s19] =	ssyncadd.s32 $0xFFFFC000  }
0x2b6: {  	[spmem:s2] =	stream.indirect.scatter.add.f32 [tilespmem:s28], [sflag:$0x3], $0x80, s17, s16, $0xb8;
	[tilespmem:$0x1E000] =	vst v63  }
0x2b7: {  	_ =	swait.ge [sflag:s26], $0x4000  }
0x2b8: {  	[sflag:s26] =	ssyncset.done $0x0  }
0x2b9: {  	s23 =	simm.s32 $0x14380;
	[sflag:s26] =	ssyncadd.s32 $0xFFFFC000  }
0x2ba: {  	[tilespmem:s18], [sflag:$0x2] =	stream.indirect.gather [hbm4b:s4+s16], $0x80, s23, s16, $0xb8;
	[tilespmem:$0x1E000] =	vst v63  }
0x2bb: {  	_ =	swait.ge [sflag:s20], $0x4000  }
0x2bc: {  	[sflag:s20] =	ssyncset.done $0x0  }
0x2bd: {  	s6 =	simm.s32 $0x15380;
	[sflag:s20] =	ssyncadd.s32 $0xFFFFC000  }
0x2be: {  	[spmem:s2] =	stream.indirect.scatter.add.f32 [tilespmem:s18], [sflag:$0x4], $0x80, s6, s16, $0xb8;
	[tilespmem:$0x1E000] =	vst v63  }
0x2bf: {  	_ =	swait.ge [sflag:s9], $0x4000  }
0x2c0: {  	[sflag:s9] =	ssyncset.done $0x0  }
0x2c1: {  	s17 =	simm.s32 $0x14400;
	[sflag:s9] =	ssyncadd.s32 $0xFFFFC000  }
0x2c2: {  	[tilespmem:s28], [sflag:$0x1] =	stream.indirect.gather [hbm4b:s4+s16], $0x80, s17, s16, $0xb8;
	[tilespmem:$0x1E000] =	vst v63  }
0x2c3: {  	_ =	swait.ge [sflag:s19], $0x4000  }
0x2c4: {  	[sflag:s19] =	ssyncset.done $0x0  }
0x2c5: {  	s23 =	simm.s32 $0x15400;
	[sflag:s19] =	ssyncadd.s32 $0xFFFFC000  }
0x2c6: {  	[spmem:s2] =	stream.indirect.scatter.add.f32 [tilespmem:s28], [sflag:$0x3], $0x80, s23, s16, $0xb8;
	[tilespmem:$0x1E000] =	vst v63  }
0x2c7: {  	_ =	swait.ge [sflag:s26], $0x4000  }
0x2c8: {  	[sflag:s26] =	ssyncset.done $0x0  }
0x2c9: {  	s6 =	simm.s32 $0x14480;
	[sflag:s26] =	ssyncadd.s32 $0xFFFFC000  }
0x2ca: {  	[tilespmem:s18], [sflag:$0x2] =	stream.indirect.gather [hbm4b:s4+s16], $0x80, s6, s16, $0xb8;
	[tilespmem:$0x1E000] =	vst v63  }
0x2cb: {  	_ =	swait.ge [sflag:s20], $0x4000  }
0x2cc: {  	[sflag:s20] =	ssyncset.done $0x0  }
0x2cd: {  	s17 =	simm.s32 $0x15480;
	[sflag:s20] =	ssyncadd.s32 $0xFFFFC000  }
0x2ce: {  	[spmem:s2] =	stream.indirect.scatter.add.f32 [tilespmem:s18], [sflag:$0x4], $0x80, s17, s16, $0xb8;
	[tilespmem:$0x1E000] =	vst v63  }
0x2cf: {  	_ =	swait.ge [sflag:s9], $0x4000  }
0x2d0: {  	[sflag:s9] =	ssyncset.done $0x0  }
0x2d1: {  	s23 =	simm.s32 $0x14500;
	[sflag:s9] =	ssyncadd.s32 $0xFFFFC000  }
0x2d2: {  	[tilespmem:s28], [sflag:$0x1] =	stream.indirect.gather [hbm4b:s4+s16], $0x80, s23, s16, $0xb8;
	[tilespmem:$0x1E000] =	vst v63  }
0x2d3: {  	_ =	swait.ge [sflag:s19], $0x4000  }
0x2d4: {  	[sflag:s19] =	ssyncset.done $0x0  }
0x2d5: {  	s6 =	simm.s32 $0x15500;
	[sflag:s19] =	ssyncadd.s32 $0xFFFFC000  }
0x2d6: {  	[spmem:s2] =	stream.indirect.scatter.add.f32 [tilespmem:s28], [sflag:$0x3], $0x80, s6, s16, $0xb8;
	[tilespmem:$0x1E000] =	vst v63  }
0x2d7: {  	_ =	swait.ge [sflag:s26], $0x4000  }
0x2d8: {  	[sflag:s26] =	ssyncset.done $0x0  }
0x2d9: {  	s17 =	simm.s32 $0x14580;
	[sflag:s26] =	ssyncadd.s32 $0xFFFFC000  }
0x2da: {  	[tilespmem:s18], [sflag:$0x2] =	stream.indirect.gather [hbm4b:s4+s16], $0x80, s17, s16, $0xb8;
	[tilespmem:$0x1E000] =	vst v63  }
0x2db: {  	_ =	swait.ge [sflag:s20], $0x4000  }
0x2dc: {  	[sflag:s20] =	ssyncset.done $0x0  }
0x2dd: {  	s23 =	simm.s32 $0x15580;
	[sflag:s20] =	ssyncadd.s32 $0xFFFFC000  }
0x2de: {  	[spmem:s2] =	stream.indirect.scatter.add.f32 [tilespmem:s18], [sflag:$0x4], $0x80, s23, s16, $0xb8;
	[tilespmem:$0x1E000] =	vst v63  }
0x2df: {  	_ =	swait.ge [sflag:s9], $0x4000  }
0x2e0: {  	[sflag:s9] =	ssyncset.done $0x0  }
0x2e1: {  	s6 =	simm.s32 $0x14600;
	[sflag:s9] =	ssyncadd.s32 $0xFFFFC000  }
0x2e2: {  	[tilespmem:s28], [sflag:$0x1] =	stream.indirect.gather [hbm4b:s4+s16], $0x80, s6, s16, $0xb8;
	[tilespmem:$0x1E000] =	vst v63  }
0x2e3: {  	_ =	swait.ge [sflag:s19], $0x4000  }
0x2e4: {  	[sflag:s19] =	ssyncset.done $0x0  }
0x2e5: {  	s17 =	simm.s32 $0x15600;
	[sflag:s19] =	ssyncadd.s32 $0xFFFFC000  }
0x2e6: {  	[spmem:s2] =	stream.indirect.scatter.add.f32 [tilespmem:s28], [sflag:$0x3], $0x80, s17, s16, $0xb8;
	[tilespmem:$0x1E000] =	vst v63  }
0x2e7: {  	_ =	swait.ge [sflag:s26], $0x4000  }
0x2e8: {  	[sflag:s26] =	ssyncset.done $0x0  }
0x2e9: {  	s23 =	simm.s32 $0x14680;
	[sflag:s26] =	ssyncadd.s32 $0xFFFFC000  }
0x2ea: {  	[tilespmem:s18], [sflag:$0x2] =	stream.indirect.gather [hbm4b:s4+s16], $0x80, s23, s16, $0xb8;
	[tilespmem:$0x1E000] =	vst v63  }
0x2eb: {  	_ =	swait.ge [sflag:s20], $0x4000  }
0x2ec: {  	[sflag:s20] =	ssyncset.done $0x0  }
0x2ed: {  	s6 =	simm.s32 $0x15680;
	[sflag:s20] =	ssyncadd.s32 $0xFFFFC000  }
0x2ee: {  	[spmem:s2] =	stream.indirect.scatter.add.f32 [tilespmem:s18], [sflag:$0x4], $0x80, s6, s16, $0xb8;
	[tilespmem:$0x1E000] =	vst v63  }
0x2ef: {  	_ =	swait.ge [sflag:s9], $0x4000  }
0x2f0: {  	[sflag:s9] =	ssyncset.done $0x0  }
0x2f1: {  	s17 =	simm.s32 $0x14700;
	[sflag:s9] =	ssyncadd.s32 $0xFFFFC000  }
0x2f2: {  	[tilespmem:s28], [sflag:$0x1] =	stream.indirect.gather [hbm4b:s4+s16], $0x80, s17, s16, $0xb8;
	[tilespmem:$0x1E000] =	vst v63  }
0x2f3: {  	_ =	swait.ge [sflag:s19], $0x4000  }
0x2f4: {  	[sflag:s19] =	ssyncset.done $0x0  }
0x2f5: {  	s23 =	simm.s32 $0x15700;
	[sflag:s19] =	ssyncadd.s32 $0xFFFFC000  }
0x2f6: {  	[spmem:s2] =	stream.indirect.scatter.add.f32 [tilespmem:s28], [sflag:$0x3], $0x80, s23, s16, $0xb8;
	[tilespmem:$0x1E000] =	vst v63  }
0x2f7: {  	_ =	swait.ge [sflag:s26], $0x4000  }
0x2f8: {  	[sflag:s26] =	ssyncset.done $0x0  }
0x2f9: {  	s6 =	simm.s32 $0x14780;
	[sflag:s26] =	ssyncadd.s32 $0xFFFFC000  }
0x2fa: {  	[tilespmem:s18], [sflag:$0x2] =	stream.indirect.gather [hbm4b:s4+s16], $0x80, s6, s16, $0xb8;
	[tilespmem:$0x1E000] =	vst v63  }
0x2fb: {  	_ =	swait.ge [sflag:s20], $0x4000  }
0x2fc: {  	[sflag:s20] =	ssyncset.done $0x0  }
0x2fd: {  	s17 =	simm.s32 $0x15780;
	[sflag:s20] =	ssyncadd.s32 $0xFFFFC000  }
0x2fe: {  	[spmem:s2] =	stream.indirect.scatter.add.f32 [tilespmem:s18], [sflag:$0x4], $0x80, s17, s16, $0xb8;
	[tilespmem:$0x1E000] =	vst v63  }
0x2ff: {  	_ =	swait.ge [sflag:s9], $0x4000  }
0x300: {  	[sflag:s9] =	ssyncset.done $0x0  }
0x301: {  	[sflag:s9] =	ssyncadd.s32 $0xFFFFC000  }
0x302: {  	_ =	swait.ge [sflag:s26], $0x4000  }
0x303: {  	[sflag:s26] =	ssyncset.done $0x0  }
0x304: {  	[sflag:s26] =	ssyncadd.s32 $0xFFFFC000  }
0x305: {  	[bflag:$0x0] =	sbarrier.arrive $0xFFFF  }
0x306: {  	s23 =	rddreg [dreg:$0x14]  }
0x307: {  	[tilespmem:s28], [sflag:$0x7] =	stream.linear.gather [spmem:s23], $0x4000, $0x38;
	[tilespmem:$0x1E000] =	vst v63  }
0x308: {  	_ =	swait.ge [sflag:s29], $0x4000  }
0x309: {  	[sflag:s29] =	ssyncset.done $0x0  }
0x30a: {  	s6 =	rddreg [dreg:$0xa];
	[sflag:s29] =	ssyncadd.s32 $0xFFFFC000  }
0x30b: {  	[hbm4b:s6+s3] =	stream.linear.scatter [tilespmem:s28], [sflag:$0x7], $0x4000, $0x38;
	[tilespmem:$0x1E000] =	vst v63  }
0x30c: {  	_ =	swait.ge [sflag:s29], $0x4000  }
0x30d: {  	[sflag:s29] =	ssyncset.done $0x0  }
0x30e: {  	s23 =	rddreg [dreg:$0x15];
	[sflag:s29] =	ssyncadd.s32 $0xFFFFC000  }
0x30f: {  	[tilespmem:s28], [sflag:$0x7] =	stream.linear.gather [spmem:s23], $0x4000, $0x38;
	[tilespmem:$0x1E000] =	vst v63  }
0x310: {  	_ =	swait.ge [sflag:s29], $0x4000  }
0x311: {  	[sflag:s29] =	ssyncset.done $0x0  }
0x312: {  	s6 =	rddreg [dreg:$0xb];
	[sflag:s29] =	ssyncadd.s32 $0xFFFFC000  }
0x313: {  	[hbm4b:s6+s3] =	stream.linear.scatter [tilespmem:s28], [sflag:$0x7], $0x4000, $0x38;
	[tilespmem:$0x1E000] =	vst v63  }
0x314: {  	_ =	swait.ge [sflag:s29], $0x4000  }
0x315: {  	[sflag:s29] =	ssyncset.done $0x0  }
0x316: {  	s23 =	rddreg [dreg:$0x16];
	[sflag:s29] =	ssyncadd.s32 $0xFFFFC000  }
0x317: {  	[tilespmem:s28], [sflag:$0x7] =	stream.linear.gather [spmem:s23], $0x4000, $0x38;
	[tilespmem:$0x1E000] =	vst v63  }
0x318: {  	_ =	swait.ge [sflag:s29], $0x4000  }
0x319: {  	[sflag:s29] =	ssyncset.done $0x0  }
0x31a: {  	s6 =	rddreg [dreg:$0xc];
	[sflag:s29] =	ssyncadd.s32 $0xFFFFC000  }
0x31b: {  	[hbm4b:s6+s3] =	stream.linear.scatter [tilespmem:s28], [sflag:$0x7], $0x4000, $0x38;
	[tilespmem:$0x1E000] =	vst v63  }
0x31c: {  	_ =	swait.ge [sflag:s29], $0x4000  }
0x31d: {  	[sflag:s29] =	ssyncset.done $0x0  }
0x31e: {  	s23 =	rddreg [dreg:$0x17];
	[sflag:s29] =	ssyncadd.s32 $0xFFFFC000  }
0x31f: {  	[tilespmem:s28], [sflag:$0x7] =	stream.linear.gather [spmem:s23], $0x4000, $0x38;
	[tilespmem:$0x1E000] =	vst v63  }
0x320: {  	_ =	swait.ge [sflag:s29], $0x4000  }
0x321: {  	[sflag:s29] =	ssyncset.done $0x0  }
0x322: {  	s6 =	rddreg [dreg:$0xd];
	[sflag:s29] =	ssyncadd.s32 $0xFFFFC000  }
0x323: {  	[hbm4b:s6+s3] =	stream.linear.scatter [tilespmem:s28], [sflag:$0x7], $0x4000, $0x38;
	[tilespmem:$0x1E000] =	vst v63  }
0x324: {  	_ =	swait.ge [sflag:s29], $0x4000  }
0x325: {  	[sflag:s29] =	ssyncset.done $0x0  }
0x326: {  	s23 =	rddreg [dreg:$0x18];
	[sflag:s29] =	ssyncadd.s32 $0xFFFFC000  }
0x327: {  	[tilespmem:s28], [sflag:$0x7] =	stream.linear.gather [spmem:s23], $0x4000, $0x38;
	[tilespmem:$0x1E000] =	vst v63  }
0x328: {  	_ =	swait.ge [sflag:s29], $0x4000  }
0x329: {  	[sflag:s29] =	ssyncset.done $0x0  }
0x32a: {  	s6 =	rddreg [dreg:$0xe];
	[sflag:s29] =	ssyncadd.s32 $0xFFFFC000  }
0x32b: {  	[hbm4b:s6+s3] =	stream.linear.scatter [tilespmem:s28], [sflag:$0x7], $0x4000, $0x38;
	[tilespmem:$0x1E000] =	vst v63  }
0x32c: {  	_ =	swait.ge [sflag:s29], $0x4000  }
0x32d: {  	s22 =	sadd.s32 $0x1, s22;
	s23 =	rddreg [dreg:$0x13]  }
0x32e: {  	p0 =	sne.s32 s22, s23  }
.Ltmp1:
0x32f: {  	_ = 	snop;
	(pc) =	sbr.rel @p0 .LBB2_1-.Ltmp1, $3  }
0x330: {  	_ =	sdelay $0x1  }
0x331: {  	[sflag:s29] =	ssyncset.done $0x0  }
0x332: {  	[sflag:s29] =	ssyncadd.s32 $0xFFFFC000  }
0x333: {  	_ =	sfence.sel $0x180000  }
0x334: {  	[bflag:$0x0] =	sbarrier.arrive $0xFFFF  }
0x335: {  	_ =	strace $0x9000004A  }
0x336: {  	s0 =	stileid.u32;
	[bflag:$0x2] =	sbarrier.arrive $0xFFFF  }
0x337: {  	p0 =	sne.s32 s0, $0x0;
	s0 =	rddreg [dreg:$0x3]  }
0x338: {  	s0 =	sadd.s32 @!p0 $0x100000, s0  }
0x339: {  	[sflag:s0] =	ssyncadd.tile.s32 @!p0 $0x1;
	_ =	shalt  }
.Lfunc_end2:
_tile_overlayer_lowered:
.L_overlay_start_2:
0x33a: {  	(tag) =	ssettag $0x2  }
0x33b: {  	s0 =	rddreg [dreg:$0x0];
	s2 =	stileid.u32  }
0x33c: {  	s1 =	rddreg [dreg:$0x1];
	p0 =	sne.s32 s2, $0x0  }
0x33d: {  	s3 =	rddreg [dreg:$0x2];
	[bflag:$0x3] =	sbarrier.arrive $0xFFFF;
	s2 =	simm.s32 @!p0 $0x1C07  }
0x33e: {  	[timem:s3], [sflag:s2] =	dma.local @!p0 [hbm:s0], s1  }
0x33f: {  	s0 =	simm.s32 @!p0 $0x7  }
0x340: {  	_ =	swait.ge @!p0 [sflag:s0], s1  }
0x341: {  	s1 =	ssub.s32 @!p0 $0x0, s1;
	[sflag:s0] =	ssyncset.done @!p0 $0x0  }
0x342: {  	[sflag:s0] =	ssyncadd.s32 @!p0 s1  }
0x343: {  	[bflag:$0x3] =	sbarrier.arrive $0xFFFF  }
0x344: {  	_ =	shalt  }

</sc_bundles>
